<compile_context>
chip_gen: v7x
topology: tpu7x:2x2x1
jax: 0.10.2.dev20260603
libtpu: 0.0.44.dev20260713+nightly
codegen_flags: <defaults>
</compile_context>

<pallas_src>
import functools

import jax
import jax.numpy as jnp
from jax import lax
from jax.experimental import pallas as pl
from jax.experimental.pallas import tpu as pltpu
from jax.experimental.pallas import tpu_sc as plsc

_NC, _NS, _L = 2, 16, 16
_NW = _NC * _NS

_SC_PARAMS = pltpu.CompilerParams(
    needs_layout_passes=False, use_tc_tiling_on_sc=False)


def _mesh():
    return plsc.VectorSubcoreMesh(core_axis_name="c", subcore_axis_name="s")


@functools.cache
def _builder(C, N, HW, W, KB):
    PW = N // _NW
    NB = PW // KB
    G = KB // _L
    SPAN = KB + W + 8

    @functools.partial(
        pl.kernel,
        out_type=jax.ShapeDtypeStruct((N * 16,), jnp.float32),
        mesh=_mesh(),
        compiler_params=_SC_PARAMS,
        scratch_types=[
            pltpu.VMEM((2, 4, SPAN), jnp.float32),
            pltpu.VMEM((2, KB * _L), jnp.float32),
            pltpu.SemaphoreType.DMA,
            pltpu.SemaphoreType.DMA,
        ],
    )
    def body(vf_hbm, t_hbm, streams_v, rows_v, sem_i, sem_o):
        wid = lax.axis_index("s") * _NC + lax.axis_index("c")
        base_w = wid * PW
        iota16 = lax.iota(jnp.int32, _L) * _L

        def in_copies(b, p):
            base = base_w + b * KB
            return [
                pltpu.make_async_copy(
                    vf_hbm.at[pl.ds(c * N + base + zo, SPAN)],
                    streams_v.at[p, c * 2 + zi],
                    sem_i,
                )
                for c in range(C)
                for zi, zo in enumerate((0, HW))
            ]

        def out_copy(b, p):
            base = base_w + b * KB
            return pltpu.make_async_copy(
                rows_v.at[p], t_hbm.at[pl.ds(base * 16, KB * 16)], sem_o)

        for cpy in in_copies(0, 0):
            cpy.start()

        @pl.loop(0, NB, step=2)
        def _blk2(b0):
            for p in range(2):
                b = b0 + p
                for cpy in in_copies(b, p):
                    cpy.wait()

                @pl.when(b + 1 < NB)
                def _():
                    for cpy in in_copies(b + 1, 1 - p):
                        cpy.start()

                @pl.when(b >= 2)
                def _():
                    out_copy(b - 2, p).wait()

                @pl.loop(0, G, unroll=2)
                def _ilv(g):
                    s = g * _L
                    fidx = iota16 + s * _L
                    for c in range(C):
                        for zi in range(2):
                            for yx, yxo in enumerate((0, 1, W, W + 1)):
                                col = c * 8 + zi * 4 + yx
                                vec = streams_v[p, c * 2 + zi,
                                                pl.ds(s + yxo, _L)]
                                plsc.store_scatter(
                                    rows_v.at[p], [fidx + col], vec)

                out_copy(b, p).start()

        out_copy(NB - 2, 0).wait()
        out_copy(NB - 1, 1).wait()

    return body


@functools.cache
def _sampler(D, H, W, C, N, K):
    PW = N // _NW
    NB = PW // K
    G = K // _L
    CH = 128
    NCH = K // CH

    @functools.partial(
        pl.kernel,
        out_type=jax.ShapeDtypeStruct((C * N,), jnp.float32),
        mesh=_mesh(),
        compiler_params=_SC_PARAMS,
        scratch_types=[
            pltpu.VMEM((2, 3, K), jnp.float32),
            pltpu.VMEM((2, K), jnp.int32),
            pltpu.VMEM((2, 3, K), jnp.float32),
            pltpu.VMEM((2, K, _L), jnp.float32),
            pltpu.VMEM((2, C, K), jnp.float32),
            pltpu.SemaphoreType.DMA,
            pltpu.SemaphoreType.DMA,
            pltpu.SemaphoreType.DMA,
        ],
    )
    def body(t_hbm, cf_hbm, out_hbm, coord_v, idx_v, wgt_v, rows_v, outb_v,
             sem_c, sem_g, sem_o):
        wid = lax.axis_index("s") * _NC + lax.axis_index("c")
        base_w = wid * PW
        iota = lax.iota(jnp.int32, _L)

        def coord_copies(b, p):
            base = base_w + b * K
            return [
                pltpu.make_async_copy(
                    cf_hbm.at[pl.ds(ch * N + base, K)],
                    coord_v.at[p, ch], sem_c)
                for ch in range(3)
            ]

        def gather_copies(p):
            return [
                pltpu.make_async_copy(
                    t_hbm.at[idx_v.at[p, pl.ds(j * CH, CH)]],
                    rows_v.at[p, pl.ds(j * CH, CH)],
                    sem_g,
                )
                for j in range(NCH)
            ]

        def out_copies(b, p):
            base = base_w + b * K
            return [
                pltpu.make_async_copy(
                    outb_v.at[p, ch],
                    out_hbm.at[pl.ds(ch * N + base, K)], sem_o)
                for ch in range(C)
            ]

        def stage(b, p):
            for cpy in coord_copies(b, p):
                cpy.wait()

            @pl.loop(0, G)
            def _idx(g):
                s = g * _L
                z = coord_v[p, 0, pl.ds(s, _L)]
                y = coord_v[p, 1, pl.ds(s, _L)]
                x = coord_v[p, 2, pl.ds(s, _L)]
                z = jnp.minimum(jnp.maximum(z, 0.0), D - 1.0)
                y = jnp.minimum(jnp.maximum(y, 0.0), H - 1.0)
                x = jnp.minimum(jnp.maximum(x, 0.0), W - 1.0)
                zi = z.astype(jnp.int32)
                yi = y.astype(jnp.int32)
                xi = x.astype(jnp.int32)
                wgt_v[p, 0, pl.ds(s, _L)] = z - zi.astype(jnp.float32)
                wgt_v[p, 1, pl.ds(s, _L)] = y - yi.astype(jnp.float32)
                wgt_v[p, 2, pl.ds(s, _L)] = x - xi.astype(jnp.float32)
                idx_v[p, pl.ds(s, _L)] = (zi * H + yi) * W + xi

            for cpy in gather_copies(p):
                cpy.start()

        for cpy in coord_copies(0, 0):
            cpy.start()
        stage(0, 0)

        @pl.loop(0, NB, step=2)
        def _blk2(b0):
            for p in range(2):
                b = b0 + p

                @pl.when(b + 1 < NB)
                def _():
                    for cpy in coord_copies(b + 1, 1 - p):
                        cpy.start()
                    stage(b + 1, 1 - p)

                for cpy in gather_copies(p):
                    cpy.wait()

                @pl.when(b >= 2)
                def _():
                    for cpy in out_copies(b - 2, p):
                        cpy.wait()

                @pl.loop(0, G)
                def _interp(g):
                    s = g * _L
                    wz = wgt_v[p, 0, pl.ds(s, _L)]
                    wy = wgt_v[p, 1, pl.ds(s, _L)]
                    wx = wgt_v[p, 2, pl.ds(s, _L)]
                    uz = 1.0 - wz
                    uy = 1.0 - wy
                    ux = 1.0 - wx
                    w00 = uy * ux
                    w01 = uy * wx
                    w10 = wy * ux
                    w11 = wy * wx
                    ridx = iota + s

                    def col(j):
                        cidx = jnp.full((_L,), j, jnp.int32)
                        return plsc.load_gather(rows_v.at[p], [ridx, cidx])

                    a = [col(j) for j in range(16)]
                    out0 = (uz * (a[0] * w00 + a[1] * w01
                                  + a[2] * w10 + a[3] * w11)
                            + wz * (a[4] * w00 + a[5] * w01
                                    + a[6] * w10 + a[7] * w11))
                    out1 = (uz * (a[8] * w00 + a[9] * w01
                                  + a[10] * w10 + a[11] * w11)
                            + wz * (a[12] * w00 + a[13] * w01
                                    + a[14] * w10 + a[15] * w11))
                    outb_v[p, 0, pl.ds(s, _L)] = out0
                    outb_v[p, 1, pl.ds(s, _L)] = out1

                for cpy in out_copies(b, p):
                    cpy.start()

        for cpy in out_copies(NB - 2, 0):
            cpy.wait()
        for cpy in out_copies(NB - 1, 1):
            cpy.wait()

    return body


def kernel(values, coordinates):
    B, C, D, H, W = values.shape
    assert B == 1 and C == 2
    N = D * H * W
    HW = H * W
    vf = jnp.pad(values.reshape(C * N), (0, HW + W + 8))
    table = _builder(C, N, HW, W, 2048)(vf).reshape(N, 16)
    cf = coordinates.reshape(3 * N)
    out = _sampler(D, H, W, C, N, 2048)(table, cf)
    return out.reshape(B, C, D, H, W)

# --- scband reference (transcript-rebuilt; emitter-appended) ---
"""Pipeline reference for scband-grid-sampler-661424963742 (READ-ONLY COPY).

The authoritative reference and input builder live on the scoring server;
editing this copy changes nothing except your own understanding.
"""

import jax, jax.numpy as jnp
import numpy as np


def _grid_sample_trilinear_border(values, grid):
    # values: [B, C, D, H, W]; grid: [B, D, H, W, 3] with last dim (x, y, z) in [-1, 1]
    # align_corners=True, padding_mode='border', mode='bilinear' (trilinear in 3D)
    B, C, D, H, W = values.shape
    x = (grid[..., 0] + 1.0) * 0.5 * (W - 1)
    y = (grid[..., 1] + 1.0) * 0.5 * (H - 1)
    z = (grid[..., 2] + 1.0) * 0.5 * (D - 1)
    # border padding: clamp coordinates to valid range
    x = jnp.clip(x, 0.0, W - 1)
    y = jnp.clip(y, 0.0, H - 1)
    z = jnp.clip(z, 0.0, D - 1)
    x0f = jnp.floor(x); y0f = jnp.floor(y); z0f = jnp.floor(z)
    wx = x - x0f; wy = y - y0f; wz = z - z0f
    x0 = jnp.clip(x0f.astype(jnp.int32), 0, W - 1)
    y0 = jnp.clip(y0f.astype(jnp.int32), 0, H - 1)
    z0 = jnp.clip(z0f.astype(jnp.int32), 0, D - 1)
    x1 = jnp.clip(x0 + 1, 0, W - 1)
    y1 = jnp.clip(y0 + 1, 0, H - 1)
    z1 = jnp.clip(z0 + 1, 0, D - 1)
    N = D * H * W
    vflat = values.reshape(B, C, N)

    def gather(zi, yi, xi):
        idx = ((zi * H + yi) * W + xi).reshape(B, 1, N)
        idx = jnp.broadcast_to(idx, (B, C, N))
        return jnp.take_along_axis(vflat, idx, axis=2)

    c000 = gather(z0, y0, x0)
    c001 = gather(z0, y0, x1)
    c010 = gather(z0, y1, x0)
    c011 = gather(z0, y1, x1)
    c100 = gather(z1, y0, x0)
    c101 = gather(z1, y0, x1)
    c110 = gather(z1, y1, x0)
    c111 = gather(z1, y1, x1)

    wxf = wx.reshape(B, 1, N); wyf = wy.reshape(B, 1, N); wzf = wz.reshape(B, 1, N)
    out = (c000 * (1 - wzf) * (1 - wyf) * (1 - wxf)
           + c001 * (1 - wzf) * (1 - wyf) * wxf
           + c010 * (1 - wzf) * wyf * (1 - wxf)
           + c011 * (1 - wzf) * wyf * wxf
           + c100 * wzf * (1 - wyf) * (1 - wxf)
           + c101 * wzf * (1 - wyf) * wxf
           + c110 * wzf * wyf * (1 - wxf)
           + c111 * wzf * wyf * wxf)
    return out.reshape(B, C, D, H, W)


def setup_inputs(seed: int = 0) -> dict:
    key = jax.random.key(seed)
    k1, k2 = jax.random.split(key)
    B, C, D, H, W = 1, 2, 128, 160, 160
    values = jax.random.normal(k1, (B, C, D, H, W), dtype=jnp.float32)
    u = jax.random.uniform(k2, (B, 3, D, H, W), dtype=jnp.float32)
    # coordinates are in voxel space: channel 0 in [0, D-1], channel 1 in [0, H-1], channel 2 in [0, W-1]
    scale = jnp.array([D - 1, H - 1, W - 1], dtype=jnp.float32).reshape(1, 3, 1, 1, 1)
    coordinates = u * scale
    return {"values": values, "coordinates": coordinates}


def reference(values, coordinates):
    # Faithful translation of GridSampler.forward (ndims=3, mode='bilinear', padding='border')
    size = values.shape[2:]
    norms = [2.0 * (coordinates[:, i] / (size[i] - 1) - 0.5) for i in range(len(size))]
    grid = jnp.stack(norms, axis=-1)          # [B, D, H, W, 3] ordered (d, h, w)
    grid = grid[..., ::-1]                    # reorder to (w, h, d) = (x, y, z) as grid_sample expects
    return _grid_sample_trilinear_border(values, grid)

if __name__ == "__main__":
    import jax
    _d = setup_inputs()
    print(jax.jit(kernel)(*tuple(_d.values())))

</pallas_src>

<mosaic_0001>
#map = affine_map<(d0, d1) -> (0)>
module attributes {stable_mosaic.version = 14 : i64} {
  func.func @body(%arg0: i32, %arg1: i32, %arg2: memref<6579368xf32, #tpu.memory_space<hbm>>, %arg3: memref<52428800xf32, #tpu.memory_space<hbm>>, %arg4: memref<2x4x2216xf32, #tpu.memory_space<vmem>>, %arg5: memref<2x32768xf32, #tpu.memory_space<vmem>>, %arg6: memref<!tpu.dma_semaphore, #tpu.memory_space<semaphore_mem>>, %arg7: memref<!tpu.dma_semaphore, #tpu.memory_space<semaphore_mem>>) attributes {dimension_semantics = [#tpu.dimension_semantics<core_parallel>, #tpu.dimension_semantics<subcore_parallel>], iteration_bounds = array<i64: 2, 16>, scalar_prefetch = 0 : i64, scratch_operands = 4 : i64, tpu.core_type = #tpu.core_type<sc_vector_subcore>, window_params = [{transform_indices = #map}, {transform_indices = #map}]} {
    %mul3A = arith.constant 2 : i32
    %mul3A_0 = arith.muli %arg1, %mul3A : i32
    %add3A = arith.addi %mul3A_0, %arg0 : i32
    %mul3A_1 = arith.constant 102400 : i32
    %mul3A_2 = arith.muli %add3A, %mul3A_1 : i32
    %iota3A = tpu.iota {dimensions = array<i32: 0>} : vector<16xi32>
    %mul3A_3 = arith.constant 16 : i32
    %mul3A_4 = vector.broadcast %mul3A_3 : i32 to vector<16xi32>
    %mul3A_5 = arith.muli %iota3A, %mul3A_4 : vector<16xi32>
    %add3A_6 = arith.constant 0 : i32
    %add3A_7 = arith.addi %mul3A_2, %add3A_6 : i32
    %add3A_8 = arith.constant 0 : i32
    %add3A_9 = arith.addi %add3A_8, %add3A_7 : i32
    %add3A_10 = arith.constant 0 : i32
    %add3A_11 = arith.addi %add3A_9, %add3A_10 : i32
    %add3A_12 = arith.constant 0 : i32
    %add3A_13 = arith.addi %add3A_12, %add3A_7 : i32
    %add3A_14 = arith.constant 25600 : i32
    %add3A_15 = arith.addi %add3A_13, %add3A_14 : i32
    %add3A_16 = arith.constant 3276800 : i32
    %add3A_17 = arith.addi %add3A_16, %add3A_7 : i32
    %add3A_18 = arith.constant 0 : i32
    %add3A_19 = arith.addi %add3A_17, %add3A_18 : i32
    %add3A_20 = arith.constant 3276800 : i32
    %add3A_21 = arith.addi %add3A_20, %add3A_7 : i32
    %add3A_22 = arith.constant 25600 : i32
    %add3A_23 = arith.addi %add3A_21, %add3A_22 : i32
    %dma_start3A = arith.constant 0 : i32
    %dma_start3A_24 = arith.constant 0 : i32
    %dma_start3A_25 = arith.constant 0 : i32
    %dma_start3A_26 = tpu.memref_slice %arg4[%dma_start3A, %dma_start3A_24, %dma_start3A_25] : memref<2x4x2216xf32, #tpu.memory_space<vmem>> -> memref<1x1x2216xf32, #tpu.memory_space<vmem>>
    %dma_start3A_27 = tpu.memref_squeeze %dma_start3A_26 : memref<1x1x2216xf32, #tpu.memory_space<vmem>> -> memref<2216xf32, #tpu.memory_space<vmem>>
    %dma_start3A_28 = tpu.memref_slice %arg2[%add3A_11] : memref<6579368xf32, #tpu.memory_space<hbm>> -> memref<2216xf32, #tpu.memory_space<hbm>>
    %dma_start3A_29 = arith.constant 0 : i32
    %dma_start3A_30 = tpu.memref_slice %arg4[%dma_start3A, %dma_start3A_24, %dma_start3A_29] : memref<2x4x2216xf32, #tpu.memory_space<vmem>> -> memref<1x1x2216xf32, #tpu.memory_space<vmem>>
    %dma_start3A_31 = tpu.memref_squeeze %dma_start3A_30 : memref<1x1x2216xf32, #tpu.memory_space<vmem>> -> memref<2216xf32, #tpu.memory_space<vmem>>
    %dma_start3A_32 = tpu.memref_slice %arg2[%add3A_11] : memref<6579368xf32, #tpu.memory_space<hbm>> -> memref<2216xf32, #tpu.memory_space<hbm>>
    tpu.enqueue_dma source(%dma_start3A_32 : memref<2216xf32, #tpu.memory_space<hbm>>) target(%dma_start3A_31 : memref<2216xf32, #tpu.memory_space<vmem>>) target_semaphore(%arg6 : memref<!tpu.dma_semaphore, #tpu.memory_space<semaphore_mem>>)
    %dma_start3A_33 = arith.constant 0 : i32
    %dma_start3A_34 = arith.constant 1 : i32
    %dma_start3A_35 = arith.constant 0 : i32
    %dma_start3A_36 = tpu.memref_slice %arg4[%dma_start3A_33, %dma_start3A_34, %dma_start3A_35] : memref<2x4x2216xf32, #tpu.memory_space<vmem>> -> memref<1x1x2216xf32, #tpu.memory_space<vmem>>
    %dma_start3A_37 = tpu.memref_squeeze %dma_start3A_36 : memref<1x1x2216xf32, #tpu.memory_space<vmem>> -> memref<2216xf32, #tpu.memory_space<vmem>>
    %dma_start3A_38 = tpu.memref_slice %arg2[%add3A_15] : memref<6579368xf32, #tpu.memory_space<hbm>> -> memref<2216xf32, #tpu.memory_space<hbm>>
    %dma_start3A_39 = arith.constant 0 : i32
    %dma_start3A_40 = tpu.memref_slice %arg4[%dma_start3A_33, %dma_start3A_34, %dma_start3A_39] : memref<2x4x2216xf32, #tpu.memory_space<vmem>> -> memref<1x1x2216xf32, #tpu.memory_space<vmem>>
    %dma_start3A_41 = tpu.memref_squeeze %dma_start3A_40 : memref<1x1x2216xf32, #tpu.memory_space<vmem>> -> memref<2216xf32, #tpu.memory_space<vmem>>
    %dma_start3A_42 = tpu.memref_slice %arg2[%add3A_15] : memref<6579368xf32, #tpu.memory_space<hbm>> -> memref<2216xf32, #tpu.memory_space<hbm>>
    tpu.enqueue_dma source(%dma_start3A_42 : memref<2216xf32, #tpu.memory_space<hbm>>) target(%dma_start3A_41 : memref<2216xf32, #tpu.memory_space<vmem>>) target_semaphore(%arg6 : memref<!tpu.dma_semaphore, #tpu.memory_space<semaphore_mem>>)
    %dma_start3A_43 = arith.constant 0 : i32
    %dma_start3A_44 = arith.constant 2 : i32
    %dma_start3A_45 = arith.constant 0 : i32
    %dma_start3A_46 = tpu.memref_slice %arg4[%dma_start3A_43, %dma_start3A_44, %dma_start3A_45] : memref<2x4x2216xf32, #tpu.memory_space<vmem>> -> memref<1x1x2216xf32, #tpu.memory_space<vmem>>
    %dma_start3A_47 = tpu.memref_squeeze %dma_start3A_46 : memref<1x1x2216xf32, #tpu.memory_space<vmem>> -> memref<2216xf32, #tpu.memory_space<vmem>>
    %dma_start3A_48 = tpu.memref_slice %arg2[%add3A_19] : memref<6579368xf32, #tpu.memory_space<hbm>> -> memref<2216xf32, #tpu.memory_space<hbm>>
    %dma_start3A_49 = arith.constant 0 : i32
    %dma_start3A_50 = tpu.memref_slice %arg4[%dma_start3A_43, %dma_start3A_44, %dma_start3A_49] : memref<2x4x2216xf32, #tpu.memory_space<vmem>> -> memref<1x1x2216xf32, #tpu.memory_space<vmem>>
    %dma_start3A_51 = tpu.memref_squeeze %dma_start3A_50 : memref<1x1x2216xf32, #tpu.memory_space<vmem>> -> memref<2216xf32, #tpu.memory_space<vmem>>
    %dma_start3A_52 = tpu.memref_slice %arg2[%add3A_19] : memref<6579368xf32, #tpu.memory_space<hbm>> -> memref<2216xf32, #tpu.memory_space<hbm>>
    tpu.enqueue_dma source(%dma_start3A_52 : memref<2216xf32, #tpu.memory_space<hbm>>) target(%dma_start3A_51 : memref<2216xf32, #tpu.memory_space<vmem>>) target_semaphore(%arg6 : memref<!tpu.dma_semaphore, #tpu.memory_space<semaphore_mem>>)
    %dma_start3A_53 = arith.constant 0 : i32
    %dma_start3A_54 = arith.constant 3 : i32
    %dma_start3A_55 = arith.constant 0 : i32
    %dma_start3A_56 = tpu.memref_slice %arg4[%dma_start3A_53, %dma_start3A_54, %dma_start3A_55] : memref<2x4x2216xf32, #tpu.memory_space<vmem>> -> memref<1x1x2216xf32, #tpu.memory_space<vmem>>
    %dma_start3A_57 = tpu.memref_squeeze %dma_start3A_56 : memref<1x1x2216xf32, #tpu.memory_space<vmem>> -> memref<2216xf32, #tpu.memory_space<vmem>>
    %dma_start3A_58 = tpu.memref_slice %arg2[%add3A_23] : memref<6579368xf32, #tpu.memory_space<hbm>> -> memref<2216xf32, #tpu.memory_space<hbm>>
    %dma_start3A_59 = arith.constant 0 : i32
    %dma_start3A_60 = tpu.memref_slice %arg4[%dma_start3A_53, %dma_start3A_54, %dma_start3A_59] : memref<2x4x2216xf32, #tpu.memory_space<vmem>> -> memref<1x1x2216xf32, #tpu.memory_space<vmem>>
    %dma_start3A_61 = tpu.memref_squeeze %dma_start3A_60 : memref<1x1x2216xf32, #tpu.memory_space<vmem>> -> memref<2216xf32, #tpu.memory_space<vmem>>
    %dma_start3A_62 = tpu.memref_slice %arg2[%add3A_23] : memref<6579368xf32, #tpu.memory_space<hbm>> -> memref<2216xf32, #tpu.memory_space<hbm>>
    tpu.enqueue_dma source(%dma_start3A_62 : memref<2216xf32, #tpu.memory_space<hbm>>) target(%dma_start3A_61 : memref<2216xf32, #tpu.memory_space<vmem>>) target_semaphore(%arg6 : memref<!tpu.dma_semaphore, #tpu.memory_space<semaphore_mem>>)
    %scan3A = arith.constant 0 : i32
    %scan3A_63 = arith.constant 25 : i32
    %scan3A_64 = arith.addi %scan3A, %scan3A_63 : i32
    %scan3A_65 = arith.constant 1 : i32
    scf.for %scan3A_92 = %scan3A to %scan3A_64 step %scan3A_65  : i32 {
      %mul3A_93 = arith.constant 2 : i32
      %mul3A_94 = arith.muli %scan3A_92, %mul3A_93 : i32
      %add3A_95 = arith.constant 0 : i32
      %add3A_96 = arith.addi %add3A_95, %mul3A_94 : i32
      %add3A_97 = arith.constant 0 : i32
      %add3A_98 = arith.addi %add3A_96, %add3A_97 : i32
      %mul3A_99 = arith.constant 2048 : i32
      %mul3A_100 = arith.muli %add3A_98, %mul3A_99 : i32
      %add3A_101 = arith.addi %mul3A_2, %mul3A_100 : i32
      %add3A_102 = arith.constant 0 : i32
      %add3A_103 = arith.addi %add3A_102, %add3A_101 : i32
      %add3A_104 = arith.constant 0 : i32
      %add3A_105 = arith.addi %add3A_103, %add3A_104 : i32
      %add3A_106 = arith.constant 0 : i32
      %add3A_107 = arith.addi %add3A_106, %add3A_101 : i32
      %add3A_108 = arith.constant 25600 : i32
      %add3A_109 = arith.addi %add3A_107, %add3A_108 : i32
      %add3A_110 = arith.constant 3276800 : i32
      %add3A_111 = arith.addi %add3A_110, %add3A_101 : i32
      %add3A_112 = arith.constant 0 : i32
      %add3A_113 = arith.addi %add3A_111, %add3A_112 : i32
      %add3A_114 = arith.constant 3276800 : i32
      %add3A_115 = arith.addi %add3A_114, %add3A_101 : i32
      %add3A_116 = arith.constant 25600 : i32
      %add3A_117 = arith.addi %add3A_115, %add3A_116 : i32
      %dma_wait3A_118 = arith.constant 0 : i32
      %dma_wait3A_119 = arith.constant 0 : i32
      %dma_wait3A_120 = arith.constant 0 : i32
      %dma_wait3A_121 = tpu.memref_slice %arg4[%dma_wait3A_118, %dma_wait3A_119, %dma_wait3A_120] : memref<2x4x2216xf32, #tpu.memory_space<vmem>> -> memref<1x1x2216xf32, #tpu.memory_space<vmem>>
      %dma_wait3A_122 = tpu.memref_squeeze %dma_wait3A_121 : memref<1x1x2216xf32, #tpu.memory_space<vmem>> -> memref<2216xf32, #tpu.memory_space<vmem>>
      %dma_wait3A_123 = tpu.memref_slice %arg2[%add3A_105] : memref<6579368xf32, #tpu.memory_space<hbm>> -> memref<2216xf32, #tpu.memory_space<hbm>>
      %dma_wait3A_124 = arith.constant 0 : i32
      %dma_wait3A_125 = tpu.memref_slice %arg4[%dma_wait3A_118, %dma_wait3A_119, %dma_wait3A_124] : memref<2x4x2216xf32, #tpu.memory_space<vmem>> -> memref<1x1x2216xf32, #tpu.memory_space<vmem>>
      %dma_wait3A_126 = tpu.memref_squeeze %dma_wait3A_125 : memref<1x1x2216xf32, #tpu.memory_space<vmem>> -> memref<2216xf32, #tpu.memory_space<vmem>>
      %dma_wait3A_127 = tpu.memref_slice %arg2[%add3A_105] : memref<6579368xf32, #tpu.memory_space<hbm>> -> memref<2216xf32, #tpu.memory_space<hbm>>
      tpu.wait_dma2 semaphore(%arg6 : memref<!tpu.dma_semaphore, #tpu.memory_space<semaphore_mem>>) src(%dma_wait3A_127 : memref<2216xf32, #tpu.memory_space<hbm>>) dst(%dma_wait3A_126 : memref<2216xf32, #tpu.memory_space<vmem>>)
      %dma_wait3A_128 = arith.constant 0 : i32
      %dma_wait3A_129 = arith.constant 1 : i32
      %dma_wait3A_130 = arith.constant 0 : i32
      %dma_wait3A_131 = tpu.memref_slice %arg4[%dma_wait3A_128, %dma_wait3A_129, %dma_wait3A_130] : memref<2x4x2216xf32, #tpu.memory_space<vmem>> -> memref<1x1x2216xf32, #tpu.memory_space<vmem>>
      %dma_wait3A_132 = tpu.memref_squeeze %dma_wait3A_131 : memref<1x1x2216xf32, #tpu.memory_space<vmem>> -> memref<2216xf32, #tpu.memory_space<vmem>>
      %dma_wait3A_133 = tpu.memref_slice %arg2[%add3A_109] : memref<6579368xf32, #tpu.memory_space<hbm>> -> memref<2216xf32, #tpu.memory_space<hbm>>
      %dma_wait3A_134 = arith.constant 0 : i32
      %dma_wait3A_135 = tpu.memref_slice %arg4[%dma_wait3A_128, %dma_wait3A_129, %dma_wait3A_134] : memref<2x4x2216xf32, #tpu.memory_space<vmem>> -> memref<1x1x2216xf32, #tpu.memory_space<vmem>>
      %dma_wait3A_136 = tpu.memref_squeeze %dma_wait3A_135 : memref<1x1x2216xf32, #tpu.memory_space<vmem>> -> memref<2216xf32, #tpu.memory_space<vmem>>
      %dma_wait3A_137 = tpu.memref_slice %arg2[%add3A_109] : memref<6579368xf32, #tpu.memory_space<hbm>> -> memref<2216xf32, #tpu.memory_space<hbm>>
      tpu.wait_dma2 semaphore(%arg6 : memref<!tpu.dma_semaphore, #tpu.memory_space<semaphore_mem>>) src(%dma_wait3A_137 : memref<2216xf32, #tpu.memory_space<hbm>>) dst(%dma_wait3A_136 : memref<2216xf32, #tpu.memory_space<vmem>>)
      %dma_wait3A_138 = arith.constant 0 : i32
      %dma_wait3A_139 = arith.constant 2 : i32
      %dma_wait3A_140 = arith.constant 0 : i32
      %dma_wait3A_141 = tpu.memref_slice %arg4[%dma_wait3A_138, %dma_wait3A_139, %dma_wait3A_140] : memref<2x4x2216xf32, #tpu.memory_space<vmem>> -> memref<1x1x2216xf32, #tpu.memory_space<vmem>>
      %dma_wait3A_142 = tpu.memref_squeeze %dma_wait3A_141 : memref<1x1x2216xf32, #tpu.memory_space<vmem>> -> memref<2216xf32, #tpu.memory_space<vmem>>
      %dma_wait3A_143 = tpu.memref_slice %arg2[%add3A_113] : memref<6579368xf32, #tpu.memory_space<hbm>> -> memref<2216xf32, #tpu.memory_space<hbm>>
      %dma_wait3A_144 = arith.constant 0 : i32
      %dma_wait3A_145 = tpu.memref_slice %arg4[%dma_wait3A_138, %dma_wait3A_139, %dma_wait3A_144] : memref<2x4x2216xf32, #tpu.memory_space<vmem>> -> memref<1x1x2216xf32, #tpu.memory_space<vmem>>
      %dma_wait3A_146 = tpu.memref_squeeze %dma_wait3A_145 : memref<1x1x2216xf32, #tpu.memory_space<vmem>> -> memref<2216xf32, #tpu.memory_space<vmem>>
      %dma_wait3A_147 = tpu.memref_slice %arg2[%add3A_113] : memref<6579368xf32, #tpu.memory_space<hbm>> -> memref<2216xf32, #tpu.memory_space<hbm>>
      tpu.wait_dma2 semaphore(%arg6 : memref<!tpu.dma_semaphore, #tpu.memory_space<semaphore_mem>>) src(%dma_wait3A_147 : memref<2216xf32, #tpu.memory_space<hbm>>) dst(%dma_wait3A_146 : memref<2216xf32, #tpu.memory_space<vmem>>)
      %dma_wait3A_148 = arith.constant 0 : i32
      %dma_wait3A_149 = arith.constant 3 : i32
      %dma_wait3A_150 = arith.constant 0 : i32
      %dma_wait3A_151 = tpu.memref_slice %arg4[%dma_wait3A_148, %dma_wait3A_149, %dma_wait3A_150] : memref<2x4x2216xf32, #tpu.memory_space<vmem>> -> memref<1x1x2216xf32, #tpu.memory_space<vmem>>
      %dma_wait3A_152 = tpu.memref_squeeze %dma_wait3A_151 : memref<1x1x2216xf32, #tpu.memory_space<vmem>> -> memref<2216xf32, #tpu.memory_space<vmem>>
      %dma_wait3A_153 = tpu.memref_slice %arg2[%add3A_117] : memref<6579368xf32, #tpu.memory_space<hbm>> -> memref<2216xf32, #tpu.memory_space<hbm>>
      %dma_wait3A_154 = arith.constant 0 : i32
      %dma_wait3A_155 = tpu.memref_slice %arg4[%dma_wait3A_148, %dma_wait3A_149, %dma_wait3A_154] : memref<2x4x2216xf32, #tpu.memory_space<vmem>> -> memref<1x1x2216xf32, #tpu.memory_space<vmem>>
      %dma_wait3A_156 = tpu.memref_squeeze %dma_wait3A_155 : memref<1x1x2216xf32, #tpu.memory_space<vmem>> -> memref<2216xf32, #tpu.memory_space<vmem>>
      %dma_wait3A_157 = tpu.memref_slice %arg2[%add3A_117] : memref<6579368xf32, #tpu.memory_space<hbm>> -> memref<2216xf32, #tpu.memory_space<hbm>>
      tpu.wait_dma2 semaphore(%arg6 : memref<!tpu.dma_semaphore, #tpu.memory_space<semaphore_mem>>) src(%dma_wait3A_157 : memref<2216xf32, #tpu.memory_space<hbm>>) dst(%dma_wait3A_156 : memref<2216xf32, #tpu.memory_space<vmem>>)
      %add3A_158 = arith.constant 1 : i32
      %add3A_159 = arith.addi %add3A_98, %add3A_158 : i32
      %lt3A = arith.constant 50 : i32
      %lt3A_160 = arith.cmpi slt, %add3A_159, %lt3A : i32
      %convert_element_type3A = arith.extui %lt3A_160 : i1 to i32
      %cond3A = arith.constant 0 : i32
      %cond3A_161 = arith.cmpi ne, %convert_element_type3A, %cond3A : i32
      scf.if %cond3A_161 {
        %add3A_277 = arith.constant 1 : i32
        %add3A_278 = arith.addi %add3A_98, %add3A_277 : i32
        %mul3A_279 = arith.constant 2048 : i32
        %mul3A_280 = arith.muli %add3A_278, %mul3A_279 : i32
        %add3A_281 = arith.addi %mul3A_2, %mul3A_280 : i32
        %add3A_282 = arith.constant 0 : i32
        %add3A_283 = arith.addi %add3A_282, %add3A_281 : i32
        %add3A_284 = arith.constant 0 : i32
        %add3A_285 = arith.addi %add3A_283, %add3A_284 : i32
        %add3A_286 = arith.constant 0 : i32
        %add3A_287 = arith.addi %add3A_286, %add3A_281 : i32
        %add3A_288 = arith.constant 25600 : i32
        %add3A_289 = arith.addi %add3A_287, %add3A_288 : i32
        %add3A_290 = arith.constant 3276800 : i32
        %add3A_291 = arith.addi %add3A_290, %add3A_281 : i32
        %add3A_292 = arith.constant 0 : i32
        %add3A_293 = arith.addi %add3A_291, %add3A_292 : i32
        %add3A_294 = arith.constant 3276800 : i32
        %add3A_295 = arith.addi %add3A_294, %add3A_281 : i32
        %add3A_296 = arith.constant 25600 : i32
        %add3A_297 = arith.addi %add3A_295, %add3A_296 : i32
        %dma_start3A_298 = arith.constant 1 : i32
        %dma_start3A_299 = arith.constant 0 : i32
        %dma_start3A_300 = arith.constant 0 : i32
        %dma_start3A_301 = tpu.memref_slice %arg4[%dma_start3A_298, %dma_start3A_299, %dma_start3A_300] : memref<2x4x2216xf32, #tpu.memory_space<vmem>> -> memref<1x1x2216xf32, #tpu.memory_space<vmem>>
        %dma_start3A_302 = tpu.memref_squeeze %dma_start3A_301 : memref<1x1x2216xf32, #tpu.memory_space<vmem>> -> memref<2216xf32, #tpu.memory_space<vmem>>
        %dma_start3A_303 = tpu.memref_slice %arg2[%add3A_285] : memref<6579368xf32, #tpu.memory_space<hbm>> -> memref<2216xf32, #tpu.memory_space<hbm>>
        %dma_start3A_304 = arith.constant 0 : i32
        %dma_start3A_305 = tpu.memref_slice %arg4[%dma_start3A_298, %dma_start3A_299, %dma_start3A_304] : memref<2x4x2216xf32, #tpu.memory_space<vmem>> -> memref<1x1x2216xf32, #tpu.memory_space<vmem>>
        %dma_start3A_306 = tpu.memref_squeeze %dma_start3A_305 : memref<1x1x2216xf32, #tpu.memory_space<vmem>> -> memref<2216xf32, #tpu.memory_space<vmem>>
        %dma_start3A_307 = tpu.memref_slice %arg2[%add3A_285] : memref<6579368xf32, #tpu.memory_space<hbm>> -> memref<2216xf32, #tpu.memory_space<hbm>>
        tpu.enqueue_dma source(%dma_start3A_307 : memref<2216xf32, #tpu.memory_space<hbm>>) target(%dma_start3A_306 : memref<2216xf32, #tpu.memory_space<vmem>>) target_semaphore(%arg6 : memref<!tpu.dma_semaphore, #tpu.memory_space<semaphore_mem>>)
        %dma_start3A_308 = arith.constant 1 : i32
        %dma_start3A_309 = arith.constant 1 : i32
        %dma_start3A_310 = arith.constant 0 : i32
        %dma_start3A_311 = tpu.memref_slice %arg4[%dma_start3A_308, %dma_start3A_309, %dma_start3A_310] : memref<2x4x2216xf32, #tpu.memory_space<vmem>> -> memref<1x1x2216xf32, #tpu.memory_space<vmem>>
        %dma_start3A_312 = tpu.memref_squeeze %dma_start3A_311 : memref<1x1x2216xf32, #tpu.memory_space<vmem>> -> memref<2216xf32, #tpu.memory_space<vmem>>
        %dma_start3A_313 = tpu.memref_slice %arg2[%add3A_289] : memref<6579368xf32, #tpu.memory_space<hbm>> -> memref<2216xf32, #tpu.memory_space<hbm>>
        %dma_start3A_314 = arith.constant 0 : i32
        %dma_start3A_315 = tpu.memref_slice %arg4[%dma_start3A_308, %dma_start3A_309, %dma_start3A_314] : memref<2x4x2216xf32, #tpu.memory_space<vmem>> -> memref<1x1x2216xf32, #tpu.memory_space<vmem>>
        %dma_start3A_316 = tpu.memref_squeeze %dma_start3A_315 : memref<1x1x2216xf32, #tpu.memory_space<vmem>> -> memref<2216xf32, #tpu.memory_space<vmem>>
        %dma_start3A_317 = tpu.memref_slice %arg2[%add3A_289] : memref<6579368xf32, #tpu.memory_space<hbm>> -> memref<2216xf32, #tpu.memory_space<hbm>>
        tpu.enqueue_dma source(%dma_start3A_317 : memref<2216xf32, #tpu.memory_space<hbm>>) target(%dma_start3A_316 : memref<2216xf32, #tpu.memory_space<vmem>>) target_semaphore(%arg6 : memref<!tpu.dma_semaphore, #tpu.memory_space<semaphore_mem>>)
        %dma_start3A_318 = arith.constant 1 : i32
        %dma_start3A_319 = arith.constant 2 : i32
        %dma_start3A_320 = arith.constant 0 : i32
        %dma_start3A_321 = tpu.memref_slice %arg4[%dma_start3A_318, %dma_start3A_319, %dma_start3A_320] : memref<2x4x2216xf32, #tpu.memory_space<vmem>> -> memref<1x1x2216xf32, #tpu.memory_space<vmem>>
        %dma_start3A_322 = tpu.memref_squeeze %dma_start3A_321 : memref<1x1x2216xf32, #tpu.memory_space<vmem>> -> memref<2216xf32, #tpu.memory_space<vmem>>
        %dma_start3A_323 = tpu.memref_slice %arg2[%add3A_293] : memref<6579368xf32, #tpu.memory_space<hbm>> -> memref<2216xf32, #tpu.memory_space<hbm>>
        %dma_start3A_324 = arith.constant 0 : i32
        %dma_start3A_325 = tpu.memref_slice %arg4[%dma_start3A_318, %dma_start3A_319, %dma_start3A_324] : memref<2x4x2216xf32, #tpu.memory_space<vmem>> -> memref<1x1x2216xf32, #tpu.memory_space<vmem>>
        %dma_start3A_326 = tpu.memref_squeeze %dma_start3A_325 : memref<1x1x2216xf32, #tpu.memory_space<vmem>> -> memref<2216xf32, #tpu.memory_space<vmem>>
        %dma_start3A_327 = tpu.memref_slice %arg2[%add3A_293] : memref<6579368xf32, #tpu.memory_space<hbm>> -> memref<2216xf32, #tpu.memory_space<hbm>>
        tpu.enqueue_dma source(%dma_start3A_327 : memref<2216xf32, #tpu.memory_space<hbm>>) target(%dma_start3A_326 : memref<2216xf32, #tpu.memory_space<vmem>>) target_semaphore(%arg6 : memref<!tpu.dma_semaphore, #tpu.memory_space<semaphore_mem>>)
        %dma_start3A_328 = arith.constant 1 : i32
        %dma_start3A_329 = arith.constant 3 : i32
        %dma_start3A_330 = arith.constant 0 : i32
        %dma_start3A_331 = tpu.memref_slice %arg4[%dma_start3A_328, %dma_start3A_329, %dma_start3A_330] : memref<2x4x2216xf32, #tpu.memory_space<vmem>> -> memref<1x1x2216xf32, #tpu.memory_space<vmem>>
        %dma_start3A_332 = tpu.memref_squeeze %dma_start3A_331 : memref<1x1x2216xf32, #tpu.memory_space<vmem>> -> memref<2216xf32, #tpu.memory_space<vmem>>
        %dma_start3A_333 = tpu.memref_slice %arg2[%add3A_297] : memref<6579368xf32, #tpu.memory_space<hbm>> -> memref<2216xf32, #tpu.memory_space<hbm>>
        %dma_start3A_334 = arith.constant 0 : i32
        %dma_start3A_335 = tpu.memref_slice %arg4[%dma_start3A_328, %dma_start3A_329, %dma_start3A_334] : memref<2x4x2216xf32, #tpu.memory_space<vmem>> -> memref<1x1x2216xf32, #tpu.memory_space<vmem>>
        %dma_start3A_336 = tpu.memref_squeeze %dma_start3A_335 : memref<1x1x2216xf32, #tpu.memory_space<vmem>> -> memref<2216xf32, #tpu.memory_space<vmem>>
        %dma_start3A_337 = tpu.memref_slice %arg2[%add3A_297] : memref<6579368xf32, #tpu.memory_space<hbm>> -> memref<2216xf32, #tpu.memory_space<hbm>>
        tpu.enqueue_dma source(%dma_start3A_337 : memref<2216xf32, #tpu.memory_space<hbm>>) target(%dma_start3A_336 : memref<2216xf32, #tpu.memory_space<vmem>>) target_semaphore(%arg6 : memref<!tpu.dma_semaphore, #tpu.memory_space<semaphore_mem>>)
      } else {
      }
      %ge3A = arith.constant 2 : i32
      %ge3A_162 = arith.cmpi sge, %add3A_98, %ge3A : i32
      %convert_element_type3A_163 = arith.extui %ge3A_162 : i1 to i32
      %cond3A_164 = arith.constant 0 : i32
      %cond3A_165 = arith.cmpi ne, %convert_element_type3A_163, %cond3A_164 : i32
      scf.if %cond3A_165 {
        %sub3A = arith.constant 2 : i32
        %sub3A_277 = arith.subi %add3A_98, %sub3A : i32
        %mul3A_278 = arith.constant 2048 : i32
        %mul3A_279 = arith.muli %sub3A_277, %mul3A_278 : i32
        %add3A_280 = arith.addi %mul3A_2, %mul3A_279 : i32
        %mul3A_281 = arith.constant 16 : i32
        %mul3A_282 = arith.muli %add3A_280, %mul3A_281 : i32
        %dma_wait3A_283 = arith.constant 0 : i32
        %dma_wait3A_284 = arith.constant 0 : i32
        %dma_wait3A_285 = tpu.memref_slice %arg5[%dma_wait3A_283, %dma_wait3A_284] : memref<2x32768xf32, #tpu.memory_space<vmem>> -> memref<1x32768xf32, #tpu.memory_space<vmem>>
        %dma_wait3A_286 = tpu.memref_squeeze %dma_wait3A_285 : memref<1x32768xf32, #tpu.memory_space<vmem>> -> memref<32768xf32, #tpu.memory_space<vmem>>
        %dma_wait3A_287 = tpu.memref_slice %arg3[%mul3A_282] : memref<52428800xf32, #tpu.memory_space<hbm>> -> memref<32768xf32, #tpu.memory_space<hbm>>
        %dma_wait3A_288 = tpu.memref_slice %arg3[%mul3A_282] : memref<52428800xf32, #tpu.memory_space<hbm>> -> memref<32768xf32, #tpu.memory_space<hbm>>
        %dma_wait3A_289 = arith.constant 0 : i32
        %dma_wait3A_290 = tpu.memref_slice %arg5[%dma_wait3A_283, %dma_wait3A_289] : memref<2x32768xf32, #tpu.memory_space<vmem>> -> memref<1x32768xf32, #tpu.memory_space<vmem>>
        %dma_wait3A_291 = tpu.memref_squeeze %dma_wait3A_290 : memref<1x32768xf32, #tpu.memory_space<vmem>> -> memref<32768xf32, #tpu.memory_space<vmem>>
        tpu.wait_dma2 semaphore(%arg7 : memref<!tpu.dma_semaphore, #tpu.memory_space<semaphore_mem>>) src(%dma_wait3A_291 : memref<32768xf32, #tpu.memory_space<vmem>>) dst(%dma_wait3A_288 : memref<32768xf32, #tpu.memory_space<hbm>>)
      } else {
      }
      %scan3A_166 = arith.constant 0 : i32
      %scan3A_167 = arith.constant 128 : i32
      %scan3A_168 = arith.addi %scan3A_166, %scan3A_167 : i32
      %scan3A_169 = arith.constant 2 : i32
      scf.for %scan3A_277 = %scan3A_166 to %scan3A_168 step %scan3A_169  : i32 {
        %mul3A_278 = arith.constant 1 : i32
        %mul3A_279 = arith.muli %scan3A_277, %mul3A_278 : i32
        %add3A_280 = arith.constant 0 : i32
        %add3A_281 = arith.addi %add3A_280, %mul3A_279 : i32
        %mul3A_282 = arith.constant 16 : i32
        %mul3A_283 = arith.muli %add3A_281, %mul3A_282 : i32
        %mul3A_284 = arith.constant 16 : i32
        %mul3A_285 = arith.muli %mul3A_283, %mul3A_284 : i32
        %add3A_286 = vector.broadcast %mul3A_285 : i32 to vector<16xi32>
        %add3A_287 = arith.addi %mul3A_5, %add3A_286 : vector<16xi32>
        %add3A_288 = arith.constant 0 : i32
        %add3A_289 = arith.addi %mul3A_283, %add3A_288 : i32
        %get3A = arith.constant 0 : i32
        %get3A_290 = arith.constant 0 : i32
        %get3A_291 = arith.index_cast %get3A : i32 to index
        %get3A_292 = arith.index_cast %get3A_290 : i32 to index
        %get3A_293 = arith.index_cast %add3A_289 : i32 to index
        %get3A_294 = tpu.vector_load %arg4[%get3A_291, %get3A_292, %get3A_293] {strides = array<i32>} : memref<2x4x2216xf32, #tpu.memory_space<vmem>>, vector<16xf32>,
        %add3A_295 = arith.constant 0 : i32
        %add3A_296 = vector.broadcast %add3A_295 : i32 to vector<16xi32>
        %add3A_297 = arith.addi %add3A_287, %add3A_296 : vector<16xi32>
        %scatter3A = arith.constant 0 : i32
        %scatter3A_298 = arith.constant 0 : i32
        %scatter3A_299 = tpu.memref_slice %arg5[%scatter3A, %scatter3A_298] : memref<2x32768xf32, #tpu.memory_space<vmem>> -> memref<1x32768xf32, #tpu.memory_space<vmem>>
        %scatter3A_300 = tpu.memref_squeeze %scatter3A_299 : memref<1x32768xf32, #tpu.memory_space<vmem>> -> memref<32768xf32, #tpu.memory_space<vmem>>
        tpu.vector_store_idx %scatter3A_300[%add3A_297], %get3A_294 : memref<32768xf32, #tpu.memory_space<vmem>>[vector<16xi32>], vector<16xf32>,
        %add3A_301 = arith.constant 1 : i32
        %add3A_302 = arith.addi %mul3A_283, %add3A_301 : i32
        %get3A_303 = arith.constant 0 : i32
        %get3A_304 = arith.constant 0 : i32
        %get3A_305 = arith.index_cast %get3A_303 : i32 to index
        %get3A_306 = arith.index_cast %get3A_304 : i32 to index
        %get3A_307 = arith.index_cast %add3A_302 : i32 to index
        %get3A_308 = tpu.vector_load %arg4[%get3A_305, %get3A_306, %get3A_307] {strides = array<i32>} : memref<2x4x2216xf32, #tpu.memory_space<vmem>>, vector<16xf32>,
        %add3A_309 = arith.constant 1 : i32
        %add3A_310 = vector.broadcast %add3A_309 : i32 to vector<16xi32>
        %add3A_311 = arith.addi %add3A_287, %add3A_310 : vector<16xi32>
        %scatter3A_312 = arith.constant 0 : i32
        %scatter3A_313 = arith.constant 0 : i32
        %scatter3A_314 = tpu.memref_slice %arg5[%scatter3A_312, %scatter3A_313] : memref<2x32768xf32, #tpu.memory_space<vmem>> -> memref<1x32768xf32, #tpu.memory_space<vmem>>
        %scatter3A_315 = tpu.memref_squeeze %scatter3A_314 : memref<1x32768xf32, #tpu.memory_space<vmem>> -> memref<32768xf32, #tpu.memory_space<vmem>>
        tpu.vector_store_idx %scatter3A_315[%add3A_311], %get3A_308 : memref<32768xf32, #tpu.memory_space<vmem>>[vector<16xi32>], vector<16xf32>,
        %add3A_316 = arith.constant 160 : i32
        %add3A_317 = arith.addi %mul3A_283, %add3A_316 : i32
        %get3A_318 = arith.constant 0 : i32
        %get3A_319 = arith.constant 0 : i32
        %get3A_320 = arith.index_cast %get3A_318 : i32 to index
        %get3A_321 = arith.index_cast %get3A_319 : i32 to index
        %get3A_322 = arith.index_cast %add3A_317 : i32 to index
        %get3A_323 = tpu.vector_load %arg4[%get3A_320, %get3A_321, %get3A_322] {strides = array<i32>} : memref<2x4x2216xf32, #tpu.memory_space<vmem>>, vector<16xf32>,
        %add3A_324 = arith.constant 2 : i32
        %add3A_325 = vector.broadcast %add3A_324 : i32 to vector<16xi32>
        %add3A_326 = arith.addi %add3A_287, %add3A_325 : vector<16xi32>
        %scatter3A_327 = arith.constant 0 : i32
        %scatter3A_328 = arith.constant 0 : i32
        %scatter3A_329 = tpu.memref_slice %arg5[%scatter3A_327, %scatter3A_328] : memref<2x32768xf32, #tpu.memory_space<vmem>> -> memref<1x32768xf32, #tpu.memory_space<vmem>>
        %scatter3A_330 = tpu.memref_squeeze %scatter3A_329 : memref<1x32768xf32, #tpu.memory_space<vmem>> -> memref<32768xf32, #tpu.memory_space<vmem>>
        tpu.vector_store_idx %scatter3A_330[%add3A_326], %get3A_323 : memref<32768xf32, #tpu.memory_space<vmem>>[vector<16xi32>], vector<16xf32>,
        %add3A_331 = arith.constant 161 : i32
        %add3A_332 = arith.addi %mul3A_283, %add3A_331 : i32
        %get3A_333 = arith.constant 0 : i32
        %get3A_334 = arith.constant 0 : i32
        %get3A_335 = arith.index_cast %get3A_333 : i32 to index
        %get3A_336 = arith.index_cast %get3A_334 : i32 to index
        %get3A_337 = arith.index_cast %add3A_332 : i32 to index
        %get3A_338 = tpu.vector_load %arg4[%get3A_335, %get3A_336, %get3A_337] {strides = array<i32>} : memref<2x4x2216xf32, #tpu.memory_space<vmem>>, vector<16xf32>,
        %add3A_339 = arith.constant 3 : i32
        %add3A_340 = vector.broadcast %add3A_339 : i32 to vector<16xi32>
        %add3A_341 = arith.addi %add3A_287, %add3A_340 : vector<16xi32>
        %scatter3A_342 = arith.constant 0 : i32
        %scatter3A_343 = arith.constant 0 : i32
        %scatter3A_344 = tpu.memref_slice %arg5[%scatter3A_342, %scatter3A_343] : memref<2x32768xf32, #tpu.memory_space<vmem>> -> memref<1x32768xf32, #tpu.memory_space<vmem>>
        %scatter3A_345 = tpu.memref_squeeze %scatter3A_344 : memref<1x32768xf32, #tpu.memory_space<vmem>> -> memref<32768xf32, #tpu.memory_space<vmem>>
        tpu.vector_store_idx %scatter3A_345[%add3A_341], %get3A_338 : memref<32768xf32, #tpu.memory_space<vmem>>[vector<16xi32>], vector<16xf32>,
        %add3A_346 = arith.constant 0 : i32
        %add3A_347 = arith.addi %mul3A_283, %add3A_346 : i32
        %get3A_348 = arith.constant 0 : i32
        %get3A_349 = arith.constant 1 : i32
        %get3A_350 = arith.index_cast %get3A_348 : i32 to index
        %get3A_351 = arith.index_cast %get3A_349 : i32 to index
        %get3A_352 = arith.index_cast %add3A_347 : i32 to index
        %get3A_353 = tpu.vector_load %arg4[%get3A_350, %get3A_351, %get3A_352] {strides = array<i32>} : memref<2x4x2216xf32, #tpu.memory_space<vmem>>, vector<16xf32>,
        %add3A_354 = arith.constant 4 : i32
        %add3A_355 = vector.broadcast %add3A_354 : i32 to vector<16xi32>
        %add3A_356 = arith.addi %add3A_287, %add3A_355 : vector<16xi32>
        %scatter3A_357 = arith.constant 0 : i32
        %scatter3A_358 = arith.constant 0 : i32
        %scatter3A_359 = tpu.memref_slice %arg5[%scatter3A_357, %scatter3A_358] : memref<2x32768xf32, #tpu.memory_space<vmem>> -> memref<1x32768xf32, #tpu.memory_space<vmem>>
        %scatter3A_360 = tpu.memref_squeeze %scatter3A_359 : memref<1x32768xf32, #tpu.memory_space<vmem>> -> memref<32768xf32, #tpu.memory_space<vmem>>
        tpu.vector_store_idx %scatter3A_360[%add3A_356], %get3A_353 : memref<32768xf32, #tpu.memory_space<vmem>>[vector<16xi32>], vector<16xf32>,
        %add3A_361 = arith.constant 1 : i32
        %add3A_362 = arith.addi %mul3A_283, %add3A_361 : i32
        %get3A_363 = arith.constant 0 : i32
        %get3A_364 = arith.constant 1 : i32
        %get3A_365 = arith.index_cast %get3A_363 : i32 to index
        %get3A_366 = arith.index_cast %get3A_364 : i32 to index
        %get3A_367 = arith.index_cast %add3A_362 : i32 to index
        %get3A_368 = tpu.vector_load %arg4[%get3A_365, %get3A_366, %get3A_367] {strides = array<i32>} : memref<2x4x2216xf32, #tpu.memory_space<vmem>>, vector<16xf32>,
        %add3A_369 = arith.constant 5 : i32
        %add3A_370 = vector.broadcast %add3A_369 : i32 to vector<16xi32>
        %add3A_371 = arith.addi %add3A_287, %add3A_370 : vector<16xi32>
        %scatter3A_372 = arith.constant 0 : i32
        %scatter3A_373 = arith.constant 0 : i32
        %scatter3A_374 = tpu.memref_slice %arg5[%scatter3A_372, %scatter3A_373] : memref<2x32768xf32, #tpu.memory_space<vmem>> -> memref<1x32768xf32, #tpu.memory_space<vmem>>
        %scatter3A_375 = tpu.memref_squeeze %scatter3A_374 : memref<1x32768xf32, #tpu.memory_space<vmem>> -> memref<32768xf32, #tpu.memory_space<vmem>>
        tpu.vector_store_idx %scatter3A_375[%add3A_371], %get3A_368 : memref<32768xf32, #tpu.memory_space<vmem>>[vector<16xi32>], vector<16xf32>,
        %add3A_376 = arith.constant 160 : i32
        %add3A_377 = arith.addi %mul3A_283, %add3A_376 : i32
        %get3A_378 = arith.constant 0 : i32
        %get3A_379 = arith.constant 1 : i32
        %get3A_380 = arith.index_cast %get3A_378 : i32 to index
        %get3A_381 = arith.index_cast %get3A_379 : i32 to index
        %get3A_382 = arith.index_cast %add3A_377 : i32 to index
        %get3A_383 = tpu.vector_load %arg4[%get3A_380, %get3A_381, %get3A_382] {strides = array<i32>} : memref<2x4x2216xf32, #tpu.memory_space<vmem>>, vector<16xf32>,
        %add3A_384 = arith.constant 6 : i32
        %add3A_385 = vector.broadcast %add3A_384 : i32 to vector<16xi32>
        %add3A_386 = arith.addi %add3A_287, %add3A_385 : vector<16xi32>
        %scatter3A_387 = arith.constant 0 : i32
        %scatter3A_388 = arith.constant 0 : i32
        %scatter3A_389 = tpu.memref_slice %arg5[%scatter3A_387, %scatter3A_388] : memref<2x32768xf32, #tpu.memory_space<vmem>> -> memref<1x32768xf32, #tpu.memory_space<vmem>>
        %scatter3A_390 = tpu.memref_squeeze %scatter3A_389 : memref<1x32768xf32, #tpu.memory_space<vmem>> -> memref<32768xf32, #tpu.memory_space<vmem>>
        tpu.vector_store_idx %scatter3A_390[%add3A_386], %get3A_383 : memref<32768xf32, #tpu.memory_space<vmem>>[vector<16xi32>], vector<16xf32>,
        %add3A_391 = arith.constant 161 : i32
        %add3A_392 = arith.addi %mul3A_283, %add3A_391 : i32
        %get3A_393 = arith.constant 0 : i32
        %get3A_394 = arith.constant 1 : i32
        %get3A_395 = arith.index_cast %get3A_393 : i32 to index
        %get3A_396 = arith.index_cast %get3A_394 : i32 to index
        %get3A_397 = arith.index_cast %add3A_392 : i32 to index
        %get3A_398 = tpu.vector_load %arg4[%get3A_395, %get3A_396, %get3A_397] {strides = array<i32>} : memref<2x4x2216xf32, #tpu.memory_space<vmem>>, vector<16xf32>,
        %add3A_399 = arith.constant 7 : i32
        %add3A_400 = vector.broadcast %add3A_399 : i32 to vector<16xi32>
        %add3A_401 = arith.addi %add3A_287, %add3A_400 : vector<16xi32>
        %scatter3A_402 = arith.constant 0 : i32
        %scatter3A_403 = arith.constant 0 : i32
        %scatter3A_404 = tpu.memref_slice %arg5[%scatter3A_402, %scatter3A_403] : memref<2x32768xf32, #tpu.memory_space<vmem>> -> memref<1x32768xf32, #tpu.memory_space<vmem>>
        %scatter3A_405 = tpu.memref_squeeze %scatter3A_404 : memref<1x32768xf32, #tpu.memory_space<vmem>> -> memref<32768xf32, #tpu.memory_space<vmem>>
        tpu.vector_store_idx %scatter3A_405[%add3A_401], %get3A_398 : memref<32768xf32, #tpu.memory_space<vmem>>[vector<16xi32>], vector<16xf32>,
        %add3A_406 = arith.constant 0 : i32
        %add3A_407 = arith.addi %mul3A_283, %add3A_406 : i32
        %get3A_408 = arith.constant 0 : i32
        %get3A_409 = arith.constant 2 : i32
        %get3A_410 = arith.index_cast %get3A_408 : i32 to index
        %get3A_411 = arith.index_cast %get3A_409 : i32 to index
        %get3A_412 = arith.index_cast %add3A_407 : i32 to index
        %get3A_413 = tpu.vector_load %arg4[%get3A_410, %get3A_411, %get3A_412] {strides = array<i32>} : memref<2x4x2216xf32, #tpu.memory_space<vmem>>, vector<16xf32>,
        %add3A_414 = arith.constant 8 : i32
        %add3A_415 = vector.broadcast %add3A_414 : i32 to vector<16xi32>
        %add3A_416 = arith.addi %add3A_287, %add3A_415 : vector<16xi32>
        %scatter3A_417 = arith.constant 0 : i32
        %scatter3A_418 = arith.constant 0 : i32
        %scatter3A_419 = tpu.memref_slice %arg5[%scatter3A_417, %scatter3A_418] : memref<2x32768xf32, #tpu.memory_space<vmem>> -> memref<1x32768xf32, #tpu.memory_space<vmem>>
        %scatter3A_420 = tpu.memref_squeeze %scatter3A_419 : memref<1x32768xf32, #tpu.memory_space<vmem>> -> memref<32768xf32, #tpu.memory_space<vmem>>
        tpu.vector_store_idx %scatter3A_420[%add3A_416], %get3A_413 : memref<32768xf32, #tpu.memory_space<vmem>>[vector<16xi32>], vector<16xf32>,
        %add3A_421 = arith.constant 1 : i32
        %add3A_422 = arith.addi %mul3A_283, %add3A_421 : i32
        %get3A_423 = arith.constant 0 : i32
        %get3A_424 = arith.constant 2 : i32
        %get3A_425 = arith.index_cast %get3A_423 : i32 to index
        %get3A_426 = arith.index_cast %get3A_424 : i32 to index
        %get3A_427 = arith.index_cast %add3A_422 : i32 to index
        %get3A_428 = tpu.vector_load %arg4[%get3A_425, %get3A_426, %get3A_427] {strides = array<i32>} : memref<2x4x2216xf32, #tpu.memory_space<vmem>>, vector<16xf32>,
        %add3A_429 = arith.constant 9 : i32
        %add3A_430 = vector.broadcast %add3A_429 : i32 to vector<16xi32>
        %add3A_431 = arith.addi %add3A_287, %add3A_430 : vector<16xi32>
        %scatter3A_432 = arith.constant 0 : i32
        %scatter3A_433 = arith.constant 0 : i32
        %scatter3A_434 = tpu.memref_slice %arg5[%scatter3A_432, %scatter3A_433] : memref<2x32768xf32, #tpu.memory_space<vmem>> -> memref<1x32768xf32, #tpu.memory_space<vmem>>
        %scatter3A_435 = tpu.memref_squeeze %scatter3A_434 : memref<1x32768xf32, #tpu.memory_space<vmem>> -> memref<32768xf32, #tpu.memory_space<vmem>>
        tpu.vector_store_idx %scatter3A_435[%add3A_431], %get3A_428 : memref<32768xf32, #tpu.memory_space<vmem>>[vector<16xi32>], vector<16xf32>,
        %add3A_436 = arith.constant 160 : i32
        %add3A_437 = arith.addi %mul3A_283, %add3A_436 : i32
        %get3A_438 = arith.constant 0 : i32
        %get3A_439 = arith.constant 2 : i32
        %get3A_440 = arith.index_cast %get3A_438 : i32 to index
        %get3A_441 = arith.index_cast %get3A_439 : i32 to index
        %get3A_442 = arith.index_cast %add3A_437 : i32 to index
        %get3A_443 = tpu.vector_load %arg4[%get3A_440, %get3A_441, %get3A_442] {strides = array<i32>} : memref<2x4x2216xf32, #tpu.memory_space<vmem>>, vector<16xf32>,
        %add3A_444 = arith.constant 10 : i32
        %add3A_445 = vector.broadcast %add3A_444 : i32 to vector<16xi32>
        %add3A_446 = arith.addi %add3A_287, %add3A_445 : vector<16xi32>
        %scatter3A_447 = arith.constant 0 : i32
        %scatter3A_448 = arith.constant 0 : i32
        %scatter3A_449 = tpu.memref_slice %arg5[%scatter3A_447, %scatter3A_448] : memref<2x32768xf32, #tpu.memory_space<vmem>> -> memref<1x32768xf32, #tpu.memory_space<vmem>>
        %scatter3A_450 = tpu.memref_squeeze %scatter3A_449 : memref<1x32768xf32, #tpu.memory_space<vmem>> -> memref<32768xf32, #tpu.memory_space<vmem>>
        tpu.vector_store_idx %scatter3A_450[%add3A_446], %get3A_443 : memref<32768xf32, #tpu.memory_space<vmem>>[vector<16xi32>], vector<16xf32>,
        %add3A_451 = arith.constant 161 : i32
        %add3A_452 = arith.addi %mul3A_283, %add3A_451 : i32
        %get3A_453 = arith.constant 0 : i32
        %get3A_454 = arith.constant 2 : i32
        %get3A_455 = arith.index_cast %get3A_453 : i32 to index
        %get3A_456 = arith.index_cast %get3A_454 : i32 to index
        %get3A_457 = arith.index_cast %add3A_452 : i32 to index
        %get3A_458 = tpu.vector_load %arg4[%get3A_455, %get3A_456, %get3A_457] {strides = array<i32>} : memref<2x4x2216xf32, #tpu.memory_space<vmem>>, vector<16xf32>,
        %add3A_459 = arith.constant 11 : i32
        %add3A_460 = vector.broadcast %add3A_459 : i32 to vector<16xi32>
        %add3A_461 = arith.addi %add3A_287, %add3A_460 : vector<16xi32>
        %scatter3A_462 = arith.constant 0 : i32
        %scatter3A_463 = arith.constant 0 : i32
        %scatter3A_464 = tpu.memref_slice %arg5[%scatter3A_462, %scatter3A_463] : memref<2x32768xf32, #tpu.memory_space<vmem>> -> memref<1x32768xf32, #tpu.memory_space<vmem>>
        %scatter3A_465 = tpu.memref_squeeze %scatter3A_464 : memref<1x32768xf32, #tpu.memory_space<vmem>> -> memref<32768xf32, #tpu.memory_space<vmem>>
        tpu.vector_store_idx %scatter3A_465[%add3A_461], %get3A_458 : memref<32768xf32, #tpu.memory_space<vmem>>[vector<16xi32>], vector<16xf32>,
        %add3A_466 = arith.constant 0 : i32
        %add3A_467 = arith.addi %mul3A_283, %add3A_466 : i32
        %get3A_468 = arith.constant 0 : i32
        %get3A_469 = arith.constant 3 : i32
        %get3A_470 = arith.index_cast %get3A_468 : i32 to index
        %get3A_471 = arith.index_cast %get3A_469 : i32 to index
        %get3A_472 = arith.index_cast %add3A_467 : i32 to index
        %get3A_473 = tpu.vector_load %arg4[%get3A_470, %get3A_471, %get3A_472] {strides = array<i32>} : memref<2x4x2216xf32, #tpu.memory_space<vmem>>, vector<16xf32>,
        %add3A_474 = arith.constant 12 : i32
        %add3A_475 = vector.broadcast %add3A_474 : i32 to vector<16xi32>
        %add3A_476 = arith.addi %add3A_287, %add3A_475 : vector<16xi32>
        %scatter3A_477 = arith.constant 0 : i32
        %scatter3A_478 = arith.constant 0 : i32
        %scatter3A_479 = tpu.memref_slice %arg5[%scatter3A_477, %scatter3A_478] : memref<2x32768xf32, #tpu.memory_space<vmem>> -> memref<1x32768xf32, #tpu.memory_space<vmem>>
        %scatter3A_480 = tpu.memref_squeeze %scatter3A_479 : memref<1x32768xf32, #tpu.memory_space<vmem>> -> memref<32768xf32, #tpu.memory_space<vmem>>
        tpu.vector_store_idx %scatter3A_480[%add3A_476], %get3A_473 : memref<32768xf32, #tpu.memory_space<vmem>>[vector<16xi32>], vector<16xf32>,
        %add3A_481 = arith.constant 1 : i32
        %add3A_482 = arith.addi %mul3A_283, %add3A_481 : i32
        %get3A_483 = arith.constant 0 : i32
        %get3A_484 = arith.constant 3 : i32
        %get3A_485 = arith.index_cast %get3A_483 : i32 to index
        %get3A_486 = arith.index_cast %get3A_484 : i32 to index
        %get3A_487 = arith.index_cast %add3A_482 : i32 to index
        %get3A_488 = tpu.vector_load %arg4[%get3A_485, %get3A_486, %get3A_487] {strides = array<i32>} : memref<2x4x2216xf32, #tpu.memory_space<vmem>>, vector<16xf32>,
        %add3A_489 = arith.constant 13 : i32
        %add3A_490 = vector.broadcast %add3A_489 : i32 to vector<16xi32>
        %add3A_491 = arith.addi %add3A_287, %add3A_490 : vector<16xi32>
        %scatter3A_492 = arith.constant 0 : i32
        %scatter3A_493 = arith.constant 0 : i32
        %scatter3A_494 = tpu.memref_slice %arg5[%scatter3A_492, %scatter3A_493] : memref<2x32768xf32, #tpu.memory_space<vmem>> -> memref<1x32768xf32, #tpu.memory_space<vmem>>
        %scatter3A_495 = tpu.memref_squeeze %scatter3A_494 : memref<1x32768xf32, #tpu.memory_space<vmem>> -> memref<32768xf32, #tpu.memory_space<vmem>>
        tpu.vector_store_idx %scatter3A_495[%add3A_491], %get3A_488 : memref<32768xf32, #tpu.memory_space<vmem>>[vector<16xi32>], vector<16xf32>,
        %add3A_496 = arith.constant 160 : i32
        %add3A_497 = arith.addi %mul3A_283, %add3A_496 : i32
        %get3A_498 = arith.constant 0 : i32
        %get3A_499 = arith.constant 3 : i32
        %get3A_500 = arith.index_cast %get3A_498 : i32 to index
        %get3A_501 = arith.index_cast %get3A_499 : i32 to index
        %get3A_502 = arith.index_cast %add3A_497 : i32 to index
        %get3A_503 = tpu.vector_load %arg4[%get3A_500, %get3A_501, %get3A_502] {strides = array<i32>} : memref<2x4x2216xf32, #tpu.memory_space<vmem>>, vector<16xf32>,
        %add3A_504 = arith.constant 14 : i32
        %add3A_505 = vector.broadcast %add3A_504 : i32 to vector<16xi32>
        %add3A_506 = arith.addi %add3A_287, %add3A_505 : vector<16xi32>
        %scatter3A_507 = arith.constant 0 : i32
        %scatter3A_508 = arith.constant 0 : i32
        %scatter3A_509 = tpu.memref_slice %arg5[%scatter3A_507, %scatter3A_508] : memref<2x32768xf32, #tpu.memory_space<vmem>> -> memref<1x32768xf32, #tpu.memory_space<vmem>>
        %scatter3A_510 = tpu.memref_squeeze %scatter3A_509 : memref<1x32768xf32, #tpu.memory_space<vmem>> -> memref<32768xf32, #tpu.memory_space<vmem>>
        tpu.vector_store_idx %scatter3A_510[%add3A_506], %get3A_503 : memref<32768xf32, #tpu.memory_space<vmem>>[vector<16xi32>], vector<16xf32>,
        %add3A_511 = arith.constant 161 : i32
        %add3A_512 = arith.addi %mul3A_283, %add3A_511 : i32
        %get3A_513 = arith.constant 0 : i32
        %get3A_514 = arith.constant 3 : i32
        %get3A_515 = arith.index_cast %get3A_513 : i32 to index
        %get3A_516 = arith.index_cast %get3A_514 : i32 to index
        %get3A_517 = arith.index_cast %add3A_512 : i32 to index
        %get3A_518 = tpu.vector_load %arg4[%get3A_515, %get3A_516, %get3A_517] {strides = array<i32>} : memref<2x4x2216xf32, #tpu.memory_space<vmem>>, vector<16xf32>,
        %add3A_519 = arith.constant 15 : i32
        %add3A_520 = vector.broadcast %add3A_519 : i32 to vector<16xi32>
        %add3A_521 = arith.addi %add3A_287, %add3A_520 : vector<16xi32>
        %scatter3A_522 = arith.constant 0 : i32
        %scatter3A_523 = arith.constant 0 : i32
        %scatter3A_524 = tpu.memref_slice %arg5[%scatter3A_522, %scatter3A_523] : memref<2x32768xf32, #tpu.memory_space<vmem>> -> memref<1x32768xf32, #tpu.memory_space<vmem>>
        %scatter3A_525 = tpu.memref_squeeze %scatter3A_524 : memref<1x32768xf32, #tpu.memory_space<vmem>> -> memref<32768xf32, #tpu.memory_space<vmem>>
        tpu.vector_store_idx %scatter3A_525[%add3A_521], %get3A_518 : memref<32768xf32, #tpu.memory_space<vmem>>[vector<16xi32>], vector<16xf32>,
        %scan3A_526 = arith.constant 1 : i32
        %scan3A_527 = arith.addi %scan3A_277, %scan3A_526 : i32
        %mul3A_528 = arith.constant 1 : i32
        %mul3A_529 = arith.muli %scan3A_527, %mul3A_528 : i32
        %add3A_530 = arith.constant 0 : i32
        %add3A_531 = arith.addi %add3A_530, %mul3A_529 : i32
        %mul3A_532 = arith.constant 16 : i32
        %mul3A_533 = arith.muli %add3A_531, %mul3A_532 : i32
        %mul3A_534 = arith.constant 16 : i32
        %mul3A_535 = arith.muli %mul3A_533, %mul3A_534 : i32
        %add3A_536 = vector.broadcast %mul3A_535 : i32 to vector<16xi32>
        %add3A_537 = arith.addi %mul3A_5, %add3A_536 : vector<16xi32>
        %add3A_538 = arith.constant 0 : i32
        %add3A_539 = arith.addi %mul3A_533, %add3A_538 : i32
        %get3A_540 = arith.constant 0 : i32
        %get3A_541 = arith.constant 0 : i32
        %get3A_542 = arith.index_cast %get3A_540 : i32 to index
        %get3A_543 = arith.index_cast %get3A_541 : i32 to index
        %get3A_544 = arith.index_cast %add3A_539 : i32 to index
        %get3A_545 = tpu.vector_load %arg4[%get3A_542, %get3A_543, %get3A_544] {strides = array<i32>} : memref<2x4x2216xf32, #tpu.memory_space<vmem>>, vector<16xf32>,
        %add3A_546 = arith.constant 0 : i32
        %add3A_547 = vector.broadcast %add3A_546 : i32 to vector<16xi32>
        %add3A_548 = arith.addi %add3A_537, %add3A_547 : vector<16xi32>
        %scatter3A_549 = arith.constant 0 : i32
        %scatter3A_550 = arith.constant 0 : i32
        %scatter3A_551 = tpu.memref_slice %arg5[%scatter3A_549, %scatter3A_550] : memref<2x32768xf32, #tpu.memory_space<vmem>> -> memref<1x32768xf32, #tpu.memory_space<vmem>>
        %scatter3A_552 = tpu.memref_squeeze %scatter3A_551 : memref<1x32768xf32, #tpu.memory_space<vmem>> -> memref<32768xf32, #tpu.memory_space<vmem>>
        tpu.vector_store_idx %scatter3A_552[%add3A_548], %get3A_545 : memref<32768xf32, #tpu.memory_space<vmem>>[vector<16xi32>], vector<16xf32>,
        %add3A_553 = arith.constant 1 : i32
        %add3A_554 = arith.addi %mul3A_533, %add3A_553 : i32
        %get3A_555 = arith.constant 0 : i32
        %get3A_556 = arith.constant 0 : i32
        %get3A_557 = arith.index_cast %get3A_555 : i32 to index
        %get3A_558 = arith.index_cast %get3A_556 : i32 to index
        %get3A_559 = arith.index_cast %add3A_554 : i32 to index
        %get3A_560 = tpu.vector_load %arg4[%get3A_557, %get3A_558, %get3A_559] {strides = array<i32>} : memref<2x4x2216xf32, #tpu.memory_space<vmem>>, vector<16xf32>,
        %add3A_561 = arith.constant 1 : i32
        %add3A_562 = vector.broadcast %add3A_561 : i32 to vector<16xi32>
        %add3A_563 = arith.addi %add3A_537, %add3A_562 : vector<16xi32>
        %scatter3A_564 = arith.constant 0 : i32
        %scatter3A_565 = arith.constant 0 : i32
        %scatter3A_566 = tpu.memref_slice %arg5[%scatter3A_564, %scatter3A_565] : memref<2x32768xf32, #tpu.memory_space<vmem>> -> memref<1x32768xf32, #tpu.memory_space<vmem>>
        %scatter3A_567 = tpu.memref_squeeze %scatter3A_566 : memref<1x32768xf32, #tpu.memory_space<vmem>> -> memref<32768xf32, #tpu.memory_space<vmem>>
        tpu.vector_store_idx %scatter3A_567[%add3A_563], %get3A_560 : memref<32768xf32, #tpu.memory_space<vmem>>[vector<16xi32>], vector<16xf32>,
        %add3A_568 = arith.constant 160 : i32
        %add3A_569 = arith.addi %mul3A_533, %add3A_568 : i32
        %get3A_570 = arith.constant 0 : i32
        %get3A_571 = arith.constant 0 : i32
        %get3A_572 = arith.index_cast %get3A_570 : i32 to index
        %get3A_573 = arith.index_cast %get3A_571 : i32 to index
        %get3A_574 = arith.index_cast %add3A_569 : i32 to index
        %get3A_575 = tpu.vector_load %arg4[%get3A_572, %get3A_573, %get3A_574] {strides = array<i32>} : memref<2x4x2216xf32, #tpu.memory_space<vmem>>, vector<16xf32>,
        %add3A_576 = arith.constant 2 : i32
        %add3A_577 = vector.broadcast %add3A_576 : i32 to vector<16xi32>
        %add3A_578 = arith.addi %add3A_537, %add3A_577 : vector<16xi32>
        %scatter3A_579 = arith.constant 0 : i32
        %scatter3A_580 = arith.constant 0 : i32
        %scatter3A_581 = tpu.memref_slice %arg5[%scatter3A_579, %scatter3A_580] : memref<2x32768xf32, #tpu.memory_space<vmem>> -> memref<1x32768xf32, #tpu.memory_space<vmem>>
        %scatter3A_582 = tpu.memref_squeeze %scatter3A_581 : memref<1x32768xf32, #tpu.memory_space<vmem>> -> memref<32768xf32, #tpu.memory_space<vmem>>
        tpu.vector_store_idx %scatter3A_582[%add3A_578], %get3A_575 : memref<32768xf32, #tpu.memory_space<vmem>>[vector<16xi32>], vector<16xf32>,
        %add3A_583 = arith.constant 161 : i32
        %add3A_584 = arith.addi %mul3A_533, %add3A_583 : i32
        %get3A_585 = arith.constant 0 : i32
        %get3A_586 = arith.constant 0 : i32
        %get3A_587 = arith.index_cast %get3A_585 : i32 to index
        %get3A_588 = arith.index_cast %get3A_586 : i32 to index
        %get3A_589 = arith.index_cast %add3A_584 : i32 to index
        %get3A_590 = tpu.vector_load %arg4[%get3A_587, %get3A_588, %get3A_589] {strides = array<i32>} : memref<2x4x2216xf32, #tpu.memory_space<vmem>>, vector<16xf32>,
        %add3A_591 = arith.constant 3 : i32
        %add3A_592 = vector.broadcast %add3A_591 : i32 to vector<16xi32>
        %add3A_593 = arith.addi %add3A_537, %add3A_592 : vector<16xi32>
        %scatter3A_594 = arith.constant 0 : i32
        %scatter3A_595 = arith.constant 0 : i32
        %scatter3A_596 = tpu.memref_slice %arg5[%scatter3A_594, %scatter3A_595] : memref<2x32768xf32, #tpu.memory_space<vmem>> -> memref<1x32768xf32, #tpu.memory_space<vmem>>
        %scatter3A_597 = tpu.memref_squeeze %scatter3A_596 : memref<1x32768xf32, #tpu.memory_space<vmem>> -> memref<32768xf32, #tpu.memory_space<vmem>>
        tpu.vector_store_idx %scatter3A_597[%add3A_593], %get3A_590 : memref<32768xf32, #tpu.memory_space<vmem>>[vector<16xi32>], vector<16xf32>,
        %add3A_598 = arith.constant 0 : i32
        %add3A_599 = arith.addi %mul3A_533, %add3A_598 : i32
        %get3A_600 = arith.constant 0 : i32
        %get3A_601 = arith.constant 1 : i32
        %get3A_602 = arith.index_cast %get3A_600 : i32 to index
        %get3A_603 = arith.index_cast %get3A_601 : i32 to index
        %get3A_604 = arith.index_cast %add3A_599 : i32 to index
        %get3A_605 = tpu.vector_load %arg4[%get3A_602, %get3A_603, %get3A_604] {strides = array<i32>} : memref<2x4x2216xf32, #tpu.memory_space<vmem>>, vector<16xf32>,
        %add3A_606 = arith.constant 4 : i32
        %add3A_607 = vector.broadcast %add3A_606 : i32 to vector<16xi32>
        %add3A_608 = arith.addi %add3A_537, %add3A_607 : vector<16xi32>
        %scatter3A_609 = arith.constant 0 : i32
        %scatter3A_610 = arith.constant 0 : i32
        %scatter3A_611 = tpu.memref_slice %arg5[%scatter3A_609, %scatter3A_610] : memref<2x32768xf32, #tpu.memory_space<vmem>> -> memref<1x32768xf32, #tpu.memory_space<vmem>>
        %scatter3A_612 = tpu.memref_squeeze %scatter3A_611 : memref<1x32768xf32, #tpu.memory_space<vmem>> -> memref<32768xf32, #tpu.memory_space<vmem>>
        tpu.vector_store_idx %scatter3A_612[%add3A_608], %get3A_605 : memref<32768xf32, #tpu.memory_space<vmem>>[vector<16xi32>], vector<16xf32>,
        %add3A_613 = arith.constant 1 : i32
        %add3A_614 = arith.addi %mul3A_533, %add3A_613 : i32
        %get3A_615 = arith.constant 0 : i32
        %get3A_616 = arith.constant 1 : i32
        %get3A_617 = arith.index_cast %get3A_615 : i32 to index
        %get3A_618 = arith.index_cast %get3A_616 : i32 to index
        %get3A_619 = arith.index_cast %add3A_614 : i32 to index
        %get3A_620 = tpu.vector_load %arg4[%get3A_617, %get3A_618, %get3A_619] {strides = array<i32>} : memref<2x4x2216xf32, #tpu.memory_space<vmem>>, vector<16xf32>,
        %add3A_621 = arith.constant 5 : i32
        %add3A_622 = vector.broadcast %add3A_621 : i32 to vector<16xi32>
        %add3A_623 = arith.addi %add3A_537, %add3A_622 : vector<16xi32>
        %scatter3A_624 = arith.constant 0 : i32
        %scatter3A_625 = arith.constant 0 : i32
        %scatter3A_626 = tpu.memref_slice %arg5[%scatter3A_624, %scatter3A_625] : memref<2x32768xf32, #tpu.memory_space<vmem>> -> memref<1x32768xf32, #tpu.memory_space<vmem>>
        %scatter3A_627 = tpu.memref_squeeze %scatter3A_626 : memref<1x32768xf32, #tpu.memory_space<vmem>> -> memref<32768xf32, #tpu.memory_space<vmem>>
        tpu.vector_store_idx %scatter3A_627[%add3A_623], %get3A_620 : memref<32768xf32, #tpu.memory_space<vmem>>[vector<16xi32>], vector<16xf32>,
        %add3A_628 = arith.constant 160 : i32
        %add3A_629 = arith.addi %mul3A_533, %add3A_628 : i32
        %get3A_630 = arith.constant 0 : i32
        %get3A_631 = arith.constant 1 : i32
        %get3A_632 = arith.index_cast %get3A_630 : i32 to index
        %get3A_633 = arith.index_cast %get3A_631 : i32 to index
        %get3A_634 = arith.index_cast %add3A_629 : i32 to index
        %get3A_635 = tpu.vector_load %arg4[%get3A_632, %get3A_633, %get3A_634] {strides = array<i32>} : memref<2x4x2216xf32, #tpu.memory_space<vmem>>, vector<16xf32>,
        %add3A_636 = arith.constant 6 : i32
        %add3A_637 = vector.broadcast %add3A_636 : i32 to vector<16xi32>
        %add3A_638 = arith.addi %add3A_537, %add3A_637 : vector<16xi32>
        %scatter3A_639 = arith.constant 0 : i32
        %scatter3A_640 = arith.constant 0 : i32
        %scatter3A_641 = tpu.memref_slice %arg5[%scatter3A_639, %scatter3A_640] : memref<2x32768xf32, #tpu.memory_space<vmem>> -> memref<1x32768xf32, #tpu.memory_space<vmem>>
        %scatter3A_642 = tpu.memref_squeeze %scatter3A_641 : memref<1x32768xf32, #tpu.memory_space<vmem>> -> memref<32768xf32, #tpu.memory_space<vmem>>
        tpu.vector_store_idx %scatter3A_642[%add3A_638], %get3A_635 : memref<32768xf32, #tpu.memory_space<vmem>>[vector<16xi32>], vector<16xf32>,
        %add3A_643 = arith.constant 161 : i32
        %add3A_644 = arith.addi %mul3A_533, %add3A_643 : i32
        %get3A_645 = arith.constant 0 : i32
        %get3A_646 = arith.constant 1 : i32
        %get3A_647 = arith.index_cast %get3A_645 : i32 to index
        %get3A_648 = arith.index_cast %get3A_646 : i32 to index
        %get3A_649 = arith.index_cast %add3A_644 : i32 to index
        %get3A_650 = tpu.vector_load %arg4[%get3A_647, %get3A_648, %get3A_649] {strides = array<i32>} : memref<2x4x2216xf32, #tpu.memory_space<vmem>>, vector<16xf32>,
        %add3A_651 = arith.constant 7 : i32
        %add3A_652 = vector.broadcast %add3A_651 : i32 to vector<16xi32>
        %add3A_653 = arith.addi %add3A_537, %add3A_652 : vector<16xi32>
        %scatter3A_654 = arith.constant 0 : i32
        %scatter3A_655 = arith.constant 0 : i32
        %scatter3A_656 = tpu.memref_slice %arg5[%scatter3A_654, %scatter3A_655] : memref<2x32768xf32, #tpu.memory_space<vmem>> -> memref<1x32768xf32, #tpu.memory_space<vmem>>
        %scatter3A_657 = tpu.memref_squeeze %scatter3A_656 : memref<1x32768xf32, #tpu.memory_space<vmem>> -> memref<32768xf32, #tpu.memory_space<vmem>>
        tpu.vector_store_idx %scatter3A_657[%add3A_653], %get3A_650 : memref<32768xf32, #tpu.memory_space<vmem>>[vector<16xi32>], vector<16xf32>,
        %add3A_658 = arith.constant 0 : i32
        %add3A_659 = arith.addi %mul3A_533, %add3A_658 : i32
        %get3A_660 = arith.constant 0 : i32
        %get3A_661 = arith.constant 2 : i32
        %get3A_662 = arith.index_cast %get3A_660 : i32 to index
        %get3A_663 = arith.index_cast %get3A_661 : i32 to index
        %get3A_664 = arith.index_cast %add3A_659 : i32 to index
        %get3A_665 = tpu.vector_load %arg4[%get3A_662, %get3A_663, %get3A_664] {strides = array<i32>} : memref<2x4x2216xf32, #tpu.memory_space<vmem>>, vector<16xf32>,
        %add3A_666 = arith.constant 8 : i32
        %add3A_667 = vector.broadcast %add3A_666 : i32 to vector<16xi32>
        %add3A_668 = arith.addi %add3A_537, %add3A_667 : vector<16xi32>
        %scatter3A_669 = arith.constant 0 : i32
        %scatter3A_670 = arith.constant 0 : i32
        %scatter3A_671 = tpu.memref_slice %arg5[%scatter3A_669, %scatter3A_670] : memref<2x32768xf32, #tpu.memory_space<vmem>> -> memref<1x32768xf32, #tpu.memory_space<vmem>>
        %scatter3A_672 = tpu.memref_squeeze %scatter3A_671 : memref<1x32768xf32, #tpu.memory_space<vmem>> -> memref<32768xf32, #tpu.memory_space<vmem>>
        tpu.vector_store_idx %scatter3A_672[%add3A_668], %get3A_665 : memref<32768xf32, #tpu.memory_space<vmem>>[vector<16xi32>], vector<16xf32>,
        %add3A_673 = arith.constant 1 : i32
        %add3A_674 = arith.addi %mul3A_533, %add3A_673 : i32
        %get3A_675 = arith.constant 0 : i32
        %get3A_676 = arith.constant 2 : i32
        %get3A_677 = arith.index_cast %get3A_675 : i32 to index
        %get3A_678 = arith.index_cast %get3A_676 : i32 to index
        %get3A_679 = arith.index_cast %add3A_674 : i32 to index
        %get3A_680 = tpu.vector_load %arg4[%get3A_677, %get3A_678, %get3A_679] {strides = array<i32>} : memref<2x4x2216xf32, #tpu.memory_space<vmem>>, vector<16xf32>,
        %add3A_681 = arith.constant 9 : i32
        %add3A_682 = vector.broadcast %add3A_681 : i32 to vector<16xi32>
        %add3A_683 = arith.addi %add3A_537, %add3A_682 : vector<16xi32>
        %scatter3A_684 = arith.constant 0 : i32
        %scatter3A_685 = arith.constant 0 : i32
        %scatter3A_686 = tpu.memref_slice %arg5[%scatter3A_684, %scatter3A_685] : memref<2x32768xf32, #tpu.memory_space<vmem>> -> memref<1x32768xf32, #tpu.memory_space<vmem>>
        %scatter3A_687 = tpu.memref_squeeze %scatter3A_686 : memref<1x32768xf32, #tpu.memory_space<vmem>> -> memref<32768xf32, #tpu.memory_space<vmem>>
        tpu.vector_store_idx %scatter3A_687[%add3A_683], %get3A_680 : memref<32768xf32, #tpu.memory_space<vmem>>[vector<16xi32>], vector<16xf32>,
        %add3A_688 = arith.constant 160 : i32
        %add3A_689 = arith.addi %mul3A_533, %add3A_688 : i32
        %get3A_690 = arith.constant 0 : i32
        %get3A_691 = arith.constant 2 : i32
        %get3A_692 = arith.index_cast %get3A_690 : i32 to index
        %get3A_693 = arith.index_cast %get3A_691 : i32 to index
        %get3A_694 = arith.index_cast %add3A_689 : i32 to index
        %get3A_695 = tpu.vector_load %arg4[%get3A_692, %get3A_693, %get3A_694] {strides = array<i32>} : memref<2x4x2216xf32, #tpu.memory_space<vmem>>, vector<16xf32>,
        %add3A_696 = arith.constant 10 : i32
        %add3A_697 = vector.broadcast %add3A_696 : i32 to vector<16xi32>
        %add3A_698 = arith.addi %add3A_537, %add3A_697 : vector<16xi32>
        %scatter3A_699 = arith.constant 0 : i32
        %scatter3A_700 = arith.constant 0 : i32
        %scatter3A_701 = tpu.memref_slice %arg5[%scatter3A_699, %scatter3A_700] : memref<2x32768xf32, #tpu.memory_space<vmem>> -> memref<1x32768xf32, #tpu.memory_space<vmem>>
        %scatter3A_702 = tpu.memref_squeeze %scatter3A_701 : memref<1x32768xf32, #tpu.memory_space<vmem>> -> memref<32768xf32, #tpu.memory_space<vmem>>
        tpu.vector_store_idx %scatter3A_702[%add3A_698], %get3A_695 : memref<32768xf32, #tpu.memory_space<vmem>>[vector<16xi32>], vector<16xf32>,
        %add3A_703 = arith.constant 161 : i32
        %add3A_704 = arith.addi %mul3A_533, %add3A_703 : i32
        %get3A_705 = arith.constant 0 : i32
        %get3A_706 = arith.constant 2 : i32
        %get3A_707 = arith.index_cast %get3A_705 : i32 to index
        %get3A_708 = arith.index_cast %get3A_706 : i32 to index
        %get3A_709 = arith.index_cast %add3A_704 : i32 to index
        %get3A_710 = tpu.vector_load %arg4[%get3A_707, %get3A_708, %get3A_709] {strides = array<i32>} : memref<2x4x2216xf32, #tpu.memory_space<vmem>>, vector<16xf32>,
        %add3A_711 = arith.constant 11 : i32
        %add3A_712 = vector.broadcast %add3A_711 : i32 to vector<16xi32>
        %add3A_713 = arith.addi %add3A_537, %add3A_712 : vector<16xi32>
        %scatter3A_714 = arith.constant 0 : i32
        %scatter3A_715 = arith.constant 0 : i32
        %scatter3A_716 = tpu.memref_slice %arg5[%scatter3A_714, %scatter3A_715] : memref<2x32768xf32, #tpu.memory_space<vmem>> -> memref<1x32768xf32, #tpu.memory_space<vmem>>
        %scatter3A_717 = tpu.memref_squeeze %scatter3A_716 : memref<1x32768xf32, #tpu.memory_space<vmem>> -> memref<32768xf32, #tpu.memory_space<vmem>>
        tpu.vector_store_idx %scatter3A_717[%add3A_713], %get3A_710 : memref<32768xf32, #tpu.memory_space<vmem>>[vector<16xi32>], vector<16xf32>,
        %add3A_718 = arith.constant 0 : i32
        %add3A_719 = arith.addi %mul3A_533, %add3A_718 : i32
        %get3A_720 = arith.constant 0 : i32
        %get3A_721 = arith.constant 3 : i32
        %get3A_722 = arith.index_cast %get3A_720 : i32 to index
        %get3A_723 = arith.index_cast %get3A_721 : i32 to index
        %get3A_724 = arith.index_cast %add3A_719 : i32 to index
        %get3A_725 = tpu.vector_load %arg4[%get3A_722, %get3A_723, %get3A_724] {strides = array<i32>} : memref<2x4x2216xf32, #tpu.memory_space<vmem>>, vector<16xf32>,
        %add3A_726 = arith.constant 12 : i32
        %add3A_727 = vector.broadcast %add3A_726 : i32 to vector<16xi32>
        %add3A_728 = arith.addi %add3A_537, %add3A_727 : vector<16xi32>
        %scatter3A_729 = arith.constant 0 : i32
        %scatter3A_730 = arith.constant 0 : i32
        %scatter3A_731 = tpu.memref_slice %arg5[%scatter3A_729, %scatter3A_730] : memref<2x32768xf32, #tpu.memory_space<vmem>> -> memref<1x32768xf32, #tpu.memory_space<vmem>>
        %scatter3A_732 = tpu.memref_squeeze %scatter3A_731 : memref<1x32768xf32, #tpu.memory_space<vmem>> -> memref<32768xf32, #tpu.memory_space<vmem>>
        tpu.vector_store_idx %scatter3A_732[%add3A_728], %get3A_725 : memref<32768xf32, #tpu.memory_space<vmem>>[vector<16xi32>], vector<16xf32>,
        %add3A_733 = arith.constant 1 : i32
        %add3A_734 = arith.addi %mul3A_533, %add3A_733 : i32
        %get3A_735 = arith.constant 0 : i32
        %get3A_736 = arith.constant 3 : i32
        %get3A_737 = arith.index_cast %get3A_735 : i32 to index
        %get3A_738 = arith.index_cast %get3A_736 : i32 to index
        %get3A_739 = arith.index_cast %add3A_734 : i32 to index
        %get3A_740 = tpu.vector_load %arg4[%get3A_737, %get3A_738, %get3A_739] {strides = array<i32>} : memref<2x4x2216xf32, #tpu.memory_space<vmem>>, vector<16xf32>,
        %add3A_741 = arith.constant 13 : i32
        %add3A_742 = vector.broadcast %add3A_741 : i32 to vector<16xi32>
        %add3A_743 = arith.addi %add3A_537, %add3A_742 : vector<16xi32>
        %scatter3A_744 = arith.constant 0 : i32
        %scatter3A_745 = arith.constant 0 : i32
        %scatter3A_746 = tpu.memref_slice %arg5[%scatter3A_744, %scatter3A_745] : memref<2x32768xf32, #tpu.memory_space<vmem>> -> memref<1x32768xf32, #tpu.memory_space<vmem>>
        %scatter3A_747 = tpu.memref_squeeze %scatter3A_746 : memref<1x32768xf32, #tpu.memory_space<vmem>> -> memref<32768xf32, #tpu.memory_space<vmem>>
        tpu.vector_store_idx %scatter3A_747[%add3A_743], %get3A_740 : memref<32768xf32, #tpu.memory_space<vmem>>[vector<16xi32>], vector<16xf32>,
        %add3A_748 = arith.constant 160 : i32
        %add3A_749 = arith.addi %mul3A_533, %add3A_748 : i32
        %get3A_750 = arith.constant 0 : i32
        %get3A_751 = arith.constant 3 : i32
        %get3A_752 = arith.index_cast %get3A_750 : i32 to index
        %get3A_753 = arith.index_cast %get3A_751 : i32 to index
        %get3A_754 = arith.index_cast %add3A_749 : i32 to index
        %get3A_755 = tpu.vector_load %arg4[%get3A_752, %get3A_753, %get3A_754] {strides = array<i32>} : memref<2x4x2216xf32, #tpu.memory_space<vmem>>, vector<16xf32>,
        %add3A_756 = arith.constant 14 : i32
        %add3A_757 = vector.broadcast %add3A_756 : i32 to vector<16xi32>
        %add3A_758 = arith.addi %add3A_537, %add3A_757 : vector<16xi32>
        %scatter3A_759 = arith.constant 0 : i32
        %scatter3A_760 = arith.constant 0 : i32
        %scatter3A_761 = tpu.memref_slice %arg5[%scatter3A_759, %scatter3A_760] : memref<2x32768xf32, #tpu.memory_space<vmem>> -> memref<1x32768xf32, #tpu.memory_space<vmem>>
        %scatter3A_762 = tpu.memref_squeeze %scatter3A_761 : memref<1x32768xf32, #tpu.memory_space<vmem>> -> memref<32768xf32, #tpu.memory_space<vmem>>
        tpu.vector_store_idx %scatter3A_762[%add3A_758], %get3A_755 : memref<32768xf32, #tpu.memory_space<vmem>>[vector<16xi32>], vector<16xf32>,
        %add3A_763 = arith.constant 161 : i32
        %add3A_764 = arith.addi %mul3A_533, %add3A_763 : i32
        %get3A_765 = arith.constant 0 : i32
        %get3A_766 = arith.constant 3 : i32
        %get3A_767 = arith.index_cast %get3A_765 : i32 to index
        %get3A_768 = arith.index_cast %get3A_766 : i32 to index
        %get3A_769 = arith.index_cast %add3A_764 : i32 to index
        %get3A_770 = tpu.vector_load %arg4[%get3A_767, %get3A_768, %get3A_769] {strides = array<i32>} : memref<2x4x2216xf32, #tpu.memory_space<vmem>>, vector<16xf32>,
        %add3A_771 = arith.constant 15 : i32
        %add3A_772 = vector.broadcast %add3A_771 : i32 to vector<16xi32>
        %add3A_773 = arith.addi %add3A_537, %add3A_772 : vector<16xi32>
        %scatter3A_774 = arith.constant 0 : i32
        %scatter3A_775 = arith.constant 0 : i32
        %scatter3A_776 = tpu.memref_slice %arg5[%scatter3A_774, %scatter3A_775] : memref<2x32768xf32, #tpu.memory_space<vmem>> -> memref<1x32768xf32, #tpu.memory_space<vmem>>
        %scatter3A_777 = tpu.memref_squeeze %scatter3A_776 : memref<1x32768xf32, #tpu.memory_space<vmem>> -> memref<32768xf32, #tpu.memory_space<vmem>>
        tpu.vector_store_idx %scatter3A_777[%add3A_773], %get3A_770 : memref<32768xf32, #tpu.memory_space<vmem>>[vector<16xi32>], vector<16xf32>,
      }
      %scan3A_170 = arith.constant 128 : i32
      %mul3A_171 = arith.constant 2048 : i32
      %mul3A_172 = arith.muli %add3A_98, %mul3A_171 : i32
      %add3A_173 = arith.addi %mul3A_2, %mul3A_172 : i32
      %mul3A_174 = arith.constant 16 : i32
      %mul3A_175 = arith.muli %add3A_173, %mul3A_174 : i32
      %dma_start3A_176 = arith.constant 0 : i32
      %dma_start3A_177 = arith.constant 0 : i32
      %dma_start3A_178 = tpu.memref_slice %arg5[%dma_start3A_176, %dma_start3A_177] : memref<2x32768xf32, #tpu.memory_space<vmem>> -> memref<1x32768xf32, #tpu.memory_space<vmem>>
      %dma_start3A_179 = tpu.memref_squeeze %dma_start3A_178 : memref<1x32768xf32, #tpu.memory_space<vmem>> -> memref<32768xf32, #tpu.memory_space<vmem>>
      %dma_start3A_180 = tpu.memref_slice %arg3[%mul3A_175] : memref<52428800xf32, #tpu.memory_space<hbm>> -> memref<32768xf32, #tpu.memory_space<hbm>>
      %dma_start3A_181 = tpu.memref_slice %arg3[%mul3A_175] : memref<52428800xf32, #tpu.memory_space<hbm>> -> memref<32768xf32, #tpu.memory_space<hbm>>
      %dma_start3A_182 = arith.constant 0 : i32
      %dma_start3A_183 = tpu.memref_slice %arg5[%dma_start3A_176, %dma_start3A_182] : memref<2x32768xf32, #tpu.memory_space<vmem>> -> memref<1x32768xf32, #tpu.memory_space<vmem>>
      %dma_start3A_184 = tpu.memref_squeeze %dma_start3A_183 : memref<1x32768xf32, #tpu.memory_space<vmem>> -> memref<32768xf32, #tpu.memory_space<vmem>>
      tpu.enqueue_dma source(%dma_start3A_184 : memref<32768xf32, #tpu.memory_space<vmem>>) target(%dma_start3A_181 : memref<32768xf32, #tpu.memory_space<hbm>>) target_semaphore(%arg7 : memref<!tpu.dma_semaphore, #tpu.memory_space<semaphore_mem>>)
      %add3A_185 = arith.constant 1 : i32
      %add3A_186 = arith.addi %add3A_96, %add3A_185 : i32
      %mul3A_187 = arith.constant 2048 : i32
      %mul3A_188 = arith.muli %add3A_186, %mul3A_187 : i32
      %add3A_189 = arith.addi %mul3A_2, %mul3A_188 : i32
      %add3A_190 = arith.constant 0 : i32
      %add3A_191 = arith.addi %add3A_190, %add3A_189 : i32
      %add3A_192 = arith.constant 0 : i32
      %add3A_193 = arith.addi %add3A_191, %add3A_192 : i32
      %add3A_194 = arith.constant 0 : i32
      %add3A_195 = arith.addi %add3A_194, %add3A_189 : i32
      %add3A_196 = arith.constant 25600 : i32
      %add3A_197 = arith.addi %add3A_195, %add3A_196 : i32
      %add3A_198 = arith.constant 3276800 : i32
      %add3A_199 = arith.addi %add3A_198, %add3A_189 : i32
      %add3A_200 = arith.constant 0 : i32
      %add3A_201 = arith.addi %add3A_199, %add3A_200 : i32
      %add3A_202 = arith.constant 3276800 : i32
      %add3A_203 = arith.addi %add3A_202, %add3A_189 : i32
      %add3A_204 = arith.constant 25600 : i32
      %add3A_205 = arith.addi %add3A_203, %add3A_204 : i32
      %dma_wait3A_206 = arith.constant 1 : i32
      %dma_wait3A_207 = arith.constant 0 : i32
      %dma_wait3A_208 = arith.constant 0 : i32
      %dma_wait3A_209 = tpu.memref_slice %arg4[%dma_wait3A_206, %dma_wait3A_207, %dma_wait3A_208] : memref<2x4x2216xf32, #tpu.memory_space<vmem>> -> memref<1x1x2216xf32, #tpu.memory_space<vmem>>
      %dma_wait3A_210 = tpu.memref_squeeze %dma_wait3A_209 : memref<1x1x2216xf32, #tpu.memory_space<vmem>> -> memref<2216xf32, #tpu.memory_space<vmem>>
      %dma_wait3A_211 = tpu.memref_slice %arg2[%add3A_193] : memref<6579368xf32, #tpu.memory_space<hbm>> -> memref<2216xf32, #tpu.memory_space<hbm>>
      %dma_wait3A_212 = arith.constant 0 : i32
      %dma_wait3A_213 = tpu.memref_slice %arg4[%dma_wait3A_206, %dma_wait3A_207, %dma_wait3A_212] : memref<2x4x2216xf32, #tpu.memory_space<vmem>> -> memref<1x1x2216xf32, #tpu.memory_space<vmem>>
      %dma_wait3A_214 = tpu.memref_squeeze %dma_wait3A_213 : memref<1x1x2216xf32, #tpu.memory_space<vmem>> -> memref<2216xf32, #tpu.memory_space<vmem>>
      %dma_wait3A_215 = tpu.memref_slice %arg2[%add3A_193] : memref<6579368xf32, #tpu.memory_space<hbm>> -> memref<2216xf32, #tpu.memory_space<hbm>>
      tpu.wait_dma2 semaphore(%arg6 : memref<!tpu.dma_semaphore, #tpu.memory_space<semaphore_mem>>) src(%dma_wait3A_215 : memref<2216xf32, #tpu.memory_space<hbm>>) dst(%dma_wait3A_214 : memref<2216xf32, #tpu.memory_space<vmem>>)
      %dma_wait3A_216 = arith.constant 1 : i32
      %dma_wait3A_217 = arith.constant 1 : i32
      %dma_wait3A_218 = arith.constant 0 : i32
      %dma_wait3A_219 = tpu.memref_slice %arg4[%dma_wait3A_216, %dma_wait3A_217, %dma_wait3A_218] : memref<2x4x2216xf32, #tpu.memory_space<vmem>> -> memref<1x1x2216xf32, #tpu.memory_space<vmem>>
      %dma_wait3A_220 = tpu.memref_squeeze %dma_wait3A_219 : memref<1x1x2216xf32, #tpu.memory_space<vmem>> -> memref<2216xf32, #tpu.memory_space<vmem>>
      %dma_wait3A_221 = tpu.memref_slice %arg2[%add3A_197] : memref<6579368xf32, #tpu.memory_space<hbm>> -> memref<2216xf32, #tpu.memory_space<hbm>>
      %dma_wait3A_222 = arith.constant 0 : i32
      %dma_wait3A_223 = tpu.memref_slice %arg4[%dma_wait3A_216, %dma_wait3A_217, %dma_wait3A_222] : memref<2x4x2216xf32, #tpu.memory_space<vmem>> -> memref<1x1x2216xf32, #tpu.memory_space<vmem>>
      %dma_wait3A_224 = tpu.memref_squeeze %dma_wait3A_223 : memref<1x1x2216xf32, #tpu.memory_space<vmem>> -> memref<2216xf32, #tpu.memory_space<vmem>>
      %dma_wait3A_225 = tpu.memref_slice %arg2[%add3A_197] : memref<6579368xf32, #tpu.memory_space<hbm>> -> memref<2216xf32, #tpu.memory_space<hbm>>
      tpu.wait_dma2 semaphore(%arg6 : memref<!tpu.dma_semaphore, #tpu.memory_space<semaphore_mem>>) src(%dma_wait3A_225 : memref<2216xf32, #tpu.memory_space<hbm>>) dst(%dma_wait3A_224 : memref<2216xf32, #tpu.memory_space<vmem>>)
      %dma_wait3A_226 = arith.constant 1 : i32
      %dma_wait3A_227 = arith.constant 2 : i32
      %dma_wait3A_228 = arith.constant 0 : i32
      %dma_wait3A_229 = tpu.memref_slice %arg4[%dma_wait3A_226, %dma_wait3A_227, %dma_wait3A_228] : memref<2x4x2216xf32, #tpu.memory_space<vmem>> -> memref<1x1x2216xf32, #tpu.memory_space<vmem>>
      %dma_wait3A_230 = tpu.memref_squeeze %dma_wait3A_229 : memref<1x1x2216xf32, #tpu.memory_space<vmem>> -> memref<2216xf32, #tpu.memory_space<vmem>>
      %dma_wait3A_231 = tpu.memref_slice %arg2[%add3A_201] : memref<6579368xf32, #tpu.memory_space<hbm>> -> memref<2216xf32, #tpu.memory_space<hbm>>
      %dma_wait3A_232 = arith.constant 0 : i32
      %dma_wait3A_233 = tpu.memref_slice %arg4[%dma_wait3A_226, %dma_wait3A_227, %dma_wait3A_232] : memref<2x4x2216xf32, #tpu.memory_space<vmem>> -> memref<1x1x2216xf32, #tpu.memory_space<vmem>>
      %dma_wait3A_234 = tpu.memref_squeeze %dma_wait3A_233 : memref<1x1x2216xf32, #tpu.memory_space<vmem>> -> memref<2216xf32, #tpu.memory_space<vmem>>
      %dma_wait3A_235 = tpu.memref_slice %arg2[%add3A_201] : memref<6579368xf32, #tpu.memory_space<hbm>> -> memref<2216xf32, #tpu.memory_space<hbm>>
      tpu.wait_dma2 semaphore(%arg6 : memref<!tpu.dma_semaphore, #tpu.memory_space<semaphore_mem>>) src(%dma_wait3A_235 : memref<2216xf32, #tpu.memory_space<hbm>>) dst(%dma_wait3A_234 : memref<2216xf32, #tpu.memory_space<vmem>>)
      %dma_wait3A_236 = arith.constant 1 : i32
      %dma_wait3A_237 = arith.constant 3 : i32
      %dma_wait3A_238 = arith.constant 0 : i32
      %dma_wait3A_239 = tpu.memref_slice %arg4[%dma_wait3A_236, %dma_wait3A_237, %dma_wait3A_238] : memref<2x4x2216xf32, #tpu.memory_space<vmem>> -> memref<1x1x2216xf32, #tpu.memory_space<vmem>>
      %dma_wait3A_240 = tpu.memref_squeeze %dma_wait3A_239 : memref<1x1x2216xf32, #tpu.memory_space<vmem>> -> memref<2216xf32, #tpu.memory_space<vmem>>
      %dma_wait3A_241 = tpu.memref_slice %arg2[%add3A_205] : memref<6579368xf32, #tpu.memory_space<hbm>> -> memref<2216xf32, #tpu.memory_space<hbm>>
      %dma_wait3A_242 = arith.constant 0 : i32
      %dma_wait3A_243 = tpu.memref_slice %arg4[%dma_wait3A_236, %dma_wait3A_237, %dma_wait3A_242] : memref<2x4x2216xf32, #tpu.memory_space<vmem>> -> memref<1x1x2216xf32, #tpu.memory_space<vmem>>
      %dma_wait3A_244 = tpu.memref_squeeze %dma_wait3A_243 : memref<1x1x2216xf32, #tpu.memory_space<vmem>> -> memref<2216xf32, #tpu.memory_space<vmem>>
      %dma_wait3A_245 = tpu.memref_slice %arg2[%add3A_205] : memref<6579368xf32, #tpu.memory_space<hbm>> -> memref<2216xf32, #tpu.memory_space<hbm>>
      tpu.wait_dma2 semaphore(%arg6 : memref<!tpu.dma_semaphore, #tpu.memory_space<semaphore_mem>>) src(%dma_wait3A_245 : memref<2216xf32, #tpu.memory_space<hbm>>) dst(%dma_wait3A_244 : memref<2216xf32, #tpu.memory_space<vmem>>)
      %add3A_246 = arith.constant 1 : i32
      %add3A_247 = arith.addi %add3A_186, %add3A_246 : i32
      %lt3A_248 = arith.constant 50 : i32
      %lt3A_249 = arith.cmpi slt, %add3A_247, %lt3A_248 : i32
      %convert_element_type3A_250 = arith.extui %lt3A_249 : i1 to i32
      %cond3A_251 = arith.constant 0 : i32
      %cond3A_252 = arith.cmpi ne, %convert_element_type3A_250, %cond3A_251 : i32
      scf.if %cond3A_252 {
        %add3A_277 = arith.constant 1 : i32
        %add3A_278 = arith.addi %add3A_186, %add3A_277 : i32
        %mul3A_279 = arith.constant 2048 : i32
        %mul3A_280 = arith.muli %add3A_278, %mul3A_279 : i32
        %add3A_281 = arith.addi %mul3A_2, %mul3A_280 : i32
        %add3A_282 = arith.constant 0 : i32
        %add3A_283 = arith.addi %add3A_282, %add3A_281 : i32
        %add3A_284 = arith.constant 0 : i32
        %add3A_285 = arith.addi %add3A_283, %add3A_284 : i32
        %add3A_286 = arith.constant 0 : i32
        %add3A_287 = arith.addi %add3A_286, %add3A_281 : i32
        %add3A_288 = arith.constant 25600 : i32
        %add3A_289 = arith.addi %add3A_287, %add3A_288 : i32
        %add3A_290 = arith.constant 3276800 : i32
        %add3A_291 = arith.addi %add3A_290, %add3A_281 : i32
        %add3A_292 = arith.constant 0 : i32
        %add3A_293 = arith.addi %add3A_291, %add3A_292 : i32
        %add3A_294 = arith.constant 3276800 : i32
        %add3A_295 = arith.addi %add3A_294, %add3A_281 : i32
        %add3A_296 = arith.constant 25600 : i32
        %add3A_297 = arith.addi %add3A_295, %add3A_296 : i32
        %dma_start3A_298 = arith.constant 0 : i32
        %dma_start3A_299 = arith.constant 0 : i32
        %dma_start3A_300 = arith.constant 0 : i32
        %dma_start3A_301 = tpu.memref_slice %arg4[%dma_start3A_298, %dma_start3A_299, %dma_start3A_300] : memref<2x4x2216xf32, #tpu.memory_space<vmem>> -> memref<1x1x2216xf32, #tpu.memory_space<vmem>>
        %dma_start3A_302 = tpu.memref_squeeze %dma_start3A_301 : memref<1x1x2216xf32, #tpu.memory_space<vmem>> -> memref<2216xf32, #tpu.memory_space<vmem>>
        %dma_start3A_303 = tpu.memref_slice %arg2[%add3A_285] : memref<6579368xf32, #tpu.memory_space<hbm>> -> memref<2216xf32, #tpu.memory_space<hbm>>
        %dma_start3A_304 = arith.constant 0 : i32
        %dma_start3A_305 = tpu.memref_slice %arg4[%dma_start3A_298, %dma_start3A_299, %dma_start3A_304] : memref<2x4x2216xf32, #tpu.memory_space<vmem>> -> memref<1x1x2216xf32, #tpu.memory_space<vmem>>
        %dma_start3A_306 = tpu.memref_squeeze %dma_start3A_305 : memref<1x1x2216xf32, #tpu.memory_space<vmem>> -> memref<2216xf32, #tpu.memory_space<vmem>>
        %dma_start3A_307 = tpu.memref_slice %arg2[%add3A_285] : memref<6579368xf32, #tpu.memory_space<hbm>> -> memref<2216xf32, #tpu.memory_space<hbm>>
        tpu.enqueue_dma source(%dma_start3A_307 : memref<2216xf32, #tpu.memory_space<hbm>>) target(%dma_start3A_306 : memref<2216xf32, #tpu.memory_space<vmem>>) target_semaphore(%arg6 : memref<!tpu.dma_semaphore, #tpu.memory_space<semaphore_mem>>)
        %dma_start3A_308 = arith.constant 0 : i32
        %dma_start3A_309 = arith.constant 1 : i32
        %dma_start3A_310 = arith.constant 0 : i32
        %dma_start3A_311 = tpu.memref_slice %arg4[%dma_start3A_308, %dma_start3A_309, %dma_start3A_310] : memref<2x4x2216xf32, #tpu.memory_space<vmem>> -> memref<1x1x2216xf32, #tpu.memory_space<vmem>>
        %dma_start3A_312 = tpu.memref_squeeze %dma_start3A_311 : memref<1x1x2216xf32, #tpu.memory_space<vmem>> -> memref<2216xf32, #tpu.memory_space<vmem>>
        %dma_start3A_313 = tpu.memref_slice %arg2[%add3A_289] : memref<6579368xf32, #tpu.memory_space<hbm>> -> memref<2216xf32, #tpu.memory_space<hbm>>
        %dma_start3A_314 = arith.constant 0 : i32
        %dma_start3A_315 = tpu.memref_slice %arg4[%dma_start3A_308, %dma_start3A_309, %dma_start3A_314] : memref<2x4x2216xf32, #tpu.memory_space<vmem>> -> memref<1x1x2216xf32, #tpu.memory_space<vmem>>
        %dma_start3A_316 = tpu.memref_squeeze %dma_start3A_315 : memref<1x1x2216xf32, #tpu.memory_space<vmem>> -> memref<2216xf32, #tpu.memory_space<vmem>>
        %dma_start3A_317 = tpu.memref_slice %arg2[%add3A_289] : memref<6579368xf32, #tpu.memory_space<hbm>> -> memref<2216xf32, #tpu.memory_space<hbm>>
        tpu.enqueue_dma source(%dma_start3A_317 : memref<2216xf32, #tpu.memory_space<hbm>>) target(%dma_start3A_316 : memref<2216xf32, #tpu.memory_space<vmem>>) target_semaphore(%arg6 : memref<!tpu.dma_semaphore, #tpu.memory_space<semaphore_mem>>)
        %dma_start3A_318 = arith.constant 0 : i32
        %dma_start3A_319 = arith.constant 2 : i32
        %dma_start3A_320 = arith.constant 0 : i32
        %dma_start3A_321 = tpu.memref_slice %arg4[%dma_start3A_318, %dma_start3A_319, %dma_start3A_320] : memref<2x4x2216xf32, #tpu.memory_space<vmem>> -> memref<1x1x2216xf32, #tpu.memory_space<vmem>>
        %dma_start3A_322 = tpu.memref_squeeze %dma_start3A_321 : memref<1x1x2216xf32, #tpu.memory_space<vmem>> -> memref<2216xf32, #tpu.memory_space<vmem>>
        %dma_start3A_323 = tpu.memref_slice %arg2[%add3A_293] : memref<6579368xf32, #tpu.memory_space<hbm>> -> memref<2216xf32, #tpu.memory_space<hbm>>
        %dma_start3A_324 = arith.constant 0 : i32
        %dma_start3A_325 = tpu.memref_slice %arg4[%dma_start3A_318, %dma_start3A_319, %dma_start3A_324] : memref<2x4x2216xf32, #tpu.memory_space<vmem>> -> memref<1x1x2216xf32, #tpu.memory_space<vmem>>
        %dma_start3A_326 = tpu.memref_squeeze %dma_start3A_325 : memref<1x1x2216xf32, #tpu.memory_space<vmem>> -> memref<2216xf32, #tpu.memory_space<vmem>>
        %dma_start3A_327 = tpu.memref_slice %arg2[%add3A_293] : memref<6579368xf32, #tpu.memory_space<hbm>> -> memref<2216xf32, #tpu.memory_space<hbm>>
        tpu.enqueue_dma source(%dma_start3A_327 : memref<2216xf32, #tpu.memory_space<hbm>>) target(%dma_start3A_326 : memref<2216xf32, #tpu.memory_space<vmem>>) target_semaphore(%arg6 : memref<!tpu.dma_semaphore, #tpu.memory_space<semaphore_mem>>)
        %dma_start3A_328 = arith.constant 0 : i32
        %dma_start3A_329 = arith.constant 3 : i32
        %dma_start3A_330 = arith.constant 0 : i32
        %dma_start3A_331 = tpu.memref_slice %arg4[%dma_start3A_328, %dma_start3A_329, %dma_start3A_330] : memref<2x4x2216xf32, #tpu.memory_space<vmem>> -> memref<1x1x2216xf32, #tpu.memory_space<vmem>>
        %dma_start3A_332 = tpu.memref_squeeze %dma_start3A_331 : memref<1x1x2216xf32, #tpu.memory_space<vmem>> -> memref<2216xf32, #tpu.memory_space<vmem>>
        %dma_start3A_333 = tpu.memref_slice %arg2[%add3A_297] : memref<6579368xf32, #tpu.memory_space<hbm>> -> memref<2216xf32, #tpu.memory_space<hbm>>
        %dma_start3A_334 = arith.constant 0 : i32
        %dma_start3A_335 = tpu.memref_slice %arg4[%dma_start3A_328, %dma_start3A_329, %dma_start3A_334] : memref<2x4x2216xf32, #tpu.memory_space<vmem>> -> memref<1x1x2216xf32, #tpu.memory_space<vmem>>
        %dma_start3A_336 = tpu.memref_squeeze %dma_start3A_335 : memref<1x1x2216xf32, #tpu.memory_space<vmem>> -> memref<2216xf32, #tpu.memory_space<vmem>>
        %dma_start3A_337 = tpu.memref_slice %arg2[%add3A_297] : memref<6579368xf32, #tpu.memory_space<hbm>> -> memref<2216xf32, #tpu.memory_space<hbm>>
        tpu.enqueue_dma source(%dma_start3A_337 : memref<2216xf32, #tpu.memory_space<hbm>>) target(%dma_start3A_336 : memref<2216xf32, #tpu.memory_space<vmem>>) target_semaphore(%arg6 : memref<!tpu.dma_semaphore, #tpu.memory_space<semaphore_mem>>)
      } else {
      }
      %ge3A_253 = arith.constant 2 : i32
      %ge3A_254 = arith.cmpi sge, %add3A_186, %ge3A_253 : i32
      %convert_element_type3A_255 = arith.extui %ge3A_254 : i1 to i32
      %cond3A_256 = arith.constant 0 : i32
      %cond3A_257 = arith.cmpi ne, %convert_element_type3A_255, %cond3A_256 : i32
      scf.if %cond3A_257 {
        %sub3A = arith.constant 2 : i32
        %sub3A_277 = arith.subi %add3A_186, %sub3A : i32
        %mul3A_278 = arith.constant 2048 : i32
        %mul3A_279 = arith.muli %sub3A_277, %mul3A_278 : i32
        %add3A_280 = arith.addi %mul3A_2, %mul3A_279 : i32
        %mul3A_281 = arith.constant 16 : i32
        %mul3A_282 = arith.muli %add3A_280, %mul3A_281 : i32
        %dma_wait3A_283 = arith.constant 1 : i32
        %dma_wait3A_284 = arith.constant 0 : i32
        %dma_wait3A_285 = tpu.memref_slice %arg5[%dma_wait3A_283, %dma_wait3A_284] : memref<2x32768xf32, #tpu.memory_space<vmem>> -> memref<1x32768xf32, #tpu.memory_space<vmem>>
        %dma_wait3A_286 = tpu.memref_squeeze %dma_wait3A_285 : memref<1x32768xf32, #tpu.memory_space<vmem>> -> memref<32768xf32, #tpu.memory_space<vmem>>
        %dma_wait3A_287 = tpu.memref_slice %arg3[%mul3A_282] : memref<52428800xf32, #tpu.memory_space<hbm>> -> memref<32768xf32, #tpu.memory_space<hbm>>
        %dma_wait3A_288 = tpu.memref_slice %arg3[%mul3A_282] : memref<52428800xf32, #tpu.memory_space<hbm>> -> memref<32768xf32, #tpu.memory_space<hbm>>
        %dma_wait3A_289 = arith.constant 0 : i32
        %dma_wait3A_290 = tpu.memref_slice %arg5[%dma_wait3A_283, %dma_wait3A_289] : memref<2x32768xf32, #tpu.memory_space<vmem>> -> memref<1x32768xf32, #tpu.memory_space<vmem>>
        %dma_wait3A_291 = tpu.memref_squeeze %dma_wait3A_290 : memref<1x32768xf32, #tpu.memory_space<vmem>> -> memref<32768xf32, #tpu.memory_space<vmem>>
        tpu.wait_dma2 semaphore(%arg7 : memref<!tpu.dma_semaphore, #tpu.memory_space<semaphore_mem>>) src(%dma_wait3A_291 : memref<32768xf32, #tpu.memory_space<vmem>>) dst(%dma_wait3A_288 : memref<32768xf32, #tpu.memory_space<hbm>>)
      } else {
      }
      %scan3A_258 = arith.constant 0 : i32
      %scan3A_259 = arith.constant 128 : i32
      %scan3A_260 = arith.addi %scan3A_258, %scan3A_259 : i32
      %scan3A_261 = arith.constant 2 : i32
      scf.for %scan3A_277 = %scan3A_258 to %scan3A_260 step %scan3A_261  : i32 {
        %mul3A_278 = arith.constant 1 : i32
        %mul3A_279 = arith.muli %scan3A_277, %mul3A_278 : i32
        %add3A_280 = arith.constant 0 : i32
        %add3A_281 = arith.addi %add3A_280, %mul3A_279 : i32
        %mul3A_282 = arith.constant 16 : i32
        %mul3A_283 = arith.muli %add3A_281, %mul3A_282 : i32
        %mul3A_284 = arith.constant 16 : i32
        %mul3A_285 = arith.muli %mul3A_283, %mul3A_284 : i32
        %add3A_286 = vector.broadcast %mul3A_285 : i32 to vector<16xi32>
        %add3A_287 = arith.addi %mul3A_5, %add3A_286 : vector<16xi32>
        %add3A_288 = arith.constant 0 : i32
        %add3A_289 = arith.addi %mul3A_283, %add3A_288 : i32
        %get3A = arith.constant 1 : i32
        %get3A_290 = arith.constant 0 : i32
        %get3A_291 = arith.index_cast %get3A : i32 to index
        %get3A_292 = arith.index_cast %get3A_290 : i32 to index
        %get3A_293 = arith.index_cast %add3A_289 : i32 to index
        %get3A_294 = tpu.vector_load %arg4[%get3A_291, %get3A_292, %get3A_293] {strides = array<i32>} : memref<2x4x2216xf32, #tpu.memory_space<vmem>>, vector<16xf32>,
        %add3A_295 = arith.constant 0 : i32
        %add3A_296 = vector.broadcast %add3A_295 : i32 to vector<16xi32>
        %add3A_297 = arith.addi %add3A_287, %add3A_296 : vector<16xi32>
        %scatter3A = arith.constant 1 : i32
        %scatter3A_298 = arith.constant 0 : i32
        %scatter3A_299 = tpu.memref_slice %arg5[%scatter3A, %scatter3A_298] : memref<2x32768xf32, #tpu.memory_space<vmem>> -> memref<1x32768xf32, #tpu.memory_space<vmem>>
        %scatter3A_300 = tpu.memref_squeeze %scatter3A_299 : memref<1x32768xf32, #tpu.memory_space<vmem>> -> memref<32768xf32, #tpu.memory_space<vmem>>
        tpu.vector_store_idx %scatter3A_300[%add3A_297], %get3A_294 : memref<32768xf32, #tpu.memory_space<vmem>>[vector<16xi32>], vector<16xf32>,
        %add3A_301 = arith.constant 1 : i32
        %add3A_302 = arith.addi %mul3A_283, %add3A_301 : i32
        %get3A_303 = arith.constant 1 : i32
        %get3A_304 = arith.constant 0 : i32
        %get3A_305 = arith.index_cast %get3A_303 : i32 to index
        %get3A_306 = arith.index_cast %get3A_304 : i32 to index
        %get3A_307 = arith.index_cast %add3A_302 : i32 to index
        %get3A_308 = tpu.vector_load %arg4[%get3A_305, %get3A_306, %get3A_307] {strides = array<i32>} : memref<2x4x2216xf32, #tpu.memory_space<vmem>>, vector<16xf32>,
        %add3A_309 = arith.constant 1 : i32
        %add3A_310 = vector.broadcast %add3A_309 : i32 to vector<16xi32>
        %add3A_311 = arith.addi %add3A_287, %add3A_310 : vector<16xi32>
        %scatter3A_312 = arith.constant 1 : i32
        %scatter3A_313 = arith.constant 0 : i32
        %scatter3A_314 = tpu.memref_slice %arg5[%scatter3A_312, %scatter3A_313] : memref<2x32768xf32, #tpu.memory_space<vmem>> -> memref<1x32768xf32, #tpu.memory_space<vmem>>
        %scatter3A_315 = tpu.memref_squeeze %scatter3A_314 : memref<1x32768xf32, #tpu.memory_space<vmem>> -> memref<32768xf32, #tpu.memory_space<vmem>>
        tpu.vector_store_idx %scatter3A_315[%add3A_311], %get3A_308 : memref<32768xf32, #tpu.memory_space<vmem>>[vector<16xi32>], vector<16xf32>,
        %add3A_316 = arith.constant 160 : i32
        %add3A_317 = arith.addi %mul3A_283, %add3A_316 : i32
        %get3A_318 = arith.constant 1 : i32
        %get3A_319 = arith.constant 0 : i32
        %get3A_320 = arith.index_cast %get3A_318 : i32 to index
        %get3A_321 = arith.index_cast %get3A_319 : i32 to index
        %get3A_322 = arith.index_cast %add3A_317 : i32 to index
        %get3A_323 = tpu.vector_load %arg4[%get3A_320, %get3A_321, %get3A_322] {strides = array<i32>} : memref<2x4x2216xf32, #tpu.memory_space<vmem>>, vector<16xf32>,
        %add3A_324 = arith.constant 2 : i32
        %add3A_325 = vector.broadcast %add3A_324 : i32 to vector<16xi32>
        %add3A_326 = arith.addi %add3A_287, %add3A_325 : vector<16xi32>
        %scatter3A_327 = arith.constant 1 : i32
        %scatter3A_328 = arith.constant 0 : i32
        %scatter3A_329 = tpu.memref_slice %arg5[%scatter3A_327, %scatter3A_328] : memref<2x32768xf32, #tpu.memory_space<vmem>> -> memref<1x32768xf32, #tpu.memory_space<vmem>>
        %scatter3A_330 = tpu.memref_squeeze %scatter3A_329 : memref<1x32768xf32, #tpu.memory_space<vmem>> -> memref<32768xf32, #tpu.memory_space<vmem>>
        tpu.vector_store_idx %scatter3A_330[%add3A_326], %get3A_323 : memref<32768xf32, #tpu.memory_space<vmem>>[vector<16xi32>], vector<16xf32>,
        %add3A_331 = arith.constant 161 : i32
        %add3A_332 = arith.addi %mul3A_283, %add3A_331 : i32
        %get3A_333 = arith.constant 1 : i32
        %get3A_334 = arith.constant 0 : i32
        %get3A_335 = arith.index_cast %get3A_333 : i32 to index
        %get3A_336 = arith.index_cast %get3A_334 : i32 to index
        %get3A_337 = arith.index_cast %add3A_332 : i32 to index
        %get3A_338 = tpu.vector_load %arg4[%get3A_335, %get3A_336, %get3A_337] {strides = array<i32>} : memref<2x4x2216xf32, #tpu.memory_space<vmem>>, vector<16xf32>,
        %add3A_339 = arith.constant 3 : i32
        %add3A_340 = vector.broadcast %add3A_339 : i32 to vector<16xi32>
        %add3A_341 = arith.addi %add3A_287, %add3A_340 : vector<16xi32>
        %scatter3A_342 = arith.constant 1 : i32
        %scatter3A_343 = arith.constant 0 : i32
        %scatter3A_344 = tpu.memref_slice %arg5[%scatter3A_342, %scatter3A_343] : memref<2x32768xf32, #tpu.memory_space<vmem>> -> memref<1x32768xf32, #tpu.memory_space<vmem>>
        %scatter3A_345 = tpu.memref_squeeze %scatter3A_344 : memref<1x32768xf32, #tpu.memory_space<vmem>> -> memref<32768xf32, #tpu.memory_space<vmem>>
        tpu.vector_store_idx %scatter3A_345[%add3A_341], %get3A_338 : memref<32768xf32, #tpu.memory_space<vmem>>[vector<16xi32>], vector<16xf32>,
        %add3A_346 = arith.constant 0 : i32
        %add3A_347 = arith.addi %mul3A_283, %add3A_346 : i32
        %get3A_348 = arith.constant 1 : i32
        %get3A_349 = arith.constant 1 : i32
        %get3A_350 = arith.index_cast %get3A_348 : i32 to index
        %get3A_351 = arith.index_cast %get3A_349 : i32 to index
        %get3A_352 = arith.index_cast %add3A_347 : i32 to index
        %get3A_353 = tpu.vector_load %arg4[%get3A_350, %get3A_351, %get3A_352] {strides = array<i32>} : memref<2x4x2216xf32, #tpu.memory_space<vmem>>, vector<16xf32>,
        %add3A_354 = arith.constant 4 : i32
        %add3A_355 = vector.broadcast %add3A_354 : i32 to vector<16xi32>
        %add3A_356 = arith.addi %add3A_287, %add3A_355 : vector<16xi32>
        %scatter3A_357 = arith.constant 1 : i32
        %scatter3A_358 = arith.constant 0 : i32
        %scatter3A_359 = tpu.memref_slice %arg5[%scatter3A_357, %scatter3A_358] : memref<2x32768xf32, #tpu.memory_space<vmem>> -> memref<1x32768xf32, #tpu.memory_space<vmem>>
        %scatter3A_360 = tpu.memref_squeeze %scatter3A_359 : memref<1x32768xf32, #tpu.memory_space<vmem>> -> memref<32768xf32, #tpu.memory_space<vmem>>
        tpu.vector_store_idx %scatter3A_360[%add3A_356], %get3A_353 : memref<32768xf32, #tpu.memory_space<vmem>>[vector<16xi32>], vector<16xf32>,
        %add3A_361 = arith.constant 1 : i32
        %add3A_362 = arith.addi %mul3A_283, %add3A_361 : i32
        %get3A_363 = arith.constant 1 : i32
        %get3A_364 = arith.constant 1 : i32
        %get3A_365 = arith.index_cast %get3A_363 : i32 to index
        %get3A_366 = arith.index_cast %get3A_364 : i32 to index
        %get3A_367 = arith.index_cast %add3A_362 : i32 to index
        %get3A_368 = tpu.vector_load %arg4[%get3A_365, %get3A_366, %get3A_367] {strides = array<i32>} : memref<2x4x2216xf32, #tpu.memory_space<vmem>>, vector<16xf32>,
        %add3A_369 = arith.constant 5 : i32
        %add3A_370 = vector.broadcast %add3A_369 : i32 to vector<16xi32>
        %add3A_371 = arith.addi %add3A_287, %add3A_370 : vector<16xi32>
        %scatter3A_372 = arith.constant 1 : i32
        %scatter3A_373 = arith.constant 0 : i32
        %scatter3A_374 = tpu.memref_slice %arg5[%scatter3A_372, %scatter3A_373] : memref<2x32768xf32, #tpu.memory_space<vmem>> -> memref<1x32768xf32, #tpu.memory_space<vmem>>
        %scatter3A_375 = tpu.memref_squeeze %scatter3A_374 : memref<1x32768xf32, #tpu.memory_space<vmem>> -> memref<32768xf32, #tpu.memory_space<vmem>>
        tpu.vector_store_idx %scatter3A_375[%add3A_371], %get3A_368 : memref<32768xf32, #tpu.memory_space<vmem>>[vector<16xi32>], vector<16xf32>,
        %add3A_376 = arith.constant 160 : i32
        %add3A_377 = arith.addi %mul3A_283, %add3A_376 : i32
        %get3A_378 = arith.constant 1 : i32
        %get3A_379 = arith.constant 1 : i32
        %get3A_380 = arith.index_cast %get3A_378 : i32 to index
        %get3A_381 = arith.index_cast %get3A_379 : i32 to index
        %get3A_382 = arith.index_cast %add3A_377 : i32 to index
        %get3A_383 = tpu.vector_load %arg4[%get3A_380, %get3A_381, %get3A_382] {strides = array<i32>} : memref<2x4x2216xf32, #tpu.memory_space<vmem>>, vector<16xf32>,
        %add3A_384 = arith.constant 6 : i32
        %add3A_385 = vector.broadcast %add3A_384 : i32 to vector<16xi32>
        %add3A_386 = arith.addi %add3A_287, %add3A_385 : vector<16xi32>
        %scatter3A_387 = arith.constant 1 : i32
        %scatter3A_388 = arith.constant 0 : i32
        %scatter3A_389 = tpu.memref_slice %arg5[%scatter3A_387, %scatter3A_388] : memref<2x32768xf32, #tpu.memory_space<vmem>> -> memref<1x32768xf32, #tpu.memory_space<vmem>>
        %scatter3A_390 = tpu.memref_squeeze %scatter3A_389 : memref<1x32768xf32, #tpu.memory_space<vmem>> -> memref<32768xf32, #tpu.memory_space<vmem>>
        tpu.vector_store_idx %scatter3A_390[%add3A_386], %get3A_383 : memref<32768xf32, #tpu.memory_space<vmem>>[vector<16xi32>], vector<16xf32>,
        %add3A_391 = arith.constant 161 : i32
        %add3A_392 = arith.addi %mul3A_283, %add3A_391 : i32
        %get3A_393 = arith.constant 1 : i32
        %get3A_394 = arith.constant 1 : i32
        %get3A_395 = arith.index_cast %get3A_393 : i32 to index
        %get3A_396 = arith.index_cast %get3A_394 : i32 to index
        %get3A_397 = arith.index_cast %add3A_392 : i32 to index
        %get3A_398 = tpu.vector_load %arg4[%get3A_395, %get3A_396, %get3A_397] {strides = array<i32>} : memref<2x4x2216xf32, #tpu.memory_space<vmem>>, vector<16xf32>,
        %add3A_399 = arith.constant 7 : i32
        %add3A_400 = vector.broadcast %add3A_399 : i32 to vector<16xi32>
        %add3A_401 = arith.addi %add3A_287, %add3A_400 : vector<16xi32>
        %scatter3A_402 = arith.constant 1 : i32
        %scatter3A_403 = arith.constant 0 : i32
        %scatter3A_404 = tpu.memref_slice %arg5[%scatter3A_402, %scatter3A_403] : memref<2x32768xf32, #tpu.memory_space<vmem>> -> memref<1x32768xf32, #tpu.memory_space<vmem>>
        %scatter3A_405 = tpu.memref_squeeze %scatter3A_404 : memref<1x32768xf32, #tpu.memory_space<vmem>> -> memref<32768xf32, #tpu.memory_space<vmem>>
        tpu.vector_store_idx %scatter3A_405[%add3A_401], %get3A_398 : memref<32768xf32, #tpu.memory_space<vmem>>[vector<16xi32>], vector<16xf32>,
        %add3A_406 = arith.constant 0 : i32
        %add3A_407 = arith.addi %mul3A_283, %add3A_406 : i32
        %get3A_408 = arith.constant 1 : i32
        %get3A_409 = arith.constant 2 : i32
        %get3A_410 = arith.index_cast %get3A_408 : i32 to index
        %get3A_411 = arith.index_cast %get3A_409 : i32 to index
        %get3A_412 = arith.index_cast %add3A_407 : i32 to index
        %get3A_413 = tpu.vector_load %arg4[%get3A_410, %get3A_411, %get3A_412] {strides = array<i32>} : memref<2x4x2216xf32, #tpu.memory_space<vmem>>, vector<16xf32>,
        %add3A_414 = arith.constant 8 : i32
        %add3A_415 = vector.broadcast %add3A_414 : i32 to vector<16xi32>
        %add3A_416 = arith.addi %add3A_287, %add3A_415 : vector<16xi32>
        %scatter3A_417 = arith.constant 1 : i32
        %scatter3A_418 = arith.constant 0 : i32
        %scatter3A_419 = tpu.memref_slice %arg5[%scatter3A_417, %scatter3A_418] : memref<2x32768xf32, #tpu.memory_space<vmem>> -> memref<1x32768xf32, #tpu.memory_space<vmem>>
        %scatter3A_420 = tpu.memref_squeeze %scatter3A_419 : memref<1x32768xf32, #tpu.memory_space<vmem>> -> memref<32768xf32, #tpu.memory_space<vmem>>
        tpu.vector_store_idx %scatter3A_420[%add3A_416], %get3A_413 : memref<32768xf32, #tpu.memory_space<vmem>>[vector<16xi32>], vector<16xf32>,
        %add3A_421 = arith.constant 1 : i32
        %add3A_422 = arith.addi %mul3A_283, %add3A_421 : i32
        %get3A_423 = arith.constant 1 : i32
        %get3A_424 = arith.constant 2 : i32
        %get3A_425 = arith.index_cast %get3A_423 : i32 to index
        %get3A_426 = arith.index_cast %get3A_424 : i32 to index
        %get3A_427 = arith.index_cast %add3A_422 : i32 to index
        %get3A_428 = tpu.vector_load %arg4[%get3A_425, %get3A_426, %get3A_427] {strides = array<i32>} : memref<2x4x2216xf32, #tpu.memory_space<vmem>>, vector<16xf32>,
        %add3A_429 = arith.constant 9 : i32
        %add3A_430 = vector.broadcast %add3A_429 : i32 to vector<16xi32>
        %add3A_431 = arith.addi %add3A_287, %add3A_430 : vector<16xi32>
        %scatter3A_432 = arith.constant 1 : i32
        %scatter3A_433 = arith.constant 0 : i32
        %scatter3A_434 = tpu.memref_slice %arg5[%scatter3A_432, %scatter3A_433] : memref<2x32768xf32, #tpu.memory_space<vmem>> -> memref<1x32768xf32, #tpu.memory_space<vmem>>
        %scatter3A_435 = tpu.memref_squeeze %scatter3A_434 : memref<1x32768xf32, #tpu.memory_space<vmem>> -> memref<32768xf32, #tpu.memory_space<vmem>>
        tpu.vector_store_idx %scatter3A_435[%add3A_431], %get3A_428 : memref<32768xf32, #tpu.memory_space<vmem>>[vector<16xi32>], vector<16xf32>,
        %add3A_436 = arith.constant 160 : i32
        %add3A_437 = arith.addi %mul3A_283, %add3A_436 : i32
        %get3A_438 = arith.constant 1 : i32
        %get3A_439 = arith.constant 2 : i32
        %get3A_440 = arith.index_cast %get3A_438 : i32 to index
        %get3A_441 = arith.index_cast %get3A_439 : i32 to index
        %get3A_442 = arith.index_cast %add3A_437 : i32 to index
        %get3A_443 = tpu.vector_load %arg4[%get3A_440, %get3A_441, %get3A_442] {strides = array<i32>} : memref<2x4x2216xf32, #tpu.memory_space<vmem>>, vector<16xf32>,
        %add3A_444 = arith.constant 10 : i32
        %add3A_445 = vector.broadcast %add3A_444 : i32 to vector<16xi32>
        %add3A_446 = arith.addi %add3A_287, %add3A_445 : vector<16xi32>
        %scatter3A_447 = arith.constant 1 : i32
        %scatter3A_448 = arith.constant 0 : i32
        %scatter3A_449 = tpu.memref_slice %arg5[%scatter3A_447, %scatter3A_448] : memref<2x32768xf32, #tpu.memory_space<vmem>> -> memref<1x32768xf32, #tpu.memory_space<vmem>>
        %scatter3A_450 = tpu.memref_squeeze %scatter3A_449 : memref<1x32768xf32, #tpu.memory_space<vmem>> -> memref<32768xf32, #tpu.memory_space<vmem>>
        tpu.vector_store_idx %scatter3A_450[%add3A_446], %get3A_443 : memref<32768xf32, #tpu.memory_space<vmem>>[vector<16xi32>], vector<16xf32>,
        %add3A_451 = arith.constant 161 : i32
        %add3A_452 = arith.addi %mul3A_283, %add3A_451 : i32
        %get3A_453 = arith.constant 1 : i32
        %get3A_454 = arith.constant 2 : i32
        %get3A_455 = arith.index_cast %get3A_453 : i32 to index
        %get3A_456 = arith.index_cast %get3A_454 : i32 to index
        %get3A_457 = arith.index_cast %add3A_452 : i32 to index
        %get3A_458 = tpu.vector_load %arg4[%get3A_455, %get3A_456, %get3A_457] {strides = array<i32>} : memref<2x4x2216xf32, #tpu.memory_space<vmem>>, vector<16xf32>,
        %add3A_459 = arith.constant 11 : i32
        %add3A_460 = vector.broadcast %add3A_459 : i32 to vector<16xi32>
        %add3A_461 = arith.addi %add3A_287, %add3A_460 : vector<16xi32>
        %scatter3A_462 = arith.constant 1 : i32
        %scatter3A_463 = arith.constant 0 : i32
        %scatter3A_464 = tpu.memref_slice %arg5[%scatter3A_462, %scatter3A_463] : memref<2x32768xf32, #tpu.memory_space<vmem>> -> memref<1x32768xf32, #tpu.memory_space<vmem>>
        %scatter3A_465 = tpu.memref_squeeze %scatter3A_464 : memref<1x32768xf32, #tpu.memory_space<vmem>> -> memref<32768xf32, #tpu.memory_space<vmem>>
        tpu.vector_store_idx %scatter3A_465[%add3A_461], %get3A_458 : memref<32768xf32, #tpu.memory_space<vmem>>[vector<16xi32>], vector<16xf32>,
        %add3A_466 = arith.constant 0 : i32
        %add3A_467 = arith.addi %mul3A_283, %add3A_466 : i32
        %get3A_468 = arith.constant 1 : i32
        %get3A_469 = arith.constant 3 : i32
        %get3A_470 = arith.index_cast %get3A_468 : i32 to index
        %get3A_471 = arith.index_cast %get3A_469 : i32 to index
        %get3A_472 = arith.index_cast %add3A_467 : i32 to index
        %get3A_473 = tpu.vector_load %arg4[%get3A_470, %get3A_471, %get3A_472] {strides = array<i32>} : memref<2x4x2216xf32, #tpu.memory_space<vmem>>, vector<16xf32>,
        %add3A_474 = arith.constant 12 : i32
        %add3A_475 = vector.broadcast %add3A_474 : i32 to vector<16xi32>
        %add3A_476 = arith.addi %add3A_287, %add3A_475 : vector<16xi32>
        %scatter3A_477 = arith.constant 1 : i32
        %scatter3A_478 = arith.constant 0 : i32
        %scatter3A_479 = tpu.memref_slice %arg5[%scatter3A_477, %scatter3A_478] : memref<2x32768xf32, #tpu.memory_space<vmem>> -> memref<1x32768xf32, #tpu.memory_space<vmem>>
        %scatter3A_480 = tpu.memref_squeeze %scatter3A_479 : memref<1x32768xf32, #tpu.memory_space<vmem>> -> memref<32768xf32, #tpu.memory_space<vmem>>
        tpu.vector_store_idx %scatter3A_480[%add3A_476], %get3A_473 : memref<32768xf32, #tpu.memory_space<vmem>>[vector<16xi32>], vector<16xf32>,
        %add3A_481 = arith.constant 1 : i32
        %add3A_482 = arith.addi %mul3A_283, %add3A_481 : i32
        %get3A_483 = arith.constant 1 : i32
        %get3A_484 = arith.constant 3 : i32
        %get3A_485 = arith.index_cast %get3A_483 : i32 to index
        %get3A_486 = arith.index_cast %get3A_484 : i32 to index
        %get3A_487 = arith.index_cast %add3A_482 : i32 to index
        %get3A_488 = tpu.vector_load %arg4[%get3A_485, %get3A_486, %get3A_487] {strides = array<i32>} : memref<2x4x2216xf32, #tpu.memory_space<vmem>>, vector<16xf32>,
        %add3A_489 = arith.constant 13 : i32
        %add3A_490 = vector.broadcast %add3A_489 : i32 to vector<16xi32>
        %add3A_491 = arith.addi %add3A_287, %add3A_490 : vector<16xi32>
        %scatter3A_492 = arith.constant 1 : i32
        %scatter3A_493 = arith.constant 0 : i32
        %scatter3A_494 = tpu.memref_slice %arg5[%scatter3A_492, %scatter3A_493] : memref<2x32768xf32, #tpu.memory_space<vmem>> -> memref<1x32768xf32, #tpu.memory_space<vmem>>
        %scatter3A_495 = tpu.memref_squeeze %scatter3A_494 : memref<1x32768xf32, #tpu.memory_space<vmem>> -> memref<32768xf32, #tpu.memory_space<vmem>>
        tpu.vector_store_idx %scatter3A_495[%add3A_491], %get3A_488 : memref<32768xf32, #tpu.memory_space<vmem>>[vector<16xi32>], vector<16xf32>,
        %add3A_496 = arith.constant 160 : i32
        %add3A_497 = arith.addi %mul3A_283, %add3A_496 : i32
        %get3A_498 = arith.constant 1 : i32
        %get3A_499 = arith.constant 3 : i32
        %get3A_500 = arith.index_cast %get3A_498 : i32 to index
        %get3A_501 = arith.index_cast %get3A_499 : i32 to index
        %get3A_502 = arith.index_cast %add3A_497 : i32 to index
        %get3A_503 = tpu.vector_load %arg4[%get3A_500, %get3A_501, %get3A_502] {strides = array<i32>} : memref<2x4x2216xf32, #tpu.memory_space<vmem>>, vector<16xf32>,
        %add3A_504 = arith.constant 14 : i32
        %add3A_505 = vector.broadcast %add3A_504 : i32 to vector<16xi32>
        %add3A_506 = arith.addi %add3A_287, %add3A_505 : vector<16xi32>
        %scatter3A_507 = arith.constant 1 : i32
        %scatter3A_508 = arith.constant 0 : i32
        %scatter3A_509 = tpu.memref_slice %arg5[%scatter3A_507, %scatter3A_508] : memref<2x32768xf32, #tpu.memory_space<vmem>> -> memref<1x32768xf32, #tpu.memory_space<vmem>>
        %scatter3A_510 = tpu.memref_squeeze %scatter3A_509 : memref<1x32768xf32, #tpu.memory_space<vmem>> -> memref<32768xf32, #tpu.memory_space<vmem>>
        tpu.vector_store_idx %scatter3A_510[%add3A_506], %get3A_503 : memref<32768xf32, #tpu.memory_space<vmem>>[vector<16xi32>], vector<16xf32>,
        %add3A_511 = arith.constant 161 : i32
        %add3A_512 = arith.addi %mul3A_283, %add3A_511 : i32
        %get3A_513 = arith.constant 1 : i32
        %get3A_514 = arith.constant 3 : i32
        %get3A_515 = arith.index_cast %get3A_513 : i32 to index
        %get3A_516 = arith.index_cast %get3A_514 : i32 to index
        %get3A_517 = arith.index_cast %add3A_512 : i32 to index
        %get3A_518 = tpu.vector_load %arg4[%get3A_515, %get3A_516, %get3A_517] {strides = array<i32>} : memref<2x4x2216xf32, #tpu.memory_space<vmem>>, vector<16xf32>,
        %add3A_519 = arith.constant 15 : i32
        %add3A_520 = vector.broadcast %add3A_519 : i32 to vector<16xi32>
        %add3A_521 = arith.addi %add3A_287, %add3A_520 : vector<16xi32>
        %scatter3A_522 = arith.constant 1 : i32
        %scatter3A_523 = arith.constant 0 : i32
        %scatter3A_524 = tpu.memref_slice %arg5[%scatter3A_522, %scatter3A_523] : memref<2x32768xf32, #tpu.memory_space<vmem>> -> memref<1x32768xf32, #tpu.memory_space<vmem>>
        %scatter3A_525 = tpu.memref_squeeze %scatter3A_524 : memref<1x32768xf32, #tpu.memory_space<vmem>> -> memref<32768xf32, #tpu.memory_space<vmem>>
        tpu.vector_store_idx %scatter3A_525[%add3A_521], %get3A_518 : memref<32768xf32, #tpu.memory_space<vmem>>[vector<16xi32>], vector<16xf32>,
        %scan3A_526 = arith.constant 1 : i32
        %scan3A_527 = arith.addi %scan3A_277, %scan3A_526 : i32
        %mul3A_528 = arith.constant 1 : i32
        %mul3A_529 = arith.muli %scan3A_527, %mul3A_528 : i32
        %add3A_530 = arith.constant 0 : i32
        %add3A_531 = arith.addi %add3A_530, %mul3A_529 : i32
        %mul3A_532 = arith.constant 16 : i32
        %mul3A_533 = arith.muli %add3A_531, %mul3A_532 : i32
        %mul3A_534 = arith.constant 16 : i32
        %mul3A_535 = arith.muli %mul3A_533, %mul3A_534 : i32
        %add3A_536 = vector.broadcast %mul3A_535 : i32 to vector<16xi32>
        %add3A_537 = arith.addi %mul3A_5, %add3A_536 : vector<16xi32>
        %add3A_538 = arith.constant 0 : i32
        %add3A_539 = arith.addi %mul3A_533, %add3A_538 : i32
        %get3A_540 = arith.constant 1 : i32
        %get3A_541 = arith.constant 0 : i32
        %get3A_542 = arith.index_cast %get3A_540 : i32 to index
        %get3A_543 = arith.index_cast %get3A_541 : i32 to index
        %get3A_544 = arith.index_cast %add3A_539 : i32 to index
        %get3A_545 = tpu.vector_load %arg4[%get3A_542, %get3A_543, %get3A_544] {strides = array<i32>} : memref<2x4x2216xf32, #tpu.memory_space<vmem>>, vector<16xf32>,
        %add3A_546 = arith.constant 0 : i32
        %add3A_547 = vector.broadcast %add3A_546 : i32 to vector<16xi32>
        %add3A_548 = arith.addi %add3A_537, %add3A_547 : vector<16xi32>
        %scatter3A_549 = arith.constant 1 : i32
        %scatter3A_550 = arith.constant 0 : i32
        %scatter3A_551 = tpu.memref_slice %arg5[%scatter3A_549, %scatter3A_550] : memref<2x32768xf32, #tpu.memory_space<vmem>> -> memref<1x32768xf32, #tpu.memory_space<vmem>>
        %scatter3A_552 = tpu.memref_squeeze %scatter3A_551 : memref<1x32768xf32, #tpu.memory_space<vmem>> -> memref<32768xf32, #tpu.memory_space<vmem>>
        tpu.vector_store_idx %scatter3A_552[%add3A_548], %get3A_545 : memref<32768xf32, #tpu.memory_space<vmem>>[vector<16xi32>], vector<16xf32>,
        %add3A_553 = arith.constant 1 : i32
        %add3A_554 = arith.addi %mul3A_533, %add3A_553 : i32
        %get3A_555 = arith.constant 1 : i32
        %get3A_556 = arith.constant 0 : i32
        %get3A_557 = arith.index_cast %get3A_555 : i32 to index
        %get3A_558 = arith.index_cast %get3A_556 : i32 to index
        %get3A_559 = arith.index_cast %add3A_554 : i32 to index
        %get3A_560 = tpu.vector_load %arg4[%get3A_557, %get3A_558, %get3A_559] {strides = array<i32>} : memref<2x4x2216xf32, #tpu.memory_space<vmem>>, vector<16xf32>,
        %add3A_561 = arith.constant 1 : i32
        %add3A_562 = vector.broadcast %add3A_561 : i32 to vector<16xi32>
        %add3A_563 = arith.addi %add3A_537, %add3A_562 : vector<16xi32>
        %scatter3A_564 = arith.constant 1 : i32
        %scatter3A_565 = arith.constant 0 : i32
        %scatter3A_566 = tpu.memref_slice %arg5[%scatter3A_564, %scatter3A_565] : memref<2x32768xf32, #tpu.memory_space<vmem>> -> memref<1x32768xf32, #tpu.memory_space<vmem>>
        %scatter3A_567 = tpu.memref_squeeze %scatter3A_566 : memref<1x32768xf32, #tpu.memory_space<vmem>> -> memref<32768xf32, #tpu.memory_space<vmem>>
        tpu.vector_store_idx %scatter3A_567[%add3A_563], %get3A_560 : memref<32768xf32, #tpu.memory_space<vmem>>[vector<16xi32>], vector<16xf32>,
        %add3A_568 = arith.constant 160 : i32
        %add3A_569 = arith.addi %mul3A_533, %add3A_568 : i32
        %get3A_570 = arith.constant 1 : i32
        %get3A_571 = arith.constant 0 : i32
        %get3A_572 = arith.index_cast %get3A_570 : i32 to index
        %get3A_573 = arith.index_cast %get3A_571 : i32 to index
        %get3A_574 = arith.index_cast %add3A_569 : i32 to index
        %get3A_575 = tpu.vector_load %arg4[%get3A_572, %get3A_573, %get3A_574] {strides = array<i32>} : memref<2x4x2216xf32, #tpu.memory_space<vmem>>, vector<16xf32>,
        %add3A_576 = arith.constant 2 : i32
        %add3A_577 = vector.broadcast %add3A_576 : i32 to vector<16xi32>
        %add3A_578 = arith.addi %add3A_537, %add3A_577 : vector<16xi32>
        %scatter3A_579 = arith.constant 1 : i32
        %scatter3A_580 = arith.constant 0 : i32
        %scatter3A_581 = tpu.memref_slice %arg5[%scatter3A_579, %scatter3A_580] : memref<2x32768xf32, #tpu.memory_space<vmem>> -> memref<1x32768xf32, #tpu.memory_space<vmem>>
        %scatter3A_582 = tpu.memref_squeeze %scatter3A_581 : memref<1x32768xf32, #tpu.memory_space<vmem>> -> memref<32768xf32, #tpu.memory_space<vmem>>
        tpu.vector_store_idx %scatter3A_582[%add3A_578], %get3A_575 : memref<32768xf32, #tpu.memory_space<vmem>>[vector<16xi32>], vector<16xf32>,
        %add3A_583 = arith.constant 161 : i32
        %add3A_584 = arith.addi %mul3A_533, %add3A_583 : i32
        %get3A_585 = arith.constant 1 : i32
        %get3A_586 = arith.constant 0 : i32
        %get3A_587 = arith.index_cast %get3A_585 : i32 to index
        %get3A_588 = arith.index_cast %get3A_586 : i32 to index
        %get3A_589 = arith.index_cast %add3A_584 : i32 to index
        %get3A_590 = tpu.vector_load %arg4[%get3A_587, %get3A_588, %get3A_589] {strides = array<i32>} : memref<2x4x2216xf32, #tpu.memory_space<vmem>>, vector<16xf32>,
        %add3A_591 = arith.constant 3 : i32
        %add3A_592 = vector.broadcast %add3A_591 : i32 to vector<16xi32>
        %add3A_593 = arith.addi %add3A_537, %add3A_592 : vector<16xi32>
        %scatter3A_594 = arith.constant 1 : i32
        %scatter3A_595 = arith.constant 0 : i32
        %scatter3A_596 = tpu.memref_slice %arg5[%scatter3A_594, %scatter3A_595] : memref<2x32768xf32, #tpu.memory_space<vmem>> -> memref<1x32768xf32, #tpu.memory_space<vmem>>
        %scatter3A_597 = tpu.memref_squeeze %scatter3A_596 : memref<1x32768xf32, #tpu.memory_space<vmem>> -> memref<32768xf32, #tpu.memory_space<vmem>>
        tpu.vector_store_idx %scatter3A_597[%add3A_593], %get3A_590 : memref<32768xf32, #tpu.memory_space<vmem>>[vector<16xi32>], vector<16xf32>,
        %add3A_598 = arith.constant 0 : i32
        %add3A_599 = arith.addi %mul3A_533, %add3A_598 : i32
        %get3A_600 = arith.constant 1 : i32
        %get3A_601 = arith.constant 1 : i32
        %get3A_602 = arith.index_cast %get3A_600 : i32 to index
        %get3A_603 = arith.index_cast %get3A_601 : i32 to index
        %get3A_604 = arith.index_cast %add3A_599 : i32 to index
        %get3A_605 = tpu.vector_load %arg4[%get3A_602, %get3A_603, %get3A_604] {strides = array<i32>} : memref<2x4x2216xf32, #tpu.memory_space<vmem>>, vector<16xf32>,
        %add3A_606 = arith.constant 4 : i32
        %add3A_607 = vector.broadcast %add3A_606 : i32 to vector<16xi32>
        %add3A_608 = arith.addi %add3A_537, %add3A_607 : vector<16xi32>
        %scatter3A_609 = arith.constant 1 : i32
        %scatter3A_610 = arith.constant 0 : i32
        %scatter3A_611 = tpu.memref_slice %arg5[%scatter3A_609, %scatter3A_610] : memref<2x32768xf32, #tpu.memory_space<vmem>> -> memref<1x32768xf32, #tpu.memory_space<vmem>>
        %scatter3A_612 = tpu.memref_squeeze %scatter3A_611 : memref<1x32768xf32, #tpu.memory_space<vmem>> -> memref<32768xf32, #tpu.memory_space<vmem>>
        tpu.vector_store_idx %scatter3A_612[%add3A_608], %get3A_605 : memref<32768xf32, #tpu.memory_space<vmem>>[vector<16xi32>], vector<16xf32>,
        %add3A_613 = arith.constant 1 : i32
        %add3A_614 = arith.addi %mul3A_533, %add3A_613 : i32
        %get3A_615 = arith.constant 1 : i32
        %get3A_616 = arith.constant 1 : i32
        %get3A_617 = arith.index_cast %get3A_615 : i32 to index
        %get3A_618 = arith.index_cast %get3A_616 : i32 to index
        %get3A_619 = arith.index_cast %add3A_614 : i32 to index
        %get3A_620 = tpu.vector_load %arg4[%get3A_617, %get3A_618, %get3A_619] {strides = array<i32>} : memref<2x4x2216xf32, #tpu.memory_space<vmem>>, vector<16xf32>,
        %add3A_621 = arith.constant 5 : i32
        %add3A_622 = vector.broadcast %add3A_621 : i32 to vector<16xi32>
        %add3A_623 = arith.addi %add3A_537, %add3A_622 : vector<16xi32>
        %scatter3A_624 = arith.constant 1 : i32
        %scatter3A_625 = arith.constant 0 : i32
        %scatter3A_626 = tpu.memref_slice %arg5[%scatter3A_624, %scatter3A_625] : memref<2x32768xf32, #tpu.memory_space<vmem>> -> memref<1x32768xf32, #tpu.memory_space<vmem>>
        %scatter3A_627 = tpu.memref_squeeze %scatter3A_626 : memref<1x32768xf32, #tpu.memory_space<vmem>> -> memref<32768xf32, #tpu.memory_space<vmem>>
        tpu.vector_store_idx %scatter3A_627[%add3A_623], %get3A_620 : memref<32768xf32, #tpu.memory_space<vmem>>[vector<16xi32>], vector<16xf32>,
        %add3A_628 = arith.constant 160 : i32
        %add3A_629 = arith.addi %mul3A_533, %add3A_628 : i32
        %get3A_630 = arith.constant 1 : i32
        %get3A_631 = arith.constant 1 : i32
        %get3A_632 = arith.index_cast %get3A_630 : i32 to index
        %get3A_633 = arith.index_cast %get3A_631 : i32 to index
        %get3A_634 = arith.index_cast %add3A_629 : i32 to index
        %get3A_635 = tpu.vector_load %arg4[%get3A_632, %get3A_633, %get3A_634] {strides = array<i32>} : memref<2x4x2216xf32, #tpu.memory_space<vmem>>, vector<16xf32>,
        %add3A_636 = arith.constant 6 : i32
        %add3A_637 = vector.broadcast %add3A_636 : i32 to vector<16xi32>
        %add3A_638 = arith.addi %add3A_537, %add3A_637 : vector<16xi32>
        %scatter3A_639 = arith.constant 1 : i32
        %scatter3A_640 = arith.constant 0 : i32
        %scatter3A_641 = tpu.memref_slice %arg5[%scatter3A_639, %scatter3A_640] : memref<2x32768xf32, #tpu.memory_space<vmem>> -> memref<1x32768xf32, #tpu.memory_space<vmem>>
        %scatter3A_642 = tpu.memref_squeeze %scatter3A_641 : memref<1x32768xf32, #tpu.memory_space<vmem>> -> memref<32768xf32, #tpu.memory_space<vmem>>
        tpu.vector_store_idx %scatter3A_642[%add3A_638], %get3A_635 : memref<32768xf32, #tpu.memory_space<vmem>>[vector<16xi32>], vector<16xf32>,
        %add3A_643 = arith.constant 161 : i32
        %add3A_644 = arith.addi %mul3A_533, %add3A_643 : i32
        %get3A_645 = arith.constant 1 : i32
        %get3A_646 = arith.constant 1 : i32
        %get3A_647 = arith.index_cast %get3A_645 : i32 to index
        %get3A_648 = arith.index_cast %get3A_646 : i32 to index
        %get3A_649 = arith.index_cast %add3A_644 : i32 to index
        %get3A_650 = tpu.vector_load %arg4[%get3A_647, %get3A_648, %get3A_649] {strides = array<i32>} : memref<2x4x2216xf32, #tpu.memory_space<vmem>>, vector<16xf32>,
        %add3A_651 = arith.constant 7 : i32
        %add3A_652 = vector.broadcast %add3A_651 : i32 to vector<16xi32>
        %add3A_653 = arith.addi %add3A_537, %add3A_652 : vector<16xi32>
        %scatter3A_654 = arith.constant 1 : i32
        %scatter3A_655 = arith.constant 0 : i32
        %scatter3A_656 = tpu.memref_slice %arg5[%scatter3A_654, %scatter3A_655] : memref<2x32768xf32, #tpu.memory_space<vmem>> -> memref<1x32768xf32, #tpu.memory_space<vmem>>
        %scatter3A_657 = tpu.memref_squeeze %scatter3A_656 : memref<1x32768xf32, #tpu.memory_space<vmem>> -> memref<32768xf32, #tpu.memory_space<vmem>>
        tpu.vector_store_idx %scatter3A_657[%add3A_653], %get3A_650 : memref<32768xf32, #tpu.memory_space<vmem>>[vector<16xi32>], vector<16xf32>,
        %add3A_658 = arith.constant 0 : i32
        %add3A_659 = arith.addi %mul3A_533, %add3A_658 : i32
        %get3A_660 = arith.constant 1 : i32
        %get3A_661 = arith.constant 2 : i32
        %get3A_662 = arith.index_cast %get3A_660 : i32 to index
        %get3A_663 = arith.index_cast %get3A_661 : i32 to index
        %get3A_664 = arith.index_cast %add3A_659 : i32 to index
        %get3A_665 = tpu.vector_load %arg4[%get3A_662, %get3A_663, %get3A_664] {strides = array<i32>} : memref<2x4x2216xf32, #tpu.memory_space<vmem>>, vector<16xf32>,
        %add3A_666 = arith.constant 8 : i32
        %add3A_667 = vector.broadcast %add3A_666 : i32 to vector<16xi32>
        %add3A_668 = arith.addi %add3A_537, %add3A_667 : vector<16xi32>
        %scatter3A_669 = arith.constant 1 : i32
        %scatter3A_670 = arith.constant 0 : i32
        %scatter3A_671 = tpu.memref_slice %arg5[%scatter3A_669, %scatter3A_670] : memref<2x32768xf32, #tpu.memory_space<vmem>> -> memref<1x32768xf32, #tpu.memory_space<vmem>>
        %scatter3A_672 = tpu.memref_squeeze %scatter3A_671 : memref<1x32768xf32, #tpu.memory_space<vmem>> -> memref<32768xf32, #tpu.memory_space<vmem>>
        tpu.vector_store_idx %scatter3A_672[%add3A_668], %get3A_665 : memref<32768xf32, #tpu.memory_space<vmem>>[vector<16xi32>], vector<16xf32>,
        %add3A_673 = arith.constant 1 : i32
        %add3A_674 = arith.addi %mul3A_533, %add3A_673 : i32
        %get3A_675 = arith.constant 1 : i32
        %get3A_676 = arith.constant 2 : i32
        %get3A_677 = arith.index_cast %get3A_675 : i32 to index
        %get3A_678 = arith.index_cast %get3A_676 : i32 to index
        %get3A_679 = arith.index_cast %add3A_674 : i32 to index
        %get3A_680 = tpu.vector_load %arg4[%get3A_677, %get3A_678, %get3A_679] {strides = array<i32>} : memref<2x4x2216xf32, #tpu.memory_space<vmem>>, vector<16xf32>,
        %add3A_681 = arith.constant 9 : i32
        %add3A_682 = vector.broadcast %add3A_681 : i32 to vector<16xi32>
        %add3A_683 = arith.addi %add3A_537, %add3A_682 : vector<16xi32>
        %scatter3A_684 = arith.constant 1 : i32
        %scatter3A_685 = arith.constant 0 : i32
        %scatter3A_686 = tpu.memref_slice %arg5[%scatter3A_684, %scatter3A_685] : memref<2x32768xf32, #tpu.memory_space<vmem>> -> memref<1x32768xf32, #tpu.memory_space<vmem>>
        %scatter3A_687 = tpu.memref_squeeze %scatter3A_686 : memref<1x32768xf32, #tpu.memory_space<vmem>> -> memref<32768xf32, #tpu.memory_space<vmem>>
        tpu.vector_store_idx %scatter3A_687[%add3A_683], %get3A_680 : memref<32768xf32, #tpu.memory_space<vmem>>[vector<16xi32>], vector<16xf32>,
        %add3A_688 = arith.constant 160 : i32
        %add3A_689 = arith.addi %mul3A_533, %add3A_688 : i32
        %get3A_690 = arith.constant 1 : i32
        %get3A_691 = arith.constant 2 : i32
        %get3A_692 = arith.index_cast %get3A_690 : i32 to index
        %get3A_693 = arith.index_cast %get3A_691 : i32 to index
        %get3A_694 = arith.index_cast %add3A_689 : i32 to index
        %get3A_695 = tpu.vector_load %arg4[%get3A_692, %get3A_693, %get3A_694] {strides = array<i32>} : memref<2x4x2216xf32, #tpu.memory_space<vmem>>, vector<16xf32>,
        %add3A_696 = arith.constant 10 : i32
        %add3A_697 = vector.broadcast %add3A_696 : i32 to vector<16xi32>
        %add3A_698 = arith.addi %add3A_537, %add3A_697 : vector<16xi32>
        %scatter3A_699 = arith.constant 1 : i32
        %scatter3A_700 = arith.constant 0 : i32
        %scatter3A_701 = tpu.memref_slice %arg5[%scatter3A_699, %scatter3A_700] : memref<2x32768xf32, #tpu.memory_space<vmem>> -> memref<1x32768xf32, #tpu.memory_space<vmem>>
        %scatter3A_702 = tpu.memref_squeeze %scatter3A_701 : memref<1x32768xf32, #tpu.memory_space<vmem>> -> memref<32768xf32, #tpu.memory_space<vmem>>
        tpu.vector_store_idx %scatter3A_702[%add3A_698], %get3A_695 : memref<32768xf32, #tpu.memory_space<vmem>>[vector<16xi32>], vector<16xf32>,
        %add3A_703 = arith.constant 161 : i32
        %add3A_704 = arith.addi %mul3A_533, %add3A_703 : i32
        %get3A_705 = arith.constant 1 : i32
        %get3A_706 = arith.constant 2 : i32
        %get3A_707 = arith.index_cast %get3A_705 : i32 to index
        %get3A_708 = arith.index_cast %get3A_706 : i32 to index
        %get3A_709 = arith.index_cast %add3A_704 : i32 to index
        %get3A_710 = tpu.vector_load %arg4[%get3A_707, %get3A_708, %get3A_709] {strides = array<i32>} : memref<2x4x2216xf32, #tpu.memory_space<vmem>>, vector<16xf32>,
        %add3A_711 = arith.constant 11 : i32
        %add3A_712 = vector.broadcast %add3A_711 : i32 to vector<16xi32>
        %add3A_713 = arith.addi %add3A_537, %add3A_712 : vector<16xi32>
        %scatter3A_714 = arith.constant 1 : i32
        %scatter3A_715 = arith.constant 0 : i32
        %scatter3A_716 = tpu.memref_slice %arg5[%scatter3A_714, %scatter3A_715] : memref<2x32768xf32, #tpu.memory_space<vmem>> -> memref<1x32768xf32, #tpu.memory_space<vmem>>
        %scatter3A_717 = tpu.memref_squeeze %scatter3A_716 : memref<1x32768xf32, #tpu.memory_space<vmem>> -> memref<32768xf32, #tpu.memory_space<vmem>>
        tpu.vector_store_idx %scatter3A_717[%add3A_713], %get3A_710 : memref<32768xf32, #tpu.memory_space<vmem>>[vector<16xi32>], vector<16xf32>,
        %add3A_718 = arith.constant 0 : i32
        %add3A_719 = arith.addi %mul3A_533, %add3A_718 : i32
        %get3A_720 = arith.constant 1 : i32
        %get3A_721 = arith.constant 3 : i32
        %get3A_722 = arith.index_cast %get3A_720 : i32 to index
        %get3A_723 = arith.index_cast %get3A_721 : i32 to index
        %get3A_724 = arith.index_cast %add3A_719 : i32 to index
        %get3A_725 = tpu.vector_load %arg4[%get3A_722, %get3A_723, %get3A_724] {strides = array<i32>} : memref<2x4x2216xf32, #tpu.memory_space<vmem>>, vector<16xf32>,
        %add3A_726 = arith.constant 12 : i32
        %add3A_727 = vector.broadcast %add3A_726 : i32 to vector<16xi32>
        %add3A_728 = arith.addi %add3A_537, %add3A_727 : vector<16xi32>
        %scatter3A_729 = arith.constant 1 : i32
        %scatter3A_730 = arith.constant 0 : i32
        %scatter3A_731 = tpu.memref_slice %arg5[%scatter3A_729, %scatter3A_730] : memref<2x32768xf32, #tpu.memory_space<vmem>> -> memref<1x32768xf32, #tpu.memory_space<vmem>>
        %scatter3A_732 = tpu.memref_squeeze %scatter3A_731 : memref<1x32768xf32, #tpu.memory_space<vmem>> -> memref<32768xf32, #tpu.memory_space<vmem>>
        tpu.vector_store_idx %scatter3A_732[%add3A_728], %get3A_725 : memref<32768xf32, #tpu.memory_space<vmem>>[vector<16xi32>], vector<16xf32>,
        %add3A_733 = arith.constant 1 : i32
        %add3A_734 = arith.addi %mul3A_533, %add3A_733 : i32
        %get3A_735 = arith.constant 1 : i32
        %get3A_736 = arith.constant 3 : i32
        %get3A_737 = arith.index_cast %get3A_735 : i32 to index
        %get3A_738 = arith.index_cast %get3A_736 : i32 to index
        %get3A_739 = arith.index_cast %add3A_734 : i32 to index
        %get3A_740 = tpu.vector_load %arg4[%get3A_737, %get3A_738, %get3A_739] {strides = array<i32>} : memref<2x4x2216xf32, #tpu.memory_space<vmem>>, vector<16xf32>,
        %add3A_741 = arith.constant 13 : i32
        %add3A_742 = vector.broadcast %add3A_741 : i32 to vector<16xi32>
        %add3A_743 = arith.addi %add3A_537, %add3A_742 : vector<16xi32>
        %scatter3A_744 = arith.constant 1 : i32
        %scatter3A_745 = arith.constant 0 : i32
        %scatter3A_746 = tpu.memref_slice %arg5[%scatter3A_744, %scatter3A_745] : memref<2x32768xf32, #tpu.memory_space<vmem>> -> memref<1x32768xf32, #tpu.memory_space<vmem>>
        %scatter3A_747 = tpu.memref_squeeze %scatter3A_746 : memref<1x32768xf32, #tpu.memory_space<vmem>> -> memref<32768xf32, #tpu.memory_space<vmem>>
        tpu.vector_store_idx %scatter3A_747[%add3A_743], %get3A_740 : memref<32768xf32, #tpu.memory_space<vmem>>[vector<16xi32>], vector<16xf32>,
        %add3A_748 = arith.constant 160 : i32
        %add3A_749 = arith.addi %mul3A_533, %add3A_748 : i32
        %get3A_750 = arith.constant 1 : i32
        %get3A_751 = arith.constant 3 : i32
        %get3A_752 = arith.index_cast %get3A_750 : i32 to index
        %get3A_753 = arith.index_cast %get3A_751 : i32 to index
        %get3A_754 = arith.index_cast %add3A_749 : i32 to index
        %get3A_755 = tpu.vector_load %arg4[%get3A_752, %get3A_753, %get3A_754] {strides = array<i32>} : memref<2x4x2216xf32, #tpu.memory_space<vmem>>, vector<16xf32>,
        %add3A_756 = arith.constant 14 : i32
        %add3A_757 = vector.broadcast %add3A_756 : i32 to vector<16xi32>
        %add3A_758 = arith.addi %add3A_537, %add3A_757 : vector<16xi32>
        %scatter3A_759 = arith.constant 1 : i32
        %scatter3A_760 = arith.constant 0 : i32
        %scatter3A_761 = tpu.memref_slice %arg5[%scatter3A_759, %scatter3A_760] : memref<2x32768xf32, #tpu.memory_space<vmem>> -> memref<1x32768xf32, #tpu.memory_space<vmem>>
        %scatter3A_762 = tpu.memref_squeeze %scatter3A_761 : memref<1x32768xf32, #tpu.memory_space<vmem>> -> memref<32768xf32, #tpu.memory_space<vmem>>
        tpu.vector_store_idx %scatter3A_762[%add3A_758], %get3A_755 : memref<32768xf32, #tpu.memory_space<vmem>>[vector<16xi32>], vector<16xf32>,
        %add3A_763 = arith.constant 161 : i32
        %add3A_764 = arith.addi %mul3A_533, %add3A_763 : i32
        %get3A_765 = arith.constant 1 : i32
        %get3A_766 = arith.constant 3 : i32
        %get3A_767 = arith.index_cast %get3A_765 : i32 to index
        %get3A_768 = arith.index_cast %get3A_766 : i32 to index
        %get3A_769 = arith.index_cast %add3A_764 : i32 to index
        %get3A_770 = tpu.vector_load %arg4[%get3A_767, %get3A_768, %get3A_769] {strides = array<i32>} : memref<2x4x2216xf32, #tpu.memory_space<vmem>>, vector<16xf32>,
        %add3A_771 = arith.constant 15 : i32
        %add3A_772 = vector.broadcast %add3A_771 : i32 to vector<16xi32>
        %add3A_773 = arith.addi %add3A_537, %add3A_772 : vector<16xi32>
        %scatter3A_774 = arith.constant 1 : i32
        %scatter3A_775 = arith.constant 0 : i32
        %scatter3A_776 = tpu.memref_slice %arg5[%scatter3A_774, %scatter3A_775] : memref<2x32768xf32, #tpu.memory_space<vmem>> -> memref<1x32768xf32, #tpu.memory_space<vmem>>
        %scatter3A_777 = tpu.memref_squeeze %scatter3A_776 : memref<1x32768xf32, #tpu.memory_space<vmem>> -> memref<32768xf32, #tpu.memory_space<vmem>>
        tpu.vector_store_idx %scatter3A_777[%add3A_773], %get3A_770 : memref<32768xf32, #tpu.memory_space<vmem>>[vector<16xi32>], vector<16xf32>,
      }
      %scan3A_262 = arith.constant 128 : i32
      %mul3A_263 = arith.constant 2048 : i32
      %mul3A_264 = arith.muli %add3A_186, %mul3A_263 : i32
      %add3A_265 = arith.addi %mul3A_2, %mul3A_264 : i32
      %mul3A_266 = arith.constant 16 : i32
      %mul3A_267 = arith.muli %add3A_265, %mul3A_266 : i32
      %dma_start3A_268 = arith.constant 1 : i32
      %dma_start3A_269 = arith.constant 0 : i32
      %dma_start3A_270 = tpu.memref_slice %arg5[%dma_start3A_268, %dma_start3A_269] : memref<2x32768xf32, #tpu.memory_space<vmem>> -> memref<1x32768xf32, #tpu.memory_space<vmem>>
      %dma_start3A_271 = tpu.memref_squeeze %dma_start3A_270 : memref<1x32768xf32, #tpu.memory_space<vmem>> -> memref<32768xf32, #tpu.memory_space<vmem>>
      %dma_start3A_272 = tpu.memref_slice %arg3[%mul3A_267] : memref<52428800xf32, #tpu.memory_space<hbm>> -> memref<32768xf32, #tpu.memory_space<hbm>>
      %dma_start3A_273 = tpu.memref_slice %arg3[%mul3A_267] : memref<52428800xf32, #tpu.memory_space<hbm>> -> memref<32768xf32, #tpu.memory_space<hbm>>
      %dma_start3A_274 = arith.constant 0 : i32
      %dma_start3A_275 = tpu.memref_slice %arg5[%dma_start3A_268, %dma_start3A_274] : memref<2x32768xf32, #tpu.memory_space<vmem>> -> memref<1x32768xf32, #tpu.memory_space<vmem>>
      %dma_start3A_276 = tpu.memref_squeeze %dma_start3A_275 : memref<1x32768xf32, #tpu.memory_space<vmem>> -> memref<32768xf32, #tpu.memory_space<vmem>>
      tpu.enqueue_dma source(%dma_start3A_276 : memref<32768xf32, #tpu.memory_space<vmem>>) target(%dma_start3A_273 : memref<32768xf32, #tpu.memory_space<hbm>>) target_semaphore(%arg7 : memref<!tpu.dma_semaphore, #tpu.memory_space<semaphore_mem>>)
    }
    %scan3A_66 = arith.constant 25 : i32
    %add3A_67 = arith.constant 98304 : i32
    %add3A_68 = arith.addi %mul3A_2, %add3A_67 : i32
    %mul3A_69 = arith.constant 16 : i32
    %mul3A_70 = arith.muli %add3A_68, %mul3A_69 : i32
    %dma_wait3A = arith.constant 0 : i32
    %dma_wait3A_71 = arith.constant 0 : i32
    %dma_wait3A_72 = tpu.memref_slice %arg5[%dma_wait3A, %dma_wait3A_71] : memref<2x32768xf32, #tpu.memory_space<vmem>> -> memref<1x32768xf32, #tpu.memory_space<vmem>>
    %dma_wait3A_73 = tpu.memref_squeeze %dma_wait3A_72 : memref<1x32768xf32, #tpu.memory_space<vmem>> -> memref<32768xf32, #tpu.memory_space<vmem>>
    %dma_wait3A_74 = tpu.memref_slice %arg3[%mul3A_70] : memref<52428800xf32, #tpu.memory_space<hbm>> -> memref<32768xf32, #tpu.memory_space<hbm>>
    %dma_wait3A_75 = tpu.memref_slice %arg3[%mul3A_70] : memref<52428800xf32, #tpu.memory_space<hbm>> -> memref<32768xf32, #tpu.memory_space<hbm>>
    %dma_wait3A_76 = arith.constant 0 : i32
    %dma_wait3A_77 = tpu.memref_slice %arg5[%dma_wait3A, %dma_wait3A_76] : memref<2x32768xf32, #tpu.memory_space<vmem>> -> memref<1x32768xf32, #tpu.memory_space<vmem>>
    %dma_wait3A_78 = tpu.memref_squeeze %dma_wait3A_77 : memref<1x32768xf32, #tpu.memory_space<vmem>> -> memref<32768xf32, #tpu.memory_space<vmem>>
    tpu.wait_dma2 semaphore(%arg7 : memref<!tpu.dma_semaphore, #tpu.memory_space<semaphore_mem>>) src(%dma_wait3A_78 : memref<32768xf32, #tpu.memory_space<vmem>>) dst(%dma_wait3A_75 : memref<32768xf32, #tpu.memory_space<hbm>>)
    %add3A_79 = arith.constant 100352 : i32
    %add3A_80 = arith.addi %mul3A_2, %add3A_79 : i32
    %mul3A_81 = arith.constant 16 : i32
    %mul3A_82 = arith.muli %add3A_80, %mul3A_81 : i32
    %dma_wait3A_83 = arith.constant 1 : i32
    %dma_wait3A_84 = arith.constant 0 : i32
    %dma_wait3A_85 = tpu.memref_slice %arg5[%dma_wait3A_83, %dma_wait3A_84] : memref<2x32768xf32, #tpu.memory_space<vmem>> -> memref<1x32768xf32, #tpu.memory_space<vmem>>
    %dma_wait3A_86 = tpu.memref_squeeze %dma_wait3A_85 : memref<1x32768xf32, #tpu.memory_space<vmem>> -> memref<32768xf32, #tpu.memory_space<vmem>>
    %dma_wait3A_87 = tpu.memref_slice %arg3[%mul3A_82] : memref<52428800xf32, #tpu.memory_space<hbm>> -> memref<32768xf32, #tpu.memory_space<hbm>>
    %dma_wait3A_88 = tpu.memref_slice %arg3[%mul3A_82] : memref<52428800xf32, #tpu.memory_space<hbm>> -> memref<32768xf32, #tpu.memory_space<hbm>>
    %dma_wait3A_89 = arith.constant 0 : i32
    %dma_wait3A_90 = tpu.memref_slice %arg5[%dma_wait3A_83, %dma_wait3A_89] : memref<2x32768xf32, #tpu.memory_space<vmem>> -> memref<1x32768xf32, #tpu.memory_space<vmem>>
    %dma_wait3A_91 = tpu.memref_squeeze %dma_wait3A_90 : memref<1x32768xf32, #tpu.memory_space<vmem>> -> memref<32768xf32, #tpu.memory_space<vmem>>
    tpu.wait_dma2 semaphore(%arg7 : memref<!tpu.dma_semaphore, #tpu.memory_space<semaphore_mem>>) src(%dma_wait3A_91 : memref<32768xf32, #tpu.memory_space<vmem>>) dst(%dma_wait3A_88 : memref<32768xf32, #tpu.memory_space<hbm>>)
    return
  }
}

#map = affine_map<(d0, d1) -> (0, 0)>
#map1 = affine_map<(d0, d1) -> (0)>
module attributes {stable_mosaic.version = 14 : i64} {
  func.func @body(%arg0: i32, %arg1: i32, %arg2: memref<3276800x16xf32, #tpu.memory_space<hbm>>, %arg3: memref<9830400xf32, #tpu.memory_space<hbm>>, %arg4: memref<6553600xf32, #tpu.memory_space<hbm>>, %arg5: memref<2x3x2048xf32, #tpu.memory_space<vmem>>, %arg6: memref<2x2048xi32, #tpu.memory_space<vmem>>, %arg7: memref<2x3x2048xf32, #tpu.memory_space<vmem>>, %arg8: memref<2x2048x16xf32, #tpu.memory_space<vmem>>, %arg9: memref<2x2x2048xf32, #tpu.memory_space<vmem>>, %arg10: memref<!tpu.dma_semaphore, #tpu.memory_space<semaphore_mem>>, %arg11: memref<!tpu.dma_semaphore, #tpu.memory_space<semaphore_mem>>, %arg12: memref<!tpu.dma_semaphore, #tpu.memory_space<semaphore_mem>>) attributes {dimension_semantics = [#tpu.dimension_semantics<core_parallel>, #tpu.dimension_semantics<subcore_parallel>], iteration_bounds = array<i64: 2, 16>, scalar_prefetch = 0 : i64, scratch_operands = 8 : i64, tpu.core_type = #tpu.core_type<sc_vector_subcore>, window_params = [{transform_indices = #map}, {transform_indices = #map1}, {transform_indices = #map1}]} {
    %mul3A = arith.constant 2 : i32
    %mul3A_0 = arith.muli %arg1, %mul3A : i32
    %add3A = arith.addi %mul3A_0, %arg0 : i32
    %mul3A_1 = arith.constant 102400 : i32
    %mul3A_2 = arith.muli %add3A, %mul3A_1 : i32
    %iota3A = tpu.iota {dimensions = array<i32: 0>} : vector<16xi32>
    %add3A_3 = arith.constant 0 : i32
    %add3A_4 = arith.addi %mul3A_2, %add3A_3 : i32
    %add3A_5 = arith.constant 0 : i32
    %add3A_6 = arith.addi %add3A_5, %add3A_4 : i32
    %add3A_7 = arith.constant 3276800 : i32
    %add3A_8 = arith.addi %add3A_7, %add3A_4 : i32
    %add3A_9 = arith.constant 6553600 : i32
    %add3A_10 = arith.addi %add3A_9, %add3A_4 : i32
    %dma_start3A = arith.constant 0 : i32
    %dma_start3A_11 = arith.constant 0 : i32
    %dma_start3A_12 = arith.constant 0 : i32
    %dma_start3A_13 = tpu.memref_slice %arg5[%dma_start3A, %dma_start3A_11, %dma_start3A_12] : memref<2x3x2048xf32, #tpu.memory_space<vmem>> -> memref<1x1x2048xf32, #tpu.memory_space<vmem>>
    %dma_start3A_14 = tpu.memref_squeeze %dma_start3A_13 : memref<1x1x2048xf32, #tpu.memory_space<vmem>> -> memref<2048xf32, #tpu.memory_space<vmem>>
    %dma_start3A_15 = tpu.memref_slice %arg3[%add3A_6] : memref<9830400xf32, #tpu.memory_space<hbm>> -> memref<2048xf32, #tpu.memory_space<hbm>>
    %dma_start3A_16 = arith.constant 0 : i32
    %dma_start3A_17 = tpu.memref_slice %arg5[%dma_start3A, %dma_start3A_11, %dma_start3A_16] : memref<2x3x2048xf32, #tpu.memory_space<vmem>> -> memref<1x1x2048xf32, #tpu.memory_space<vmem>>
    %dma_start3A_18 = tpu.memref_squeeze %dma_start3A_17 : memref<1x1x2048xf32, #tpu.memory_space<vmem>> -> memref<2048xf32, #tpu.memory_space<vmem>>
    %dma_start3A_19 = tpu.memref_slice %arg3[%add3A_6] : memref<9830400xf32, #tpu.memory_space<hbm>> -> memref<2048xf32, #tpu.memory_space<hbm>>
    tpu.enqueue_dma source(%dma_start3A_19 : memref<2048xf32, #tpu.memory_space<hbm>>) target(%dma_start3A_18 : memref<2048xf32, #tpu.memory_space<vmem>>) target_semaphore(%arg10 : memref<!tpu.dma_semaphore, #tpu.memory_space<semaphore_mem>>)
    %dma_start3A_20 = arith.constant 0 : i32
    %dma_start3A_21 = arith.constant 1 : i32
    %dma_start3A_22 = arith.constant 0 : i32
    %dma_start3A_23 = tpu.memref_slice %arg5[%dma_start3A_20, %dma_start3A_21, %dma_start3A_22] : memref<2x3x2048xf32, #tpu.memory_space<vmem>> -> memref<1x1x2048xf32, #tpu.memory_space<vmem>>
    %dma_start3A_24 = tpu.memref_squeeze %dma_start3A_23 : memref<1x1x2048xf32, #tpu.memory_space<vmem>> -> memref<2048xf32, #tpu.memory_space<vmem>>
    %dma_start3A_25 = tpu.memref_slice %arg3[%add3A_8] : memref<9830400xf32, #tpu.memory_space<hbm>> -> memref<2048xf32, #tpu.memory_space<hbm>>
    %dma_start3A_26 = arith.constant 0 : i32
    %dma_start3A_27 = tpu.memref_slice %arg5[%dma_start3A_20, %dma_start3A_21, %dma_start3A_26] : memref<2x3x2048xf32, #tpu.memory_space<vmem>> -> memref<1x1x2048xf32, #tpu.memory_space<vmem>>
    %dma_start3A_28 = tpu.memref_squeeze %dma_start3A_27 : memref<1x1x2048xf32, #tpu.memory_space<vmem>> -> memref<2048xf32, #tpu.memory_space<vmem>>
    %dma_start3A_29 = tpu.memref_slice %arg3[%add3A_8] : memref<9830400xf32, #tpu.memory_space<hbm>> -> memref<2048xf32, #tpu.memory_space<hbm>>
    tpu.enqueue_dma source(%dma_start3A_29 : memref<2048xf32, #tpu.memory_space<hbm>>) target(%dma_start3A_28 : memref<2048xf32, #tpu.memory_space<vmem>>) target_semaphore(%arg10 : memref<!tpu.dma_semaphore, #tpu.memory_space<semaphore_mem>>)
    %dma_start3A_30 = arith.constant 0 : i32
    %dma_start3A_31 = arith.constant 2 : i32
    %dma_start3A_32 = arith.constant 0 : i32
    %dma_start3A_33 = tpu.memref_slice %arg5[%dma_start3A_30, %dma_start3A_31, %dma_start3A_32] : memref<2x3x2048xf32, #tpu.memory_space<vmem>> -> memref<1x1x2048xf32, #tpu.memory_space<vmem>>
    %dma_start3A_34 = tpu.memref_squeeze %dma_start3A_33 : memref<1x1x2048xf32, #tpu.memory_space<vmem>> -> memref<2048xf32, #tpu.memory_space<vmem>>
    %dma_start3A_35 = tpu.memref_slice %arg3[%add3A_10] : memref<9830400xf32, #tpu.memory_space<hbm>> -> memref<2048xf32, #tpu.memory_space<hbm>>
    %dma_start3A_36 = arith.constant 0 : i32
    %dma_start3A_37 = tpu.memref_slice %arg5[%dma_start3A_30, %dma_start3A_31, %dma_start3A_36] : memref<2x3x2048xf32, #tpu.memory_space<vmem>> -> memref<1x1x2048xf32, #tpu.memory_space<vmem>>
    %dma_start3A_38 = tpu.memref_squeeze %dma_start3A_37 : memref<1x1x2048xf32, #tpu.memory_space<vmem>> -> memref<2048xf32, #tpu.memory_space<vmem>>
    %dma_start3A_39 = tpu.memref_slice %arg3[%add3A_10] : memref<9830400xf32, #tpu.memory_space<hbm>> -> memref<2048xf32, #tpu.memory_space<hbm>>
    tpu.enqueue_dma source(%dma_start3A_39 : memref<2048xf32, #tpu.memory_space<hbm>>) target(%dma_start3A_38 : memref<2048xf32, #tpu.memory_space<vmem>>) target_semaphore(%arg10 : memref<!tpu.dma_semaphore, #tpu.memory_space<semaphore_mem>>)
    %add3A_40 = arith.constant 0 : i32
    %add3A_41 = arith.addi %mul3A_2, %add3A_40 : i32
    %add3A_42 = arith.constant 0 : i32
    %add3A_43 = arith.addi %add3A_42, %add3A_41 : i32
    %add3A_44 = arith.constant 3276800 : i32
    %add3A_45 = arith.addi %add3A_44, %add3A_41 : i32
    %add3A_46 = arith.constant 6553600 : i32
    %add3A_47 = arith.addi %add3A_46, %add3A_41 : i32
    %dma_wait3A = arith.constant 0 : i32
    %dma_wait3A_48 = arith.constant 0 : i32
    %dma_wait3A_49 = arith.constant 0 : i32
    %dma_wait3A_50 = tpu.memref_slice %arg5[%dma_wait3A, %dma_wait3A_48, %dma_wait3A_49] : memref<2x3x2048xf32, #tpu.memory_space<vmem>> -> memref<1x1x2048xf32, #tpu.memory_space<vmem>>
    %dma_wait3A_51 = tpu.memref_squeeze %dma_wait3A_50 : memref<1x1x2048xf32, #tpu.memory_space<vmem>> -> memref<2048xf32, #tpu.memory_space<vmem>>
    %dma_wait3A_52 = tpu.memref_slice %arg3[%add3A_43] : memref<9830400xf32, #tpu.memory_space<hbm>> -> memref<2048xf32, #tpu.memory_space<hbm>>
    %dma_wait3A_53 = arith.constant 0 : i32
    %dma_wait3A_54 = tpu.memref_slice %arg5[%dma_wait3A, %dma_wait3A_48, %dma_wait3A_53] : memref<2x3x2048xf32, #tpu.memory_space<vmem>> -> memref<1x1x2048xf32, #tpu.memory_space<vmem>>
    %dma_wait3A_55 = tpu.memref_squeeze %dma_wait3A_54 : memref<1x1x2048xf32, #tpu.memory_space<vmem>> -> memref<2048xf32, #tpu.memory_space<vmem>>
    %dma_wait3A_56 = tpu.memref_slice %arg3[%add3A_43] : memref<9830400xf32, #tpu.memory_space<hbm>> -> memref<2048xf32, #tpu.memory_space<hbm>>
    tpu.wait_dma2 semaphore(%arg10 : memref<!tpu.dma_semaphore, #tpu.memory_space<semaphore_mem>>) src(%dma_wait3A_56 : memref<2048xf32, #tpu.memory_space<hbm>>) dst(%dma_wait3A_55 : memref<2048xf32, #tpu.memory_space<vmem>>)
    %dma_wait3A_57 = arith.constant 0 : i32
    %dma_wait3A_58 = arith.constant 1 : i32
    %dma_wait3A_59 = arith.constant 0 : i32
    %dma_wait3A_60 = tpu.memref_slice %arg5[%dma_wait3A_57, %dma_wait3A_58, %dma_wait3A_59] : memref<2x3x2048xf32, #tpu.memory_space<vmem>> -> memref<1x1x2048xf32, #tpu.memory_space<vmem>>
    %dma_wait3A_61 = tpu.memref_squeeze %dma_wait3A_60 : memref<1x1x2048xf32, #tpu.memory_space<vmem>> -> memref<2048xf32, #tpu.memory_space<vmem>>
    %dma_wait3A_62 = tpu.memref_slice %arg3[%add3A_45] : memref<9830400xf32, #tpu.memory_space<hbm>> -> memref<2048xf32, #tpu.memory_space<hbm>>
    %dma_wait3A_63 = arith.constant 0 : i32
    %dma_wait3A_64 = tpu.memref_slice %arg5[%dma_wait3A_57, %dma_wait3A_58, %dma_wait3A_63] : memref<2x3x2048xf32, #tpu.memory_space<vmem>> -> memref<1x1x2048xf32, #tpu.memory_space<vmem>>
    %dma_wait3A_65 = tpu.memref_squeeze %dma_wait3A_64 : memref<1x1x2048xf32, #tpu.memory_space<vmem>> -> memref<2048xf32, #tpu.memory_space<vmem>>
    %dma_wait3A_66 = tpu.memref_slice %arg3[%add3A_45] : memref<9830400xf32, #tpu.memory_space<hbm>> -> memref<2048xf32, #tpu.memory_space<hbm>>
    tpu.wait_dma2 semaphore(%arg10 : memref<!tpu.dma_semaphore, #tpu.memory_space<semaphore_mem>>) src(%dma_wait3A_66 : memref<2048xf32, #tpu.memory_space<hbm>>) dst(%dma_wait3A_65 : memref<2048xf32, #tpu.memory_space<vmem>>)
    %dma_wait3A_67 = arith.constant 0 : i32
    %dma_wait3A_68 = arith.constant 2 : i32
    %dma_wait3A_69 = arith.constant 0 : i32
    %dma_wait3A_70 = tpu.memref_slice %arg5[%dma_wait3A_67, %dma_wait3A_68, %dma_wait3A_69] : memref<2x3x2048xf32, #tpu.memory_space<vmem>> -> memref<1x1x2048xf32, #tpu.memory_space<vmem>>
    %dma_wait3A_71 = tpu.memref_squeeze %dma_wait3A_70 : memref<1x1x2048xf32, #tpu.memory_space<vmem>> -> memref<2048xf32, #tpu.memory_space<vmem>>
    %dma_wait3A_72 = tpu.memref_slice %arg3[%add3A_47] : memref<9830400xf32, #tpu.memory_space<hbm>> -> memref<2048xf32, #tpu.memory_space<hbm>>
    %dma_wait3A_73 = arith.constant 0 : i32
    %dma_wait3A_74 = tpu.memref_slice %arg5[%dma_wait3A_67, %dma_wait3A_68, %dma_wait3A_73] : memref<2x3x2048xf32, #tpu.memory_space<vmem>> -> memref<1x1x2048xf32, #tpu.memory_space<vmem>>
    %dma_wait3A_75 = tpu.memref_squeeze %dma_wait3A_74 : memref<1x1x2048xf32, #tpu.memory_space<vmem>> -> memref<2048xf32, #tpu.memory_space<vmem>>
    %dma_wait3A_76 = tpu.memref_slice %arg3[%add3A_47] : memref<9830400xf32, #tpu.memory_space<hbm>> -> memref<2048xf32, #tpu.memory_space<hbm>>
    tpu.wait_dma2 semaphore(%arg10 : memref<!tpu.dma_semaphore, #tpu.memory_space<semaphore_mem>>) src(%dma_wait3A_76 : memref<2048xf32, #tpu.memory_space<hbm>>) dst(%dma_wait3A_75 : memref<2048xf32, #tpu.memory_space<vmem>>)
    %scan3A = arith.constant 0 : i32
    %scan3A_77 = arith.constant 128 : i32
    %scan3A_78 = arith.addi %scan3A, %scan3A_77 : i32
    %scan3A_79 = arith.constant 1 : i32
    scf.for %scan3A_330 = %scan3A to %scan3A_78 step %scan3A_79  : i32 {
      %mul3A_331 = arith.constant 1 : i32
      %mul3A_332 = arith.muli %scan3A_330, %mul3A_331 : i32
      %add3A_333 = arith.constant 0 : i32
      %add3A_334 = arith.addi %add3A_333, %mul3A_332 : i32
      %mul3A_335 = arith.constant 16 : i32
      %mul3A_336 = arith.muli %add3A_334, %mul3A_335 : i32
      %get3A = arith.constant 0 : i32
      %get3A_337 = arith.constant 0 : i32
      %get3A_338 = arith.index_cast %get3A : i32 to index
      %get3A_339 = arith.index_cast %get3A_337 : i32 to index
      %get3A_340 = arith.index_cast %mul3A_336 : i32 to index
      %get3A_341 = tpu.vector_load %arg5[%get3A_338, %get3A_339, %get3A_340] {strides = array<i32>} : memref<2x3x2048xf32, #tpu.memory_space<vmem>>, vector<16xf32>,
      %get3A_342 = arith.constant 0 : i32
      %get3A_343 = arith.constant 1 : i32
      %get3A_344 = arith.index_cast %get3A_342 : i32 to index
      %get3A_345 = arith.index_cast %get3A_343 : i32 to index
      %get3A_346 = arith.index_cast %mul3A_336 : i32 to index
      %get3A_347 = tpu.vector_load %arg5[%get3A_344, %get3A_345, %get3A_346] {strides = array<i32>} : memref<2x3x2048xf32, #tpu.memory_space<vmem>>, vector<16xf32>,
      %get3A_348 = arith.constant 0 : i32
      %get3A_349 = arith.constant 2 : i32
      %get3A_350 = arith.index_cast %get3A_348 : i32 to index
      %get3A_351 = arith.index_cast %get3A_349 : i32 to index
      %get3A_352 = arith.index_cast %mul3A_336 : i32 to index
      %get3A_353 = tpu.vector_load %arg5[%get3A_350, %get3A_351, %get3A_352] {strides = array<i32>} : memref<2x3x2048xf32, #tpu.memory_space<vmem>>, vector<16xf32>,
      %max3A = arith.constant 0.000000e+00 : f32
      %max3A_354 = vector.broadcast %max3A : f32 to vector<16xf32>
      %max3A_355 = arith.maximumf %get3A_341, %max3A_354 : vector<16xf32>
      %min3A = arith.constant 1.270000e+02 : f32
      %min3A_356 = vector.broadcast %min3A : f32 to vector<16xf32>
      %min3A_357 = arith.minimumf %max3A_355, %min3A_356 : vector<16xf32>
      %max3A_358 = arith.constant 0.000000e+00 : f32
      %max3A_359 = vector.broadcast %max3A_358 : f32 to vector<16xf32>
      %max3A_360 = arith.maximumf %get3A_347, %max3A_359 : vector<16xf32>
      %min3A_361 = arith.constant 1.590000e+02 : f32
      %min3A_362 = vector.broadcast %min3A_361 : f32 to vector<16xf32>
      %min3A_363 = arith.minimumf %max3A_360, %min3A_362 : vector<16xf32>
      %max3A_364 = arith.constant 0.000000e+00 : f32
      %max3A_365 = vector.broadcast %max3A_364 : f32 to vector<16xf32>
      %max3A_366 = arith.maximumf %get3A_353, %max3A_365 : vector<16xf32>
      %min3A_367 = arith.constant 1.590000e+02 : f32
      %min3A_368 = vector.broadcast %min3A_367 : f32 to vector<16xf32>
      %min3A_369 = arith.minimumf %max3A_366, %min3A_368 : vector<16xf32>
      %convert_element_type3A = arith.fptosi %min3A_357 : vector<16xf32> to vector<16xi32>
      %convert_element_type3A_370 = arith.fptosi %min3A_363 : vector<16xf32> to vector<16xi32>
      %convert_element_type3A_371 = arith.fptosi %min3A_369 : vector<16xf32> to vector<16xi32>
      %convert_element_type3A_372 = arith.sitofp %convert_element_type3A : vector<16xi32> to vector<16xf32>
      %sub3A = arith.subf %min3A_357, %convert_element_type3A_372 : vector<16xf32>
      %swap3A = arith.constant 0 : i32
      %swap3A_373 = arith.constant 0 : i32
      %swap3A_374 = arith.index_cast %swap3A : i32 to index
      %swap3A_375 = arith.index_cast %swap3A_373 : i32 to index
      %swap3A_376 = arith.index_cast %mul3A_336 : i32 to index
      %swap3A_377 = tpu.vector_load %arg7[%swap3A_374, %swap3A_375, %swap3A_376] {strides = array<i32>} : memref<2x3x2048xf32, #tpu.memory_space<vmem>>, vector<16xf32>,
      tpu.vector_store %arg7[%swap3A_374, %swap3A_375, %swap3A_376], %sub3A {strides = array<i32>} : memref<2x3x2048xf32, #tpu.memory_space<vmem>>, vector<16xf32>,
      %convert_element_type3A_378 = arith.sitofp %convert_element_type3A_370 : vector<16xi32> to vector<16xf32>
      %sub3A_379 = arith.subf %min3A_363, %convert_element_type3A_378 : vector<16xf32>
      %swap3A_380 = arith.constant 0 : i32
      %swap3A_381 = arith.constant 1 : i32
      %swap3A_382 = arith.index_cast %swap3A_380 : i32 to index
      %swap3A_383 = arith.index_cast %swap3A_381 : i32 to index
      %swap3A_384 = arith.index_cast %mul3A_336 : i32 to index
      %swap3A_385 = tpu.vector_load %arg7[%swap3A_382, %swap3A_383, %swap3A_384] {strides = array<i32>} : memref<2x3x2048xf32, #tpu.memory_space<vmem>>, vector<16xf32>,
      tpu.vector_store %arg7[%swap3A_382, %swap3A_383, %swap3A_384], %sub3A_379 {strides = array<i32>} : memref<2x3x2048xf32, #tpu.memory_space<vmem>>, vector<16xf32>,
      %convert_element_type3A_386 = arith.sitofp %convert_element_type3A_371 : vector<16xi32> to vector<16xf32>
      %sub3A_387 = arith.subf %min3A_369, %convert_element_type3A_386 : vector<16xf32>
      %swap3A_388 = arith.constant 0 : i32
      %swap3A_389 = arith.constant 2 : i32
      %swap3A_390 = arith.index_cast %swap3A_388 : i32 to index
      %swap3A_391 = arith.index_cast %swap3A_389 : i32 to index
      %swap3A_392 = arith.index_cast %mul3A_336 : i32 to index
      %swap3A_393 = tpu.vector_load %arg7[%swap3A_390, %swap3A_391, %swap3A_392] {strides = array<i32>} : memref<2x3x2048xf32, #tpu.memory_space<vmem>>, vector<16xf32>,
      tpu.vector_store %arg7[%swap3A_390, %swap3A_391, %swap3A_392], %sub3A_387 {strides = array<i32>} : memref<2x3x2048xf32, #tpu.memory_space<vmem>>, vector<16xf32>,
      %mul3A_394 = arith.constant 160 : i32
      %mul3A_395 = vector.broadcast %mul3A_394 : i32 to vector<16xi32>
      %mul3A_396 = arith.muli %convert_element_type3A, %mul3A_395 : vector<16xi32>
      %add3A_397 = arith.addi %mul3A_396, %convert_element_type3A_370 : vector<16xi32>
      %mul3A_398 = arith.constant 160 : i32
      %mul3A_399 = vector.broadcast %mul3A_398 : i32 to vector<16xi32>
      %mul3A_400 = arith.muli %add3A_397, %mul3A_399 : vector<16xi32>
      %add3A_401 = arith.addi %mul3A_400, %convert_element_type3A_371 : vector<16xi32>
      %swap3A_402 = arith.constant 0 : i32
      %swap3A_403 = arith.index_cast %swap3A_402 : i32 to index
      %swap3A_404 = arith.index_cast %mul3A_336 : i32 to index
      %swap3A_405 = tpu.vector_load %arg6[%swap3A_403, %swap3A_404] {strides = array<i32>} : memref<2x2048xi32, #tpu.memory_space<vmem>>, vector<16xi32>,
      tpu.vector_store %arg6[%swap3A_403, %swap3A_404], %add3A_401 {strides = array<i32>} : memref<2x2048xi32, #tpu.memory_space<vmem>>, vector<16xi32>,
    }
    %scan3A_80 = arith.constant 128 : i32
    %dma_start3A_81 = arith.constant 0 : i32
    %dma_start3A_82 = arith.constant 0 : i32
    %dma_start3A_83 = arith.constant 0 : i32
    %dma_start3A_84 = arith.constant 0 : i32
    %dma_start3A_85 = tpu.memref_slice %arg8[%dma_start3A_82, %dma_start3A_83, %dma_start3A_84] : memref<2x2048x16xf32, #tpu.memory_space<vmem>> -> memref<1x128x16xf32, #tpu.memory_space<vmem>>
    %dma_start3A_86 = tpu.memref_squeeze %dma_start3A_85 : memref<1x128x16xf32, #tpu.memory_space<vmem>> -> memref<128x16xf32, #tpu.memory_space<vmem>>
    %dma_start3A_87 = arith.constant 0 : i32
    %dma_start3A_88 = tpu.memref_slice %arg6[%dma_start3A_81, %dma_start3A_87] : memref<2x2048xi32, #tpu.memory_space<vmem>> -> memref<1x128xi32, #tpu.memory_space<vmem>>
    %dma_start3A_89 = tpu.memref_squeeze %dma_start3A_88 : memref<1x128xi32, #tpu.memory_space<vmem>> -> memref<128xi32, #tpu.memory_space<vmem>>
    %dma_start3A_90 = arith.constant 0 : i32
    %dma_start3A_91 = arith.constant 0 : i32
    %dma_start3A_92 = tpu.memref_slice %arg2[%dma_start3A_90, %dma_start3A_91] : memref<3276800x16xf32, #tpu.memory_space<hbm>> -> memref<3276800x16xf32, #tpu.memory_space<hbm>>
    tpu.enqueue_indirect_dma source(%dma_start3A_92 : memref<3276800x16xf32, #tpu.memory_space<hbm>>) target(%dma_start3A_86 : memref<128x16xf32, #tpu.memory_space<vmem>>) offsets(%dma_start3A_89 : memref<128xi32, #tpu.memory_space<vmem>>) semaphore(%arg11 : memref<!tpu.dma_semaphore, #tpu.memory_space<semaphore_mem>>)
    %dma_start3A_93 = arith.constant 0 : i32
    %dma_start3A_94 = arith.constant 0 : i32
    %dma_start3A_95 = arith.constant 128 : i32
    %dma_start3A_96 = arith.constant 0 : i32
    %dma_start3A_97 = tpu.memref_slice %arg8[%dma_start3A_94, %dma_start3A_95, %dma_start3A_96] : memref<2x2048x16xf32, #tpu.memory_space<vmem>> -> memref<1x128x16xf32, #tpu.memory_space<vmem>>
    %dma_start3A_98 = tpu.memref_squeeze %dma_start3A_97 : memref<1x128x16xf32, #tpu.memory_space<vmem>> -> memref<128x16xf32, #tpu.memory_space<vmem>>
    %dma_start3A_99 = arith.constant 128 : i32
    %dma_start3A_100 = tpu.memref_slice %arg6[%dma_start3A_93, %dma_start3A_99] : memref<2x2048xi32, #tpu.memory_space<vmem>> -> memref<1x128xi32, #tpu.memory_space<vmem>>
    %dma_start3A_101 = tpu.memref_squeeze %dma_start3A_100 : memref<1x128xi32, #tpu.memory_space<vmem>> -> memref<128xi32, #tpu.memory_space<vmem>>
    %dma_start3A_102 = arith.constant 0 : i32
    %dma_start3A_103 = arith.constant 0 : i32
    %dma_start3A_104 = tpu.memref_slice %arg2[%dma_start3A_102, %dma_start3A_103] : memref<3276800x16xf32, #tpu.memory_space<hbm>> -> memref<3276800x16xf32, #tpu.memory_space<hbm>>
    tpu.enqueue_indirect_dma source(%dma_start3A_104 : memref<3276800x16xf32, #tpu.memory_space<hbm>>) target(%dma_start3A_98 : memref<128x16xf32, #tpu.memory_space<vmem>>) offsets(%dma_start3A_101 : memref<128xi32, #tpu.memory_space<vmem>>) semaphore(%arg11 : memref<!tpu.dma_semaphore, #tpu.memory_space<semaphore_mem>>)
    %dma_start3A_105 = arith.constant 0 : i32
    %dma_start3A_106 = arith.constant 0 : i32
    %dma_start3A_107 = arith.constant 256 : i32
    %dma_start3A_108 = arith.constant 0 : i32
    %dma_start3A_109 = tpu.memref_slice %arg8[%dma_start3A_106, %dma_start3A_107, %dma_start3A_108] : memref<2x2048x16xf32, #tpu.memory_space<vmem>> -> memref<1x128x16xf32, #tpu.memory_space<vmem>>
    %dma_start3A_110 = tpu.memref_squeeze %dma_start3A_109 : memref<1x128x16xf32, #tpu.memory_space<vmem>> -> memref<128x16xf32, #tpu.memory_space<vmem>>
    %dma_start3A_111 = arith.constant 256 : i32
    %dma_start3A_112 = tpu.memref_slice %arg6[%dma_start3A_105, %dma_start3A_111] : memref<2x2048xi32, #tpu.memory_space<vmem>> -> memref<1x128xi32, #tpu.memory_space<vmem>>
    %dma_start3A_113 = tpu.memref_squeeze %dma_start3A_112 : memref<1x128xi32, #tpu.memory_space<vmem>> -> memref<128xi32, #tpu.memory_space<vmem>>
    %dma_start3A_114 = arith.constant 0 : i32
    %dma_start3A_115 = arith.constant 0 : i32
    %dma_start3A_116 = tpu.memref_slice %arg2[%dma_start3A_114, %dma_start3A_115] : memref<3276800x16xf32, #tpu.memory_space<hbm>> -> memref<3276800x16xf32, #tpu.memory_space<hbm>>
    tpu.enqueue_indirect_dma source(%dma_start3A_116 : memref<3276800x16xf32, #tpu.memory_space<hbm>>) target(%dma_start3A_110 : memref<128x16xf32, #tpu.memory_space<vmem>>) offsets(%dma_start3A_113 : memref<128xi32, #tpu.memory_space<vmem>>) semaphore(%arg11 : memref<!tpu.dma_semaphore, #tpu.memory_space<semaphore_mem>>)
    %dma_start3A_117 = arith.constant 0 : i32
    %dma_start3A_118 = arith.constant 0 : i32
    %dma_start3A_119 = arith.constant 384 : i32
    %dma_start3A_120 = arith.constant 0 : i32
    %dma_start3A_121 = tpu.memref_slice %arg8[%dma_start3A_118, %dma_start3A_119, %dma_start3A_120] : memref<2x2048x16xf32, #tpu.memory_space<vmem>> -> memref<1x128x16xf32, #tpu.memory_space<vmem>>
    %dma_start3A_122 = tpu.memref_squeeze %dma_start3A_121 : memref<1x128x16xf32, #tpu.memory_space<vmem>> -> memref<128x16xf32, #tpu.memory_space<vmem>>
    %dma_start3A_123 = arith.constant 384 : i32
    %dma_start3A_124 = tpu.memref_slice %arg6[%dma_start3A_117, %dma_start3A_123] : memref<2x2048xi32, #tpu.memory_space<vmem>> -> memref<1x128xi32, #tpu.memory_space<vmem>>
    %dma_start3A_125 = tpu.memref_squeeze %dma_start3A_124 : memref<1x128xi32, #tpu.memory_space<vmem>> -> memref<128xi32, #tpu.memory_space<vmem>>
    %dma_start3A_126 = arith.constant 0 : i32
    %dma_start3A_127 = arith.constant 0 : i32
    %dma_start3A_128 = tpu.memref_slice %arg2[%dma_start3A_126, %dma_start3A_127] : memref<3276800x16xf32, #tpu.memory_space<hbm>> -> memref<3276800x16xf32, #tpu.memory_space<hbm>>
    tpu.enqueue_indirect_dma source(%dma_start3A_128 : memref<3276800x16xf32, #tpu.memory_space<hbm>>) target(%dma_start3A_122 : memref<128x16xf32, #tpu.memory_space<vmem>>) offsets(%dma_start3A_125 : memref<128xi32, #tpu.memory_space<vmem>>) semaphore(%arg11 : memref<!tpu.dma_semaphore, #tpu.memory_space<semaphore_mem>>)
    %dma_start3A_129 = arith.constant 0 : i32
    %dma_start3A_130 = arith.constant 0 : i32
    %dma_start3A_131 = arith.constant 512 : i32
    %dma_start3A_132 = arith.constant 0 : i32
    %dma_start3A_133 = tpu.memref_slice %arg8[%dma_start3A_130, %dma_start3A_131, %dma_start3A_132] : memref<2x2048x16xf32, #tpu.memory_space<vmem>> -> memref<1x128x16xf32, #tpu.memory_space<vmem>>
    %dma_start3A_134 = tpu.memref_squeeze %dma_start3A_133 : memref<1x128x16xf32, #tpu.memory_space<vmem>> -> memref<128x16xf32, #tpu.memory_space<vmem>>
    %dma_start3A_135 = arith.constant 512 : i32
    %dma_start3A_136 = tpu.memref_slice %arg6[%dma_start3A_129, %dma_start3A_135] : memref<2x2048xi32, #tpu.memory_space<vmem>> -> memref<1x128xi32, #tpu.memory_space<vmem>>
    %dma_start3A_137 = tpu.memref_squeeze %dma_start3A_136 : memref<1x128xi32, #tpu.memory_space<vmem>> -> memref<128xi32, #tpu.memory_space<vmem>>
    %dma_start3A_138 = arith.constant 0 : i32
    %dma_start3A_139 = arith.constant 0 : i32
    %dma_start3A_140 = tpu.memref_slice %arg2[%dma_start3A_138, %dma_start3A_139] : memref<3276800x16xf32, #tpu.memory_space<hbm>> -> memref<3276800x16xf32, #tpu.memory_space<hbm>>
    tpu.enqueue_indirect_dma source(%dma_start3A_140 : memref<3276800x16xf32, #tpu.memory_space<hbm>>) target(%dma_start3A_134 : memref<128x16xf32, #tpu.memory_space<vmem>>) offsets(%dma_start3A_137 : memref<128xi32, #tpu.memory_space<vmem>>) semaphore(%arg11 : memref<!tpu.dma_semaphore, #tpu.memory_space<semaphore_mem>>)
    %dma_start3A_141 = arith.constant 0 : i32
    %dma_start3A_142 = arith.constant 0 : i32
    %dma_start3A_143 = arith.constant 640 : i32
    %dma_start3A_144 = arith.constant 0 : i32
    %dma_start3A_145 = tpu.memref_slice %arg8[%dma_start3A_142, %dma_start3A_143, %dma_start3A_144] : memref<2x2048x16xf32, #tpu.memory_space<vmem>> -> memref<1x128x16xf32, #tpu.memory_space<vmem>>
    %dma_start3A_146 = tpu.memref_squeeze %dma_start3A_145 : memref<1x128x16xf32, #tpu.memory_space<vmem>> -> memref<128x16xf32, #tpu.memory_space<vmem>>
    %dma_start3A_147 = arith.constant 640 : i32
    %dma_start3A_148 = tpu.memref_slice %arg6[%dma_start3A_141, %dma_start3A_147] : memref<2x2048xi32, #tpu.memory_space<vmem>> -> memref<1x128xi32, #tpu.memory_space<vmem>>
    %dma_start3A_149 = tpu.memref_squeeze %dma_start3A_148 : memref<1x128xi32, #tpu.memory_space<vmem>> -> memref<128xi32, #tpu.memory_space<vmem>>
    %dma_start3A_150 = arith.constant 0 : i32
    %dma_start3A_151 = arith.constant 0 : i32
    %dma_start3A_152 = tpu.memref_slice %arg2[%dma_start3A_150, %dma_start3A_151] : memref<3276800x16xf32, #tpu.memory_space<hbm>> -> memref<3276800x16xf32, #tpu.memory_space<hbm>>
    tpu.enqueue_indirect_dma source(%dma_start3A_152 : memref<3276800x16xf32, #tpu.memory_space<hbm>>) target(%dma_start3A_146 : memref<128x16xf32, #tpu.memory_space<vmem>>) offsets(%dma_start3A_149 : memref<128xi32, #tpu.memory_space<vmem>>) semaphore(%arg11 : memref<!tpu.dma_semaphore, #tpu.memory_space<semaphore_mem>>)
    %dma_start3A_153 = arith.constant 0 : i32
    %dma_start3A_154 = arith.constant 0 : i32
    %dma_start3A_155 = arith.constant 768 : i32
    %dma_start3A_156 = arith.constant 0 : i32
    %dma_start3A_157 = tpu.memref_slice %arg8[%dma_start3A_154, %dma_start3A_155, %dma_start3A_156] : memref<2x2048x16xf32, #tpu.memory_space<vmem>> -> memref<1x128x16xf32, #tpu.memory_space<vmem>>
    %dma_start3A_158 = tpu.memref_squeeze %dma_start3A_157 : memref<1x128x16xf32, #tpu.memory_space<vmem>> -> memref<128x16xf32, #tpu.memory_space<vmem>>
    %dma_start3A_159 = arith.constant 768 : i32
    %dma_start3A_160 = tpu.memref_slice %arg6[%dma_start3A_153, %dma_start3A_159] : memref<2x2048xi32, #tpu.memory_space<vmem>> -> memref<1x128xi32, #tpu.memory_space<vmem>>
    %dma_start3A_161 = tpu.memref_squeeze %dma_start3A_160 : memref<1x128xi32, #tpu.memory_space<vmem>> -> memref<128xi32, #tpu.memory_space<vmem>>
    %dma_start3A_162 = arith.constant 0 : i32
    %dma_start3A_163 = arith.constant 0 : i32
    %dma_start3A_164 = tpu.memref_slice %arg2[%dma_start3A_162, %dma_start3A_163] : memref<3276800x16xf32, #tpu.memory_space<hbm>> -> memref<3276800x16xf32, #tpu.memory_space<hbm>>
    tpu.enqueue_indirect_dma source(%dma_start3A_164 : memref<3276800x16xf32, #tpu.memory_space<hbm>>) target(%dma_start3A_158 : memref<128x16xf32, #tpu.memory_space<vmem>>) offsets(%dma_start3A_161 : memref<128xi32, #tpu.memory_space<vmem>>) semaphore(%arg11 : memref<!tpu.dma_semaphore, #tpu.memory_space<semaphore_mem>>)
    %dma_start3A_165 = arith.constant 0 : i32
    %dma_start3A_166 = arith.constant 0 : i32
    %dma_start3A_167 = arith.constant 896 : i32
    %dma_start3A_168 = arith.constant 0 : i32
    %dma_start3A_169 = tpu.memref_slice %arg8[%dma_start3A_166, %dma_start3A_167, %dma_start3A_168] : memref<2x2048x16xf32, #tpu.memory_space<vmem>> -> memref<1x128x16xf32, #tpu.memory_space<vmem>>
    %dma_start3A_170 = tpu.memref_squeeze %dma_start3A_169 : memref<1x128x16xf32, #tpu.memory_space<vmem>> -> memref<128x16xf32, #tpu.memory_space<vmem>>
    %dma_start3A_171 = arith.constant 896 : i32
    %dma_start3A_172 = tpu.memref_slice %arg6[%dma_start3A_165, %dma_start3A_171] : memref<2x2048xi32, #tpu.memory_space<vmem>> -> memref<1x128xi32, #tpu.memory_space<vmem>>
    %dma_start3A_173 = tpu.memref_squeeze %dma_start3A_172 : memref<1x128xi32, #tpu.memory_space<vmem>> -> memref<128xi32, #tpu.memory_space<vmem>>
    %dma_start3A_174 = arith.constant 0 : i32
    %dma_start3A_175 = arith.constant 0 : i32
    %dma_start3A_176 = tpu.memref_slice %arg2[%dma_start3A_174, %dma_start3A_175] : memref<3276800x16xf32, #tpu.memory_space<hbm>> -> memref<3276800x16xf32, #tpu.memory_space<hbm>>
    tpu.enqueue_indirect_dma source(%dma_start3A_176 : memref<3276800x16xf32, #tpu.memory_space<hbm>>) target(%dma_start3A_170 : memref<128x16xf32, #tpu.memory_space<vmem>>) offsets(%dma_start3A_173 : memref<128xi32, #tpu.memory_space<vmem>>) semaphore(%arg11 : memref<!tpu.dma_semaphore, #tpu.memory_space<semaphore_mem>>)
    %dma_start3A_177 = arith.constant 0 : i32
    %dma_start3A_178 = arith.constant 0 : i32
    %dma_start3A_179 = arith.constant 1024 : i32
    %dma_start3A_180 = arith.constant 0 : i32
    %dma_start3A_181 = tpu.memref_slice %arg8[%dma_start3A_178, %dma_start3A_179, %dma_start3A_180] : memref<2x2048x16xf32, #tpu.memory_space<vmem>> -> memref<1x128x16xf32, #tpu.memory_space<vmem>>
    %dma_start3A_182 = tpu.memref_squeeze %dma_start3A_181 : memref<1x128x16xf32, #tpu.memory_space<vmem>> -> memref<128x16xf32, #tpu.memory_space<vmem>>
    %dma_start3A_183 = arith.constant 1024 : i32
    %dma_start3A_184 = tpu.memref_slice %arg6[%dma_start3A_177, %dma_start3A_183] : memref<2x2048xi32, #tpu.memory_space<vmem>> -> memref<1x128xi32, #tpu.memory_space<vmem>>
    %dma_start3A_185 = tpu.memref_squeeze %dma_start3A_184 : memref<1x128xi32, #tpu.memory_space<vmem>> -> memref<128xi32, #tpu.memory_space<vmem>>
    %dma_start3A_186 = arith.constant 0 : i32
    %dma_start3A_187 = arith.constant 0 : i32
    %dma_start3A_188 = tpu.memref_slice %arg2[%dma_start3A_186, %dma_start3A_187] : memref<3276800x16xf32, #tpu.memory_space<hbm>> -> memref<3276800x16xf32, #tpu.memory_space<hbm>>
    tpu.enqueue_indirect_dma source(%dma_start3A_188 : memref<3276800x16xf32, #tpu.memory_space<hbm>>) target(%dma_start3A_182 : memref<128x16xf32, #tpu.memory_space<vmem>>) offsets(%dma_start3A_185 : memref<128xi32, #tpu.memory_space<vmem>>) semaphore(%arg11 : memref<!tpu.dma_semaphore, #tpu.memory_space<semaphore_mem>>)
    %dma_start3A_189 = arith.constant 0 : i32
    %dma_start3A_190 = arith.constant 0 : i32
    %dma_start3A_191 = arith.constant 1152 : i32
    %dma_start3A_192 = arith.constant 0 : i32
    %dma_start3A_193 = tpu.memref_slice %arg8[%dma_start3A_190, %dma_start3A_191, %dma_start3A_192] : memref<2x2048x16xf32, #tpu.memory_space<vmem>> -> memref<1x128x16xf32, #tpu.memory_space<vmem>>
    %dma_start3A_194 = tpu.memref_squeeze %dma_start3A_193 : memref<1x128x16xf32, #tpu.memory_space<vmem>> -> memref<128x16xf32, #tpu.memory_space<vmem>>
    %dma_start3A_195 = arith.constant 1152 : i32
    %dma_start3A_196 = tpu.memref_slice %arg6[%dma_start3A_189, %dma_start3A_195] : memref<2x2048xi32, #tpu.memory_space<vmem>> -> memref<1x128xi32, #tpu.memory_space<vmem>>
    %dma_start3A_197 = tpu.memref_squeeze %dma_start3A_196 : memref<1x128xi32, #tpu.memory_space<vmem>> -> memref<128xi32, #tpu.memory_space<vmem>>
    %dma_start3A_198 = arith.constant 0 : i32
    %dma_start3A_199 = arith.constant 0 : i32
    %dma_start3A_200 = tpu.memref_slice %arg2[%dma_start3A_198, %dma_start3A_199] : memref<3276800x16xf32, #tpu.memory_space<hbm>> -> memref<3276800x16xf32, #tpu.memory_space<hbm>>
    tpu.enqueue_indirect_dma source(%dma_start3A_200 : memref<3276800x16xf32, #tpu.memory_space<hbm>>) target(%dma_start3A_194 : memref<128x16xf32, #tpu.memory_space<vmem>>) offsets(%dma_start3A_197 : memref<128xi32, #tpu.memory_space<vmem>>) semaphore(%arg11 : memref<!tpu.dma_semaphore, #tpu.memory_space<semaphore_mem>>)
    %dma_start3A_201 = arith.constant 0 : i32
    %dma_start3A_202 = arith.constant 0 : i32
    %dma_start3A_203 = arith.constant 1280 : i32
    %dma_start3A_204 = arith.constant 0 : i32
    %dma_start3A_205 = tpu.memref_slice %arg8[%dma_start3A_202, %dma_start3A_203, %dma_start3A_204] : memref<2x2048x16xf32, #tpu.memory_space<vmem>> -> memref<1x128x16xf32, #tpu.memory_space<vmem>>
    %dma_start3A_206 = tpu.memref_squeeze %dma_start3A_205 : memref<1x128x16xf32, #tpu.memory_space<vmem>> -> memref<128x16xf32, #tpu.memory_space<vmem>>
    %dma_start3A_207 = arith.constant 1280 : i32
    %dma_start3A_208 = tpu.memref_slice %arg6[%dma_start3A_201, %dma_start3A_207] : memref<2x2048xi32, #tpu.memory_space<vmem>> -> memref<1x128xi32, #tpu.memory_space<vmem>>
    %dma_start3A_209 = tpu.memref_squeeze %dma_start3A_208 : memref<1x128xi32, #tpu.memory_space<vmem>> -> memref<128xi32, #tpu.memory_space<vmem>>
    %dma_start3A_210 = arith.constant 0 : i32
    %dma_start3A_211 = arith.constant 0 : i32
    %dma_start3A_212 = tpu.memref_slice %arg2[%dma_start3A_210, %dma_start3A_211] : memref<3276800x16xf32, #tpu.memory_space<hbm>> -> memref<3276800x16xf32, #tpu.memory_space<hbm>>
    tpu.enqueue_indirect_dma source(%dma_start3A_212 : memref<3276800x16xf32, #tpu.memory_space<hbm>>) target(%dma_start3A_206 : memref<128x16xf32, #tpu.memory_space<vmem>>) offsets(%dma_start3A_209 : memref<128xi32, #tpu.memory_space<vmem>>) semaphore(%arg11 : memref<!tpu.dma_semaphore, #tpu.memory_space<semaphore_mem>>)
    %dma_start3A_213 = arith.constant 0 : i32
    %dma_start3A_214 = arith.constant 0 : i32
    %dma_start3A_215 = arith.constant 1408 : i32
    %dma_start3A_216 = arith.constant 0 : i32
    %dma_start3A_217 = tpu.memref_slice %arg8[%dma_start3A_214, %dma_start3A_215, %dma_start3A_216] : memref<2x2048x16xf32, #tpu.memory_space<vmem>> -> memref<1x128x16xf32, #tpu.memory_space<vmem>>
    %dma_start3A_218 = tpu.memref_squeeze %dma_start3A_217 : memref<1x128x16xf32, #tpu.memory_space<vmem>> -> memref<128x16xf32, #tpu.memory_space<vmem>>
    %dma_start3A_219 = arith.constant 1408 : i32
    %dma_start3A_220 = tpu.memref_slice %arg6[%dma_start3A_213, %dma_start3A_219] : memref<2x2048xi32, #tpu.memory_space<vmem>> -> memref<1x128xi32, #tpu.memory_space<vmem>>
    %dma_start3A_221 = tpu.memref_squeeze %dma_start3A_220 : memref<1x128xi32, #tpu.memory_space<vmem>> -> memref<128xi32, #tpu.memory_space<vmem>>
    %dma_start3A_222 = arith.constant 0 : i32
    %dma_start3A_223 = arith.constant 0 : i32
    %dma_start3A_224 = tpu.memref_slice %arg2[%dma_start3A_222, %dma_start3A_223] : memref<3276800x16xf32, #tpu.memory_space<hbm>> -> memref<3276800x16xf32, #tpu.memory_space<hbm>>
    tpu.enqueue_indirect_dma source(%dma_start3A_224 : memref<3276800x16xf32, #tpu.memory_space<hbm>>) target(%dma_start3A_218 : memref<128x16xf32, #tpu.memory_space<vmem>>) offsets(%dma_start3A_221 : memref<128xi32, #tpu.memory_space<vmem>>) semaphore(%arg11 : memref<!tpu.dma_semaphore, #tpu.memory_space<semaphore_mem>>)
    %dma_start3A_225 = arith.constant 0 : i32
    %dma_start3A_226 = arith.constant 0 : i32
    %dma_start3A_227 = arith.constant 1536 : i32
    %dma_start3A_228 = arith.constant 0 : i32
    %dma_start3A_229 = tpu.memref_slice %arg8[%dma_start3A_226, %dma_start3A_227, %dma_start3A_228] : memref<2x2048x16xf32, #tpu.memory_space<vmem>> -> memref<1x128x16xf32, #tpu.memory_space<vmem>>
    %dma_start3A_230 = tpu.memref_squeeze %dma_start3A_229 : memref<1x128x16xf32, #tpu.memory_space<vmem>> -> memref<128x16xf32, #tpu.memory_space<vmem>>
    %dma_start3A_231 = arith.constant 1536 : i32
    %dma_start3A_232 = tpu.memref_slice %arg6[%dma_start3A_225, %dma_start3A_231] : memref<2x2048xi32, #tpu.memory_space<vmem>> -> memref<1x128xi32, #tpu.memory_space<vmem>>
    %dma_start3A_233 = tpu.memref_squeeze %dma_start3A_232 : memref<1x128xi32, #tpu.memory_space<vmem>> -> memref<128xi32, #tpu.memory_space<vmem>>
    %dma_start3A_234 = arith.constant 0 : i32
    %dma_start3A_235 = arith.constant 0 : i32
    %dma_start3A_236 = tpu.memref_slice %arg2[%dma_start3A_234, %dma_start3A_235] : memref<3276800x16xf32, #tpu.memory_space<hbm>> -> memref<3276800x16xf32, #tpu.memory_space<hbm>>
    tpu.enqueue_indirect_dma source(%dma_start3A_236 : memref<3276800x16xf32, #tpu.memory_space<hbm>>) target(%dma_start3A_230 : memref<128x16xf32, #tpu.memory_space<vmem>>) offsets(%dma_start3A_233 : memref<128xi32, #tpu.memory_space<vmem>>) semaphore(%arg11 : memref<!tpu.dma_semaphore, #tpu.memory_space<semaphore_mem>>)
    %dma_start3A_237 = arith.constant 0 : i32
    %dma_start3A_238 = arith.constant 0 : i32
    %dma_start3A_239 = arith.constant 1664 : i32
    %dma_start3A_240 = arith.constant 0 : i32
    %dma_start3A_241 = tpu.memref_slice %arg8[%dma_start3A_238, %dma_start3A_239, %dma_start3A_240] : memref<2x2048x16xf32, #tpu.memory_space<vmem>> -> memref<1x128x16xf32, #tpu.memory_space<vmem>>
    %dma_start3A_242 = tpu.memref_squeeze %dma_start3A_241 : memref<1x128x16xf32, #tpu.memory_space<vmem>> -> memref<128x16xf32, #tpu.memory_space<vmem>>
    %dma_start3A_243 = arith.constant 1664 : i32
    %dma_start3A_244 = tpu.memref_slice %arg6[%dma_start3A_237, %dma_start3A_243] : memref<2x2048xi32, #tpu.memory_space<vmem>> -> memref<1x128xi32, #tpu.memory_space<vmem>>
    %dma_start3A_245 = tpu.memref_squeeze %dma_start3A_244 : memref<1x128xi32, #tpu.memory_space<vmem>> -> memref<128xi32, #tpu.memory_space<vmem>>
    %dma_start3A_246 = arith.constant 0 : i32
    %dma_start3A_247 = arith.constant 0 : i32
    %dma_start3A_248 = tpu.memref_slice %arg2[%dma_start3A_246, %dma_start3A_247] : memref<3276800x16xf32, #tpu.memory_space<hbm>> -> memref<3276800x16xf32, #tpu.memory_space<hbm>>
    tpu.enqueue_indirect_dma source(%dma_start3A_248 : memref<3276800x16xf32, #tpu.memory_space<hbm>>) target(%dma_start3A_242 : memref<128x16xf32, #tpu.memory_space<vmem>>) offsets(%dma_start3A_245 : memref<128xi32, #tpu.memory_space<vmem>>) semaphore(%arg11 : memref<!tpu.dma_semaphore, #tpu.memory_space<semaphore_mem>>)
    %dma_start3A_249 = arith.constant 0 : i32
    %dma_start3A_250 = arith.constant 0 : i32
    %dma_start3A_251 = arith.constant 1792 : i32
    %dma_start3A_252 = arith.constant 0 : i32
    %dma_start3A_253 = tpu.memref_slice %arg8[%dma_start3A_250, %dma_start3A_251, %dma_start3A_252] : memref<2x2048x16xf32, #tpu.memory_space<vmem>> -> memref<1x128x16xf32, #tpu.memory_space<vmem>>
    %dma_start3A_254 = tpu.memref_squeeze %dma_start3A_253 : memref<1x128x16xf32, #tpu.memory_space<vmem>> -> memref<128x16xf32, #tpu.memory_space<vmem>>
    %dma_start3A_255 = arith.constant 1792 : i32
    %dma_start3A_256 = tpu.memref_slice %arg6[%dma_start3A_249, %dma_start3A_255] : memref<2x2048xi32, #tpu.memory_space<vmem>> -> memref<1x128xi32, #tpu.memory_space<vmem>>
    %dma_start3A_257 = tpu.memref_squeeze %dma_start3A_256 : memref<1x128xi32, #tpu.memory_space<vmem>> -> memref<128xi32, #tpu.memory_space<vmem>>
    %dma_start3A_258 = arith.constant 0 : i32
    %dma_start3A_259 = arith.constant 0 : i32
    %dma_start3A_260 = tpu.memref_slice %arg2[%dma_start3A_258, %dma_start3A_259] : memref<3276800x16xf32, #tpu.memory_space<hbm>> -> memref<3276800x16xf32, #tpu.memory_space<hbm>>
    tpu.enqueue_indirect_dma source(%dma_start3A_260 : memref<3276800x16xf32, #tpu.memory_space<hbm>>) target(%dma_start3A_254 : memref<128x16xf32, #tpu.memory_space<vmem>>) offsets(%dma_start3A_257 : memref<128xi32, #tpu.memory_space<vmem>>) semaphore(%arg11 : memref<!tpu.dma_semaphore, #tpu.memory_space<semaphore_mem>>)
    %dma_start3A_261 = arith.constant 0 : i32
    %dma_start3A_262 = arith.constant 0 : i32
    %dma_start3A_263 = arith.constant 1920 : i32
    %dma_start3A_264 = arith.constant 0 : i32
    %dma_start3A_265 = tpu.memref_slice %arg8[%dma_start3A_262, %dma_start3A_263, %dma_start3A_264] : memref<2x2048x16xf32, #tpu.memory_space<vmem>> -> memref<1x128x16xf32, #tpu.memory_space<vmem>>
    %dma_start3A_266 = tpu.memref_squeeze %dma_start3A_265 : memref<1x128x16xf32, #tpu.memory_space<vmem>> -> memref<128x16xf32, #tpu.memory_space<vmem>>
    %dma_start3A_267 = arith.constant 1920 : i32
    %dma_start3A_268 = tpu.memref_slice %arg6[%dma_start3A_261, %dma_start3A_267] : memref<2x2048xi32, #tpu.memory_space<vmem>> -> memref<1x128xi32, #tpu.memory_space<vmem>>
    %dma_start3A_269 = tpu.memref_squeeze %dma_start3A_268 : memref<1x128xi32, #tpu.memory_space<vmem>> -> memref<128xi32, #tpu.memory_space<vmem>>
    %dma_start3A_270 = arith.constant 0 : i32
    %dma_start3A_271 = arith.constant 0 : i32
    %dma_start3A_272 = tpu.memref_slice %arg2[%dma_start3A_270, %dma_start3A_271] : memref<3276800x16xf32, #tpu.memory_space<hbm>> -> memref<3276800x16xf32, #tpu.memory_space<hbm>>
    tpu.enqueue_indirect_dma source(%dma_start3A_272 : memref<3276800x16xf32, #tpu.memory_space<hbm>>) target(%dma_start3A_266 : memref<128x16xf32, #tpu.memory_space<vmem>>) offsets(%dma_start3A_269 : memref<128xi32, #tpu.memory_space<vmem>>) semaphore(%arg11 : memref<!tpu.dma_semaphore, #tpu.memory_space<semaphore_mem>>)
    %scan3A_273 = arith.constant 0 : i32
    %scan3A_274 = arith.constant 25 : i32
    %scan3A_275 = arith.addi %scan3A_273, %scan3A_274 : i32
    %scan3A_276 = arith.constant 1 : i32
    scf.for %scan3A_330 = %scan3A_273 to %scan3A_275 step %scan3A_276  : i32 {
      %mul3A_331 = arith.constant 2 : i32
      %mul3A_332 = arith.muli %scan3A_330, %mul3A_331 : i32
      %add3A_333 = arith.constant 0 : i32
      %add3A_334 = arith.addi %add3A_333, %mul3A_332 : i32
      %add3A_335 = arith.constant 0 : i32
      %add3A_336 = arith.addi %add3A_334, %add3A_335 : i32
      %add3A_337 = arith.constant 1 : i32
      %add3A_338 = arith.addi %add3A_336, %add3A_337 : i32
      %lt3A = arith.constant 50 : i32
      %lt3A_339 = arith.cmpi slt, %add3A_338, %lt3A : i32
      %convert_element_type3A = arith.extui %lt3A_339 : i1 to i32
      %cond3A = arith.constant 0 : i32
      %cond3A_340 = arith.cmpi ne, %convert_element_type3A, %cond3A : i32
      scf.if %cond3A_340 {
        %add3A_807 = arith.constant 1 : i32
        %add3A_808 = arith.addi %add3A_336, %add3A_807 : i32
        %mul3A_809 = arith.constant 2048 : i32
        %mul3A_810 = arith.muli %add3A_808, %mul3A_809 : i32
        %add3A_811 = arith.addi %mul3A_2, %mul3A_810 : i32
        %add3A_812 = arith.constant 0 : i32
        %add3A_813 = arith.addi %add3A_812, %add3A_811 : i32
        %add3A_814 = arith.constant 3276800 : i32
        %add3A_815 = arith.addi %add3A_814, %add3A_811 : i32
        %add3A_816 = arith.constant 6553600 : i32
        %add3A_817 = arith.addi %add3A_816, %add3A_811 : i32
        %dma_start3A_818 = arith.constant 1 : i32
        %dma_start3A_819 = arith.constant 0 : i32
        %dma_start3A_820 = arith.constant 0 : i32
        %dma_start3A_821 = tpu.memref_slice %arg5[%dma_start3A_818, %dma_start3A_819, %dma_start3A_820] : memref<2x3x2048xf32, #tpu.memory_space<vmem>> -> memref<1x1x2048xf32, #tpu.memory_space<vmem>>
        %dma_start3A_822 = tpu.memref_squeeze %dma_start3A_821 : memref<1x1x2048xf32, #tpu.memory_space<vmem>> -> memref<2048xf32, #tpu.memory_space<vmem>>
        %dma_start3A_823 = tpu.memref_slice %arg3[%add3A_813] : memref<9830400xf32, #tpu.memory_space<hbm>> -> memref<2048xf32, #tpu.memory_space<hbm>>
        %dma_start3A_824 = arith.constant 0 : i32
        %dma_start3A_825 = tpu.memref_slice %arg5[%dma_start3A_818, %dma_start3A_819, %dma_start3A_824] : memref<2x3x2048xf32, #tpu.memory_space<vmem>> -> memref<1x1x2048xf32, #tpu.memory_space<vmem>>
        %dma_start3A_826 = tpu.memref_squeeze %dma_start3A_825 : memref<1x1x2048xf32, #tpu.memory_space<vmem>> -> memref<2048xf32, #tpu.memory_space<vmem>>
        %dma_start3A_827 = tpu.memref_slice %arg3[%add3A_813] : memref<9830400xf32, #tpu.memory_space<hbm>> -> memref<2048xf32, #tpu.memory_space<hbm>>
        tpu.enqueue_dma source(%dma_start3A_827 : memref<2048xf32, #tpu.memory_space<hbm>>) target(%dma_start3A_826 : memref<2048xf32, #tpu.memory_space<vmem>>) target_semaphore(%arg10 : memref<!tpu.dma_semaphore, #tpu.memory_space<semaphore_mem>>)
        %dma_start3A_828 = arith.constant 1 : i32
        %dma_start3A_829 = arith.constant 1 : i32
        %dma_start3A_830 = arith.constant 0 : i32
        %dma_start3A_831 = tpu.memref_slice %arg5[%dma_start3A_828, %dma_start3A_829, %dma_start3A_830] : memref<2x3x2048xf32, #tpu.memory_space<vmem>> -> memref<1x1x2048xf32, #tpu.memory_space<vmem>>
        %dma_start3A_832 = tpu.memref_squeeze %dma_start3A_831 : memref<1x1x2048xf32, #tpu.memory_space<vmem>> -> memref<2048xf32, #tpu.memory_space<vmem>>
        %dma_start3A_833 = tpu.memref_slice %arg3[%add3A_815] : memref<9830400xf32, #tpu.memory_space<hbm>> -> memref<2048xf32, #tpu.memory_space<hbm>>
        %dma_start3A_834 = arith.constant 0 : i32
        %dma_start3A_835 = tpu.memref_slice %arg5[%dma_start3A_828, %dma_start3A_829, %dma_start3A_834] : memref<2x3x2048xf32, #tpu.memory_space<vmem>> -> memref<1x1x2048xf32, #tpu.memory_space<vmem>>
        %dma_start3A_836 = tpu.memref_squeeze %dma_start3A_835 : memref<1x1x2048xf32, #tpu.memory_space<vmem>> -> memref<2048xf32, #tpu.memory_space<vmem>>
        %dma_start3A_837 = tpu.memref_slice %arg3[%add3A_815] : memref<9830400xf32, #tpu.memory_space<hbm>> -> memref<2048xf32, #tpu.memory_space<hbm>>
        tpu.enqueue_dma source(%dma_start3A_837 : memref<2048xf32, #tpu.memory_space<hbm>>) target(%dma_start3A_836 : memref<2048xf32, #tpu.memory_space<vmem>>) target_semaphore(%arg10 : memref<!tpu.dma_semaphore, #tpu.memory_space<semaphore_mem>>)
        %dma_start3A_838 = arith.constant 1 : i32
        %dma_start3A_839 = arith.constant 2 : i32
        %dma_start3A_840 = arith.constant 0 : i32
        %dma_start3A_841 = tpu.memref_slice %arg5[%dma_start3A_838, %dma_start3A_839, %dma_start3A_840] : memref<2x3x2048xf32, #tpu.memory_space<vmem>> -> memref<1x1x2048xf32, #tpu.memory_space<vmem>>
        %dma_start3A_842 = tpu.memref_squeeze %dma_start3A_841 : memref<1x1x2048xf32, #tpu.memory_space<vmem>> -> memref<2048xf32, #tpu.memory_space<vmem>>
        %dma_start3A_843 = tpu.memref_slice %arg3[%add3A_817] : memref<9830400xf32, #tpu.memory_space<hbm>> -> memref<2048xf32, #tpu.memory_space<hbm>>
        %dma_start3A_844 = arith.constant 0 : i32
        %dma_start3A_845 = tpu.memref_slice %arg5[%dma_start3A_838, %dma_start3A_839, %dma_start3A_844] : memref<2x3x2048xf32, #tpu.memory_space<vmem>> -> memref<1x1x2048xf32, #tpu.memory_space<vmem>>
        %dma_start3A_846 = tpu.memref_squeeze %dma_start3A_845 : memref<1x1x2048xf32, #tpu.memory_space<vmem>> -> memref<2048xf32, #tpu.memory_space<vmem>>
        %dma_start3A_847 = tpu.memref_slice %arg3[%add3A_817] : memref<9830400xf32, #tpu.memory_space<hbm>> -> memref<2048xf32, #tpu.memory_space<hbm>>
        tpu.enqueue_dma source(%dma_start3A_847 : memref<2048xf32, #tpu.memory_space<hbm>>) target(%dma_start3A_846 : memref<2048xf32, #tpu.memory_space<vmem>>) target_semaphore(%arg10 : memref<!tpu.dma_semaphore, #tpu.memory_space<semaphore_mem>>)
        %add3A_848 = arith.constant 1 : i32
        %add3A_849 = arith.addi %add3A_336, %add3A_848 : i32
        %mul3A_850 = arith.constant 2048 : i32
        %mul3A_851 = arith.muli %add3A_849, %mul3A_850 : i32
        %add3A_852 = arith.addi %mul3A_2, %mul3A_851 : i32
        %add3A_853 = arith.constant 0 : i32
        %add3A_854 = arith.addi %add3A_853, %add3A_852 : i32
        %add3A_855 = arith.constant 3276800 : i32
        %add3A_856 = arith.addi %add3A_855, %add3A_852 : i32
        %add3A_857 = arith.constant 6553600 : i32
        %add3A_858 = arith.addi %add3A_857, %add3A_852 : i32
        %dma_wait3A_859 = arith.constant 1 : i32
        %dma_wait3A_860 = arith.constant 0 : i32
        %dma_wait3A_861 = arith.constant 0 : i32
        %dma_wait3A_862 = tpu.memref_slice %arg5[%dma_wait3A_859, %dma_wait3A_860, %dma_wait3A_861] : memref<2x3x2048xf32, #tpu.memory_space<vmem>> -> memref<1x1x2048xf32, #tpu.memory_space<vmem>>
        %dma_wait3A_863 = tpu.memref_squeeze %dma_wait3A_862 : memref<1x1x2048xf32, #tpu.memory_space<vmem>> -> memref<2048xf32, #tpu.memory_space<vmem>>
        %dma_wait3A_864 = tpu.memref_slice %arg3[%add3A_854] : memref<9830400xf32, #tpu.memory_space<hbm>> -> memref<2048xf32, #tpu.memory_space<hbm>>
        %dma_wait3A_865 = arith.constant 0 : i32
        %dma_wait3A_866 = tpu.memref_slice %arg5[%dma_wait3A_859, %dma_wait3A_860, %dma_wait3A_865] : memref<2x3x2048xf32, #tpu.memory_space<vmem>> -> memref<1x1x2048xf32, #tpu.memory_space<vmem>>
        %dma_wait3A_867 = tpu.memref_squeeze %dma_wait3A_866 : memref<1x1x2048xf32, #tpu.memory_space<vmem>> -> memref<2048xf32, #tpu.memory_space<vmem>>
        %dma_wait3A_868 = tpu.memref_slice %arg3[%add3A_854] : memref<9830400xf32, #tpu.memory_space<hbm>> -> memref<2048xf32, #tpu.memory_space<hbm>>
        tpu.wait_dma2 semaphore(%arg10 : memref<!tpu.dma_semaphore, #tpu.memory_space<semaphore_mem>>) src(%dma_wait3A_868 : memref<2048xf32, #tpu.memory_space<hbm>>) dst(%dma_wait3A_867 : memref<2048xf32, #tpu.memory_space<vmem>>)
        %dma_wait3A_869 = arith.constant 1 : i32
        %dma_wait3A_870 = arith.constant 1 : i32
        %dma_wait3A_871 = arith.constant 0 : i32
        %dma_wait3A_872 = tpu.memref_slice %arg5[%dma_wait3A_869, %dma_wait3A_870, %dma_wait3A_871] : memref<2x3x2048xf32, #tpu.memory_space<vmem>> -> memref<1x1x2048xf32, #tpu.memory_space<vmem>>
        %dma_wait3A_873 = tpu.memref_squeeze %dma_wait3A_872 : memref<1x1x2048xf32, #tpu.memory_space<vmem>> -> memref<2048xf32, #tpu.memory_space<vmem>>
        %dma_wait3A_874 = tpu.memref_slice %arg3[%add3A_856] : memref<9830400xf32, #tpu.memory_space<hbm>> -> memref<2048xf32, #tpu.memory_space<hbm>>
        %dma_wait3A_875 = arith.constant 0 : i32
        %dma_wait3A_876 = tpu.memref_slice %arg5[%dma_wait3A_869, %dma_wait3A_870, %dma_wait3A_875] : memref<2x3x2048xf32, #tpu.memory_space<vmem>> -> memref<1x1x2048xf32, #tpu.memory_space<vmem>>
        %dma_wait3A_877 = tpu.memref_squeeze %dma_wait3A_876 : memref<1x1x2048xf32, #tpu.memory_space<vmem>> -> memref<2048xf32, #tpu.memory_space<vmem>>
        %dma_wait3A_878 = tpu.memref_slice %arg3[%add3A_856] : memref<9830400xf32, #tpu.memory_space<hbm>> -> memref<2048xf32, #tpu.memory_space<hbm>>
        tpu.wait_dma2 semaphore(%arg10 : memref<!tpu.dma_semaphore, #tpu.memory_space<semaphore_mem>>) src(%dma_wait3A_878 : memref<2048xf32, #tpu.memory_space<hbm>>) dst(%dma_wait3A_877 : memref<2048xf32, #tpu.memory_space<vmem>>)
        %dma_wait3A_879 = arith.constant 1 : i32
        %dma_wait3A_880 = arith.constant 2 : i32
        %dma_wait3A_881 = arith.constant 0 : i32
        %dma_wait3A_882 = tpu.memref_slice %arg5[%dma_wait3A_879, %dma_wait3A_880, %dma_wait3A_881] : memref<2x3x2048xf32, #tpu.memory_space<vmem>> -> memref<1x1x2048xf32, #tpu.memory_space<vmem>>
        %dma_wait3A_883 = tpu.memref_squeeze %dma_wait3A_882 : memref<1x1x2048xf32, #tpu.memory_space<vmem>> -> memref<2048xf32, #tpu.memory_space<vmem>>
        %dma_wait3A_884 = tpu.memref_slice %arg3[%add3A_858] : memref<9830400xf32, #tpu.memory_space<hbm>> -> memref<2048xf32, #tpu.memory_space<hbm>>
        %dma_wait3A_885 = arith.constant 0 : i32
        %dma_wait3A_886 = tpu.memref_slice %arg5[%dma_wait3A_879, %dma_wait3A_880, %dma_wait3A_885] : memref<2x3x2048xf32, #tpu.memory_space<vmem>> -> memref<1x1x2048xf32, #tpu.memory_space<vmem>>
        %dma_wait3A_887 = tpu.memref_squeeze %dma_wait3A_886 : memref<1x1x2048xf32, #tpu.memory_space<vmem>> -> memref<2048xf32, #tpu.memory_space<vmem>>
        %dma_wait3A_888 = tpu.memref_slice %arg3[%add3A_858] : memref<9830400xf32, #tpu.memory_space<hbm>> -> memref<2048xf32, #tpu.memory_space<hbm>>
        tpu.wait_dma2 semaphore(%arg10 : memref<!tpu.dma_semaphore, #tpu.memory_space<semaphore_mem>>) src(%dma_wait3A_888 : memref<2048xf32, #tpu.memory_space<hbm>>) dst(%dma_wait3A_887 : memref<2048xf32, #tpu.memory_space<vmem>>)
        %scan3A_889 = arith.constant 0 : i32
        %scan3A_890 = arith.constant 128 : i32
        %scan3A_891 = arith.addi %scan3A_889, %scan3A_890 : i32
        %scan3A_892 = arith.constant 1 : i32
        scf.for %scan3A_1086 = %scan3A_889 to %scan3A_891 step %scan3A_892  : i32 {
          %mul3A_1087 = arith.constant 1 : i32
          %mul3A_1088 = arith.muli %scan3A_1086, %mul3A_1087 : i32
          %add3A_1089 = arith.constant 0 : i32
          %add3A_1090 = arith.addi %add3A_1089, %mul3A_1088 : i32
          %mul3A_1091 = arith.constant 16 : i32
          %mul3A_1092 = arith.muli %add3A_1090, %mul3A_1091 : i32
          %get3A = arith.constant 1 : i32
          %get3A_1093 = arith.constant 0 : i32
          %get3A_1094 = arith.index_cast %get3A : i32 to index
          %get3A_1095 = arith.index_cast %get3A_1093 : i32 to index
          %get3A_1096 = arith.index_cast %mul3A_1092 : i32 to index
          %get3A_1097 = tpu.vector_load %arg5[%get3A_1094, %get3A_1095, %get3A_1096] {strides = array<i32>} : memref<2x3x2048xf32, #tpu.memory_space<vmem>>, vector<16xf32>,
          %get3A_1098 = arith.constant 1 : i32
          %get3A_1099 = arith.constant 1 : i32
          %get3A_1100 = arith.index_cast %get3A_1098 : i32 to index
          %get3A_1101 = arith.index_cast %get3A_1099 : i32 to index
          %get3A_1102 = arith.index_cast %mul3A_1092 : i32 to index
          %get3A_1103 = tpu.vector_load %arg5[%get3A_1100, %get3A_1101, %get3A_1102] {strides = array<i32>} : memref<2x3x2048xf32, #tpu.memory_space<vmem>>, vector<16xf32>,
          %get3A_1104 = arith.constant 1 : i32
          %get3A_1105 = arith.constant 2 : i32
          %get3A_1106 = arith.index_cast %get3A_1104 : i32 to index
          %get3A_1107 = arith.index_cast %get3A_1105 : i32 to index
          %get3A_1108 = arith.index_cast %mul3A_1092 : i32 to index
          %get3A_1109 = tpu.vector_load %arg5[%get3A_1106, %get3A_1107, %get3A_1108] {strides = array<i32>} : memref<2x3x2048xf32, #tpu.memory_space<vmem>>, vector<16xf32>,
          %max3A = arith.constant 0.000000e+00 : f32
          %max3A_1110 = vector.broadcast %max3A : f32 to vector<16xf32>
          %max3A_1111 = arith.maximumf %get3A_1097, %max3A_1110 : vector<16xf32>
          %min3A = arith.constant 1.270000e+02 : f32
          %min3A_1112 = vector.broadcast %min3A : f32 to vector<16xf32>
          %min3A_1113 = arith.minimumf %max3A_1111, %min3A_1112 : vector<16xf32>
          %max3A_1114 = arith.constant 0.000000e+00 : f32
          %max3A_1115 = vector.broadcast %max3A_1114 : f32 to vector<16xf32>
          %max3A_1116 = arith.maximumf %get3A_1103, %max3A_1115 : vector<16xf32>
          %min3A_1117 = arith.constant 1.590000e+02 : f32
          %min3A_1118 = vector.broadcast %min3A_1117 : f32 to vector<16xf32>
          %min3A_1119 = arith.minimumf %max3A_1116, %min3A_1118 : vector<16xf32>
          %max3A_1120 = arith.constant 0.000000e+00 : f32
          %max3A_1121 = vector.broadcast %max3A_1120 : f32 to vector<16xf32>
          %max3A_1122 = arith.maximumf %get3A_1109, %max3A_1121 : vector<16xf32>
          %min3A_1123 = arith.constant 1.590000e+02 : f32
          %min3A_1124 = vector.broadcast %min3A_1123 : f32 to vector<16xf32>
          %min3A_1125 = arith.minimumf %max3A_1122, %min3A_1124 : vector<16xf32>
          %convert_element_type3A_1126 = arith.fptosi %min3A_1113 : vector<16xf32> to vector<16xi32>
          %convert_element_type3A_1127 = arith.fptosi %min3A_1119 : vector<16xf32> to vector<16xi32>
          %convert_element_type3A_1128 = arith.fptosi %min3A_1125 : vector<16xf32> to vector<16xi32>
          %convert_element_type3A_1129 = arith.sitofp %convert_element_type3A_1126 : vector<16xi32> to vector<16xf32>
          %sub3A = arith.subf %min3A_1113, %convert_element_type3A_1129 : vector<16xf32>
          %swap3A = arith.constant 1 : i32
          %swap3A_1130 = arith.constant 0 : i32
          %swap3A_1131 = arith.index_cast %swap3A : i32 to index
          %swap3A_1132 = arith.index_cast %swap3A_1130 : i32 to index
          %swap3A_1133 = arith.index_cast %mul3A_1092 : i32 to index
          %swap3A_1134 = tpu.vector_load %arg7[%swap3A_1131, %swap3A_1132, %swap3A_1133] {strides = array<i32>} : memref<2x3x2048xf32, #tpu.memory_space<vmem>>, vector<16xf32>,
          tpu.vector_store %arg7[%swap3A_1131, %swap3A_1132, %swap3A_1133], %sub3A {strides = array<i32>} : memref<2x3x2048xf32, #tpu.memory_space<vmem>>, vector<16xf32>,
          %convert_element_type3A_1135 = arith.sitofp %convert_element_type3A_1127 : vector<16xi32> to vector<16xf32>
          %sub3A_1136 = arith.subf %min3A_1119, %convert_element_type3A_1135 : vector<16xf32>
          %swap3A_1137 = arith.constant 1 : i32
          %swap3A_1138 = arith.constant 1 : i32
          %swap3A_1139 = arith.index_cast %swap3A_1137 : i32 to index
          %swap3A_1140 = arith.index_cast %swap3A_1138 : i32 to index
          %swap3A_1141 = arith.index_cast %mul3A_1092 : i32 to index
          %swap3A_1142 = tpu.vector_load %arg7[%swap3A_1139, %swap3A_1140, %swap3A_1141] {strides = array<i32>} : memref<2x3x2048xf32, #tpu.memory_space<vmem>>, vector<16xf32>,
          tpu.vector_store %arg7[%swap3A_1139, %swap3A_1140, %swap3A_1141], %sub3A_1136 {strides = array<i32>} : memref<2x3x2048xf32, #tpu.memory_space<vmem>>, vector<16xf32>,
          %convert_element_type3A_1143 = arith.sitofp %convert_element_type3A_1128 : vector<16xi32> to vector<16xf32>
          %sub3A_1144 = arith.subf %min3A_1125, %convert_element_type3A_1143 : vector<16xf32>
          %swap3A_1145 = arith.constant 1 : i32
          %swap3A_1146 = arith.constant 2 : i32
          %swap3A_1147 = arith.index_cast %swap3A_1145 : i32 to index
          %swap3A_1148 = arith.index_cast %swap3A_1146 : i32 to index
          %swap3A_1149 = arith.index_cast %mul3A_1092 : i32 to index
          %swap3A_1150 = tpu.vector_load %arg7[%swap3A_1147, %swap3A_1148, %swap3A_1149] {strides = array<i32>} : memref<2x3x2048xf32, #tpu.memory_space<vmem>>, vector<16xf32>,
          tpu.vector_store %arg7[%swap3A_1147, %swap3A_1148, %swap3A_1149], %sub3A_1144 {strides = array<i32>} : memref<2x3x2048xf32, #tpu.memory_space<vmem>>, vector<16xf32>,
          %mul3A_1151 = arith.constant 160 : i32
          %mul3A_1152 = vector.broadcast %mul3A_1151 : i32 to vector<16xi32>
          %mul3A_1153 = arith.muli %convert_element_type3A_1126, %mul3A_1152 : vector<16xi32>
          %add3A_1154 = arith.addi %mul3A_1153, %convert_element_type3A_1127 : vector<16xi32>
          %mul3A_1155 = arith.constant 160 : i32
          %mul3A_1156 = vector.broadcast %mul3A_1155 : i32 to vector<16xi32>
          %mul3A_1157 = arith.muli %add3A_1154, %mul3A_1156 : vector<16xi32>
          %add3A_1158 = arith.addi %mul3A_1157, %convert_element_type3A_1128 : vector<16xi32>
          %swap3A_1159 = arith.constant 1 : i32
          %swap3A_1160 = arith.index_cast %swap3A_1159 : i32 to index
          %swap3A_1161 = arith.index_cast %mul3A_1092 : i32 to index
          %swap3A_1162 = tpu.vector_load %arg6[%swap3A_1160, %swap3A_1161] {strides = array<i32>} : memref<2x2048xi32, #tpu.memory_space<vmem>>, vector<16xi32>,
          tpu.vector_store %arg6[%swap3A_1160, %swap3A_1161], %add3A_1158 {strides = array<i32>} : memref<2x2048xi32, #tpu.memory_space<vmem>>, vector<16xi32>,
        }
        %scan3A_893 = arith.constant 128 : i32
        %dma_start3A_894 = arith.constant 1 : i32
        %dma_start3A_895 = arith.constant 1 : i32
        %dma_start3A_896 = arith.constant 0 : i32
        %dma_start3A_897 = arith.constant 0 : i32
        %dma_start3A_898 = tpu.memref_slice %arg8[%dma_start3A_895, %dma_start3A_896, %dma_start3A_897] : memref<2x2048x16xf32, #tpu.memory_space<vmem>> -> memref<1x128x16xf32, #tpu.memory_space<vmem>>
        %dma_start3A_899 = tpu.memref_squeeze %dma_start3A_898 : memref<1x128x16xf32, #tpu.memory_space<vmem>> -> memref<128x16xf32, #tpu.memory_space<vmem>>
        %dma_start3A_900 = arith.constant 0 : i32
        %dma_start3A_901 = tpu.memref_slice %arg6[%dma_start3A_894, %dma_start3A_900] : memref<2x2048xi32, #tpu.memory_space<vmem>> -> memref<1x128xi32, #tpu.memory_space<vmem>>
        %dma_start3A_902 = tpu.memref_squeeze %dma_start3A_901 : memref<1x128xi32, #tpu.memory_space<vmem>> -> memref<128xi32, #tpu.memory_space<vmem>>
        %dma_start3A_903 = arith.constant 0 : i32
        %dma_start3A_904 = arith.constant 0 : i32
        %dma_start3A_905 = tpu.memref_slice %arg2[%dma_start3A_903, %dma_start3A_904] : memref<3276800x16xf32, #tpu.memory_space<hbm>> -> memref<3276800x16xf32, #tpu.memory_space<hbm>>
        tpu.enqueue_indirect_dma source(%dma_start3A_905 : memref<3276800x16xf32, #tpu.memory_space<hbm>>) target(%dma_start3A_899 : memref<128x16xf32, #tpu.memory_space<vmem>>) offsets(%dma_start3A_902 : memref<128xi32, #tpu.memory_space<vmem>>) semaphore(%arg11 : memref<!tpu.dma_semaphore, #tpu.memory_space<semaphore_mem>>)
        %dma_start3A_906 = arith.constant 1 : i32
        %dma_start3A_907 = arith.constant 1 : i32
        %dma_start3A_908 = arith.constant 128 : i32
        %dma_start3A_909 = arith.constant 0 : i32
        %dma_start3A_910 = tpu.memref_slice %arg8[%dma_start3A_907, %dma_start3A_908, %dma_start3A_909] : memref<2x2048x16xf32, #tpu.memory_space<vmem>> -> memref<1x128x16xf32, #tpu.memory_space<vmem>>
        %dma_start3A_911 = tpu.memref_squeeze %dma_start3A_910 : memref<1x128x16xf32, #tpu.memory_space<vmem>> -> memref<128x16xf32, #tpu.memory_space<vmem>>
        %dma_start3A_912 = arith.constant 128 : i32
        %dma_start3A_913 = tpu.memref_slice %arg6[%dma_start3A_906, %dma_start3A_912] : memref<2x2048xi32, #tpu.memory_space<vmem>> -> memref<1x128xi32, #tpu.memory_space<vmem>>
        %dma_start3A_914 = tpu.memref_squeeze %dma_start3A_913 : memref<1x128xi32, #tpu.memory_space<vmem>> -> memref<128xi32, #tpu.memory_space<vmem>>
        %dma_start3A_915 = arith.constant 0 : i32
        %dma_start3A_916 = arith.constant 0 : i32
        %dma_start3A_917 = tpu.memref_slice %arg2[%dma_start3A_915, %dma_start3A_916] : memref<3276800x16xf32, #tpu.memory_space<hbm>> -> memref<3276800x16xf32, #tpu.memory_space<hbm>>
        tpu.enqueue_indirect_dma source(%dma_start3A_917 : memref<3276800x16xf32, #tpu.memory_space<hbm>>) target(%dma_start3A_911 : memref<128x16xf32, #tpu.memory_space<vmem>>) offsets(%dma_start3A_914 : memref<128xi32, #tpu.memory_space<vmem>>) semaphore(%arg11 : memref<!tpu.dma_semaphore, #tpu.memory_space<semaphore_mem>>)
        %dma_start3A_918 = arith.constant 1 : i32
        %dma_start3A_919 = arith.constant 1 : i32
        %dma_start3A_920 = arith.constant 256 : i32
        %dma_start3A_921 = arith.constant 0 : i32
        %dma_start3A_922 = tpu.memref_slice %arg8[%dma_start3A_919, %dma_start3A_920, %dma_start3A_921] : memref<2x2048x16xf32, #tpu.memory_space<vmem>> -> memref<1x128x16xf32, #tpu.memory_space<vmem>>
        %dma_start3A_923 = tpu.memref_squeeze %dma_start3A_922 : memref<1x128x16xf32, #tpu.memory_space<vmem>> -> memref<128x16xf32, #tpu.memory_space<vmem>>
        %dma_start3A_924 = arith.constant 256 : i32
        %dma_start3A_925 = tpu.memref_slice %arg6[%dma_start3A_918, %dma_start3A_924] : memref<2x2048xi32, #tpu.memory_space<vmem>> -> memref<1x128xi32, #tpu.memory_space<vmem>>
        %dma_start3A_926 = tpu.memref_squeeze %dma_start3A_925 : memref<1x128xi32, #tpu.memory_space<vmem>> -> memref<128xi32, #tpu.memory_space<vmem>>
        %dma_start3A_927 = arith.constant 0 : i32
        %dma_start3A_928 = arith.constant 0 : i32
        %dma_start3A_929 = tpu.memref_slice %arg2[%dma_start3A_927, %dma_start3A_928] : memref<3276800x16xf32, #tpu.memory_space<hbm>> -> memref<3276800x16xf32, #tpu.memory_space<hbm>>
        tpu.enqueue_indirect_dma source(%dma_start3A_929 : memref<3276800x16xf32, #tpu.memory_space<hbm>>) target(%dma_start3A_923 : memref<128x16xf32, #tpu.memory_space<vmem>>) offsets(%dma_start3A_926 : memref<128xi32, #tpu.memory_space<vmem>>) semaphore(%arg11 : memref<!tpu.dma_semaphore, #tpu.memory_space<semaphore_mem>>)
        %dma_start3A_930 = arith.constant 1 : i32
        %dma_start3A_931 = arith.constant 1 : i32
        %dma_start3A_932 = arith.constant 384 : i32
        %dma_start3A_933 = arith.constant 0 : i32
        %dma_start3A_934 = tpu.memref_slice %arg8[%dma_start3A_931, %dma_start3A_932, %dma_start3A_933] : memref<2x2048x16xf32, #tpu.memory_space<vmem>> -> memref<1x128x16xf32, #tpu.memory_space<vmem>>
        %dma_start3A_935 = tpu.memref_squeeze %dma_start3A_934 : memref<1x128x16xf32, #tpu.memory_space<vmem>> -> memref<128x16xf32, #tpu.memory_space<vmem>>
        %dma_start3A_936 = arith.constant 384 : i32
        %dma_start3A_937 = tpu.memref_slice %arg6[%dma_start3A_930, %dma_start3A_936] : memref<2x2048xi32, #tpu.memory_space<vmem>> -> memref<1x128xi32, #tpu.memory_space<vmem>>
        %dma_start3A_938 = tpu.memref_squeeze %dma_start3A_937 : memref<1x128xi32, #tpu.memory_space<vmem>> -> memref<128xi32, #tpu.memory_space<vmem>>
        %dma_start3A_939 = arith.constant 0 : i32
        %dma_start3A_940 = arith.constant 0 : i32
        %dma_start3A_941 = tpu.memref_slice %arg2[%dma_start3A_939, %dma_start3A_940] : memref<3276800x16xf32, #tpu.memory_space<hbm>> -> memref<3276800x16xf32, #tpu.memory_space<hbm>>
        tpu.enqueue_indirect_dma source(%dma_start3A_941 : memref<3276800x16xf32, #tpu.memory_space<hbm>>) target(%dma_start3A_935 : memref<128x16xf32, #tpu.memory_space<vmem>>) offsets(%dma_start3A_938 : memref<128xi32, #tpu.memory_space<vmem>>) semaphore(%arg11 : memref<!tpu.dma_semaphore, #tpu.memory_space<semaphore_mem>>)
        %dma_start3A_942 = arith.constant 1 : i32
        %dma_start3A_943 = arith.constant 1 : i32
        %dma_start3A_944 = arith.constant 512 : i32
        %dma_start3A_945 = arith.constant 0 : i32
        %dma_start3A_946 = tpu.memref_slice %arg8[%dma_start3A_943, %dma_start3A_944, %dma_start3A_945] : memref<2x2048x16xf32, #tpu.memory_space<vmem>> -> memref<1x128x16xf32, #tpu.memory_space<vmem>>
        %dma_start3A_947 = tpu.memref_squeeze %dma_start3A_946 : memref<1x128x16xf32, #tpu.memory_space<vmem>> -> memref<128x16xf32, #tpu.memory_space<vmem>>
        %dma_start3A_948 = arith.constant 512 : i32
        %dma_start3A_949 = tpu.memref_slice %arg6[%dma_start3A_942, %dma_start3A_948] : memref<2x2048xi32, #tpu.memory_space<vmem>> -> memref<1x128xi32, #tpu.memory_space<vmem>>
        %dma_start3A_950 = tpu.memref_squeeze %dma_start3A_949 : memref<1x128xi32, #tpu.memory_space<vmem>> -> memref<128xi32, #tpu.memory_space<vmem>>
        %dma_start3A_951 = arith.constant 0 : i32
        %dma_start3A_952 = arith.constant 0 : i32
        %dma_start3A_953 = tpu.memref_slice %arg2[%dma_start3A_951, %dma_start3A_952] : memref<3276800x16xf32, #tpu.memory_space<hbm>> -> memref<3276800x16xf32, #tpu.memory_space<hbm>>
        tpu.enqueue_indirect_dma source(%dma_start3A_953 : memref<3276800x16xf32, #tpu.memory_space<hbm>>) target(%dma_start3A_947 : memref<128x16xf32, #tpu.memory_space<vmem>>) offsets(%dma_start3A_950 : memref<128xi32, #tpu.memory_space<vmem>>) semaphore(%arg11 : memref<!tpu.dma_semaphore, #tpu.memory_space<semaphore_mem>>)
        %dma_start3A_954 = arith.constant 1 : i32
        %dma_start3A_955 = arith.constant 1 : i32
        %dma_start3A_956 = arith.constant 640 : i32
        %dma_start3A_957 = arith.constant 0 : i32
        %dma_start3A_958 = tpu.memref_slice %arg8[%dma_start3A_955, %dma_start3A_956, %dma_start3A_957] : memref<2x2048x16xf32, #tpu.memory_space<vmem>> -> memref<1x128x16xf32, #tpu.memory_space<vmem>>
        %dma_start3A_959 = tpu.memref_squeeze %dma_start3A_958 : memref<1x128x16xf32, #tpu.memory_space<vmem>> -> memref<128x16xf32, #tpu.memory_space<vmem>>
        %dma_start3A_960 = arith.constant 640 : i32
        %dma_start3A_961 = tpu.memref_slice %arg6[%dma_start3A_954, %dma_start3A_960] : memref<2x2048xi32, #tpu.memory_space<vmem>> -> memref<1x128xi32, #tpu.memory_space<vmem>>
        %dma_start3A_962 = tpu.memref_squeeze %dma_start3A_961 : memref<1x128xi32, #tpu.memory_space<vmem>> -> memref<128xi32, #tpu.memory_space<vmem>>
        %dma_start3A_963 = arith.constant 0 : i32
        %dma_start3A_964 = arith.constant 0 : i32
        %dma_start3A_965 = tpu.memref_slice %arg2[%dma_start3A_963, %dma_start3A_964] : memref<3276800x16xf32, #tpu.memory_space<hbm>> -> memref<3276800x16xf32, #tpu.memory_space<hbm>>
        tpu.enqueue_indirect_dma source(%dma_start3A_965 : memref<3276800x16xf32, #tpu.memory_space<hbm>>) target(%dma_start3A_959 : memref<128x16xf32, #tpu.memory_space<vmem>>) offsets(%dma_start3A_962 : memref<128xi32, #tpu.memory_space<vmem>>) semaphore(%arg11 : memref<!tpu.dma_semaphore, #tpu.memory_space<semaphore_mem>>)
        %dma_start3A_966 = arith.constant 1 : i32
        %dma_start3A_967 = arith.constant 1 : i32
        %dma_start3A_968 = arith.constant 768 : i32
        %dma_start3A_969 = arith.constant 0 : i32
        %dma_start3A_970 = tpu.memref_slice %arg8[%dma_start3A_967, %dma_start3A_968, %dma_start3A_969] : memref<2x2048x16xf32, #tpu.memory_space<vmem>> -> memref<1x128x16xf32, #tpu.memory_space<vmem>>
        %dma_start3A_971 = tpu.memref_squeeze %dma_start3A_970 : memref<1x128x16xf32, #tpu.memory_space<vmem>> -> memref<128x16xf32, #tpu.memory_space<vmem>>
        %dma_start3A_972 = arith.constant 768 : i32
        %dma_start3A_973 = tpu.memref_slice %arg6[%dma_start3A_966, %dma_start3A_972] : memref<2x2048xi32, #tpu.memory_space<vmem>> -> memref<1x128xi32, #tpu.memory_space<vmem>>
        %dma_start3A_974 = tpu.memref_squeeze %dma_start3A_973 : memref<1x128xi32, #tpu.memory_space<vmem>> -> memref<128xi32, #tpu.memory_space<vmem>>
        %dma_start3A_975 = arith.constant 0 : i32
        %dma_start3A_976 = arith.constant 0 : i32
        %dma_start3A_977 = tpu.memref_slice %arg2[%dma_start3A_975, %dma_start3A_976] : memref<3276800x16xf32, #tpu.memory_space<hbm>> -> memref<3276800x16xf32, #tpu.memory_space<hbm>>
        tpu.enqueue_indirect_dma source(%dma_start3A_977 : memref<3276800x16xf32, #tpu.memory_space<hbm>>) target(%dma_start3A_971 : memref<128x16xf32, #tpu.memory_space<vmem>>) offsets(%dma_start3A_974 : memref<128xi32, #tpu.memory_space<vmem>>) semaphore(%arg11 : memref<!tpu.dma_semaphore, #tpu.memory_space<semaphore_mem>>)
        %dma_start3A_978 = arith.constant 1 : i32
        %dma_start3A_979 = arith.constant 1 : i32
        %dma_start3A_980 = arith.constant 896 : i32
        %dma_start3A_981 = arith.constant 0 : i32
        %dma_start3A_982 = tpu.memref_slice %arg8[%dma_start3A_979, %dma_start3A_980, %dma_start3A_981] : memref<2x2048x16xf32, #tpu.memory_space<vmem>> -> memref<1x128x16xf32, #tpu.memory_space<vmem>>
        %dma_start3A_983 = tpu.memref_squeeze %dma_start3A_982 : memref<1x128x16xf32, #tpu.memory_space<vmem>> -> memref<128x16xf32, #tpu.memory_space<vmem>>
        %dma_start3A_984 = arith.constant 896 : i32
        %dma_start3A_985 = tpu.memref_slice %arg6[%dma_start3A_978, %dma_start3A_984] : memref<2x2048xi32, #tpu.memory_space<vmem>> -> memref<1x128xi32, #tpu.memory_space<vmem>>
        %dma_start3A_986 = tpu.memref_squeeze %dma_start3A_985 : memref<1x128xi32, #tpu.memory_space<vmem>> -> memref<128xi32, #tpu.memory_space<vmem>>
        %dma_start3A_987 = arith.constant 0 : i32
        %dma_start3A_988 = arith.constant 0 : i32
        %dma_start3A_989 = tpu.memref_slice %arg2[%dma_start3A_987, %dma_start3A_988] : memref<3276800x16xf32, #tpu.memory_space<hbm>> -> memref<3276800x16xf32, #tpu.memory_space<hbm>>
        tpu.enqueue_indirect_dma source(%dma_start3A_989 : memref<3276800x16xf32, #tpu.memory_space<hbm>>) target(%dma_start3A_983 : memref<128x16xf32, #tpu.memory_space<vmem>>) offsets(%dma_start3A_986 : memref<128xi32, #tpu.memory_space<vmem>>) semaphore(%arg11 : memref<!tpu.dma_semaphore, #tpu.memory_space<semaphore_mem>>)
        %dma_start3A_990 = arith.constant 1 : i32
        %dma_start3A_991 = arith.constant 1 : i32
        %dma_start3A_992 = arith.constant 1024 : i32
        %dma_start3A_993 = arith.constant 0 : i32
        %dma_start3A_994 = tpu.memref_slice %arg8[%dma_start3A_991, %dma_start3A_992, %dma_start3A_993] : memref<2x2048x16xf32, #tpu.memory_space<vmem>> -> memref<1x128x16xf32, #tpu.memory_space<vmem>>
        %dma_start3A_995 = tpu.memref_squeeze %dma_start3A_994 : memref<1x128x16xf32, #tpu.memory_space<vmem>> -> memref<128x16xf32, #tpu.memory_space<vmem>>
        %dma_start3A_996 = arith.constant 1024 : i32
        %dma_start3A_997 = tpu.memref_slice %arg6[%dma_start3A_990, %dma_start3A_996] : memref<2x2048xi32, #tpu.memory_space<vmem>> -> memref<1x128xi32, #tpu.memory_space<vmem>>
        %dma_start3A_998 = tpu.memref_squeeze %dma_start3A_997 : memref<1x128xi32, #tpu.memory_space<vmem>> -> memref<128xi32, #tpu.memory_space<vmem>>
        %dma_start3A_999 = arith.constant 0 : i32
        %dma_start3A_1000 = arith.constant 0 : i32
        %dma_start3A_1001 = tpu.memref_slice %arg2[%dma_start3A_999, %dma_start3A_1000] : memref<3276800x16xf32, #tpu.memory_space<hbm>> -> memref<3276800x16xf32, #tpu.memory_space<hbm>>
        tpu.enqueue_indirect_dma source(%dma_start3A_1001 : memref<3276800x16xf32, #tpu.memory_space<hbm>>) target(%dma_start3A_995 : memref<128x16xf32, #tpu.memory_space<vmem>>) offsets(%dma_start3A_998 : memref<128xi32, #tpu.memory_space<vmem>>) semaphore(%arg11 : memref<!tpu.dma_semaphore, #tpu.memory_space<semaphore_mem>>)
        %dma_start3A_1002 = arith.constant 1 : i32
        %dma_start3A_1003 = arith.constant 1 : i32
        %dma_start3A_1004 = arith.constant 1152 : i32
        %dma_start3A_1005 = arith.constant 0 : i32
        %dma_start3A_1006 = tpu.memref_slice %arg8[%dma_start3A_1003, %dma_start3A_1004, %dma_start3A_1005] : memref<2x2048x16xf32, #tpu.memory_space<vmem>> -> memref<1x128x16xf32, #tpu.memory_space<vmem>>
        %dma_start3A_1007 = tpu.memref_squeeze %dma_start3A_1006 : memref<1x128x16xf32, #tpu.memory_space<vmem>> -> memref<128x16xf32, #tpu.memory_space<vmem>>
        %dma_start3A_1008 = arith.constant 1152 : i32
        %dma_start3A_1009 = tpu.memref_slice %arg6[%dma_start3A_1002, %dma_start3A_1008] : memref<2x2048xi32, #tpu.memory_space<vmem>> -> memref<1x128xi32, #tpu.memory_space<vmem>>
        %dma_start3A_1010 = tpu.memref_squeeze %dma_start3A_1009 : memref<1x128xi32, #tpu.memory_space<vmem>> -> memref<128xi32, #tpu.memory_space<vmem>>
        %dma_start3A_1011 = arith.constant 0 : i32
        %dma_start3A_1012 = arith.constant 0 : i32
        %dma_start3A_1013 = tpu.memref_slice %arg2[%dma_start3A_1011, %dma_start3A_1012] : memref<3276800x16xf32, #tpu.memory_space<hbm>> -> memref<3276800x16xf32, #tpu.memory_space<hbm>>
        tpu.enqueue_indirect_dma source(%dma_start3A_1013 : memref<3276800x16xf32, #tpu.memory_space<hbm>>) target(%dma_start3A_1007 : memref<128x16xf32, #tpu.memory_space<vmem>>) offsets(%dma_start3A_1010 : memref<128xi32, #tpu.memory_space<vmem>>) semaphore(%arg11 : memref<!tpu.dma_semaphore, #tpu.memory_space<semaphore_mem>>)
        %dma_start3A_1014 = arith.constant 1 : i32
        %dma_start3A_1015 = arith.constant 1 : i32
        %dma_start3A_1016 = arith.constant 1280 : i32
        %dma_start3A_1017 = arith.constant 0 : i32
        %dma_start3A_1018 = tpu.memref_slice %arg8[%dma_start3A_1015, %dma_start3A_1016, %dma_start3A_1017] : memref<2x2048x16xf32, #tpu.memory_space<vmem>> -> memref<1x128x16xf32, #tpu.memory_space<vmem>>
        %dma_start3A_1019 = tpu.memref_squeeze %dma_start3A_1018 : memref<1x128x16xf32, #tpu.memory_space<vmem>> -> memref<128x16xf32, #tpu.memory_space<vmem>>
        %dma_start3A_1020 = arith.constant 1280 : i32
        %dma_start3A_1021 = tpu.memref_slice %arg6[%dma_start3A_1014, %dma_start3A_1020] : memref<2x2048xi32, #tpu.memory_space<vmem>> -> memref<1x128xi32, #tpu.memory_space<vmem>>
        %dma_start3A_1022 = tpu.memref_squeeze %dma_start3A_1021 : memref<1x128xi32, #tpu.memory_space<vmem>> -> memref<128xi32, #tpu.memory_space<vmem>>
        %dma_start3A_1023 = arith.constant 0 : i32
        %dma_start3A_1024 = arith.constant 0 : i32
        %dma_start3A_1025 = tpu.memref_slice %arg2[%dma_start3A_1023, %dma_start3A_1024] : memref<3276800x16xf32, #tpu.memory_space<hbm>> -> memref<3276800x16xf32, #tpu.memory_space<hbm>>
        tpu.enqueue_indirect_dma source(%dma_start3A_1025 : memref<3276800x16xf32, #tpu.memory_space<hbm>>) target(%dma_start3A_1019 : memref<128x16xf32, #tpu.memory_space<vmem>>) offsets(%dma_start3A_1022 : memref<128xi32, #tpu.memory_space<vmem>>) semaphore(%arg11 : memref<!tpu.dma_semaphore, #tpu.memory_space<semaphore_mem>>)
        %dma_start3A_1026 = arith.constant 1 : i32
        %dma_start3A_1027 = arith.constant 1 : i32
        %dma_start3A_1028 = arith.constant 1408 : i32
        %dma_start3A_1029 = arith.constant 0 : i32
        %dma_start3A_1030 = tpu.memref_slice %arg8[%dma_start3A_1027, %dma_start3A_1028, %dma_start3A_1029] : memref<2x2048x16xf32, #tpu.memory_space<vmem>> -> memref<1x128x16xf32, #tpu.memory_space<vmem>>
        %dma_start3A_1031 = tpu.memref_squeeze %dma_start3A_1030 : memref<1x128x16xf32, #tpu.memory_space<vmem>> -> memref<128x16xf32, #tpu.memory_space<vmem>>
        %dma_start3A_1032 = arith.constant 1408 : i32
        %dma_start3A_1033 = tpu.memref_slice %arg6[%dma_start3A_1026, %dma_start3A_1032] : memref<2x2048xi32, #tpu.memory_space<vmem>> -> memref<1x128xi32, #tpu.memory_space<vmem>>
        %dma_start3A_1034 = tpu.memref_squeeze %dma_start3A_1033 : memref<1x128xi32, #tpu.memory_space<vmem>> -> memref<128xi32, #tpu.memory_space<vmem>>
        %dma_start3A_1035 = arith.constant 0 : i32
        %dma_start3A_1036 = arith.constant 0 : i32
        %dma_start3A_1037 = tpu.memref_slice %arg2[%dma_start3A_1035, %dma_start3A_1036] : memref<3276800x16xf32, #tpu.memory_space<hbm>> -> memref<3276800x16xf32, #tpu.memory_space<hbm>>
        tpu.enqueue_indirect_dma source(%dma_start3A_1037 : memref<3276800x16xf32, #tpu.memory_space<hbm>>) target(%dma_start3A_1031 : memref<128x16xf32, #tpu.memory_space<vmem>>) offsets(%dma_start3A_1034 : memref<128xi32, #tpu.memory_space<vmem>>) semaphore(%arg11 : memref<!tpu.dma_semaphore, #tpu.memory_space<semaphore_mem>>)
        %dma_start3A_1038 = arith.constant 1 : i32
        %dma_start3A_1039 = arith.constant 1 : i32
        %dma_start3A_1040 = arith.constant 1536 : i32
        %dma_start3A_1041 = arith.constant 0 : i32
        %dma_start3A_1042 = tpu.memref_slice %arg8[%dma_start3A_1039, %dma_start3A_1040, %dma_start3A_1041] : memref<2x2048x16xf32, #tpu.memory_space<vmem>> -> memref<1x128x16xf32, #tpu.memory_space<vmem>>
        %dma_start3A_1043 = tpu.memref_squeeze %dma_start3A_1042 : memref<1x128x16xf32, #tpu.memory_space<vmem>> -> memref<128x16xf32, #tpu.memory_space<vmem>>
        %dma_start3A_1044 = arith.constant 1536 : i32
        %dma_start3A_1045 = tpu.memref_slice %arg6[%dma_start3A_1038, %dma_start3A_1044] : memref<2x2048xi32, #tpu.memory_space<vmem>> -> memref<1x128xi32, #tpu.memory_space<vmem>>
        %dma_start3A_1046 = tpu.memref_squeeze %dma_start3A_1045 : memref<1x128xi32, #tpu.memory_space<vmem>> -> memref<128xi32, #tpu.memory_space<vmem>>
        %dma_start3A_1047 = arith.constant 0 : i32
        %dma_start3A_1048 = arith.constant 0 : i32
        %dma_start3A_1049 = tpu.memref_slice %arg2[%dma_start3A_1047, %dma_start3A_1048] : memref<3276800x16xf32, #tpu.memory_space<hbm>> -> memref<3276800x16xf32, #tpu.memory_space<hbm>>
        tpu.enqueue_indirect_dma source(%dma_start3A_1049 : memref<3276800x16xf32, #tpu.memory_space<hbm>>) target(%dma_start3A_1043 : memref<128x16xf32, #tpu.memory_space<vmem>>) offsets(%dma_start3A_1046 : memref<128xi32, #tpu.memory_space<vmem>>) semaphore(%arg11 : memref<!tpu.dma_semaphore, #tpu.memory_space<semaphore_mem>>)
        %dma_start3A_1050 = arith.constant 1 : i32
        %dma_start3A_1051 = arith.constant 1 : i32
        %dma_start3A_1052 = arith.constant 1664 : i32
        %dma_start3A_1053 = arith.constant 0 : i32
        %dma_start3A_1054 = tpu.memref_slice %arg8[%dma_start3A_1051, %dma_start3A_1052, %dma_start3A_1053] : memref<2x2048x16xf32, #tpu.memory_space<vmem>> -> memref<1x128x16xf32, #tpu.memory_space<vmem>>
        %dma_start3A_1055 = tpu.memref_squeeze %dma_start3A_1054 : memref<1x128x16xf32, #tpu.memory_space<vmem>> -> memref<128x16xf32, #tpu.memory_space<vmem>>
        %dma_start3A_1056 = arith.constant 1664 : i32
        %dma_start3A_1057 = tpu.memref_slice %arg6[%dma_start3A_1050, %dma_start3A_1056] : memref<2x2048xi32, #tpu.memory_space<vmem>> -> memref<1x128xi32, #tpu.memory_space<vmem>>
        %dma_start3A_1058 = tpu.memref_squeeze %dma_start3A_1057 : memref<1x128xi32, #tpu.memory_space<vmem>> -> memref<128xi32, #tpu.memory_space<vmem>>
        %dma_start3A_1059 = arith.constant 0 : i32
        %dma_start3A_1060 = arith.constant 0 : i32
        %dma_start3A_1061 = tpu.memref_slice %arg2[%dma_start3A_1059, %dma_start3A_1060] : memref<3276800x16xf32, #tpu.memory_space<hbm>> -> memref<3276800x16xf32, #tpu.memory_space<hbm>>
        tpu.enqueue_indirect_dma source(%dma_start3A_1061 : memref<3276800x16xf32, #tpu.memory_space<hbm>>) target(%dma_start3A_1055 : memref<128x16xf32, #tpu.memory_space<vmem>>) offsets(%dma_start3A_1058 : memref<128xi32, #tpu.memory_space<vmem>>) semaphore(%arg11 : memref<!tpu.dma_semaphore, #tpu.memory_space<semaphore_mem>>)
        %dma_start3A_1062 = arith.constant 1 : i32
        %dma_start3A_1063 = arith.constant 1 : i32
        %dma_start3A_1064 = arith.constant 1792 : i32
        %dma_start3A_1065 = arith.constant 0 : i32
        %dma_start3A_1066 = tpu.memref_slice %arg8[%dma_start3A_1063, %dma_start3A_1064, %dma_start3A_1065] : memref<2x2048x16xf32, #tpu.memory_space<vmem>> -> memref<1x128x16xf32, #tpu.memory_space<vmem>>
        %dma_start3A_1067 = tpu.memref_squeeze %dma_start3A_1066 : memref<1x128x16xf32, #tpu.memory_space<vmem>> -> memref<128x16xf32, #tpu.memory_space<vmem>>
        %dma_start3A_1068 = arith.constant 1792 : i32
        %dma_start3A_1069 = tpu.memref_slice %arg6[%dma_start3A_1062, %dma_start3A_1068] : memref<2x2048xi32, #tpu.memory_space<vmem>> -> memref<1x128xi32, #tpu.memory_space<vmem>>
        %dma_start3A_1070 = tpu.memref_squeeze %dma_start3A_1069 : memref<1x128xi32, #tpu.memory_space<vmem>> -> memref<128xi32, #tpu.memory_space<vmem>>
        %dma_start3A_1071 = arith.constant 0 : i32
        %dma_start3A_1072 = arith.constant 0 : i32
        %dma_start3A_1073 = tpu.memref_slice %arg2[%dma_start3A_1071, %dma_start3A_1072] : memref<3276800x16xf32, #tpu.memory_space<hbm>> -> memref<3276800x16xf32, #tpu.memory_space<hbm>>
        tpu.enqueue_indirect_dma source(%dma_start3A_1073 : memref<3276800x16xf32, #tpu.memory_space<hbm>>) target(%dma_start3A_1067 : memref<128x16xf32, #tpu.memory_space<vmem>>) offsets(%dma_start3A_1070 : memref<128xi32, #tpu.memory_space<vmem>>) semaphore(%arg11 : memref<!tpu.dma_semaphore, #tpu.memory_space<semaphore_mem>>)
        %dma_start3A_1074 = arith.constant 1 : i32
        %dma_start3A_1075 = arith.constant 1 : i32
        %dma_start3A_1076 = arith.constant 1920 : i32
        %dma_start3A_1077 = arith.constant 0 : i32
        %dma_start3A_1078 = tpu.memref_slice %arg8[%dma_start3A_1075, %dma_start3A_1076, %dma_start3A_1077] : memref<2x2048x16xf32, #tpu.memory_space<vmem>> -> memref<1x128x16xf32, #tpu.memory_space<vmem>>
        %dma_start3A_1079 = tpu.memref_squeeze %dma_start3A_1078 : memref<1x128x16xf32, #tpu.memory_space<vmem>> -> memref<128x16xf32, #tpu.memory_space<vmem>>
        %dma_start3A_1080 = arith.constant 1920 : i32
        %dma_start3A_1081 = tpu.memref_slice %arg6[%dma_start3A_1074, %dma_start3A_1080] : memref<2x2048xi32, #tpu.memory_space<vmem>> -> memref<1x128xi32, #tpu.memory_space<vmem>>
        %dma_start3A_1082 = tpu.memref_squeeze %dma_start3A_1081 : memref<1x128xi32, #tpu.memory_space<vmem>> -> memref<128xi32, #tpu.memory_space<vmem>>
        %dma_start3A_1083 = arith.constant 0 : i32
        %dma_start3A_1084 = arith.constant 0 : i32
        %dma_start3A_1085 = tpu.memref_slice %arg2[%dma_start3A_1083, %dma_start3A_1084] : memref<3276800x16xf32, #tpu.memory_space<hbm>> -> memref<3276800x16xf32, #tpu.memory_space<hbm>>
        tpu.enqueue_indirect_dma source(%dma_start3A_1085 : memref<3276800x16xf32, #tpu.memory_space<hbm>>) target(%dma_start3A_1079 : memref<128x16xf32, #tpu.memory_space<vmem>>) offsets(%dma_start3A_1082 : memref<128xi32, #tpu.memory_space<vmem>>) semaphore(%arg11 : memref<!tpu.dma_semaphore, #tpu.memory_space<semaphore_mem>>)
      } else {
      }
      %dma_wait3A_341 = arith.constant 0 : i32
      %dma_wait3A_342 = arith.constant 0 : i32
      %dma_wait3A_343 = arith.constant 0 : i32
      %dma_wait3A_344 = arith.constant 0 : i32
      %dma_wait3A_345 = tpu.memref_slice %arg8[%dma_wait3A_342, %dma_wait3A_343, %dma_wait3A_344] : memref<2x2048x16xf32, #tpu.memory_space<vmem>> -> memref<1x128x16xf32, #tpu.memory_space<vmem>>
      %dma_wait3A_346 = tpu.memref_squeeze %dma_wait3A_345 : memref<1x128x16xf32, #tpu.memory_space<vmem>> -> memref<128x16xf32, #tpu.memory_space<vmem>>
      %dma_wait3A_347 = arith.constant 0 : i32
      %dma_wait3A_348 = tpu.memref_slice %arg6[%dma_wait3A_341, %dma_wait3A_347] : memref<2x2048xi32, #tpu.memory_space<vmem>> -> memref<1x128xi32, #tpu.memory_space<vmem>>
      %dma_wait3A_349 = tpu.memref_squeeze %dma_wait3A_348 : memref<1x128xi32, #tpu.memory_space<vmem>> -> memref<128xi32, #tpu.memory_space<vmem>>
      %dma_wait3A_350 = arith.constant 0 : i32
      %dma_wait3A_351 = arith.constant 0 : i32
      %dma_wait3A_352 = tpu.memref_slice %arg2[%dma_wait3A_350, %dma_wait3A_351] : memref<3276800x16xf32, #tpu.memory_space<hbm>> -> memref<3276800x16xf32, #tpu.memory_space<hbm>>
      tpu.wait_indirect_dma semaphore(%arg11 : memref<!tpu.dma_semaphore, #tpu.memory_space<semaphore_mem>>) src(%dma_wait3A_352 : memref<3276800x16xf32, #tpu.memory_space<hbm>>) dst(%dma_wait3A_346 : memref<128x16xf32, #tpu.memory_space<vmem>>)
      %dma_wait3A_353 = arith.constant 0 : i32
      %dma_wait3A_354 = arith.constant 0 : i32
      %dma_wait3A_355 = arith.constant 128 : i32
      %dma_wait3A_356 = arith.constant 0 : i32
      %dma_wait3A_357 = tpu.memref_slice %arg8[%dma_wait3A_354, %dma_wait3A_355, %dma_wait3A_356] : memref<2x2048x16xf32, #tpu.memory_space<vmem>> -> memref<1x128x16xf32, #tpu.memory_space<vmem>>
      %dma_wait3A_358 = tpu.memref_squeeze %dma_wait3A_357 : memref<1x128x16xf32, #tpu.memory_space<vmem>> -> memref<128x16xf32, #tpu.memory_space<vmem>>
      %dma_wait3A_359 = arith.constant 128 : i32
      %dma_wait3A_360 = tpu.memref_slice %arg6[%dma_wait3A_353, %dma_wait3A_359] : memref<2x2048xi32, #tpu.memory_space<vmem>> -> memref<1x128xi32, #tpu.memory_space<vmem>>
      %dma_wait3A_361 = tpu.memref_squeeze %dma_wait3A_360 : memref<1x128xi32, #tpu.memory_space<vmem>> -> memref<128xi32, #tpu.memory_space<vmem>>
      %dma_wait3A_362 = arith.constant 0 : i32
      %dma_wait3A_363 = arith.constant 0 : i32
      %dma_wait3A_364 = tpu.memref_slice %arg2[%dma_wait3A_362, %dma_wait3A_363] : memref<3276800x16xf32, #tpu.memory_space<hbm>> -> memref<3276800x16xf32, #tpu.memory_space<hbm>>
      tpu.wait_indirect_dma semaphore(%arg11 : memref<!tpu.dma_semaphore, #tpu.memory_space<semaphore_mem>>) src(%dma_wait3A_364 : memref<3276800x16xf32, #tpu.memory_space<hbm>>) dst(%dma_wait3A_358 : memref<128x16xf32, #tpu.memory_space<vmem>>)
      %dma_wait3A_365 = arith.constant 0 : i32
      %dma_wait3A_366 = arith.constant 0 : i32
      %dma_wait3A_367 = arith.constant 256 : i32
      %dma_wait3A_368 = arith.constant 0 : i32
      %dma_wait3A_369 = tpu.memref_slice %arg8[%dma_wait3A_366, %dma_wait3A_367, %dma_wait3A_368] : memref<2x2048x16xf32, #tpu.memory_space<vmem>> -> memref<1x128x16xf32, #tpu.memory_space<vmem>>
      %dma_wait3A_370 = tpu.memref_squeeze %dma_wait3A_369 : memref<1x128x16xf32, #tpu.memory_space<vmem>> -> memref<128x16xf32, #tpu.memory_space<vmem>>
      %dma_wait3A_371 = arith.constant 256 : i32
      %dma_wait3A_372 = tpu.memref_slice %arg6[%dma_wait3A_365, %dma_wait3A_371] : memref<2x2048xi32, #tpu.memory_space<vmem>> -> memref<1x128xi32, #tpu.memory_space<vmem>>
      %dma_wait3A_373 = tpu.memref_squeeze %dma_wait3A_372 : memref<1x128xi32, #tpu.memory_space<vmem>> -> memref<128xi32, #tpu.memory_space<vmem>>
      %dma_wait3A_374 = arith.constant 0 : i32
      %dma_wait3A_375 = arith.constant 0 : i32
      %dma_wait3A_376 = tpu.memref_slice %arg2[%dma_wait3A_374, %dma_wait3A_375] : memref<3276800x16xf32, #tpu.memory_space<hbm>> -> memref<3276800x16xf32, #tpu.memory_space<hbm>>
      tpu.wait_indirect_dma semaphore(%arg11 : memref<!tpu.dma_semaphore, #tpu.memory_space<semaphore_mem>>) src(%dma_wait3A_376 : memref<3276800x16xf32, #tpu.memory_space<hbm>>) dst(%dma_wait3A_370 : memref<128x16xf32, #tpu.memory_space<vmem>>)
      %dma_wait3A_377 = arith.constant 0 : i32
      %dma_wait3A_378 = arith.constant 0 : i32
      %dma_wait3A_379 = arith.constant 384 : i32
      %dma_wait3A_380 = arith.constant 0 : i32
      %dma_wait3A_381 = tpu.memref_slice %arg8[%dma_wait3A_378, %dma_wait3A_379, %dma_wait3A_380] : memref<2x2048x16xf32, #tpu.memory_space<vmem>> -> memref<1x128x16xf32, #tpu.memory_space<vmem>>
      %dma_wait3A_382 = tpu.memref_squeeze %dma_wait3A_381 : memref<1x128x16xf32, #tpu.memory_space<vmem>> -> memref<128x16xf32, #tpu.memory_space<vmem>>
      %dma_wait3A_383 = arith.constant 384 : i32
      %dma_wait3A_384 = tpu.memref_slice %arg6[%dma_wait3A_377, %dma_wait3A_383] : memref<2x2048xi32, #tpu.memory_space<vmem>> -> memref<1x128xi32, #tpu.memory_space<vmem>>
      %dma_wait3A_385 = tpu.memref_squeeze %dma_wait3A_384 : memref<1x128xi32, #tpu.memory_space<vmem>> -> memref<128xi32, #tpu.memory_space<vmem>>
      %dma_wait3A_386 = arith.constant 0 : i32
      %dma_wait3A_387 = arith.constant 0 : i32
      %dma_wait3A_388 = tpu.memref_slice %arg2[%dma_wait3A_386, %dma_wait3A_387] : memref<3276800x16xf32, #tpu.memory_space<hbm>> -> memref<3276800x16xf32, #tpu.memory_space<hbm>>
      tpu.wait_indirect_dma semaphore(%arg11 : memref<!tpu.dma_semaphore, #tpu.memory_space<semaphore_mem>>) src(%dma_wait3A_388 : memref<3276800x16xf32, #tpu.memory_space<hbm>>) dst(%dma_wait3A_382 : memref<128x16xf32, #tpu.memory_space<vmem>>)
      %dma_wait3A_389 = arith.constant 0 : i32
      %dma_wait3A_390 = arith.constant 0 : i32
      %dma_wait3A_391 = arith.constant 512 : i32
      %dma_wait3A_392 = arith.constant 0 : i32
      %dma_wait3A_393 = tpu.memref_slice %arg8[%dma_wait3A_390, %dma_wait3A_391, %dma_wait3A_392] : memref<2x2048x16xf32, #tpu.memory_space<vmem>> -> memref<1x128x16xf32, #tpu.memory_space<vmem>>
      %dma_wait3A_394 = tpu.memref_squeeze %dma_wait3A_393 : memref<1x128x16xf32, #tpu.memory_space<vmem>> -> memref<128x16xf32, #tpu.memory_space<vmem>>
      %dma_wait3A_395 = arith.constant 512 : i32
      %dma_wait3A_396 = tpu.memref_slice %arg6[%dma_wait3A_389, %dma_wait3A_395] : memref<2x2048xi32, #tpu.memory_space<vmem>> -> memref<1x128xi32, #tpu.memory_space<vmem>>
      %dma_wait3A_397 = tpu.memref_squeeze %dma_wait3A_396 : memref<1x128xi32, #tpu.memory_space<vmem>> -> memref<128xi32, #tpu.memory_space<vmem>>
      %dma_wait3A_398 = arith.constant 0 : i32
      %dma_wait3A_399 = arith.constant 0 : i32
      %dma_wait3A_400 = tpu.memref_slice %arg2[%dma_wait3A_398, %dma_wait3A_399] : memref<3276800x16xf32, #tpu.memory_space<hbm>> -> memref<3276800x16xf32, #tpu.memory_space<hbm>>
      tpu.wait_indirect_dma semaphore(%arg11 : memref<!tpu.dma_semaphore, #tpu.memory_space<semaphore_mem>>) src(%dma_wait3A_400 : memref<3276800x16xf32, #tpu.memory_space<hbm>>) dst(%dma_wait3A_394 : memref<128x16xf32, #tpu.memory_space<vmem>>)
      %dma_wait3A_401 = arith.constant 0 : i32
      %dma_wait3A_402 = arith.constant 0 : i32
      %dma_wait3A_403 = arith.constant 640 : i32
      %dma_wait3A_404 = arith.constant 0 : i32
      %dma_wait3A_405 = tpu.memref_slice %arg8[%dma_wait3A_402, %dma_wait3A_403, %dma_wait3A_404] : memref<2x2048x16xf32, #tpu.memory_space<vmem>> -> memref<1x128x16xf32, #tpu.memory_space<vmem>>
      %dma_wait3A_406 = tpu.memref_squeeze %dma_wait3A_405 : memref<1x128x16xf32, #tpu.memory_space<vmem>> -> memref<128x16xf32, #tpu.memory_space<vmem>>
      %dma_wait3A_407 = arith.constant 640 : i32
      %dma_wait3A_408 = tpu.memref_slice %arg6[%dma_wait3A_401, %dma_wait3A_407] : memref<2x2048xi32, #tpu.memory_space<vmem>> -> memref<1x128xi32, #tpu.memory_space<vmem>>
      %dma_wait3A_409 = tpu.memref_squeeze %dma_wait3A_408 : memref<1x128xi32, #tpu.memory_space<vmem>> -> memref<128xi32, #tpu.memory_space<vmem>>
      %dma_wait3A_410 = arith.constant 0 : i32
      %dma_wait3A_411 = arith.constant 0 : i32
      %dma_wait3A_412 = tpu.memref_slice %arg2[%dma_wait3A_410, %dma_wait3A_411] : memref<3276800x16xf32, #tpu.memory_space<hbm>> -> memref<3276800x16xf32, #tpu.memory_space<hbm>>
      tpu.wait_indirect_dma semaphore(%arg11 : memref<!tpu.dma_semaphore, #tpu.memory_space<semaphore_mem>>) src(%dma_wait3A_412 : memref<3276800x16xf32, #tpu.memory_space<hbm>>) dst(%dma_wait3A_406 : memref<128x16xf32, #tpu.memory_space<vmem>>)
      %dma_wait3A_413 = arith.constant 0 : i32
      %dma_wait3A_414 = arith.constant 0 : i32
      %dma_wait3A_415 = arith.constant 768 : i32
      %dma_wait3A_416 = arith.constant 0 : i32
      %dma_wait3A_417 = tpu.memref_slice %arg8[%dma_wait3A_414, %dma_wait3A_415, %dma_wait3A_416] : memref<2x2048x16xf32, #tpu.memory_space<vmem>> -> memref<1x128x16xf32, #tpu.memory_space<vmem>>
      %dma_wait3A_418 = tpu.memref_squeeze %dma_wait3A_417 : memref<1x128x16xf32, #tpu.memory_space<vmem>> -> memref<128x16xf32, #tpu.memory_space<vmem>>
      %dma_wait3A_419 = arith.constant 768 : i32
      %dma_wait3A_420 = tpu.memref_slice %arg6[%dma_wait3A_413, %dma_wait3A_419] : memref<2x2048xi32, #tpu.memory_space<vmem>> -> memref<1x128xi32, #tpu.memory_space<vmem>>
      %dma_wait3A_421 = tpu.memref_squeeze %dma_wait3A_420 : memref<1x128xi32, #tpu.memory_space<vmem>> -> memref<128xi32, #tpu.memory_space<vmem>>
      %dma_wait3A_422 = arith.constant 0 : i32
      %dma_wait3A_423 = arith.constant 0 : i32
      %dma_wait3A_424 = tpu.memref_slice %arg2[%dma_wait3A_422, %dma_wait3A_423] : memref<3276800x16xf32, #tpu.memory_space<hbm>> -> memref<3276800x16xf32, #tpu.memory_space<hbm>>
      tpu.wait_indirect_dma semaphore(%arg11 : memref<!tpu.dma_semaphore, #tpu.memory_space<semaphore_mem>>) src(%dma_wait3A_424 : memref<3276800x16xf32, #tpu.memory_space<hbm>>) dst(%dma_wait3A_418 : memref<128x16xf32, #tpu.memory_space<vmem>>)
      %dma_wait3A_425 = arith.constant 0 : i32
      %dma_wait3A_426 = arith.constant 0 : i32
      %dma_wait3A_427 = arith.constant 896 : i32
      %dma_wait3A_428 = arith.constant 0 : i32
      %dma_wait3A_429 = tpu.memref_slice %arg8[%dma_wait3A_426, %dma_wait3A_427, %dma_wait3A_428] : memref<2x2048x16xf32, #tpu.memory_space<vmem>> -> memref<1x128x16xf32, #tpu.memory_space<vmem>>
      %dma_wait3A_430 = tpu.memref_squeeze %dma_wait3A_429 : memref<1x128x16xf32, #tpu.memory_space<vmem>> -> memref<128x16xf32, #tpu.memory_space<vmem>>
      %dma_wait3A_431 = arith.constant 896 : i32
      %dma_wait3A_432 = tpu.memref_slice %arg6[%dma_wait3A_425, %dma_wait3A_431] : memref<2x2048xi32, #tpu.memory_space<vmem>> -> memref<1x128xi32, #tpu.memory_space<vmem>>
      %dma_wait3A_433 = tpu.memref_squeeze %dma_wait3A_432 : memref<1x128xi32, #tpu.memory_space<vmem>> -> memref<128xi32, #tpu.memory_space<vmem>>
      %dma_wait3A_434 = arith.constant 0 : i32
      %dma_wait3A_435 = arith.constant 0 : i32
      %dma_wait3A_436 = tpu.memref_slice %arg2[%dma_wait3A_434, %dma_wait3A_435] : memref<3276800x16xf32, #tpu.memory_space<hbm>> -> memref<3276800x16xf32, #tpu.memory_space<hbm>>
      tpu.wait_indirect_dma semaphore(%arg11 : memref<!tpu.dma_semaphore, #tpu.memory_space<semaphore_mem>>) src(%dma_wait3A_436 : memref<3276800x16xf32, #tpu.memory_space<hbm>>) dst(%dma_wait3A_430 : memref<128x16xf32, #tpu.memory_space<vmem>>)
      %dma_wait3A_437 = arith.constant 0 : i32
      %dma_wait3A_438 = arith.constant 0 : i32
      %dma_wait3A_439 = arith.constant 1024 : i32
      %dma_wait3A_440 = arith.constant 0 : i32
      %dma_wait3A_441 = tpu.memref_slice %arg8[%dma_wait3A_438, %dma_wait3A_439, %dma_wait3A_440] : memref<2x2048x16xf32, #tpu.memory_space<vmem>> -> memref<1x128x16xf32, #tpu.memory_space<vmem>>
      %dma_wait3A_442 = tpu.memref_squeeze %dma_wait3A_441 : memref<1x128x16xf32, #tpu.memory_space<vmem>> -> memref<128x16xf32, #tpu.memory_space<vmem>>
      %dma_wait3A_443 = arith.constant 1024 : i32
      %dma_wait3A_444 = tpu.memref_slice %arg6[%dma_wait3A_437, %dma_wait3A_443] : memref<2x2048xi32, #tpu.memory_space<vmem>> -> memref<1x128xi32, #tpu.memory_space<vmem>>
      %dma_wait3A_445 = tpu.memref_squeeze %dma_wait3A_444 : memref<1x128xi32, #tpu.memory_space<vmem>> -> memref<128xi32, #tpu.memory_space<vmem>>
      %dma_wait3A_446 = arith.constant 0 : i32
      %dma_wait3A_447 = arith.constant 0 : i32
      %dma_wait3A_448 = tpu.memref_slice %arg2[%dma_wait3A_446, %dma_wait3A_447] : memref<3276800x16xf32, #tpu.memory_space<hbm>> -> memref<3276800x16xf32, #tpu.memory_space<hbm>>
      tpu.wait_indirect_dma semaphore(%arg11 : memref<!tpu.dma_semaphore, #tpu.memory_space<semaphore_mem>>) src(%dma_wait3A_448 : memref<3276800x16xf32, #tpu.memory_space<hbm>>) dst(%dma_wait3A_442 : memref<128x16xf32, #tpu.memory_space<vmem>>)
      %dma_wait3A_449 = arith.constant 0 : i32
      %dma_wait3A_450 = arith.constant 0 : i32
      %dma_wait3A_451 = arith.constant 1152 : i32
      %dma_wait3A_452 = arith.constant 0 : i32
      %dma_wait3A_453 = tpu.memref_slice %arg8[%dma_wait3A_450, %dma_wait3A_451, %dma_wait3A_452] : memref<2x2048x16xf32, #tpu.memory_space<vmem>> -> memref<1x128x16xf32, #tpu.memory_space<vmem>>
      %dma_wait3A_454 = tpu.memref_squeeze %dma_wait3A_453 : memref<1x128x16xf32, #tpu.memory_space<vmem>> -> memref<128x16xf32, #tpu.memory_space<vmem>>
      %dma_wait3A_455 = arith.constant 1152 : i32
      %dma_wait3A_456 = tpu.memref_slice %arg6[%dma_wait3A_449, %dma_wait3A_455] : memref<2x2048xi32, #tpu.memory_space<vmem>> -> memref<1x128xi32, #tpu.memory_space<vmem>>
      %dma_wait3A_457 = tpu.memref_squeeze %dma_wait3A_456 : memref<1x128xi32, #tpu.memory_space<vmem>> -> memref<128xi32, #tpu.memory_space<vmem>>
      %dma_wait3A_458 = arith.constant 0 : i32
      %dma_wait3A_459 = arith.constant 0 : i32
      %dma_wait3A_460 = tpu.memref_slice %arg2[%dma_wait3A_458, %dma_wait3A_459] : memref<3276800x16xf32, #tpu.memory_space<hbm>> -> memref<3276800x16xf32, #tpu.memory_space<hbm>>
      tpu.wait_indirect_dma semaphore(%arg11 : memref<!tpu.dma_semaphore, #tpu.memory_space<semaphore_mem>>) src(%dma_wait3A_460 : memref<3276800x16xf32, #tpu.memory_space<hbm>>) dst(%dma_wait3A_454 : memref<128x16xf32, #tpu.memory_space<vmem>>)
      %dma_wait3A_461 = arith.constant 0 : i32
      %dma_wait3A_462 = arith.constant 0 : i32
      %dma_wait3A_463 = arith.constant 1280 : i32
      %dma_wait3A_464 = arith.constant 0 : i32
      %dma_wait3A_465 = tpu.memref_slice %arg8[%dma_wait3A_462, %dma_wait3A_463, %dma_wait3A_464] : memref<2x2048x16xf32, #tpu.memory_space<vmem>> -> memref<1x128x16xf32, #tpu.memory_space<vmem>>
      %dma_wait3A_466 = tpu.memref_squeeze %dma_wait3A_465 : memref<1x128x16xf32, #tpu.memory_space<vmem>> -> memref<128x16xf32, #tpu.memory_space<vmem>>
      %dma_wait3A_467 = arith.constant 1280 : i32
      %dma_wait3A_468 = tpu.memref_slice %arg6[%dma_wait3A_461, %dma_wait3A_467] : memref<2x2048xi32, #tpu.memory_space<vmem>> -> memref<1x128xi32, #tpu.memory_space<vmem>>
      %dma_wait3A_469 = tpu.memref_squeeze %dma_wait3A_468 : memref<1x128xi32, #tpu.memory_space<vmem>> -> memref<128xi32, #tpu.memory_space<vmem>>
      %dma_wait3A_470 = arith.constant 0 : i32
      %dma_wait3A_471 = arith.constant 0 : i32
      %dma_wait3A_472 = tpu.memref_slice %arg2[%dma_wait3A_470, %dma_wait3A_471] : memref<3276800x16xf32, #tpu.memory_space<hbm>> -> memref<3276800x16xf32, #tpu.memory_space<hbm>>
      tpu.wait_indirect_dma semaphore(%arg11 : memref<!tpu.dma_semaphore, #tpu.memory_space<semaphore_mem>>) src(%dma_wait3A_472 : memref<3276800x16xf32, #tpu.memory_space<hbm>>) dst(%dma_wait3A_466 : memref<128x16xf32, #tpu.memory_space<vmem>>)
      %dma_wait3A_473 = arith.constant 0 : i32
      %dma_wait3A_474 = arith.constant 0 : i32
      %dma_wait3A_475 = arith.constant 1408 : i32
      %dma_wait3A_476 = arith.constant 0 : i32
      %dma_wait3A_477 = tpu.memref_slice %arg8[%dma_wait3A_474, %dma_wait3A_475, %dma_wait3A_476] : memref<2x2048x16xf32, #tpu.memory_space<vmem>> -> memref<1x128x16xf32, #tpu.memory_space<vmem>>
      %dma_wait3A_478 = tpu.memref_squeeze %dma_wait3A_477 : memref<1x128x16xf32, #tpu.memory_space<vmem>> -> memref<128x16xf32, #tpu.memory_space<vmem>>
      %dma_wait3A_479 = arith.constant 1408 : i32
      %dma_wait3A_480 = tpu.memref_slice %arg6[%dma_wait3A_473, %dma_wait3A_479] : memref<2x2048xi32, #tpu.memory_space<vmem>> -> memref<1x128xi32, #tpu.memory_space<vmem>>
      %dma_wait3A_481 = tpu.memref_squeeze %dma_wait3A_480 : memref<1x128xi32, #tpu.memory_space<vmem>> -> memref<128xi32, #tpu.memory_space<vmem>>
      %dma_wait3A_482 = arith.constant 0 : i32
      %dma_wait3A_483 = arith.constant 0 : i32
      %dma_wait3A_484 = tpu.memref_slice %arg2[%dma_wait3A_482, %dma_wait3A_483] : memref<3276800x16xf32, #tpu.memory_space<hbm>> -> memref<3276800x16xf32, #tpu.memory_space<hbm>>
      tpu.wait_indirect_dma semaphore(%arg11 : memref<!tpu.dma_semaphore, #tpu.memory_space<semaphore_mem>>) src(%dma_wait3A_484 : memref<3276800x16xf32, #tpu.memory_space<hbm>>) dst(%dma_wait3A_478 : memref<128x16xf32, #tpu.memory_space<vmem>>)
      %dma_wait3A_485 = arith.constant 0 : i32
      %dma_wait3A_486 = arith.constant 0 : i32
      %dma_wait3A_487 = arith.constant 1536 : i32
      %dma_wait3A_488 = arith.constant 0 : i32
      %dma_wait3A_489 = tpu.memref_slice %arg8[%dma_wait3A_486, %dma_wait3A_487, %dma_wait3A_488] : memref<2x2048x16xf32, #tpu.memory_space<vmem>> -> memref<1x128x16xf32, #tpu.memory_space<vmem>>
      %dma_wait3A_490 = tpu.memref_squeeze %dma_wait3A_489 : memref<1x128x16xf32, #tpu.memory_space<vmem>> -> memref<128x16xf32, #tpu.memory_space<vmem>>
      %dma_wait3A_491 = arith.constant 1536 : i32
      %dma_wait3A_492 = tpu.memref_slice %arg6[%dma_wait3A_485, %dma_wait3A_491] : memref<2x2048xi32, #tpu.memory_space<vmem>> -> memref<1x128xi32, #tpu.memory_space<vmem>>
      %dma_wait3A_493 = tpu.memref_squeeze %dma_wait3A_492 : memref<1x128xi32, #tpu.memory_space<vmem>> -> memref<128xi32, #tpu.memory_space<vmem>>
      %dma_wait3A_494 = arith.constant 0 : i32
      %dma_wait3A_495 = arith.constant 0 : i32
      %dma_wait3A_496 = tpu.memref_slice %arg2[%dma_wait3A_494, %dma_wait3A_495] : memref<3276800x16xf32, #tpu.memory_space<hbm>> -> memref<3276800x16xf32, #tpu.memory_space<hbm>>
      tpu.wait_indirect_dma semaphore(%arg11 : memref<!tpu.dma_semaphore, #tpu.memory_space<semaphore_mem>>) src(%dma_wait3A_496 : memref<3276800x16xf32, #tpu.memory_space<hbm>>) dst(%dma_wait3A_490 : memref<128x16xf32, #tpu.memory_space<vmem>>)
      %dma_wait3A_497 = arith.constant 0 : i32
      %dma_wait3A_498 = arith.constant 0 : i32
      %dma_wait3A_499 = arith.constant 1664 : i32
      %dma_wait3A_500 = arith.constant 0 : i32
      %dma_wait3A_501 = tpu.memref_slice %arg8[%dma_wait3A_498, %dma_wait3A_499, %dma_wait3A_500] : memref<2x2048x16xf32, #tpu.memory_space<vmem>> -> memref<1x128x16xf32, #tpu.memory_space<vmem>>
      %dma_wait3A_502 = tpu.memref_squeeze %dma_wait3A_501 : memref<1x128x16xf32, #tpu.memory_space<vmem>> -> memref<128x16xf32, #tpu.memory_space<vmem>>
      %dma_wait3A_503 = arith.constant 1664 : i32
      %dma_wait3A_504 = tpu.memref_slice %arg6[%dma_wait3A_497, %dma_wait3A_503] : memref<2x2048xi32, #tpu.memory_space<vmem>> -> memref<1x128xi32, #tpu.memory_space<vmem>>
      %dma_wait3A_505 = tpu.memref_squeeze %dma_wait3A_504 : memref<1x128xi32, #tpu.memory_space<vmem>> -> memref<128xi32, #tpu.memory_space<vmem>>
      %dma_wait3A_506 = arith.constant 0 : i32
      %dma_wait3A_507 = arith.constant 0 : i32
      %dma_wait3A_508 = tpu.memref_slice %arg2[%dma_wait3A_506, %dma_wait3A_507] : memref<3276800x16xf32, #tpu.memory_space<hbm>> -> memref<3276800x16xf32, #tpu.memory_space<hbm>>
      tpu.wait_indirect_dma semaphore(%arg11 : memref<!tpu.dma_semaphore, #tpu.memory_space<semaphore_mem>>) src(%dma_wait3A_508 : memref<3276800x16xf32, #tpu.memory_space<hbm>>) dst(%dma_wait3A_502 : memref<128x16xf32, #tpu.memory_space<vmem>>)
      %dma_wait3A_509 = arith.constant 0 : i32
      %dma_wait3A_510 = arith.constant 0 : i32
      %dma_wait3A_511 = arith.constant 1792 : i32
      %dma_wait3A_512 = arith.constant 0 : i32
      %dma_wait3A_513 = tpu.memref_slice %arg8[%dma_wait3A_510, %dma_wait3A_511, %dma_wait3A_512] : memref<2x2048x16xf32, #tpu.memory_space<vmem>> -> memref<1x128x16xf32, #tpu.memory_space<vmem>>
      %dma_wait3A_514 = tpu.memref_squeeze %dma_wait3A_513 : memref<1x128x16xf32, #tpu.memory_space<vmem>> -> memref<128x16xf32, #tpu.memory_space<vmem>>
      %dma_wait3A_515 = arith.constant 1792 : i32
      %dma_wait3A_516 = tpu.memref_slice %arg6[%dma_wait3A_509, %dma_wait3A_515] : memref<2x2048xi32, #tpu.memory_space<vmem>> -> memref<1x128xi32, #tpu.memory_space<vmem>>
      %dma_wait3A_517 = tpu.memref_squeeze %dma_wait3A_516 : memref<1x128xi32, #tpu.memory_space<vmem>> -> memref<128xi32, #tpu.memory_space<vmem>>
      %dma_wait3A_518 = arith.constant 0 : i32
      %dma_wait3A_519 = arith.constant 0 : i32
      %dma_wait3A_520 = tpu.memref_slice %arg2[%dma_wait3A_518, %dma_wait3A_519] : memref<3276800x16xf32, #tpu.memory_space<hbm>> -> memref<3276800x16xf32, #tpu.memory_space<hbm>>
      tpu.wait_indirect_dma semaphore(%arg11 : memref<!tpu.dma_semaphore, #tpu.memory_space<semaphore_mem>>) src(%dma_wait3A_520 : memref<3276800x16xf32, #tpu.memory_space<hbm>>) dst(%dma_wait3A_514 : memref<128x16xf32, #tpu.memory_space<vmem>>)
      %dma_wait3A_521 = arith.constant 0 : i32
      %dma_wait3A_522 = arith.constant 0 : i32
      %dma_wait3A_523 = arith.constant 1920 : i32
      %dma_wait3A_524 = arith.constant 0 : i32
      %dma_wait3A_525 = tpu.memref_slice %arg8[%dma_wait3A_522, %dma_wait3A_523, %dma_wait3A_524] : memref<2x2048x16xf32, #tpu.memory_space<vmem>> -> memref<1x128x16xf32, #tpu.memory_space<vmem>>
      %dma_wait3A_526 = tpu.memref_squeeze %dma_wait3A_525 : memref<1x128x16xf32, #tpu.memory_space<vmem>> -> memref<128x16xf32, #tpu.memory_space<vmem>>
      %dma_wait3A_527 = arith.constant 1920 : i32
      %dma_wait3A_528 = tpu.memref_slice %arg6[%dma_wait3A_521, %dma_wait3A_527] : memref<2x2048xi32, #tpu.memory_space<vmem>> -> memref<1x128xi32, #tpu.memory_space<vmem>>
      %dma_wait3A_529 = tpu.memref_squeeze %dma_wait3A_528 : memref<1x128xi32, #tpu.memory_space<vmem>> -> memref<128xi32, #tpu.memory_space<vmem>>
      %dma_wait3A_530 = arith.constant 0 : i32
      %dma_wait3A_531 = arith.constant 0 : i32
      %dma_wait3A_532 = tpu.memref_slice %arg2[%dma_wait3A_530, %dma_wait3A_531] : memref<3276800x16xf32, #tpu.memory_space<hbm>> -> memref<3276800x16xf32, #tpu.memory_space<hbm>>
      tpu.wait_indirect_dma semaphore(%arg11 : memref<!tpu.dma_semaphore, #tpu.memory_space<semaphore_mem>>) src(%dma_wait3A_532 : memref<3276800x16xf32, #tpu.memory_space<hbm>>) dst(%dma_wait3A_526 : memref<128x16xf32, #tpu.memory_space<vmem>>)
      %ge3A = arith.constant 2 : i32
      %ge3A_533 = arith.cmpi sge, %add3A_336, %ge3A : i32
      %convert_element_type3A_534 = arith.extui %ge3A_533 : i1 to i32
      %cond3A_535 = arith.constant 0 : i32
      %cond3A_536 = arith.cmpi ne, %convert_element_type3A_534, %cond3A_535 : i32
      scf.if %cond3A_536 {
        %sub3A = arith.constant 2 : i32
        %sub3A_807 = arith.subi %add3A_336, %sub3A : i32
        %mul3A_808 = arith.constant 2048 : i32
        %mul3A_809 = arith.muli %sub3A_807, %mul3A_808 : i32
        %add3A_810 = arith.addi %mul3A_2, %mul3A_809 : i32
        %add3A_811 = arith.constant 0 : i32
        %add3A_812 = arith.addi %add3A_811, %add3A_810 : i32
        %add3A_813 = arith.constant 3276800 : i32
        %add3A_814 = arith.addi %add3A_813, %add3A_810 : i32
        %dma_wait3A_815 = arith.constant 0 : i32
        %dma_wait3A_816 = arith.constant 0 : i32
        %dma_wait3A_817 = arith.constant 0 : i32
        %dma_wait3A_818 = tpu.memref_slice %arg9[%dma_wait3A_815, %dma_wait3A_816, %dma_wait3A_817] : memref<2x2x2048xf32, #tpu.memory_space<vmem>> -> memref<1x1x2048xf32, #tpu.memory_space<vmem>>
        %dma_wait3A_819 = tpu.memref_squeeze %dma_wait3A_818 : memref<1x1x2048xf32, #tpu.memory_space<vmem>> -> memref<2048xf32, #tpu.memory_space<vmem>>
        %dma_wait3A_820 = tpu.memref_slice %arg4[%add3A_812] : memref<6553600xf32, #tpu.memory_space<hbm>> -> memref<2048xf32, #tpu.memory_space<hbm>>
        %dma_wait3A_821 = tpu.memref_slice %arg4[%add3A_812] : memref<6553600xf32, #tpu.memory_space<hbm>> -> memref<2048xf32, #tpu.memory_space<hbm>>
        %dma_wait3A_822 = arith.constant 0 : i32
        %dma_wait3A_823 = tpu.memref_slice %arg9[%dma_wait3A_815, %dma_wait3A_816, %dma_wait3A_822] : memref<2x2x2048xf32, #tpu.memory_space<vmem>> -> memref<1x1x2048xf32, #tpu.memory_space<vmem>>
        %dma_wait3A_824 = tpu.memref_squeeze %dma_wait3A_823 : memref<1x1x2048xf32, #tpu.memory_space<vmem>> -> memref<2048xf32, #tpu.memory_space<vmem>>
        tpu.wait_dma2 semaphore(%arg12 : memref<!tpu.dma_semaphore, #tpu.memory_space<semaphore_mem>>) src(%dma_wait3A_824 : memref<2048xf32, #tpu.memory_space<vmem>>) dst(%dma_wait3A_821 : memref<2048xf32, #tpu.memory_space<hbm>>)
        %dma_wait3A_825 = arith.constant 0 : i32
        %dma_wait3A_826 = arith.constant 1 : i32
        %dma_wait3A_827 = arith.constant 0 : i32
        %dma_wait3A_828 = tpu.memref_slice %arg9[%dma_wait3A_825, %dma_wait3A_826, %dma_wait3A_827] : memref<2x2x2048xf32, #tpu.memory_space<vmem>> -> memref<1x1x2048xf32, #tpu.memory_space<vmem>>
        %dma_wait3A_829 = tpu.memref_squeeze %dma_wait3A_828 : memref<1x1x2048xf32, #tpu.memory_space<vmem>> -> memref<2048xf32, #tpu.memory_space<vmem>>
        %dma_wait3A_830 = tpu.memref_slice %arg4[%add3A_814] : memref<6553600xf32, #tpu.memory_space<hbm>> -> memref<2048xf32, #tpu.memory_space<hbm>>
        %dma_wait3A_831 = tpu.memref_slice %arg4[%add3A_814] : memref<6553600xf32, #tpu.memory_space<hbm>> -> memref<2048xf32, #tpu.memory_space<hbm>>
        %dma_wait3A_832 = arith.constant 0 : i32
        %dma_wait3A_833 = tpu.memref_slice %arg9[%dma_wait3A_825, %dma_wait3A_826, %dma_wait3A_832] : memref<2x2x2048xf32, #tpu.memory_space<vmem>> -> memref<1x1x2048xf32, #tpu.memory_space<vmem>>
        %dma_wait3A_834 = tpu.memref_squeeze %dma_wait3A_833 : memref<1x1x2048xf32, #tpu.memory_space<vmem>> -> memref<2048xf32, #tpu.memory_space<vmem>>
        tpu.wait_dma2 semaphore(%arg12 : memref<!tpu.dma_semaphore, #tpu.memory_space<semaphore_mem>>) src(%dma_wait3A_834 : memref<2048xf32, #tpu.memory_space<vmem>>) dst(%dma_wait3A_831 : memref<2048xf32, #tpu.memory_space<hbm>>)
      } else {
      }
      %scan3A_537 = arith.constant 0 : i32
      %scan3A_538 = arith.constant 128 : i32
      %scan3A_539 = arith.addi %scan3A_537, %scan3A_538 : i32
      %scan3A_540 = arith.constant 1 : i32
      scf.for %scan3A_807 = %scan3A_537 to %scan3A_539 step %scan3A_540  : i32 {
        %mul3A_808 = arith.constant 1 : i32
        %mul3A_809 = arith.muli %scan3A_807, %mul3A_808 : i32
        %add3A_810 = arith.constant 0 : i32
        %add3A_811 = arith.addi %add3A_810, %mul3A_809 : i32
        %mul3A_812 = arith.constant 16 : i32
        %mul3A_813 = arith.muli %add3A_811, %mul3A_812 : i32
        %get3A = arith.constant 0 : i32
        %get3A_814 = arith.constant 0 : i32
        %get3A_815 = arith.index_cast %get3A : i32 to index
        %get3A_816 = arith.index_cast %get3A_814 : i32 to index
        %get3A_817 = arith.index_cast %mul3A_813 : i32 to index
        %get3A_818 = tpu.vector_load %arg7[%get3A_815, %get3A_816, %get3A_817] {strides = array<i32>} : memref<2x3x2048xf32, #tpu.memory_space<vmem>>, vector<16xf32>,
        %get3A_819 = arith.constant 0 : i32
        %get3A_820 = arith.constant 1 : i32
        %get3A_821 = arith.index_cast %get3A_819 : i32 to index
        %get3A_822 = arith.index_cast %get3A_820 : i32 to index
        %get3A_823 = arith.index_cast %mul3A_813 : i32 to index
        %get3A_824 = tpu.vector_load %arg7[%get3A_821, %get3A_822, %get3A_823] {strides = array<i32>} : memref<2x3x2048xf32, #tpu.memory_space<vmem>>, vector<16xf32>,
        %get3A_825 = arith.constant 0 : i32
        %get3A_826 = arith.constant 2 : i32
        %get3A_827 = arith.index_cast %get3A_825 : i32 to index
        %get3A_828 = arith.index_cast %get3A_826 : i32 to index
        %get3A_829 = arith.index_cast %mul3A_813 : i32 to index
        %get3A_830 = tpu.vector_load %arg7[%get3A_827, %get3A_828, %get3A_829] {strides = array<i32>} : memref<2x3x2048xf32, #tpu.memory_space<vmem>>, vector<16xf32>,
        %sub3A = arith.constant 1.000000e+00 : f32
        %sub3A_831 = vector.broadcast %sub3A : f32 to vector<16xf32>
        %sub3A_832 = arith.subf %sub3A_831, %get3A_818 : vector<16xf32>
        %sub3A_833 = arith.constant 1.000000e+00 : f32
        %sub3A_834 = vector.broadcast %sub3A_833 : f32 to vector<16xf32>
        %sub3A_835 = arith.subf %sub3A_834, %get3A_824 : vector<16xf32>
        %sub3A_836 = arith.constant 1.000000e+00 : f32
        %sub3A_837 = vector.broadcast %sub3A_836 : f32 to vector<16xf32>
        %sub3A_838 = arith.subf %sub3A_837, %get3A_830 : vector<16xf32>
        %mul3A_839 = arith.mulf %sub3A_835, %sub3A_838 : vector<16xf32>
        %mul3A_840 = arith.mulf %sub3A_835, %get3A_830 : vector<16xf32>
        %mul3A_841 = arith.mulf %get3A_824, %sub3A_838 : vector<16xf32>
        %mul3A_842 = arith.mulf %get3A_824, %get3A_830 : vector<16xf32>
        %add3A_843 = vector.broadcast %mul3A_813 : i32 to vector<16xi32>
        %add3A_844 = arith.addi %iota3A, %add3A_843 : vector<16xi32>
        %broadcast_in_dim3A = arith.constant 0 : i32
        %broadcast_in_dim3A_845 = vector.broadcast %broadcast_in_dim3A : i32 to vector<16xi32>
        %gather3A = arith.constant 0 : i32
        %gather3A_846 = arith.constant 0 : i32
        %gather3A_847 = arith.constant 0 : i32
        %gather3A_848 = tpu.memref_slice %arg8[%gather3A, %gather3A_846, %gather3A_847] : memref<2x2048x16xf32, #tpu.memory_space<vmem>> -> memref<1x2048x16xf32, #tpu.memory_space<vmem>>
        %gather3A_849 = tpu.memref_squeeze %gather3A_848 : memref<1x2048x16xf32, #tpu.memory_space<vmem>> -> memref<2048x16xf32, #tpu.memory_space<vmem>>
        %gather3A_850 = tpu.vector_load_idx %gather3A_849[%add3A_844, %broadcast_in_dim3A_845] : memref<2048x16xf32, #tpu.memory_space<vmem>>[vector<16xi32>, vector<16xi32>], vector<16xf32>,
        %broadcast_in_dim3A_851 = arith.constant 1 : i32
        %broadcast_in_dim3A_852 = vector.broadcast %broadcast_in_dim3A_851 : i32 to vector<16xi32>
        %gather3A_853 = arith.constant 0 : i32
        %gather3A_854 = arith.constant 0 : i32
        %gather3A_855 = arith.constant 0 : i32
        %gather3A_856 = tpu.memref_slice %arg8[%gather3A_853, %gather3A_854, %gather3A_855] : memref<2x2048x16xf32, #tpu.memory_space<vmem>> -> memref<1x2048x16xf32, #tpu.memory_space<vmem>>
        %gather3A_857 = tpu.memref_squeeze %gather3A_856 : memref<1x2048x16xf32, #tpu.memory_space<vmem>> -> memref<2048x16xf32, #tpu.memory_space<vmem>>
        %gather3A_858 = tpu.vector_load_idx %gather3A_857[%add3A_844, %broadcast_in_dim3A_852] : memref<2048x16xf32, #tpu.memory_space<vmem>>[vector<16xi32>, vector<16xi32>], vector<16xf32>,
        %broadcast_in_dim3A_859 = arith.constant 2 : i32
        %broadcast_in_dim3A_860 = vector.broadcast %broadcast_in_dim3A_859 : i32 to vector<16xi32>
        %gather3A_861 = arith.constant 0 : i32
        %gather3A_862 = arith.constant 0 : i32
        %gather3A_863 = arith.constant 0 : i32
        %gather3A_864 = tpu.memref_slice %arg8[%gather3A_861, %gather3A_862, %gather3A_863] : memref<2x2048x16xf32, #tpu.memory_space<vmem>> -> memref<1x2048x16xf32, #tpu.memory_space<vmem>>
        %gather3A_865 = tpu.memref_squeeze %gather3A_864 : memref<1x2048x16xf32, #tpu.memory_space<vmem>> -> memref<2048x16xf32, #tpu.memory_space<vmem>>
        %gather3A_866 = tpu.vector_load_idx %gather3A_865[%add3A_844, %broadcast_in_dim3A_860] : memref<2048x16xf32, #tpu.memory_space<vmem>>[vector<16xi32>, vector<16xi32>], vector<16xf32>,
        %broadcast_in_dim3A_867 = arith.constant 3 : i32
        %broadcast_in_dim3A_868 = vector.broadcast %broadcast_in_dim3A_867 : i32 to vector<16xi32>
        %gather3A_869 = arith.constant 0 : i32
        %gather3A_870 = arith.constant 0 : i32
        %gather3A_871 = arith.constant 0 : i32
        %gather3A_872 = tpu.memref_slice %arg8[%gather3A_869, %gather3A_870, %gather3A_871] : memref<2x2048x16xf32, #tpu.memory_space<vmem>> -> memref<1x2048x16xf32, #tpu.memory_space<vmem>>
        %gather3A_873 = tpu.memref_squeeze %gather3A_872 : memref<1x2048x16xf32, #tpu.memory_space<vmem>> -> memref<2048x16xf32, #tpu.memory_space<vmem>>
        %gather3A_874 = tpu.vector_load_idx %gather3A_873[%add3A_844, %broadcast_in_dim3A_868] : memref<2048x16xf32, #tpu.memory_space<vmem>>[vector<16xi32>, vector<16xi32>], vector<16xf32>,
        %broadcast_in_dim3A_875 = arith.constant 4 : i32
        %broadcast_in_dim3A_876 = vector.broadcast %broadcast_in_dim3A_875 : i32 to vector<16xi32>
        %gather3A_877 = arith.constant 0 : i32
        %gather3A_878 = arith.constant 0 : i32
        %gather3A_879 = arith.constant 0 : i32
        %gather3A_880 = tpu.memref_slice %arg8[%gather3A_877, %gather3A_878, %gather3A_879] : memref<2x2048x16xf32, #tpu.memory_space<vmem>> -> memref<1x2048x16xf32, #tpu.memory_space<vmem>>
        %gather3A_881 = tpu.memref_squeeze %gather3A_880 : memref<1x2048x16xf32, #tpu.memory_space<vmem>> -> memref<2048x16xf32, #tpu.memory_space<vmem>>
        %gather3A_882 = tpu.vector_load_idx %gather3A_881[%add3A_844, %broadcast_in_dim3A_876] : memref<2048x16xf32, #tpu.memory_space<vmem>>[vector<16xi32>, vector<16xi32>], vector<16xf32>,
        %broadcast_in_dim3A_883 = arith.constant 5 : i32
        %broadcast_in_dim3A_884 = vector.broadcast %broadcast_in_dim3A_883 : i32 to vector<16xi32>
        %gather3A_885 = arith.constant 0 : i32
        %gather3A_886 = arith.constant 0 : i32
        %gather3A_887 = arith.constant 0 : i32
        %gather3A_888 = tpu.memref_slice %arg8[%gather3A_885, %gather3A_886, %gather3A_887] : memref<2x2048x16xf32, #tpu.memory_space<vmem>> -> memref<1x2048x16xf32, #tpu.memory_space<vmem>>
        %gather3A_889 = tpu.memref_squeeze %gather3A_888 : memref<1x2048x16xf32, #tpu.memory_space<vmem>> -> memref<2048x16xf32, #tpu.memory_space<vmem>>
        %gather3A_890 = tpu.vector_load_idx %gather3A_889[%add3A_844, %broadcast_in_dim3A_884] : memref<2048x16xf32, #tpu.memory_space<vmem>>[vector<16xi32>, vector<16xi32>], vector<16xf32>,
        %broadcast_in_dim3A_891 = arith.constant 6 : i32
        %broadcast_in_dim3A_892 = vector.broadcast %broadcast_in_dim3A_891 : i32 to vector<16xi32>
        %gather3A_893 = arith.constant 0 : i32
        %gather3A_894 = arith.constant 0 : i32
        %gather3A_895 = arith.constant 0 : i32
        %gather3A_896 = tpu.memref_slice %arg8[%gather3A_893, %gather3A_894, %gather3A_895] : memref<2x2048x16xf32, #tpu.memory_space<vmem>> -> memref<1x2048x16xf32, #tpu.memory_space<vmem>>
        %gather3A_897 = tpu.memref_squeeze %gather3A_896 : memref<1x2048x16xf32, #tpu.memory_space<vmem>> -> memref<2048x16xf32, #tpu.memory_space<vmem>>
        %gather3A_898 = tpu.vector_load_idx %gather3A_897[%add3A_844, %broadcast_in_dim3A_892] : memref<2048x16xf32, #tpu.memory_space<vmem>>[vector<16xi32>, vector<16xi32>], vector<16xf32>,
        %broadcast_in_dim3A_899 = arith.constant 7 : i32
        %broadcast_in_dim3A_900 = vector.broadcast %broadcast_in_dim3A_899 : i32 to vector<16xi32>
        %gather3A_901 = arith.constant 0 : i32
        %gather3A_902 = arith.constant 0 : i32
        %gather3A_903 = arith.constant 0 : i32
        %gather3A_904 = tpu.memref_slice %arg8[%gather3A_901, %gather3A_902, %gather3A_903] : memref<2x2048x16xf32, #tpu.memory_space<vmem>> -> memref<1x2048x16xf32, #tpu.memory_space<vmem>>
        %gather3A_905 = tpu.memref_squeeze %gather3A_904 : memref<1x2048x16xf32, #tpu.memory_space<vmem>> -> memref<2048x16xf32, #tpu.memory_space<vmem>>
        %gather3A_906 = tpu.vector_load_idx %gather3A_905[%add3A_844, %broadcast_in_dim3A_900] : memref<2048x16xf32, #tpu.memory_space<vmem>>[vector<16xi32>, vector<16xi32>], vector<16xf32>,
        %broadcast_in_dim3A_907 = arith.constant 8 : i32
        %broadcast_in_dim3A_908 = vector.broadcast %broadcast_in_dim3A_907 : i32 to vector<16xi32>
        %gather3A_909 = arith.constant 0 : i32
        %gather3A_910 = arith.constant 0 : i32
        %gather3A_911 = arith.constant 0 : i32
        %gather3A_912 = tpu.memref_slice %arg8[%gather3A_909, %gather3A_910, %gather3A_911] : memref<2x2048x16xf32, #tpu.memory_space<vmem>> -> memref<1x2048x16xf32, #tpu.memory_space<vmem>>
        %gather3A_913 = tpu.memref_squeeze %gather3A_912 : memref<1x2048x16xf32, #tpu.memory_space<vmem>> -> memref<2048x16xf32, #tpu.memory_space<vmem>>
        %gather3A_914 = tpu.vector_load_idx %gather3A_913[%add3A_844, %broadcast_in_dim3A_908] : memref<2048x16xf32, #tpu.memory_space<vmem>>[vector<16xi32>, vector<16xi32>], vector<16xf32>,
        %broadcast_in_dim3A_915 = arith.constant 9 : i32
        %broadcast_in_dim3A_916 = vector.broadcast %broadcast_in_dim3A_915 : i32 to vector<16xi32>
        %gather3A_917 = arith.constant 0 : i32
        %gather3A_918 = arith.constant 0 : i32
        %gather3A_919 = arith.constant 0 : i32
        %gather3A_920 = tpu.memref_slice %arg8[%gather3A_917, %gather3A_918, %gather3A_919] : memref<2x2048x16xf32, #tpu.memory_space<vmem>> -> memref<1x2048x16xf32, #tpu.memory_space<vmem>>
        %gather3A_921 = tpu.memref_squeeze %gather3A_920 : memref<1x2048x16xf32, #tpu.memory_space<vmem>> -> memref<2048x16xf32, #tpu.memory_space<vmem>>
        %gather3A_922 = tpu.vector_load_idx %gather3A_921[%add3A_844, %broadcast_in_dim3A_916] : memref<2048x16xf32, #tpu.memory_space<vmem>>[vector<16xi32>, vector<16xi32>], vector<16xf32>,
        %broadcast_in_dim3A_923 = arith.constant 10 : i32
        %broadcast_in_dim3A_924 = vector.broadcast %broadcast_in_dim3A_923 : i32 to vector<16xi32>
        %gather3A_925 = arith.constant 0 : i32
        %gather3A_926 = arith.constant 0 : i32
        %gather3A_927 = arith.constant 0 : i32
        %gather3A_928 = tpu.memref_slice %arg8[%gather3A_925, %gather3A_926, %gather3A_927] : memref<2x2048x16xf32, #tpu.memory_space<vmem>> -> memref<1x2048x16xf32, #tpu.memory_space<vmem>>
        %gather3A_929 = tpu.memref_squeeze %gather3A_928 : memref<1x2048x16xf32, #tpu.memory_space<vmem>> -> memref<2048x16xf32, #tpu.memory_space<vmem>>
        %gather3A_930 = tpu.vector_load_idx %gather3A_929[%add3A_844, %broadcast_in_dim3A_924] : memref<2048x16xf32, #tpu.memory_space<vmem>>[vector<16xi32>, vector<16xi32>], vector<16xf32>,
        %broadcast_in_dim3A_931 = arith.constant 11 : i32
        %broadcast_in_dim3A_932 = vector.broadcast %broadcast_in_dim3A_931 : i32 to vector<16xi32>
        %gather3A_933 = arith.constant 0 : i32
        %gather3A_934 = arith.constant 0 : i32
        %gather3A_935 = arith.constant 0 : i32
        %gather3A_936 = tpu.memref_slice %arg8[%gather3A_933, %gather3A_934, %gather3A_935] : memref<2x2048x16xf32, #tpu.memory_space<vmem>> -> memref<1x2048x16xf32, #tpu.memory_space<vmem>>
        %gather3A_937 = tpu.memref_squeeze %gather3A_936 : memref<1x2048x16xf32, #tpu.memory_space<vmem>> -> memref<2048x16xf32, #tpu.memory_space<vmem>>
        %gather3A_938 = tpu.vector_load_idx %gather3A_937[%add3A_844, %broadcast_in_dim3A_932] : memref<2048x16xf32, #tpu.memory_space<vmem>>[vector<16xi32>, vector<16xi32>], vector<16xf32>,
        %broadcast_in_dim3A_939 = arith.constant 12 : i32
        %broadcast_in_dim3A_940 = vector.broadcast %broadcast_in_dim3A_939 : i32 to vector<16xi32>
        %gather3A_941 = arith.constant 0 : i32
        %gather3A_942 = arith.constant 0 : i32
        %gather3A_943 = arith.constant 0 : i32
        %gather3A_944 = tpu.memref_slice %arg8[%gather3A_941, %gather3A_942, %gather3A_943] : memref<2x2048x16xf32, #tpu.memory_space<vmem>> -> memref<1x2048x16xf32, #tpu.memory_space<vmem>>
        %gather3A_945 = tpu.memref_squeeze %gather3A_944 : memref<1x2048x16xf32, #tpu.memory_space<vmem>> -> memref<2048x16xf32, #tpu.memory_space<vmem>>
        %gather3A_946 = tpu.vector_load_idx %gather3A_945[%add3A_844, %broadcast_in_dim3A_940] : memref<2048x16xf32, #tpu.memory_space<vmem>>[vector<16xi32>, vector<16xi32>], vector<16xf32>,
        %broadcast_in_dim3A_947 = arith.constant 13 : i32
        %broadcast_in_dim3A_948 = vector.broadcast %broadcast_in_dim3A_947 : i32 to vector<16xi32>
        %gather3A_949 = arith.constant 0 : i32
        %gather3A_950 = arith.constant 0 : i32
        %gather3A_951 = arith.constant 0 : i32
        %gather3A_952 = tpu.memref_slice %arg8[%gather3A_949, %gather3A_950, %gather3A_951] : memref<2x2048x16xf32, #tpu.memory_space<vmem>> -> memref<1x2048x16xf32, #tpu.memory_space<vmem>>
        %gather3A_953 = tpu.memref_squeeze %gather3A_952 : memref<1x2048x16xf32, #tpu.memory_space<vmem>> -> memref<2048x16xf32, #tpu.memory_space<vmem>>
        %gather3A_954 = tpu.vector_load_idx %gather3A_953[%add3A_844, %broadcast_in_dim3A_948] : memref<2048x16xf32, #tpu.memory_space<vmem>>[vector<16xi32>, vector<16xi32>], vector<16xf32>,
        %broadcast_in_dim3A_955 = arith.constant 14 : i32
        %broadcast_in_dim3A_956 = vector.broadcast %broadcast_in_dim3A_955 : i32 to vector<16xi32>
        %gather3A_957 = arith.constant 0 : i32
        %gather3A_958 = arith.constant 0 : i32
        %gather3A_959 = arith.constant 0 : i32
        %gather3A_960 = tpu.memref_slice %arg8[%gather3A_957, %gather3A_958, %gather3A_959] : memref<2x2048x16xf32, #tpu.memory_space<vmem>> -> memref<1x2048x16xf32, #tpu.memory_space<vmem>>
        %gather3A_961 = tpu.memref_squeeze %gather3A_960 : memref<1x2048x16xf32, #tpu.memory_space<vmem>> -> memref<2048x16xf32, #tpu.memory_space<vmem>>
        %gather3A_962 = tpu.vector_load_idx %gather3A_961[%add3A_844, %broadcast_in_dim3A_956] : memref<2048x16xf32, #tpu.memory_space<vmem>>[vector<16xi32>, vector<16xi32>], vector<16xf32>,
        %broadcast_in_dim3A_963 = arith.constant 15 : i32
        %broadcast_in_dim3A_964 = vector.broadcast %broadcast_in_dim3A_963 : i32 to vector<16xi32>
        %gather3A_965 = arith.constant 0 : i32
        %gather3A_966 = arith.constant 0 : i32
        %gather3A_967 = arith.constant 0 : i32
        %gather3A_968 = tpu.memref_slice %arg8[%gather3A_965, %gather3A_966, %gather3A_967] : memref<2x2048x16xf32, #tpu.memory_space<vmem>> -> memref<1x2048x16xf32, #tpu.memory_space<vmem>>
        %gather3A_969 = tpu.memref_squeeze %gather3A_968 : memref<1x2048x16xf32, #tpu.memory_space<vmem>> -> memref<2048x16xf32, #tpu.memory_space<vmem>>
        %gather3A_970 = tpu.vector_load_idx %gather3A_969[%add3A_844, %broadcast_in_dim3A_964] : memref<2048x16xf32, #tpu.memory_space<vmem>>[vector<16xi32>, vector<16xi32>], vector<16xf32>,
        %mul3A_971 = arith.mulf %gather3A_850, %mul3A_839 : vector<16xf32>
        %mul3A_972 = arith.mulf %gather3A_858, %mul3A_840 : vector<16xf32>
        %add3A_973 = arith.addf %mul3A_971, %mul3A_972 : vector<16xf32>
        %mul3A_974 = arith.mulf %gather3A_866, %mul3A_841 : vector<16xf32>
        %add3A_975 = arith.addf %add3A_973, %mul3A_974 : vector<16xf32>
        %mul3A_976 = arith.mulf %gather3A_874, %mul3A_842 : vector<16xf32>
        %add3A_977 = arith.addf %add3A_975, %mul3A_976 : vector<16xf32>
        %mul3A_978 = arith.mulf %sub3A_832, %add3A_977 : vector<16xf32>
        %mul3A_979 = arith.mulf %gather3A_882, %mul3A_839 : vector<16xf32>
        %mul3A_980 = arith.mulf %gather3A_890, %mul3A_840 : vector<16xf32>
        %add3A_981 = arith.addf %mul3A_979, %mul3A_980 : vector<16xf32>
        %mul3A_982 = arith.mulf %gather3A_898, %mul3A_841 : vector<16xf32>
        %add3A_983 = arith.addf %add3A_981, %mul3A_982 : vector<16xf32>
        %mul3A_984 = arith.mulf %gather3A_906, %mul3A_842 : vector<16xf32>
        %add3A_985 = arith.addf %add3A_983, %mul3A_984 : vector<16xf32>
        %mul3A_986 = arith.mulf %get3A_818, %add3A_985 : vector<16xf32>
        %add3A_987 = arith.addf %mul3A_978, %mul3A_986 : vector<16xf32>
        %mul3A_988 = arith.mulf %gather3A_914, %mul3A_839 : vector<16xf32>
        %mul3A_989 = arith.mulf %gather3A_922, %mul3A_840 : vector<16xf32>
        %add3A_990 = arith.addf %mul3A_988, %mul3A_989 : vector<16xf32>
        %mul3A_991 = arith.mulf %gather3A_930, %mul3A_841 : vector<16xf32>
        %add3A_992 = arith.addf %add3A_990, %mul3A_991 : vector<16xf32>
        %mul3A_993 = arith.mulf %gather3A_938, %mul3A_842 : vector<16xf32>
        %add3A_994 = arith.addf %add3A_992, %mul3A_993 : vector<16xf32>
        %mul3A_995 = arith.mulf %sub3A_832, %add3A_994 : vector<16xf32>
        %mul3A_996 = arith.mulf %gather3A_946, %mul3A_839 : vector<16xf32>
        %mul3A_997 = arith.mulf %gather3A_954, %mul3A_840 : vector<16xf32>
        %add3A_998 = arith.addf %mul3A_996, %mul3A_997 : vector<16xf32>
        %mul3A_999 = arith.mulf %gather3A_962, %mul3A_841 : vector<16xf32>
        %add3A_1000 = arith.addf %add3A_998, %mul3A_999 : vector<16xf32>
        %mul3A_1001 = arith.mulf %gather3A_970, %mul3A_842 : vector<16xf32>
        %add3A_1002 = arith.addf %add3A_1000, %mul3A_1001 : vector<16xf32>
        %mul3A_1003 = arith.mulf %get3A_818, %add3A_1002 : vector<16xf32>
        %add3A_1004 = arith.addf %mul3A_995, %mul3A_1003 : vector<16xf32>
        %swap3A = arith.constant 0 : i32
        %swap3A_1005 = arith.constant 0 : i32
        %swap3A_1006 = arith.index_cast %swap3A : i32 to index
        %swap3A_1007 = arith.index_cast %swap3A_1005 : i32 to index
        %swap3A_1008 = arith.index_cast %mul3A_813 : i32 to index
        %swap3A_1009 = tpu.vector_load %arg9[%swap3A_1006, %swap3A_1007, %swap3A_1008] {strides = array<i32>} : memref<2x2x2048xf32, #tpu.memory_space<vmem>>, vector<16xf32>,
        tpu.vector_store %arg9[%swap3A_1006, %swap3A_1007, %swap3A_1008], %add3A_987 {strides = array<i32>} : memref<2x2x2048xf32, #tpu.memory_space<vmem>>, vector<16xf32>,
        %swap3A_1010 = arith.constant 0 : i32
        %swap3A_1011 = arith.constant 1 : i32
        %swap3A_1012 = arith.index_cast %swap3A_1010 : i32 to index
        %swap3A_1013 = arith.index_cast %swap3A_1011 : i32 to index
        %swap3A_1014 = arith.index_cast %mul3A_813 : i32 to index
        %swap3A_1015 = tpu.vector_load %arg9[%swap3A_1012, %swap3A_1013, %swap3A_1014] {strides = array<i32>} : memref<2x2x2048xf32, #tpu.memory_space<vmem>>, vector<16xf32>,
        tpu.vector_store %arg9[%swap3A_1012, %swap3A_1013, %swap3A_1014], %add3A_1004 {strides = array<i32>} : memref<2x2x2048xf32, #tpu.memory_space<vmem>>, vector<16xf32>,
      }
      %scan3A_541 = arith.constant 128 : i32
      %mul3A_542 = arith.constant 2048 : i32
      %mul3A_543 = arith.muli %add3A_336, %mul3A_542 : i32
      %add3A_544 = arith.addi %mul3A_2, %mul3A_543 : i32
      %add3A_545 = arith.constant 0 : i32
      %add3A_546 = arith.addi %add3A_545, %add3A_544 : i32
      %add3A_547 = arith.constant 3276800 : i32
      %add3A_548 = arith.addi %add3A_547, %add3A_544 : i32
      %dma_start3A_549 = arith.constant 0 : i32
      %dma_start3A_550 = arith.constant 0 : i32
      %dma_start3A_551 = arith.constant 0 : i32
      %dma_start3A_552 = tpu.memref_slice %arg9[%dma_start3A_549, %dma_start3A_550, %dma_start3A_551] : memref<2x2x2048xf32, #tpu.memory_space<vmem>> -> memref<1x1x2048xf32, #tpu.memory_space<vmem>>
      %dma_start3A_553 = tpu.memref_squeeze %dma_start3A_552 : memref<1x1x2048xf32, #tpu.memory_space<vmem>> -> memref<2048xf32, #tpu.memory_space<vmem>>
      %dma_start3A_554 = tpu.memref_slice %arg4[%add3A_546] : memref<6553600xf32, #tpu.memory_space<hbm>> -> memref<2048xf32, #tpu.memory_space<hbm>>
      %dma_start3A_555 = tpu.memref_slice %arg4[%add3A_546] : memref<6553600xf32, #tpu.memory_space<hbm>> -> memref<2048xf32, #tpu.memory_space<hbm>>
      %dma_start3A_556 = arith.constant 0 : i32
      %dma_start3A_557 = tpu.memref_slice %arg9[%dma_start3A_549, %dma_start3A_550, %dma_start3A_556] : memref<2x2x2048xf32, #tpu.memory_space<vmem>> -> memref<1x1x2048xf32, #tpu.memory_space<vmem>>
      %dma_start3A_558 = tpu.memref_squeeze %dma_start3A_557 : memref<1x1x2048xf32, #tpu.memory_space<vmem>> -> memref<2048xf32, #tpu.memory_space<vmem>>
      tpu.enqueue_dma source(%dma_start3A_558 : memref<2048xf32, #tpu.memory_space<vmem>>) target(%dma_start3A_555 : memref<2048xf32, #tpu.memory_space<hbm>>) target_semaphore(%arg12 : memref<!tpu.dma_semaphore, #tpu.memory_space<semaphore_mem>>)
      %dma_start3A_559 = arith.constant 0 : i32
      %dma_start3A_560 = arith.constant 1 : i32
      %dma_start3A_561 = arith.constant 0 : i32
      %dma_start3A_562 = tpu.memref_slice %arg9[%dma_start3A_559, %dma_start3A_560, %dma_start3A_561] : memref<2x2x2048xf32, #tpu.memory_space<vmem>> -> memref<1x1x2048xf32, #tpu.memory_space<vmem>>
      %dma_start3A_563 = tpu.memref_squeeze %dma_start3A_562 : memref<1x1x2048xf32, #tpu.memory_space<vmem>> -> memref<2048xf32, #tpu.memory_space<vmem>>
      %dma_start3A_564 = tpu.memref_slice %arg4[%add3A_548] : memref<6553600xf32, #tpu.memory_space<hbm>> -> memref<2048xf32, #tpu.memory_space<hbm>>
      %dma_start3A_565 = tpu.memref_slice %arg4[%add3A_548] : memref<6553600xf32, #tpu.memory_space<hbm>> -> memref<2048xf32, #tpu.memory_space<hbm>>
      %dma_start3A_566 = arith.constant 0 : i32
      %dma_start3A_567 = tpu.memref_slice %arg9[%dma_start3A_559, %dma_start3A_560, %dma_start3A_566] : memref<2x2x2048xf32, #tpu.memory_space<vmem>> -> memref<1x1x2048xf32, #tpu.memory_space<vmem>>
      %dma_start3A_568 = tpu.memref_squeeze %dma_start3A_567 : memref<1x1x2048xf32, #tpu.memory_space<vmem>> -> memref<2048xf32, #tpu.memory_space<vmem>>
      tpu.enqueue_dma source(%dma_start3A_568 : memref<2048xf32, #tpu.memory_space<vmem>>) target(%dma_start3A_565 : memref<2048xf32, #tpu.memory_space<hbm>>) target_semaphore(%arg12 : memref<!tpu.dma_semaphore, #tpu.memory_space<semaphore_mem>>)
      %add3A_569 = arith.constant 1 : i32
      %add3A_570 = arith.addi %add3A_334, %add3A_569 : i32
      %add3A_571 = arith.constant 1 : i32
      %add3A_572 = arith.addi %add3A_570, %add3A_571 : i32
      %lt3A_573 = arith.constant 50 : i32
      %lt3A_574 = arith.cmpi slt, %add3A_572, %lt3A_573 : i32
      %convert_element_type3A_575 = arith.extui %lt3A_574 : i1 to i32
      %cond3A_576 = arith.constant 0 : i32
      %cond3A_577 = arith.cmpi ne, %convert_element_type3A_575, %cond3A_576 : i32
      scf.if %cond3A_577 {
        %add3A_807 = arith.constant 1 : i32
        %add3A_808 = arith.addi %add3A_570, %add3A_807 : i32
        %mul3A_809 = arith.constant 2048 : i32
        %mul3A_810 = arith.muli %add3A_808, %mul3A_809 : i32
        %add3A_811 = arith.addi %mul3A_2, %mul3A_810 : i32
        %add3A_812 = arith.constant 0 : i32
        %add3A_813 = arith.addi %add3A_812, %add3A_811 : i32
        %add3A_814 = arith.constant 3276800 : i32
        %add3A_815 = arith.addi %add3A_814, %add3A_811 : i32
        %add3A_816 = arith.constant 6553600 : i32
        %add3A_817 = arith.addi %add3A_816, %add3A_811 : i32
        %dma_start3A_818 = arith.constant 0 : i32
        %dma_start3A_819 = arith.constant 0 : i32
        %dma_start3A_820 = arith.constant 0 : i32
        %dma_start3A_821 = tpu.memref_slice %arg5[%dma_start3A_818, %dma_start3A_819, %dma_start3A_820] : memref<2x3x2048xf32, #tpu.memory_space<vmem>> -> memref<1x1x2048xf32, #tpu.memory_space<vmem>>
        %dma_start3A_822 = tpu.memref_squeeze %dma_start3A_821 : memref<1x1x2048xf32, #tpu.memory_space<vmem>> -> memref<2048xf32, #tpu.memory_space<vmem>>
        %dma_start3A_823 = tpu.memref_slice %arg3[%add3A_813] : memref<9830400xf32, #tpu.memory_space<hbm>> -> memref<2048xf32, #tpu.memory_space<hbm>>
        %dma_start3A_824 = arith.constant 0 : i32
        %dma_start3A_825 = tpu.memref_slice %arg5[%dma_start3A_818, %dma_start3A_819, %dma_start3A_824] : memref<2x3x2048xf32, #tpu.memory_space<vmem>> -> memref<1x1x2048xf32, #tpu.memory_space<vmem>>
        %dma_start3A_826 = tpu.memref_squeeze %dma_start3A_825 : memref<1x1x2048xf32, #tpu.memory_space<vmem>> -> memref<2048xf32, #tpu.memory_space<vmem>>
        %dma_start3A_827 = tpu.memref_slice %arg3[%add3A_813] : memref<9830400xf32, #tpu.memory_space<hbm>> -> memref<2048xf32, #tpu.memory_space<hbm>>
        tpu.enqueue_dma source(%dma_start3A_827 : memref<2048xf32, #tpu.memory_space<hbm>>) target(%dma_start3A_826 : memref<2048xf32, #tpu.memory_space<vmem>>) target_semaphore(%arg10 : memref<!tpu.dma_semaphore, #tpu.memory_space<semaphore_mem>>)
        %dma_start3A_828 = arith.constant 0 : i32
        %dma_start3A_829 = arith.constant 1 : i32
        %dma_start3A_830 = arith.constant 0 : i32
        %dma_start3A_831 = tpu.memref_slice %arg5[%dma_start3A_828, %dma_start3A_829, %dma_start3A_830] : memref<2x3x2048xf32, #tpu.memory_space<vmem>> -> memref<1x1x2048xf32, #tpu.memory_space<vmem>>
        %dma_start3A_832 = tpu.memref_squeeze %dma_start3A_831 : memref<1x1x2048xf32, #tpu.memory_space<vmem>> -> memref<2048xf32, #tpu.memory_space<vmem>>
        %dma_start3A_833 = tpu.memref_slice %arg3[%add3A_815] : memref<9830400xf32, #tpu.memory_space<hbm>> -> memref<2048xf32, #tpu.memory_space<hbm>>
        %dma_start3A_834 = arith.constant 0 : i32
        %dma_start3A_835 = tpu.memref_slice %arg5[%dma_start3A_828, %dma_start3A_829, %dma_start3A_834] : memref<2x3x2048xf32, #tpu.memory_space<vmem>> -> memref<1x1x2048xf32, #tpu.memory_space<vmem>>
        %dma_start3A_836 = tpu.memref_squeeze %dma_start3A_835 : memref<1x1x2048xf32, #tpu.memory_space<vmem>> -> memref<2048xf32, #tpu.memory_space<vmem>>
        %dma_start3A_837 = tpu.memref_slice %arg3[%add3A_815] : memref<9830400xf32, #tpu.memory_space<hbm>> -> memref<2048xf32, #tpu.memory_space<hbm>>
        tpu.enqueue_dma source(%dma_start3A_837 : memref<2048xf32, #tpu.memory_space<hbm>>) target(%dma_start3A_836 : memref<2048xf32, #tpu.memory_space<vmem>>) target_semaphore(%arg10 : memref<!tpu.dma_semaphore, #tpu.memory_space<semaphore_mem>>)
        %dma_start3A_838 = arith.constant 0 : i32
        %dma_start3A_839 = arith.constant 2 : i32
        %dma_start3A_840 = arith.constant 0 : i32
        %dma_start3A_841 = tpu.memref_slice %arg5[%dma_start3A_838, %dma_start3A_839, %dma_start3A_840] : memref<2x3x2048xf32, #tpu.memory_space<vmem>> -> memref<1x1x2048xf32, #tpu.memory_space<vmem>>
        %dma_start3A_842 = tpu.memref_squeeze %dma_start3A_841 : memref<1x1x2048xf32, #tpu.memory_space<vmem>> -> memref<2048xf32, #tpu.memory_space<vmem>>
        %dma_start3A_843 = tpu.memref_slice %arg3[%add3A_817] : memref<9830400xf32, #tpu.memory_space<hbm>> -> memref<2048xf32, #tpu.memory_space<hbm>>
        %dma_start3A_844 = arith.constant 0 : i32
        %dma_start3A_845 = tpu.memref_slice %arg5[%dma_start3A_838, %dma_start3A_839, %dma_start3A_844] : memref<2x3x2048xf32, #tpu.memory_space<vmem>> -> memref<1x1x2048xf32, #tpu.memory_space<vmem>>
        %dma_start3A_846 = tpu.memref_squeeze %dma_start3A_845 : memref<1x1x2048xf32, #tpu.memory_space<vmem>> -> memref<2048xf32, #tpu.memory_space<vmem>>
        %dma_start3A_847 = tpu.memref_slice %arg3[%add3A_817] : memref<9830400xf32, #tpu.memory_space<hbm>> -> memref<2048xf32, #tpu.memory_space<hbm>>
        tpu.enqueue_dma source(%dma_start3A_847 : memref<2048xf32, #tpu.memory_space<hbm>>) target(%dma_start3A_846 : memref<2048xf32, #tpu.memory_space<vmem>>) target_semaphore(%arg10 : memref<!tpu.dma_semaphore, #tpu.memory_space<semaphore_mem>>)
        %add3A_848 = arith.constant 1 : i32
        %add3A_849 = arith.addi %add3A_570, %add3A_848 : i32
        %mul3A_850 = arith.constant 2048 : i32
        %mul3A_851 = arith.muli %add3A_849, %mul3A_850 : i32
        %add3A_852 = arith.addi %mul3A_2, %mul3A_851 : i32
        %add3A_853 = arith.constant 0 : i32
        %add3A_854 = arith.addi %add3A_853, %add3A_852 : i32
        %add3A_855 = arith.constant 3276800 : i32
        %add3A_856 = arith.addi %add3A_855, %add3A_852 : i32
        %add3A_857 = arith.constant 6553600 : i32
        %add3A_858 = arith.addi %add3A_857, %add3A_852 : i32
        %dma_wait3A_859 = arith.constant 0 : i32
        %dma_wait3A_860 = arith.constant 0 : i32
        %dma_wait3A_861 = arith.constant 0 : i32
        %dma_wait3A_862 = tpu.memref_slice %arg5[%dma_wait3A_859, %dma_wait3A_860, %dma_wait3A_861] : memref<2x3x2048xf32, #tpu.memory_space<vmem>> -> memref<1x1x2048xf32, #tpu.memory_space<vmem>>
        %dma_wait3A_863 = tpu.memref_squeeze %dma_wait3A_862 : memref<1x1x2048xf32, #tpu.memory_space<vmem>> -> memref<2048xf32, #tpu.memory_space<vmem>>
        %dma_wait3A_864 = tpu.memref_slice %arg3[%add3A_854] : memref<9830400xf32, #tpu.memory_space<hbm>> -> memref<2048xf32, #tpu.memory_space<hbm>>
        %dma_wait3A_865 = arith.constant 0 : i32
        %dma_wait3A_866 = tpu.memref_slice %arg5[%dma_wait3A_859, %dma_wait3A_860, %dma_wait3A_865] : memref<2x3x2048xf32, #tpu.memory_space<vmem>> -> memref<1x1x2048xf32, #tpu.memory_space<vmem>>
        %dma_wait3A_867 = tpu.memref_squeeze %dma_wait3A_866 : memref<1x1x2048xf32, #tpu.memory_space<vmem>> -> memref<2048xf32, #tpu.memory_space<vmem>>
        %dma_wait3A_868 = tpu.memref_slice %arg3[%add3A_854] : memref<9830400xf32, #tpu.memory_space<hbm>> -> memref<2048xf32, #tpu.memory_space<hbm>>
        tpu.wait_dma2 semaphore(%arg10 : memref<!tpu.dma_semaphore, #tpu.memory_space<semaphore_mem>>) src(%dma_wait3A_868 : memref<2048xf32, #tpu.memory_space<hbm>>) dst(%dma_wait3A_867 : memref<2048xf32, #tpu.memory_space<vmem>>)
        %dma_wait3A_869 = arith.constant 0 : i32
        %dma_wait3A_870 = arith.constant 1 : i32
        %dma_wait3A_871 = arith.constant 0 : i32
        %dma_wait3A_872 = tpu.memref_slice %arg5[%dma_wait3A_869, %dma_wait3A_870, %dma_wait3A_871] : memref<2x3x2048xf32, #tpu.memory_space<vmem>> -> memref<1x1x2048xf32, #tpu.memory_space<vmem>>
        %dma_wait3A_873 = tpu.memref_squeeze %dma_wait3A_872 : memref<1x1x2048xf32, #tpu.memory_space<vmem>> -> memref<2048xf32, #tpu.memory_space<vmem>>
        %dma_wait3A_874 = tpu.memref_slice %arg3[%add3A_856] : memref<9830400xf32, #tpu.memory_space<hbm>> -> memref<2048xf32, #tpu.memory_space<hbm>>
        %dma_wait3A_875 = arith.constant 0 : i32
        %dma_wait3A_876 = tpu.memref_slice %arg5[%dma_wait3A_869, %dma_wait3A_870, %dma_wait3A_875] : memref<2x3x2048xf32, #tpu.memory_space<vmem>> -> memref<1x1x2048xf32, #tpu.memory_space<vmem>>
        %dma_wait3A_877 = tpu.memref_squeeze %dma_wait3A_876 : memref<1x1x2048xf32, #tpu.memory_space<vmem>> -> memref<2048xf32, #tpu.memory_space<vmem>>
        %dma_wait3A_878 = tpu.memref_slice %arg3[%add3A_856] : memref<9830400xf32, #tpu.memory_space<hbm>> -> memref<2048xf32, #tpu.memory_space<hbm>>
        tpu.wait_dma2 semaphore(%arg10 : memref<!tpu.dma_semaphore, #tpu.memory_space<semaphore_mem>>) src(%dma_wait3A_878 : memref<2048xf32, #tpu.memory_space<hbm>>) dst(%dma_wait3A_877 : memref<2048xf32, #tpu.memory_space<vmem>>)
        %dma_wait3A_879 = arith.constant 0 : i32
        %dma_wait3A_880 = arith.constant 2 : i32
        %dma_wait3A_881 = arith.constant 0 : i32
        %dma_wait3A_882 = tpu.memref_slice %arg5[%dma_wait3A_879, %dma_wait3A_880, %dma_wait3A_881] : memref<2x3x2048xf32, #tpu.memory_space<vmem>> -> memref<1x1x2048xf32, #tpu.memory_space<vmem>>
        %dma_wait3A_883 = tpu.memref_squeeze %dma_wait3A_882 : memref<1x1x2048xf32, #tpu.memory_space<vmem>> -> memref<2048xf32, #tpu.memory_space<vmem>>
        %dma_wait3A_884 = tpu.memref_slice %arg3[%add3A_858] : memref<9830400xf32, #tpu.memory_space<hbm>> -> memref<2048xf32, #tpu.memory_space<hbm>>
        %dma_wait3A_885 = arith.constant 0 : i32
        %dma_wait3A_886 = tpu.memref_slice %arg5[%dma_wait3A_879, %dma_wait3A_880, %dma_wait3A_885] : memref<2x3x2048xf32, #tpu.memory_space<vmem>> -> memref<1x1x2048xf32, #tpu.memory_space<vmem>>
        %dma_wait3A_887 = tpu.memref_squeeze %dma_wait3A_886 : memref<1x1x2048xf32, #tpu.memory_space<vmem>> -> memref<2048xf32, #tpu.memory_space<vmem>>
        %dma_wait3A_888 = tpu.memref_slice %arg3[%add3A_858] : memref<9830400xf32, #tpu.memory_space<hbm>> -> memref<2048xf32, #tpu.memory_space<hbm>>
        tpu.wait_dma2 semaphore(%arg10 : memref<!tpu.dma_semaphore, #tpu.memory_space<semaphore_mem>>) src(%dma_wait3A_888 : memref<2048xf32, #tpu.memory_space<hbm>>) dst(%dma_wait3A_887 : memref<2048xf32, #tpu.memory_space<vmem>>)
        %scan3A_889 = arith.constant 0 : i32
        %scan3A_890 = arith.constant 128 : i32
        %scan3A_891 = arith.addi %scan3A_889, %scan3A_890 : i32
        %scan3A_892 = arith.constant 1 : i32
        scf.for %scan3A_1086 = %scan3A_889 to %scan3A_891 step %scan3A_892  : i32 {
          %mul3A_1087 = arith.constant 1 : i32
          %mul3A_1088 = arith.muli %scan3A_1086, %mul3A_1087 : i32
          %add3A_1089 = arith.constant 0 : i32
          %add3A_1090 = arith.addi %add3A_1089, %mul3A_1088 : i32
          %mul3A_1091 = arith.constant 16 : i32
          %mul3A_1092 = arith.muli %add3A_1090, %mul3A_1091 : i32
          %get3A = arith.constant 0 : i32
          %get3A_1093 = arith.constant 0 : i32
          %get3A_1094 = arith.index_cast %get3A : i32 to index
          %get3A_1095 = arith.index_cast %get3A_1093 : i32 to index
          %get3A_1096 = arith.index_cast %mul3A_1092 : i32 to index
          %get3A_1097 = tpu.vector_load %arg5[%get3A_1094, %get3A_1095, %get3A_1096] {strides = array<i32>} : memref<2x3x2048xf32, #tpu.memory_space<vmem>>, vector<16xf32>,
          %get3A_1098 = arith.constant 0 : i32
          %get3A_1099 = arith.constant 1 : i32
          %get3A_1100 = arith.index_cast %get3A_1098 : i32 to index
          %get3A_1101 = arith.index_cast %get3A_1099 : i32 to index
          %get3A_1102 = arith.index_cast %mul3A_1092 : i32 to index
          %get3A_1103 = tpu.vector_load %arg5[%get3A_1100, %get3A_1101, %get3A_1102] {strides = array<i32>} : memref<2x3x2048xf32, #tpu.memory_space<vmem>>, vector<16xf32>,
          %get3A_1104 = arith.constant 0 : i32
          %get3A_1105 = arith.constant 2 : i32
          %get3A_1106 = arith.index_cast %get3A_1104 : i32 to index
          %get3A_1107 = arith.index_cast %get3A_1105 : i32 to index
          %get3A_1108 = arith.index_cast %mul3A_1092 : i32 to index
          %get3A_1109 = tpu.vector_load %arg5[%get3A_1106, %get3A_1107, %get3A_1108] {strides = array<i32>} : memref<2x3x2048xf32, #tpu.memory_space<vmem>>, vector<16xf32>,
          %max3A = arith.constant 0.000000e+00 : f32
          %max3A_1110 = vector.broadcast %max3A : f32 to vector<16xf32>
          %max3A_1111 = arith.maximumf %get3A_1097, %max3A_1110 : vector<16xf32>
          %min3A = arith.constant 1.270000e+02 : f32
          %min3A_1112 = vector.broadcast %min3A : f32 to vector<16xf32>
          %min3A_1113 = arith.minimumf %max3A_1111, %min3A_1112 : vector<16xf32>
          %max3A_1114 = arith.constant 0.000000e+00 : f32
          %max3A_1115 = vector.broadcast %max3A_1114 : f32 to vector<16xf32>
          %max3A_1116 = arith.maximumf %get3A_1103, %max3A_1115 : vector<16xf32>
          %min3A_1117 = arith.constant 1.590000e+02 : f32
          %min3A_1118 = vector.broadcast %min3A_1117 : f32 to vector<16xf32>
          %min3A_1119 = arith.minimumf %max3A_1116, %min3A_1118 : vector<16xf32>
          %max3A_1120 = arith.constant 0.000000e+00 : f32
          %max3A_1121 = vector.broadcast %max3A_1120 : f32 to vector<16xf32>
          %max3A_1122 = arith.maximumf %get3A_1109, %max3A_1121 : vector<16xf32>
          %min3A_1123 = arith.constant 1.590000e+02 : f32
          %min3A_1124 = vector.broadcast %min3A_1123 : f32 to vector<16xf32>
          %min3A_1125 = arith.minimumf %max3A_1122, %min3A_1124 : vector<16xf32>
          %convert_element_type3A_1126 = arith.fptosi %min3A_1113 : vector<16xf32> to vector<16xi32>
          %convert_element_type3A_1127 = arith.fptosi %min3A_1119 : vector<16xf32> to vector<16xi32>
          %convert_element_type3A_1128 = arith.fptosi %min3A_1125 : vector<16xf32> to vector<16xi32>
          %convert_element_type3A_1129 = arith.sitofp %convert_element_type3A_1126 : vector<16xi32> to vector<16xf32>
          %sub3A = arith.subf %min3A_1113, %convert_element_type3A_1129 : vector<16xf32>
          %swap3A = arith.constant 0 : i32
          %swap3A_1130 = arith.constant 0 : i32
          %swap3A_1131 = arith.index_cast %swap3A : i32 to index
          %swap3A_1132 = arith.index_cast %swap3A_1130 : i32 to index
          %swap3A_1133 = arith.index_cast %mul3A_1092 : i32 to index
          %swap3A_1134 = tpu.vector_load %arg7[%swap3A_1131, %swap3A_1132, %swap3A_1133] {strides = array<i32>} : memref<2x3x2048xf32, #tpu.memory_space<vmem>>, vector<16xf32>,
          tpu.vector_store %arg7[%swap3A_1131, %swap3A_1132, %swap3A_1133], %sub3A {strides = array<i32>} : memref<2x3x2048xf32, #tpu.memory_space<vmem>>, vector<16xf32>,
          %convert_element_type3A_1135 = arith.sitofp %convert_element_type3A_1127 : vector<16xi32> to vector<16xf32>
          %sub3A_1136 = arith.subf %min3A_1119, %convert_element_type3A_1135 : vector<16xf32>
          %swap3A_1137 = arith.constant 0 : i32
          %swap3A_1138 = arith.constant 1 : i32
          %swap3A_1139 = arith.index_cast %swap3A_1137 : i32 to index
          %swap3A_1140 = arith.index_cast %swap3A_1138 : i32 to index
          %swap3A_1141 = arith.index_cast %mul3A_1092 : i32 to index
          %swap3A_1142 = tpu.vector_load %arg7[%swap3A_1139, %swap3A_1140, %swap3A_1141] {strides = array<i32>} : memref<2x3x2048xf32, #tpu.memory_space<vmem>>, vector<16xf32>,
          tpu.vector_store %arg7[%swap3A_1139, %swap3A_1140, %swap3A_1141], %sub3A_1136 {strides = array<i32>} : memref<2x3x2048xf32, #tpu.memory_space<vmem>>, vector<16xf32>,
          %convert_element_type3A_1143 = arith.sitofp %convert_element_type3A_1128 : vector<16xi32> to vector<16xf32>
          %sub3A_1144 = arith.subf %min3A_1125, %convert_element_type3A_1143 : vector<16xf32>
          %swap3A_1145 = arith.constant 0 : i32
          %swap3A_1146 = arith.constant 2 : i32
          %swap3A_1147 = arith.index_cast %swap3A_1145 : i32 to index
          %swap3A_1148 = arith.index_cast %swap3A_1146 : i32 to index
          %swap3A_1149 = arith.index_cast %mul3A_1092 : i32 to index
          %swap3A_1150 = tpu.vector_load %arg7[%swap3A_1147, %swap3A_1148, %swap3A_1149] {strides = array<i32>} : memref<2x3x2048xf32, #tpu.memory_space<vmem>>, vector<16xf32>,
          tpu.vector_store %arg7[%swap3A_1147, %swap3A_1148, %swap3A_1149], %sub3A_1144 {strides = array<i32>} : memref<2x3x2048xf32, #tpu.memory_space<vmem>>, vector<16xf32>,
          %mul3A_1151 = arith.constant 160 : i32
          %mul3A_1152 = vector.broadcast %mul3A_1151 : i32 to vector<16xi32>
          %mul3A_1153 = arith.muli %convert_element_type3A_1126, %mul3A_1152 : vector<16xi32>
          %add3A_1154 = arith.addi %mul3A_1153, %convert_element_type3A_1127 : vector<16xi32>
          %mul3A_1155 = arith.constant 160 : i32
          %mul3A_1156 = vector.broadcast %mul3A_1155 : i32 to vector<16xi32>
          %mul3A_1157 = arith.muli %add3A_1154, %mul3A_1156 : vector<16xi32>
          %add3A_1158 = arith.addi %mul3A_1157, %convert_element_type3A_1128 : vector<16xi32>
          %swap3A_1159 = arith.constant 0 : i32
          %swap3A_1160 = arith.index_cast %swap3A_1159 : i32 to index
          %swap3A_1161 = arith.index_cast %mul3A_1092 : i32 to index
          %swap3A_1162 = tpu.vector_load %arg6[%swap3A_1160, %swap3A_1161] {strides = array<i32>} : memref<2x2048xi32, #tpu.memory_space<vmem>>, vector<16xi32>,
          tpu.vector_store %arg6[%swap3A_1160, %swap3A_1161], %add3A_1158 {strides = array<i32>} : memref<2x2048xi32, #tpu.memory_space<vmem>>, vector<16xi32>,
        }
        %scan3A_893 = arith.constant 128 : i32
        %dma_start3A_894 = arith.constant 0 : i32
        %dma_start3A_895 = arith.constant 0 : i32
        %dma_start3A_896 = arith.constant 0 : i32
        %dma_start3A_897 = arith.constant 0 : i32
        %dma_start3A_898 = tpu.memref_slice %arg8[%dma_start3A_895, %dma_start3A_896, %dma_start3A_897] : memref<2x2048x16xf32, #tpu.memory_space<vmem>> -> memref<1x128x16xf32, #tpu.memory_space<vmem>>
        %dma_start3A_899 = tpu.memref_squeeze %dma_start3A_898 : memref<1x128x16xf32, #tpu.memory_space<vmem>> -> memref<128x16xf32, #tpu.memory_space<vmem>>
        %dma_start3A_900 = arith.constant 0 : i32
        %dma_start3A_901 = tpu.memref_slice %arg6[%dma_start3A_894, %dma_start3A_900] : memref<2x2048xi32, #tpu.memory_space<vmem>> -> memref<1x128xi32, #tpu.memory_space<vmem>>
        %dma_start3A_902 = tpu.memref_squeeze %dma_start3A_901 : memref<1x128xi32, #tpu.memory_space<vmem>> -> memref<128xi32, #tpu.memory_space<vmem>>
        %dma_start3A_903 = arith.constant 0 : i32
        %dma_start3A_904 = arith.constant 0 : i32
        %dma_start3A_905 = tpu.memref_slice %arg2[%dma_start3A_903, %dma_start3A_904] : memref<3276800x16xf32, #tpu.memory_space<hbm>> -> memref<3276800x16xf32, #tpu.memory_space<hbm>>
        tpu.enqueue_indirect_dma source(%dma_start3A_905 : memref<3276800x16xf32, #tpu.memory_space<hbm>>) target(%dma_start3A_899 : memref<128x16xf32, #tpu.memory_space<vmem>>) offsets(%dma_start3A_902 : memref<128xi32, #tpu.memory_space<vmem>>) semaphore(%arg11 : memref<!tpu.dma_semaphore, #tpu.memory_space<semaphore_mem>>)
        %dma_start3A_906 = arith.constant 0 : i32
        %dma_start3A_907 = arith.constant 0 : i32
        %dma_start3A_908 = arith.constant 128 : i32
        %dma_start3A_909 = arith.constant 0 : i32
        %dma_start3A_910 = tpu.memref_slice %arg8[%dma_start3A_907, %dma_start3A_908, %dma_start3A_909] : memref<2x2048x16xf32, #tpu.memory_space<vmem>> -> memref<1x128x16xf32, #tpu.memory_space<vmem>>
        %dma_start3A_911 = tpu.memref_squeeze %dma_start3A_910 : memref<1x128x16xf32, #tpu.memory_space<vmem>> -> memref<128x16xf32, #tpu.memory_space<vmem>>
        %dma_start3A_912 = arith.constant 128 : i32
        %dma_start3A_913 = tpu.memref_slice %arg6[%dma_start3A_906, %dma_start3A_912] : memref<2x2048xi32, #tpu.memory_space<vmem>> -> memref<1x128xi32, #tpu.memory_space<vmem>>
        %dma_start3A_914 = tpu.memref_squeeze %dma_start3A_913 : memref<1x128xi32, #tpu.memory_space<vmem>> -> memref<128xi32, #tpu.memory_space<vmem>>
        %dma_start3A_915 = arith.constant 0 : i32
        %dma_start3A_916 = arith.constant 0 : i32
        %dma_start3A_917 = tpu.memref_slice %arg2[%dma_start3A_915, %dma_start3A_916] : memref<3276800x16xf32, #tpu.memory_space<hbm>> -> memref<3276800x16xf32, #tpu.memory_space<hbm>>
        tpu.enqueue_indirect_dma source(%dma_start3A_917 : memref<3276800x16xf32, #tpu.memory_space<hbm>>) target(%dma_start3A_911 : memref<128x16xf32, #tpu.memory_space<vmem>>) offsets(%dma_start3A_914 : memref<128xi32, #tpu.memory_space<vmem>>) semaphore(%arg11 : memref<!tpu.dma_semaphore, #tpu.memory_space<semaphore_mem>>)
        %dma_start3A_918 = arith.constant 0 : i32
        %dma_start3A_919 = arith.constant 0 : i32
        %dma_start3A_920 = arith.constant 256 : i32
        %dma_start3A_921 = arith.constant 0 : i32
        %dma_start3A_922 = tpu.memref_slice %arg8[%dma_start3A_919, %dma_start3A_920, %dma_start3A_921] : memref<2x2048x16xf32, #tpu.memory_space<vmem>> -> memref<1x128x16xf32, #tpu.memory_space<vmem>>
        %dma_start3A_923 = tpu.memref_squeeze %dma_start3A_922 : memref<1x128x16xf32, #tpu.memory_space<vmem>> -> memref<128x16xf32, #tpu.memory_space<vmem>>
        %dma_start3A_924 = arith.constant 256 : i32
        %dma_start3A_925 = tpu.memref_slice %arg6[%dma_start3A_918, %dma_start3A_924] : memref<2x2048xi32, #tpu.memory_space<vmem>> -> memref<1x128xi32, #tpu.memory_space<vmem>>
        %dma_start3A_926 = tpu.memref_squeeze %dma_start3A_925 : memref<1x128xi32, #tpu.memory_space<vmem>> -> memref<128xi32, #tpu.memory_space<vmem>>
        %dma_start3A_927 = arith.constant 0 : i32
        %dma_start3A_928 = arith.constant 0 : i32
        %dma_start3A_929 = tpu.memref_slice %arg2[%dma_start3A_927, %dma_start3A_928] : memref<3276800x16xf32, #tpu.memory_space<hbm>> -> memref<3276800x16xf32, #tpu.memory_space<hbm>>
        tpu.enqueue_indirect_dma source(%dma_start3A_929 : memref<3276800x16xf32, #tpu.memory_space<hbm>>) target(%dma_start3A_923 : memref<128x16xf32, #tpu.memory_space<vmem>>) offsets(%dma_start3A_926 : memref<128xi32, #tpu.memory_space<vmem>>) semaphore(%arg11 : memref<!tpu.dma_semaphore, #tpu.memory_space<semaphore_mem>>)
        %dma_start3A_930 = arith.constant 0 : i32
        %dma_start3A_931 = arith.constant 0 : i32
        %dma_start3A_932 = arith.constant 384 : i32
        %dma_start3A_933 = arith.constant 0 : i32
        %dma_start3A_934 = tpu.memref_slice %arg8[%dma_start3A_931, %dma_start3A_932, %dma_start3A_933] : memref<2x2048x16xf32, #tpu.memory_space<vmem>> -> memref<1x128x16xf32, #tpu.memory_space<vmem>>
        %dma_start3A_935 = tpu.memref_squeeze %dma_start3A_934 : memref<1x128x16xf32, #tpu.memory_space<vmem>> -> memref<128x16xf32, #tpu.memory_space<vmem>>
        %dma_start3A_936 = arith.constant 384 : i32
        %dma_start3A_937 = tpu.memref_slice %arg6[%dma_start3A_930, %dma_start3A_936] : memref<2x2048xi32, #tpu.memory_space<vmem>> -> memref<1x128xi32, #tpu.memory_space<vmem>>
        %dma_start3A_938 = tpu.memref_squeeze %dma_start3A_937 : memref<1x128xi32, #tpu.memory_space<vmem>> -> memref<128xi32, #tpu.memory_space<vmem>>
        %dma_start3A_939 = arith.constant 0 : i32
        %dma_start3A_940 = arith.constant 0 : i32
        %dma_start3A_941 = tpu.memref_slice %arg2[%dma_start3A_939, %dma_start3A_940] : memref<3276800x16xf32, #tpu.memory_space<hbm>> -> memref<3276800x16xf32, #tpu.memory_space<hbm>>
        tpu.enqueue_indirect_dma source(%dma_start3A_941 : memref<3276800x16xf32, #tpu.memory_space<hbm>>) target(%dma_start3A_935 : memref<128x16xf32, #tpu.memory_space<vmem>>) offsets(%dma_start3A_938 : memref<128xi32, #tpu.memory_space<vmem>>) semaphore(%arg11 : memref<!tpu.dma_semaphore, #tpu.memory_space<semaphore_mem>>)
        %dma_start3A_942 = arith.constant 0 : i32
        %dma_start3A_943 = arith.constant 0 : i32
        %dma_start3A_944 = arith.constant 512 : i32
        %dma_start3A_945 = arith.constant 0 : i32
        %dma_start3A_946 = tpu.memref_slice %arg8[%dma_start3A_943, %dma_start3A_944, %dma_start3A_945] : memref<2x2048x16xf32, #tpu.memory_space<vmem>> -> memref<1x128x16xf32, #tpu.memory_space<vmem>>
        %dma_start3A_947 = tpu.memref_squeeze %dma_start3A_946 : memref<1x128x16xf32, #tpu.memory_space<vmem>> -> memref<128x16xf32, #tpu.memory_space<vmem>>
        %dma_start3A_948 = arith.constant 512 : i32
        %dma_start3A_949 = tpu.memref_slice %arg6[%dma_start3A_942, %dma_start3A_948] : memref<2x2048xi32, #tpu.memory_space<vmem>> -> memref<1x128xi32, #tpu.memory_space<vmem>>
        %dma_start3A_950 = tpu.memref_squeeze %dma_start3A_949 : memref<1x128xi32, #tpu.memory_space<vmem>> -> memref<128xi32, #tpu.memory_space<vmem>>
        %dma_start3A_951 = arith.constant 0 : i32
        %dma_start3A_952 = arith.constant 0 : i32
        %dma_start3A_953 = tpu.memref_slice %arg2[%dma_start3A_951, %dma_start3A_952] : memref<3276800x16xf32, #tpu.memory_space<hbm>> -> memref<3276800x16xf32, #tpu.memory_space<hbm>>
        tpu.enqueue_indirect_dma source(%dma_start3A_953 : memref<3276800x16xf32, #tpu.memory_space<hbm>>) target(%dma_start3A_947 : memref<128x16xf32, #tpu.memory_space<vmem>>) offsets(%dma_start3A_950 : memref<128xi32, #tpu.memory_space<vmem>>) semaphore(%arg11 : memref<!tpu.dma_semaphore, #tpu.memory_space<semaphore_mem>>)
        %dma_start3A_954 = arith.constant 0 : i32
        %dma_start3A_955 = arith.constant 0 : i32
        %dma_start3A_956 = arith.constant 640 : i32
        %dma_start3A_957 = arith.constant 0 : i32
        %dma_start3A_958 = tpu.memref_slice %arg8[%dma_start3A_955, %dma_start3A_956, %dma_start3A_957] : memref<2x2048x16xf32, #tpu.memory_space<vmem>> -> memref<1x128x16xf32, #tpu.memory_space<vmem>>
        %dma_start3A_959 = tpu.memref_squeeze %dma_start3A_958 : memref<1x128x16xf32, #tpu.memory_space<vmem>> -> memref<128x16xf32, #tpu.memory_space<vmem>>
        %dma_start3A_960 = arith.constant 640 : i32
        %dma_start3A_961 = tpu.memref_slice %arg6[%dma_start3A_954, %dma_start3A_960] : memref<2x2048xi32, #tpu.memory_space<vmem>> -> memref<1x128xi32, #tpu.memory_space<vmem>>
        %dma_start3A_962 = tpu.memref_squeeze %dma_start3A_961 : memref<1x128xi32, #tpu.memory_space<vmem>> -> memref<128xi32, #tpu.memory_space<vmem>>
        %dma_start3A_963 = arith.constant 0 : i32
        %dma_start3A_964 = arith.constant 0 : i32
        %dma_start3A_965 = tpu.memref_slice %arg2[%dma_start3A_963, %dma_start3A_964] : memref<3276800x16xf32, #tpu.memory_space<hbm>> -> memref<3276800x16xf32, #tpu.memory_space<hbm>>
        tpu.enqueue_indirect_dma source(%dma_start3A_965 : memref<3276800x16xf32, #tpu.memory_space<hbm>>) target(%dma_start3A_959 : memref<128x16xf32, #tpu.memory_space<vmem>>) offsets(%dma_start3A_962 : memref<128xi32, #tpu.memory_space<vmem>>) semaphore(%arg11 : memref<!tpu.dma_semaphore, #tpu.memory_space<semaphore_mem>>)
        %dma_start3A_966 = arith.constant 0 : i32
        %dma_start3A_967 = arith.constant 0 : i32
        %dma_start3A_968 = arith.constant 768 : i32
        %dma_start3A_969 = arith.constant 0 : i32
        %dma_start3A_970 = tpu.memref_slice %arg8[%dma_start3A_967, %dma_start3A_968, %dma_start3A_969] : memref<2x2048x16xf32, #tpu.memory_space<vmem>> -> memref<1x128x16xf32, #tpu.memory_space<vmem>>
        %dma_start3A_971 = tpu.memref_squeeze %dma_start3A_970 : memref<1x128x16xf32, #tpu.memory_space<vmem>> -> memref<128x16xf32, #tpu.memory_space<vmem>>
        %dma_start3A_972 = arith.constant 768 : i32
        %dma_start3A_973 = tpu.memref_slice %arg6[%dma_start3A_966, %dma_start3A_972] : memref<2x2048xi32, #tpu.memory_space<vmem>> -> memref<1x128xi32, #tpu.memory_space<vmem>>
        %dma_start3A_974 = tpu.memref_squeeze %dma_start3A_973 : memref<1x128xi32, #tpu.memory_space<vmem>> -> memref<128xi32, #tpu.memory_space<vmem>>
        %dma_start3A_975 = arith.constant 0 : i32
        %dma_start3A_976 = arith.constant 0 : i32
        %dma_start3A_977 = tpu.memref_slice %arg2[%dma_start3A_975, %dma_start3A_976] : memref<3276800x16xf32, #tpu.memory_space<hbm>> -> memref<3276800x16xf32, #tpu.memory_space<hbm>>
        tpu.enqueue_indirect_dma source(%dma_start3A_977 : memref<3276800x16xf32, #tpu.memory_space<hbm>>) target(%dma_start3A_971 : memref<128x16xf32, #tpu.memory_space<vmem>>) offsets(%dma_start3A_974 : memref<128xi32, #tpu.memory_space<vmem>>) semaphore(%arg11 : memref<!tpu.dma_semaphore, #tpu.memory_space<semaphore_mem>>)
        %dma_start3A_978 = arith.constant 0 : i32
        %dma_start3A_979 = arith.constant 0 : i32
        %dma_start3A_980 = arith.constant 896 : i32
        %dma_start3A_981 = arith.constant 0 : i32
        %dma_start3A_982 = tpu.memref_slice %arg8[%dma_start3A_979, %dma_start3A_980, %dma_start3A_981] : memref<2x2048x16xf32, #tpu.memory_space<vmem>> -> memref<1x128x16xf32, #tpu.memory_space<vmem>>
        %dma_start3A_983 = tpu.memref_squeeze %dma_start3A_982 : memref<1x128x16xf32, #tpu.memory_space<vmem>> -> memref<128x16xf32, #tpu.memory_space<vmem>>
        %dma_start3A_984 = arith.constant 896 : i32
        %dma_start3A_985 = tpu.memref_slice %arg6[%dma_start3A_978, %dma_start3A_984] : memref<2x2048xi32, #tpu.memory_space<vmem>> -> memref<1x128xi32, #tpu.memory_space<vmem>>
        %dma_start3A_986 = tpu.memref_squeeze %dma_start3A_985 : memref<1x128xi32, #tpu.memory_space<vmem>> -> memref<128xi32, #tpu.memory_space<vmem>>
        %dma_start3A_987 = arith.constant 0 : i32
        %dma_start3A_988 = arith.constant 0 : i32
        %dma_start3A_989 = tpu.memref_slice %arg2[%dma_start3A_987, %dma_start3A_988] : memref<3276800x16xf32, #tpu.memory_space<hbm>> -> memref<3276800x16xf32, #tpu.memory_space<hbm>>
        tpu.enqueue_indirect_dma source(%dma_start3A_989 : memref<3276800x16xf32, #tpu.memory_space<hbm>>) target(%dma_start3A_983 : memref<128x16xf32, #tpu.memory_space<vmem>>) offsets(%dma_start3A_986 : memref<128xi32, #tpu.memory_space<vmem>>) semaphore(%arg11 : memref<!tpu.dma_semaphore, #tpu.memory_space<semaphore_mem>>)
        %dma_start3A_990 = arith.constant 0 : i32
        %dma_start3A_991 = arith.constant 0 : i32
        %dma_start3A_992 = arith.constant 1024 : i32
        %dma_start3A_993 = arith.constant 0 : i32
        %dma_start3A_994 = tpu.memref_slice %arg8[%dma_start3A_991, %dma_start3A_992, %dma_start3A_993] : memref<2x2048x16xf32, #tpu.memory_space<vmem>> -> memref<1x128x16xf32, #tpu.memory_space<vmem>>
        %dma_start3A_995 = tpu.memref_squeeze %dma_start3A_994 : memref<1x128x16xf32, #tpu.memory_space<vmem>> -> memref<128x16xf32, #tpu.memory_space<vmem>>
        %dma_start3A_996 = arith.constant 1024 : i32
        %dma_start3A_997 = tpu.memref_slice %arg6[%dma_start3A_990, %dma_start3A_996] : memref<2x2048xi32, #tpu.memory_space<vmem>> -> memref<1x128xi32, #tpu.memory_space<vmem>>
        %dma_start3A_998 = tpu.memref_squeeze %dma_start3A_997 : memref<1x128xi32, #tpu.memory_space<vmem>> -> memref<128xi32, #tpu.memory_space<vmem>>
        %dma_start3A_999 = arith.constant 0 : i32
        %dma_start3A_1000 = arith.constant 0 : i32
        %dma_start3A_1001 = tpu.memref_slice %arg2[%dma_start3A_999, %dma_start3A_1000] : memref<3276800x16xf32, #tpu.memory_space<hbm>> -> memref<3276800x16xf32, #tpu.memory_space<hbm>>
        tpu.enqueue_indirect_dma source(%dma_start3A_1001 : memref<3276800x16xf32, #tpu.memory_space<hbm>>) target(%dma_start3A_995 : memref<128x16xf32, #tpu.memory_space<vmem>>) offsets(%dma_start3A_998 : memref<128xi32, #tpu.memory_space<vmem>>) semaphore(%arg11 : memref<!tpu.dma_semaphore, #tpu.memory_space<semaphore_mem>>)
        %dma_start3A_1002 = arith.constant 0 : i32
        %dma_start3A_1003 = arith.constant 0 : i32
        %dma_start3A_1004 = arith.constant 1152 : i32
        %dma_start3A_1005 = arith.constant 0 : i32
        %dma_start3A_1006 = tpu.memref_slice %arg8[%dma_start3A_1003, %dma_start3A_1004, %dma_start3A_1005] : memref<2x2048x16xf32, #tpu.memory_space<vmem>> -> memref<1x128x16xf32, #tpu.memory_space<vmem>>
        %dma_start3A_1007 = tpu.memref_squeeze %dma_start3A_1006 : memref<1x128x16xf32, #tpu.memory_space<vmem>> -> memref<128x16xf32, #tpu.memory_space<vmem>>
        %dma_start3A_1008 = arith.constant 1152 : i32
        %dma_start3A_1009 = tpu.memref_slice %arg6[%dma_start3A_1002, %dma_start3A_1008] : memref<2x2048xi32, #tpu.memory_space<vmem>> -> memref<1x128xi32, #tpu.memory_space<vmem>>
        %dma_start3A_1010 = tpu.memref_squeeze %dma_start3A_1009 : memref<1x128xi32, #tpu.memory_space<vmem>> -> memref<128xi32, #tpu.memory_space<vmem>>
        %dma_start3A_1011 = arith.constant 0 : i32
        %dma_start3A_1012 = arith.constant 0 : i32
        %dma_start3A_1013 = tpu.memref_slice %arg2[%dma_start3A_1011, %dma_start3A_1012] : memref<3276800x16xf32, #tpu.memory_space<hbm>> -> memref<3276800x16xf32, #tpu.memory_space<hbm>>
        tpu.enqueue_indirect_dma source(%dma_start3A_1013 : memref<3276800x16xf32, #tpu.memory_space<hbm>>) target(%dma_start3A_1007 : memref<128x16xf32, #tpu.memory_space<vmem>>) offsets(%dma_start3A_1010 : memref<128xi32, #tpu.memory_space<vmem>>) semaphore(%arg11 : memref<!tpu.dma_semaphore, #tpu.memory_space<semaphore_mem>>)
        %dma_start3A_1014 = arith.constant 0 : i32
        %dma_start3A_1015 = arith.constant 0 : i32
        %dma_start3A_1016 = arith.constant 1280 : i32
        %dma_start3A_1017 = arith.constant 0 : i32
        %dma_start3A_1018 = tpu.memref_slice %arg8[%dma_start3A_1015, %dma_start3A_1016, %dma_start3A_1017] : memref<2x2048x16xf32, #tpu.memory_space<vmem>> -> memref<1x128x16xf32, #tpu.memory_space<vmem>>
        %dma_start3A_1019 = tpu.memref_squeeze %dma_start3A_1018 : memref<1x128x16xf32, #tpu.memory_space<vmem>> -> memref<128x16xf32, #tpu.memory_space<vmem>>
        %dma_start3A_1020 = arith.constant 1280 : i32
        %dma_start3A_1021 = tpu.memref_slice %arg6[%dma_start3A_1014, %dma_start3A_1020] : memref<2x2048xi32, #tpu.memory_space<vmem>> -> memref<1x128xi32, #tpu.memory_space<vmem>>
        %dma_start3A_1022 = tpu.memref_squeeze %dma_start3A_1021 : memref<1x128xi32, #tpu.memory_space<vmem>> -> memref<128xi32, #tpu.memory_space<vmem>>
        %dma_start3A_1023 = arith.constant 0 : i32
        %dma_start3A_1024 = arith.constant 0 : i32
        %dma_start3A_1025 = tpu.memref_slice %arg2[%dma_start3A_1023, %dma_start3A_1024] : memref<3276800x16xf32, #tpu.memory_space<hbm>> -> memref<3276800x16xf32, #tpu.memory_space<hbm>>
        tpu.enqueue_indirect_dma source(%dma_start3A_1025 : memref<3276800x16xf32, #tpu.memory_space<hbm>>) target(%dma_start3A_1019 : memref<128x16xf32, #tpu.memory_space<vmem>>) offsets(%dma_start3A_1022 : memref<128xi32, #tpu.memory_space<vmem>>) semaphore(%arg11 : memref<!tpu.dma_semaphore, #tpu.memory_space<semaphore_mem>>)
        %dma_start3A_1026 = arith.constant 0 : i32
        %dma_start3A_1027 = arith.constant 0 : i32
        %dma_start3A_1028 = arith.constant 1408 : i32
        %dma_start3A_1029 = arith.constant 0 : i32
        %dma_start3A_1030 = tpu.memref_slice %arg8[%dma_start3A_1027, %dma_start3A_1028, %dma_start3A_1029] : memref<2x2048x16xf32, #tpu.memory_space<vmem>> -> memref<1x128x16xf32, #tpu.memory_space<vmem>>
        %dma_start3A_1031 = tpu.memref_squeeze %dma_start3A_1030 : memref<1x128x16xf32, #tpu.memory_space<vmem>> -> memref<128x16xf32, #tpu.memory_space<vmem>>
        %dma_start3A_1032 = arith.constant 1408 : i32
        %dma_start3A_1033 = tpu.memref_slice %arg6[%dma_start3A_1026, %dma_start3A_1032] : memref<2x2048xi32, #tpu.memory_space<vmem>> -> memref<1x128xi32, #tpu.memory_space<vmem>>
        %dma_start3A_1034 = tpu.memref_squeeze %dma_start3A_1033 : memref<1x128xi32, #tpu.memory_space<vmem>> -> memref<128xi32, #tpu.memory_space<vmem>>
        %dma_start3A_1035 = arith.constant 0 : i32
        %dma_start3A_1036 = arith.constant 0 : i32
        %dma_start3A_1037 = tpu.memref_slice %arg2[%dma_start3A_1035, %dma_start3A_1036] : memref<3276800x16xf32, #tpu.memory_space<hbm>> -> memref<3276800x16xf32, #tpu.memory_space<hbm>>
        tpu.enqueue_indirect_dma source(%dma_start3A_1037 : memref<3276800x16xf32, #tpu.memory_space<hbm>>) target(%dma_start3A_1031 : memref<128x16xf32, #tpu.memory_space<vmem>>) offsets(%dma_start3A_1034 : memref<128xi32, #tpu.memory_space<vmem>>) semaphore(%arg11 : memref<!tpu.dma_semaphore, #tpu.memory_space<semaphore_mem>>)
        %dma_start3A_1038 = arith.constant 0 : i32
        %dma_start3A_1039 = arith.constant 0 : i32
        %dma_start3A_1040 = arith.constant 1536 : i32
        %dma_start3A_1041 = arith.constant 0 : i32
        %dma_start3A_1042 = tpu.memref_slice %arg8[%dma_start3A_1039, %dma_start3A_1040, %dma_start3A_1041] : memref<2x2048x16xf32, #tpu.memory_space<vmem>> -> memref<1x128x16xf32, #tpu.memory_space<vmem>>
        %dma_start3A_1043 = tpu.memref_squeeze %dma_start3A_1042 : memref<1x128x16xf32, #tpu.memory_space<vmem>> -> memref<128x16xf32, #tpu.memory_space<vmem>>
        %dma_start3A_1044 = arith.constant 1536 : i32
        %dma_start3A_1045 = tpu.memref_slice %arg6[%dma_start3A_1038, %dma_start3A_1044] : memref<2x2048xi32, #tpu.memory_space<vmem>> -> memref<1x128xi32, #tpu.memory_space<vmem>>
        %dma_start3A_1046 = tpu.memref_squeeze %dma_start3A_1045 : memref<1x128xi32, #tpu.memory_space<vmem>> -> memref<128xi32, #tpu.memory_space<vmem>>
        %dma_start3A_1047 = arith.constant 0 : i32
        %dma_start3A_1048 = arith.constant 0 : i32
        %dma_start3A_1049 = tpu.memref_slice %arg2[%dma_start3A_1047, %dma_start3A_1048] : memref<3276800x16xf32, #tpu.memory_space<hbm>> -> memref<3276800x16xf32, #tpu.memory_space<hbm>>
        tpu.enqueue_indirect_dma source(%dma_start3A_1049 : memref<3276800x16xf32, #tpu.memory_space<hbm>>) target(%dma_start3A_1043 : memref<128x16xf32, #tpu.memory_space<vmem>>) offsets(%dma_start3A_1046 : memref<128xi32, #tpu.memory_space<vmem>>) semaphore(%arg11 : memref<!tpu.dma_semaphore, #tpu.memory_space<semaphore_mem>>)
        %dma_start3A_1050 = arith.constant 0 : i32
        %dma_start3A_1051 = arith.constant 0 : i32
        %dma_start3A_1052 = arith.constant 1664 : i32
        %dma_start3A_1053 = arith.constant 0 : i32
        %dma_start3A_1054 = tpu.memref_slice %arg8[%dma_start3A_1051, %dma_start3A_1052, %dma_start3A_1053] : memref<2x2048x16xf32, #tpu.memory_space<vmem>> -> memref<1x128x16xf32, #tpu.memory_space<vmem>>
        %dma_start3A_1055 = tpu.memref_squeeze %dma_start3A_1054 : memref<1x128x16xf32, #tpu.memory_space<vmem>> -> memref<128x16xf32, #tpu.memory_space<vmem>>
        %dma_start3A_1056 = arith.constant 1664 : i32
        %dma_start3A_1057 = tpu.memref_slice %arg6[%dma_start3A_1050, %dma_start3A_1056] : memref<2x2048xi32, #tpu.memory_space<vmem>> -> memref<1x128xi32, #tpu.memory_space<vmem>>
        %dma_start3A_1058 = tpu.memref_squeeze %dma_start3A_1057 : memref<1x128xi32, #tpu.memory_space<vmem>> -> memref<128xi32, #tpu.memory_space<vmem>>
        %dma_start3A_1059 = arith.constant 0 : i32
        %dma_start3A_1060 = arith.constant 0 : i32
        %dma_start3A_1061 = tpu.memref_slice %arg2[%dma_start3A_1059, %dma_start3A_1060] : memref<3276800x16xf32, #tpu.memory_space<hbm>> -> memref<3276800x16xf32, #tpu.memory_space<hbm>>
        tpu.enqueue_indirect_dma source(%dma_start3A_1061 : memref<3276800x16xf32, #tpu.memory_space<hbm>>) target(%dma_start3A_1055 : memref<128x16xf32, #tpu.memory_space<vmem>>) offsets(%dma_start3A_1058 : memref<128xi32, #tpu.memory_space<vmem>>) semaphore(%arg11 : memref<!tpu.dma_semaphore, #tpu.memory_space<semaphore_mem>>)
        %dma_start3A_1062 = arith.constant 0 : i32
        %dma_start3A_1063 = arith.constant 0 : i32
        %dma_start3A_1064 = arith.constant 1792 : i32
        %dma_start3A_1065 = arith.constant 0 : i32
        %dma_start3A_1066 = tpu.memref_slice %arg8[%dma_start3A_1063, %dma_start3A_1064, %dma_start3A_1065] : memref<2x2048x16xf32, #tpu.memory_space<vmem>> -> memref<1x128x16xf32, #tpu.memory_space<vmem>>
        %dma_start3A_1067 = tpu.memref_squeeze %dma_start3A_1066 : memref<1x128x16xf32, #tpu.memory_space<vmem>> -> memref<128x16xf32, #tpu.memory_space<vmem>>
        %dma_start3A_1068 = arith.constant 1792 : i32
        %dma_start3A_1069 = tpu.memref_slice %arg6[%dma_start3A_1062, %dma_start3A_1068] : memref<2x2048xi32, #tpu.memory_space<vmem>> -> memref<1x128xi32, #tpu.memory_space<vmem>>
        %dma_start3A_1070 = tpu.memref_squeeze %dma_start3A_1069 : memref<1x128xi32, #tpu.memory_space<vmem>> -> memref<128xi32, #tpu.memory_space<vmem>>
        %dma_start3A_1071 = arith.constant 0 : i32
        %dma_start3A_1072 = arith.constant 0 : i32
        %dma_start3A_1073 = tpu.memref_slice %arg2[%dma_start3A_1071, %dma_start3A_1072] : memref<3276800x16xf32, #tpu.memory_space<hbm>> -> memref<3276800x16xf32, #tpu.memory_space<hbm>>
        tpu.enqueue_indirect_dma source(%dma_start3A_1073 : memref<3276800x16xf32, #tpu.memory_space<hbm>>) target(%dma_start3A_1067 : memref<128x16xf32, #tpu.memory_space<vmem>>) offsets(%dma_start3A_1070 : memref<128xi32, #tpu.memory_space<vmem>>) semaphore(%arg11 : memref<!tpu.dma_semaphore, #tpu.memory_space<semaphore_mem>>)
        %dma_start3A_1074 = arith.constant 0 : i32
        %dma_start3A_1075 = arith.constant 0 : i32
        %dma_start3A_1076 = arith.constant 1920 : i32
        %dma_start3A_1077 = arith.constant 0 : i32
        %dma_start3A_1078 = tpu.memref_slice %arg8[%dma_start3A_1075, %dma_start3A_1076, %dma_start3A_1077] : memref<2x2048x16xf32, #tpu.memory_space<vmem>> -> memref<1x128x16xf32, #tpu.memory_space<vmem>>
        %dma_start3A_1079 = tpu.memref_squeeze %dma_start3A_1078 : memref<1x128x16xf32, #tpu.memory_space<vmem>> -> memref<128x16xf32, #tpu.memory_space<vmem>>
        %dma_start3A_1080 = arith.constant 1920 : i32
        %dma_start3A_1081 = tpu.memref_slice %arg6[%dma_start3A_1074, %dma_start3A_1080] : memref<2x2048xi32, #tpu.memory_space<vmem>> -> memref<1x128xi32, #tpu.memory_space<vmem>>
        %dma_start3A_1082 = tpu.memref_squeeze %dma_start3A_1081 : memref<1x128xi32, #tpu.memory_space<vmem>> -> memref<128xi32, #tpu.memory_space<vmem>>
        %dma_start3A_1083 = arith.constant 0 : i32
        %dma_start3A_1084 = arith.constant 0 : i32
        %dma_start3A_1085 = tpu.memref_slice %arg2[%dma_start3A_1083, %dma_start3A_1084] : memref<3276800x16xf32, #tpu.memory_space<hbm>> -> memref<3276800x16xf32, #tpu.memory_space<hbm>>
        tpu.enqueue_indirect_dma source(%dma_start3A_1085 : memref<3276800x16xf32, #tpu.memory_space<hbm>>) target(%dma_start3A_1079 : memref<128x16xf32, #tpu.memory_space<vmem>>) offsets(%dma_start3A_1082 : memref<128xi32, #tpu.memory_space<vmem>>) semaphore(%arg11 : memref<!tpu.dma_semaphore, #tpu.memory_space<semaphore_mem>>)
      } else {
      }
      %dma_wait3A_578 = arith.constant 1 : i32
      %dma_wait3A_579 = arith.constant 1 : i32
      %dma_wait3A_580 = arith.constant 0 : i32
      %dma_wait3A_581 = arith.constant 0 : i32
      %dma_wait3A_582 = tpu.memref_slice %arg8[%dma_wait3A_579, %dma_wait3A_580, %dma_wait3A_581] : memref<2x2048x16xf32, #tpu.memory_space<vmem>> -> memref<1x128x16xf32, #tpu.memory_space<vmem>>
      %dma_wait3A_583 = tpu.memref_squeeze %dma_wait3A_582 : memref<1x128x16xf32, #tpu.memory_space<vmem>> -> memref<128x16xf32, #tpu.memory_space<vmem>>
      %dma_wait3A_584 = arith.constant 0 : i32
      %dma_wait3A_585 = tpu.memref_slice %arg6[%dma_wait3A_578, %dma_wait3A_584] : memref<2x2048xi32, #tpu.memory_space<vmem>> -> memref<1x128xi32, #tpu.memory_space<vmem>>
      %dma_wait3A_586 = tpu.memref_squeeze %dma_wait3A_585 : memref<1x128xi32, #tpu.memory_space<vmem>> -> memref<128xi32, #tpu.memory_space<vmem>>
      %dma_wait3A_587 = arith.constant 0 : i32
      %dma_wait3A_588 = arith.constant 0 : i32
      %dma_wait3A_589 = tpu.memref_slice %arg2[%dma_wait3A_587, %dma_wait3A_588] : memref<3276800x16xf32, #tpu.memory_space<hbm>> -> memref<3276800x16xf32, #tpu.memory_space<hbm>>
      tpu.wait_indirect_dma semaphore(%arg11 : memref<!tpu.dma_semaphore, #tpu.memory_space<semaphore_mem>>) src(%dma_wait3A_589 : memref<3276800x16xf32, #tpu.memory_space<hbm>>) dst(%dma_wait3A_583 : memref<128x16xf32, #tpu.memory_space<vmem>>)
      %dma_wait3A_590 = arith.constant 1 : i32
      %dma_wait3A_591 = arith.constant 1 : i32
      %dma_wait3A_592 = arith.constant 128 : i32
      %dma_wait3A_593 = arith.constant 0 : i32
      %dma_wait3A_594 = tpu.memref_slice %arg8[%dma_wait3A_591, %dma_wait3A_592, %dma_wait3A_593] : memref<2x2048x16xf32, #tpu.memory_space<vmem>> -> memref<1x128x16xf32, #tpu.memory_space<vmem>>
      %dma_wait3A_595 = tpu.memref_squeeze %dma_wait3A_594 : memref<1x128x16xf32, #tpu.memory_space<vmem>> -> memref<128x16xf32, #tpu.memory_space<vmem>>
      %dma_wait3A_596 = arith.constant 128 : i32
      %dma_wait3A_597 = tpu.memref_slice %arg6[%dma_wait3A_590, %dma_wait3A_596] : memref<2x2048xi32, #tpu.memory_space<vmem>> -> memref<1x128xi32, #tpu.memory_space<vmem>>
      %dma_wait3A_598 = tpu.memref_squeeze %dma_wait3A_597 : memref<1x128xi32, #tpu.memory_space<vmem>> -> memref<128xi32, #tpu.memory_space<vmem>>
      %dma_wait3A_599 = arith.constant 0 : i32
      %dma_wait3A_600 = arith.constant 0 : i32
      %dma_wait3A_601 = tpu.memref_slice %arg2[%dma_wait3A_599, %dma_wait3A_600] : memref<3276800x16xf32, #tpu.memory_space<hbm>> -> memref<3276800x16xf32, #tpu.memory_space<hbm>>
      tpu.wait_indirect_dma semaphore(%arg11 : memref<!tpu.dma_semaphore, #tpu.memory_space<semaphore_mem>>) src(%dma_wait3A_601 : memref<3276800x16xf32, #tpu.memory_space<hbm>>) dst(%dma_wait3A_595 : memref<128x16xf32, #tpu.memory_space<vmem>>)
      %dma_wait3A_602 = arith.constant 1 : i32
      %dma_wait3A_603 = arith.constant 1 : i32
      %dma_wait3A_604 = arith.constant 256 : i32
      %dma_wait3A_605 = arith.constant 0 : i32
      %dma_wait3A_606 = tpu.memref_slice %arg8[%dma_wait3A_603, %dma_wait3A_604, %dma_wait3A_605] : memref<2x2048x16xf32, #tpu.memory_space<vmem>> -> memref<1x128x16xf32, #tpu.memory_space<vmem>>
      %dma_wait3A_607 = tpu.memref_squeeze %dma_wait3A_606 : memref<1x128x16xf32, #tpu.memory_space<vmem>> -> memref<128x16xf32, #tpu.memory_space<vmem>>
      %dma_wait3A_608 = arith.constant 256 : i32
      %dma_wait3A_609 = tpu.memref_slice %arg6[%dma_wait3A_602, %dma_wait3A_608] : memref<2x2048xi32, #tpu.memory_space<vmem>> -> memref<1x128xi32, #tpu.memory_space<vmem>>
      %dma_wait3A_610 = tpu.memref_squeeze %dma_wait3A_609 : memref<1x128xi32, #tpu.memory_space<vmem>> -> memref<128xi32, #tpu.memory_space<vmem>>
      %dma_wait3A_611 = arith.constant 0 : i32
      %dma_wait3A_612 = arith.constant 0 : i32
      %dma_wait3A_613 = tpu.memref_slice %arg2[%dma_wait3A_611, %dma_wait3A_612] : memref<3276800x16xf32, #tpu.memory_space<hbm>> -> memref<3276800x16xf32, #tpu.memory_space<hbm>>
      tpu.wait_indirect_dma semaphore(%arg11 : memref<!tpu.dma_semaphore, #tpu.memory_space<semaphore_mem>>) src(%dma_wait3A_613 : memref<3276800x16xf32, #tpu.memory_space<hbm>>) dst(%dma_wait3A_607 : memref<128x16xf32, #tpu.memory_space<vmem>>)
      %dma_wait3A_614 = arith.constant 1 : i32
      %dma_wait3A_615 = arith.constant 1 : i32
      %dma_wait3A_616 = arith.constant 384 : i32
      %dma_wait3A_617 = arith.constant 0 : i32
      %dma_wait3A_618 = tpu.memref_slice %arg8[%dma_wait3A_615, %dma_wait3A_616, %dma_wait3A_617] : memref<2x2048x16xf32, #tpu.memory_space<vmem>> -> memref<1x128x16xf32, #tpu.memory_space<vmem>>
      %dma_wait3A_619 = tpu.memref_squeeze %dma_wait3A_618 : memref<1x128x16xf32, #tpu.memory_space<vmem>> -> memref<128x16xf32, #tpu.memory_space<vmem>>
      %dma_wait3A_620 = arith.constant 384 : i32
      %dma_wait3A_621 = tpu.memref_slice %arg6[%dma_wait3A_614, %dma_wait3A_620] : memref<2x2048xi32, #tpu.memory_space<vmem>> -> memref<1x128xi32, #tpu.memory_space<vmem>>
      %dma_wait3A_622 = tpu.memref_squeeze %dma_wait3A_621 : memref<1x128xi32, #tpu.memory_space<vmem>> -> memref<128xi32, #tpu.memory_space<vmem>>
      %dma_wait3A_623 = arith.constant 0 : i32
      %dma_wait3A_624 = arith.constant 0 : i32
      %dma_wait3A_625 = tpu.memref_slice %arg2[%dma_wait3A_623, %dma_wait3A_624] : memref<3276800x16xf32, #tpu.memory_space<hbm>> -> memref<3276800x16xf32, #tpu.memory_space<hbm>>
      tpu.wait_indirect_dma semaphore(%arg11 : memref<!tpu.dma_semaphore, #tpu.memory_space<semaphore_mem>>) src(%dma_wait3A_625 : memref<3276800x16xf32, #tpu.memory_space<hbm>>) dst(%dma_wait3A_619 : memref<128x16xf32, #tpu.memory_space<vmem>>)
      %dma_wait3A_626 = arith.constant 1 : i32
      %dma_wait3A_627 = arith.constant 1 : i32
      %dma_wait3A_628 = arith.constant 512 : i32
      %dma_wait3A_629 = arith.constant 0 : i32
      %dma_wait3A_630 = tpu.memref_slice %arg8[%dma_wait3A_627, %dma_wait3A_628, %dma_wait3A_629] : memref<2x2048x16xf32, #tpu.memory_space<vmem>> -> memref<1x128x16xf32, #tpu.memory_space<vmem>>
      %dma_wait3A_631 = tpu.memref_squeeze %dma_wait3A_630 : memref<1x128x16xf32, #tpu.memory_space<vmem>> -> memref<128x16xf32, #tpu.memory_space<vmem>>
      %dma_wait3A_632 = arith.constant 512 : i32
      %dma_wait3A_633 = tpu.memref_slice %arg6[%dma_wait3A_626, %dma_wait3A_632] : memref<2x2048xi32, #tpu.memory_space<vmem>> -> memref<1x128xi32, #tpu.memory_space<vmem>>
      %dma_wait3A_634 = tpu.memref_squeeze %dma_wait3A_633 : memref<1x128xi32, #tpu.memory_space<vmem>> -> memref<128xi32, #tpu.memory_space<vmem>>
      %dma_wait3A_635 = arith.constant 0 : i32
      %dma_wait3A_636 = arith.constant 0 : i32
      %dma_wait3A_637 = tpu.memref_slice %arg2[%dma_wait3A_635, %dma_wait3A_636] : memref<3276800x16xf32, #tpu.memory_space<hbm>> -> memref<3276800x16xf32, #tpu.memory_space<hbm>>
      tpu.wait_indirect_dma semaphore(%arg11 : memref<!tpu.dma_semaphore, #tpu.memory_space<semaphore_mem>>) src(%dma_wait3A_637 : memref<3276800x16xf32, #tpu.memory_space<hbm>>) dst(%dma_wait3A_631 : memref<128x16xf32, #tpu.memory_space<vmem>>)
      %dma_wait3A_638 = arith.constant 1 : i32
      %dma_wait3A_639 = arith.constant 1 : i32
      %dma_wait3A_640 = arith.constant 640 : i32
      %dma_wait3A_641 = arith.constant 0 : i32
      %dma_wait3A_642 = tpu.memref_slice %arg8[%dma_wait3A_639, %dma_wait3A_640, %dma_wait3A_641] : memref<2x2048x16xf32, #tpu.memory_space<vmem>> -> memref<1x128x16xf32, #tpu.memory_space<vmem>>
      %dma_wait3A_643 = tpu.memref_squeeze %dma_wait3A_642 : memref<1x128x16xf32, #tpu.memory_space<vmem>> -> memref<128x16xf32, #tpu.memory_space<vmem>>
      %dma_wait3A_644 = arith.constant 640 : i32
      %dma_wait3A_645 = tpu.memref_slice %arg6[%dma_wait3A_638, %dma_wait3A_644] : memref<2x2048xi32, #tpu.memory_space<vmem>> -> memref<1x128xi32, #tpu.memory_space<vmem>>
      %dma_wait3A_646 = tpu.memref_squeeze %dma_wait3A_645 : memref<1x128xi32, #tpu.memory_space<vmem>> -> memref<128xi32, #tpu.memory_space<vmem>>
      %dma_wait3A_647 = arith.constant 0 : i32
      %dma_wait3A_648 = arith.constant 0 : i32
      %dma_wait3A_649 = tpu.memref_slice %arg2[%dma_wait3A_647, %dma_wait3A_648] : memref<3276800x16xf32, #tpu.memory_space<hbm>> -> memref<3276800x16xf32, #tpu.memory_space<hbm>>
      tpu.wait_indirect_dma semaphore(%arg11 : memref<!tpu.dma_semaphore, #tpu.memory_space<semaphore_mem>>) src(%dma_wait3A_649 : memref<3276800x16xf32, #tpu.memory_space<hbm>>) dst(%dma_wait3A_643 : memref<128x16xf32, #tpu.memory_space<vmem>>)
      %dma_wait3A_650 = arith.constant 1 : i32
      %dma_wait3A_651 = arith.constant 1 : i32
      %dma_wait3A_652 = arith.constant 768 : i32
      %dma_wait3A_653 = arith.constant 0 : i32
      %dma_wait3A_654 = tpu.memref_slice %arg8[%dma_wait3A_651, %dma_wait3A_652, %dma_wait3A_653] : memref<2x2048x16xf32, #tpu.memory_space<vmem>> -> memref<1x128x16xf32, #tpu.memory_space<vmem>>
      %dma_wait3A_655 = tpu.memref_squeeze %dma_wait3A_654 : memref<1x128x16xf32, #tpu.memory_space<vmem>> -> memref<128x16xf32, #tpu.memory_space<vmem>>
      %dma_wait3A_656 = arith.constant 768 : i32
      %dma_wait3A_657 = tpu.memref_slice %arg6[%dma_wait3A_650, %dma_wait3A_656] : memref<2x2048xi32, #tpu.memory_space<vmem>> -> memref<1x128xi32, #tpu.memory_space<vmem>>
      %dma_wait3A_658 = tpu.memref_squeeze %dma_wait3A_657 : memref<1x128xi32, #tpu.memory_space<vmem>> -> memref<128xi32, #tpu.memory_space<vmem>>
      %dma_wait3A_659 = arith.constant 0 : i32
      %dma_wait3A_660 = arith.constant 0 : i32
      %dma_wait3A_661 = tpu.memref_slice %arg2[%dma_wait3A_659, %dma_wait3A_660] : memref<3276800x16xf32, #tpu.memory_space<hbm>> -> memref<3276800x16xf32, #tpu.memory_space<hbm>>
      tpu.wait_indirect_dma semaphore(%arg11 : memref<!tpu.dma_semaphore, #tpu.memory_space<semaphore_mem>>) src(%dma_wait3A_661 : memref<3276800x16xf32, #tpu.memory_space<hbm>>) dst(%dma_wait3A_655 : memref<128x16xf32, #tpu.memory_space<vmem>>)
      %dma_wait3A_662 = arith.constant 1 : i32
      %dma_wait3A_663 = arith.constant 1 : i32
      %dma_wait3A_664 = arith.constant 896 : i32
      %dma_wait3A_665 = arith.constant 0 : i32
      %dma_wait3A_666 = tpu.memref_slice %arg8[%dma_wait3A_663, %dma_wait3A_664, %dma_wait3A_665] : memref<2x2048x16xf32, #tpu.memory_space<vmem>> -> memref<1x128x16xf32, #tpu.memory_space<vmem>>
      %dma_wait3A_667 = tpu.memref_squeeze %dma_wait3A_666 : memref<1x128x16xf32, #tpu.memory_space<vmem>> -> memref<128x16xf32, #tpu.memory_space<vmem>>
      %dma_wait3A_668 = arith.constant 896 : i32
      %dma_wait3A_669 = tpu.memref_slice %arg6[%dma_wait3A_662, %dma_wait3A_668] : memref<2x2048xi32, #tpu.memory_space<vmem>> -> memref<1x128xi32, #tpu.memory_space<vmem>>
      %dma_wait3A_670 = tpu.memref_squeeze %dma_wait3A_669 : memref<1x128xi32, #tpu.memory_space<vmem>> -> memref<128xi32, #tpu.memory_space<vmem>>
      %dma_wait3A_671 = arith.constant 0 : i32
      %dma_wait3A_672 = arith.constant 0 : i32
      %dma_wait3A_673 = tpu.memref_slice %arg2[%dma_wait3A_671, %dma_wait3A_672] : memref<3276800x16xf32, #tpu.memory_space<hbm>> -> memref<3276800x16xf32, #tpu.memory_space<hbm>>
      tpu.wait_indirect_dma semaphore(%arg11 : memref<!tpu.dma_semaphore, #tpu.memory_space<semaphore_mem>>) src(%dma_wait3A_673 : memref<3276800x16xf32, #tpu.memory_space<hbm>>) dst(%dma_wait3A_667 : memref<128x16xf32, #tpu.memory_space<vmem>>)
      %dma_wait3A_674 = arith.constant 1 : i32
      %dma_wait3A_675 = arith.constant 1 : i32
      %dma_wait3A_676 = arith.constant 1024 : i32
      %dma_wait3A_677 = arith.constant 0 : i32
      %dma_wait3A_678 = tpu.memref_slice %arg8[%dma_wait3A_675, %dma_wait3A_676, %dma_wait3A_677] : memref<2x2048x16xf32, #tpu.memory_space<vmem>> -> memref<1x128x16xf32, #tpu.memory_space<vmem>>
      %dma_wait3A_679 = tpu.memref_squeeze %dma_wait3A_678 : memref<1x128x16xf32, #tpu.memory_space<vmem>> -> memref<128x16xf32, #tpu.memory_space<vmem>>
      %dma_wait3A_680 = arith.constant 1024 : i32
      %dma_wait3A_681 = tpu.memref_slice %arg6[%dma_wait3A_674, %dma_wait3A_680] : memref<2x2048xi32, #tpu.memory_space<vmem>> -> memref<1x128xi32, #tpu.memory_space<vmem>>
      %dma_wait3A_682 = tpu.memref_squeeze %dma_wait3A_681 : memref<1x128xi32, #tpu.memory_space<vmem>> -> memref<128xi32, #tpu.memory_space<vmem>>
      %dma_wait3A_683 = arith.constant 0 : i32
      %dma_wait3A_684 = arith.constant 0 : i32
      %dma_wait3A_685 = tpu.memref_slice %arg2[%dma_wait3A_683, %dma_wait3A_684] : memref<3276800x16xf32, #tpu.memory_space<hbm>> -> memref<3276800x16xf32, #tpu.memory_space<hbm>>
      tpu.wait_indirect_dma semaphore(%arg11 : memref<!tpu.dma_semaphore, #tpu.memory_space<semaphore_mem>>) src(%dma_wait3A_685 : memref<3276800x16xf32, #tpu.memory_space<hbm>>) dst(%dma_wait3A_679 : memref<128x16xf32, #tpu.memory_space<vmem>>)
      %dma_wait3A_686 = arith.constant 1 : i32
      %dma_wait3A_687 = arith.constant 1 : i32
      %dma_wait3A_688 = arith.constant 1152 : i32
      %dma_wait3A_689 = arith.constant 0 : i32
      %dma_wait3A_690 = tpu.memref_slice %arg8[%dma_wait3A_687, %dma_wait3A_688, %dma_wait3A_689] : memref<2x2048x16xf32, #tpu.memory_space<vmem>> -> memref<1x128x16xf32, #tpu.memory_space<vmem>>
      %dma_wait3A_691 = tpu.memref_squeeze %dma_wait3A_690 : memref<1x128x16xf32, #tpu.memory_space<vmem>> -> memref<128x16xf32, #tpu.memory_space<vmem>>
      %dma_wait3A_692 = arith.constant 1152 : i32
      %dma_wait3A_693 = tpu.memref_slice %arg6[%dma_wait3A_686, %dma_wait3A_692] : memref<2x2048xi32, #tpu.memory_space<vmem>> -> memref<1x128xi32, #tpu.memory_space<vmem>>
      %dma_wait3A_694 = tpu.memref_squeeze %dma_wait3A_693 : memref<1x128xi32, #tpu.memory_space<vmem>> -> memref<128xi32, #tpu.memory_space<vmem>>
      %dma_wait3A_695 = arith.constant 0 : i32
      %dma_wait3A_696 = arith.constant 0 : i32
      %dma_wait3A_697 = tpu.memref_slice %arg2[%dma_wait3A_695, %dma_wait3A_696] : memref<3276800x16xf32, #tpu.memory_space<hbm>> -> memref<3276800x16xf32, #tpu.memory_space<hbm>>
      tpu.wait_indirect_dma semaphore(%arg11 : memref<!tpu.dma_semaphore, #tpu.memory_space<semaphore_mem>>) src(%dma_wait3A_697 : memref<3276800x16xf32, #tpu.memory_space<hbm>>) dst(%dma_wait3A_691 : memref<128x16xf32, #tpu.memory_space<vmem>>)
      %dma_wait3A_698 = arith.constant 1 : i32
      %dma_wait3A_699 = arith.constant 1 : i32
      %dma_wait3A_700 = arith.constant 1280 : i32
      %dma_wait3A_701 = arith.constant 0 : i32
      %dma_wait3A_702 = tpu.memref_slice %arg8[%dma_wait3A_699, %dma_wait3A_700, %dma_wait3A_701] : memref<2x2048x16xf32, #tpu.memory_space<vmem>> -> memref<1x128x16xf32, #tpu.memory_space<vmem>>
      %dma_wait3A_703 = tpu.memref_squeeze %dma_wait3A_702 : memref<1x128x16xf32, #tpu.memory_space<vmem>> -> memref<128x16xf32, #tpu.memory_space<vmem>>
      %dma_wait3A_704 = arith.constant 1280 : i32
      %dma_wait3A_705 = tpu.memref_slice %arg6[%dma_wait3A_698, %dma_wait3A_704] : memref<2x2048xi32, #tpu.memory_space<vmem>> -> memref<1x128xi32, #tpu.memory_space<vmem>>
      %dma_wait3A_706 = tpu.memref_squeeze %dma_wait3A_705 : memref<1x128xi32, #tpu.memory_space<vmem>> -> memref<128xi32, #tpu.memory_space<vmem>>
      %dma_wait3A_707 = arith.constant 0 : i32
      %dma_wait3A_708 = arith.constant 0 : i32
      %dma_wait3A_709 = tpu.memref_slice %arg2[%dma_wait3A_707, %dma_wait3A_708] : memref<3276800x16xf32, #tpu.memory_space<hbm>> -> memref<3276800x16xf32, #tpu.memory_space<hbm>>
      tpu.wait_indirect_dma semaphore(%arg11 : memref<!tpu.dma_semaphore, #tpu.memory_space<semaphore_mem>>) src(%dma_wait3A_709 : memref<3276800x16xf32, #tpu.memory_space<hbm>>) dst(%dma_wait3A_703 : memref<128x16xf32, #tpu.memory_space<vmem>>)
      %dma_wait3A_710 = arith.constant 1 : i32
      %dma_wait3A_711 = arith.constant 1 : i32
      %dma_wait3A_712 = arith.constant 1408 : i32
      %dma_wait3A_713 = arith.constant 0 : i32
      %dma_wait3A_714 = tpu.memref_slice %arg8[%dma_wait3A_711, %dma_wait3A_712, %dma_wait3A_713] : memref<2x2048x16xf32, #tpu.memory_space<vmem>> -> memref<1x128x16xf32, #tpu.memory_space<vmem>>
      %dma_wait3A_715 = tpu.memref_squeeze %dma_wait3A_714 : memref<1x128x16xf32, #tpu.memory_space<vmem>> -> memref<128x16xf32, #tpu.memory_space<vmem>>
      %dma_wait3A_716 = arith.constant 1408 : i32
      %dma_wait3A_717 = tpu.memref_slice %arg6[%dma_wait3A_710, %dma_wait3A_716] : memref<2x2048xi32, #tpu.memory_space<vmem>> -> memref<1x128xi32, #tpu.memory_space<vmem>>
      %dma_wait3A_718 = tpu.memref_squeeze %dma_wait3A_717 : memref<1x128xi32, #tpu.memory_space<vmem>> -> memref<128xi32, #tpu.memory_space<vmem>>
      %dma_wait3A_719 = arith.constant 0 : i32
      %dma_wait3A_720 = arith.constant 0 : i32
      %dma_wait3A_721 = tpu.memref_slice %arg2[%dma_wait3A_719, %dma_wait3A_720] : memref<3276800x16xf32, #tpu.memory_space<hbm>> -> memref<3276800x16xf32, #tpu.memory_space<hbm>>
      tpu.wait_indirect_dma semaphore(%arg11 : memref<!tpu.dma_semaphore, #tpu.memory_space<semaphore_mem>>) src(%dma_wait3A_721 : memref<3276800x16xf32, #tpu.memory_space<hbm>>) dst(%dma_wait3A_715 : memref<128x16xf32, #tpu.memory_space<vmem>>)
      %dma_wait3A_722 = arith.constant 1 : i32
      %dma_wait3A_723 = arith.constant 1 : i32
      %dma_wait3A_724 = arith.constant 1536 : i32
      %dma_wait3A_725 = arith.constant 0 : i32
      %dma_wait3A_726 = tpu.memref_slice %arg8[%dma_wait3A_723, %dma_wait3A_724, %dma_wait3A_725] : memref<2x2048x16xf32, #tpu.memory_space<vmem>> -> memref<1x128x16xf32, #tpu.memory_space<vmem>>
      %dma_wait3A_727 = tpu.memref_squeeze %dma_wait3A_726 : memref<1x128x16xf32, #tpu.memory_space<vmem>> -> memref<128x16xf32, #tpu.memory_space<vmem>>
      %dma_wait3A_728 = arith.constant 1536 : i32
      %dma_wait3A_729 = tpu.memref_slice %arg6[%dma_wait3A_722, %dma_wait3A_728] : memref<2x2048xi32, #tpu.memory_space<vmem>> -> memref<1x128xi32, #tpu.memory_space<vmem>>
      %dma_wait3A_730 = tpu.memref_squeeze %dma_wait3A_729 : memref<1x128xi32, #tpu.memory_space<vmem>> -> memref<128xi32, #tpu.memory_space<vmem>>
      %dma_wait3A_731 = arith.constant 0 : i32
      %dma_wait3A_732 = arith.constant 0 : i32
      %dma_wait3A_733 = tpu.memref_slice %arg2[%dma_wait3A_731, %dma_wait3A_732] : memref<3276800x16xf32, #tpu.memory_space<hbm>> -> memref<3276800x16xf32, #tpu.memory_space<hbm>>
      tpu.wait_indirect_dma semaphore(%arg11 : memref<!tpu.dma_semaphore, #tpu.memory_space<semaphore_mem>>) src(%dma_wait3A_733 : memref<3276800x16xf32, #tpu.memory_space<hbm>>) dst(%dma_wait3A_727 : memref<128x16xf32, #tpu.memory_space<vmem>>)
      %dma_wait3A_734 = arith.constant 1 : i32
      %dma_wait3A_735 = arith.constant 1 : i32
      %dma_wait3A_736 = arith.constant 1664 : i32
      %dma_wait3A_737 = arith.constant 0 : i32
      %dma_wait3A_738 = tpu.memref_slice %arg8[%dma_wait3A_735, %dma_wait3A_736, %dma_wait3A_737] : memref<2x2048x16xf32, #tpu.memory_space<vmem>> -> memref<1x128x16xf32, #tpu.memory_space<vmem>>
      %dma_wait3A_739 = tpu.memref_squeeze %dma_wait3A_738 : memref<1x128x16xf32, #tpu.memory_space<vmem>> -> memref<128x16xf32, #tpu.memory_space<vmem>>
      %dma_wait3A_740 = arith.constant 1664 : i32
      %dma_wait3A_741 = tpu.memref_slice %arg6[%dma_wait3A_734, %dma_wait3A_740] : memref<2x2048xi32, #tpu.memory_space<vmem>> -> memref<1x128xi32, #tpu.memory_space<vmem>>
      %dma_wait3A_742 = tpu.memref_squeeze %dma_wait3A_741 : memref<1x128xi32, #tpu.memory_space<vmem>> -> memref<128xi32, #tpu.memory_space<vmem>>
      %dma_wait3A_743 = arith.constant 0 : i32
      %dma_wait3A_744 = arith.constant 0 : i32
      %dma_wait3A_745 = tpu.memref_slice %arg2[%dma_wait3A_743, %dma_wait3A_744] : memref<3276800x16xf32, #tpu.memory_space<hbm>> -> memref<3276800x16xf32, #tpu.memory_space<hbm>>
      tpu.wait_indirect_dma semaphore(%arg11 : memref<!tpu.dma_semaphore, #tpu.memory_space<semaphore_mem>>) src(%dma_wait3A_745 : memref<3276800x16xf32, #tpu.memory_space<hbm>>) dst(%dma_wait3A_739 : memref<128x16xf32, #tpu.memory_space<vmem>>)
      %dma_wait3A_746 = arith.constant 1 : i32
      %dma_wait3A_747 = arith.constant 1 : i32
      %dma_wait3A_748 = arith.constant 1792 : i32
      %dma_wait3A_749 = arith.constant 0 : i32
      %dma_wait3A_750 = tpu.memref_slice %arg8[%dma_wait3A_747, %dma_wait3A_748, %dma_wait3A_749] : memref<2x2048x16xf32, #tpu.memory_space<vmem>> -> memref<1x128x16xf32, #tpu.memory_space<vmem>>
      %dma_wait3A_751 = tpu.memref_squeeze %dma_wait3A_750 : memref<1x128x16xf32, #tpu.memory_space<vmem>> -> memref<128x16xf32, #tpu.memory_space<vmem>>
      %dma_wait3A_752 = arith.constant 1792 : i32
      %dma_wait3A_753 = tpu.memref_slice %arg6[%dma_wait3A_746, %dma_wait3A_752] : memref<2x2048xi32, #tpu.memory_space<vmem>> -> memref<1x128xi32, #tpu.memory_space<vmem>>
      %dma_wait3A_754 = tpu.memref_squeeze %dma_wait3A_753 : memref<1x128xi32, #tpu.memory_space<vmem>> -> memref<128xi32, #tpu.memory_space<vmem>>
      %dma_wait3A_755 = arith.constant 0 : i32
      %dma_wait3A_756 = arith.constant 0 : i32
      %dma_wait3A_757 = tpu.memref_slice %arg2[%dma_wait3A_755, %dma_wait3A_756] : memref<3276800x16xf32, #tpu.memory_space<hbm>> -> memref<3276800x16xf32, #tpu.memory_space<hbm>>
      tpu.wait_indirect_dma semaphore(%arg11 : memref<!tpu.dma_semaphore, #tpu.memory_space<semaphore_mem>>) src(%dma_wait3A_757 : memref<3276800x16xf32, #tpu.memory_space<hbm>>) dst(%dma_wait3A_751 : memref<128x16xf32, #tpu.memory_space<vmem>>)
      %dma_wait3A_758 = arith.constant 1 : i32
      %dma_wait3A_759 = arith.constant 1 : i32
      %dma_wait3A_760 = arith.constant 1920 : i32
      %dma_wait3A_761 = arith.constant 0 : i32
      %dma_wait3A_762 = tpu.memref_slice %arg8[%dma_wait3A_759, %dma_wait3A_760, %dma_wait3A_761] : memref<2x2048x16xf32, #tpu.memory_space<vmem>> -> memref<1x128x16xf32, #tpu.memory_space<vmem>>
      %dma_wait3A_763 = tpu.memref_squeeze %dma_wait3A_762 : memref<1x128x16xf32, #tpu.memory_space<vmem>> -> memref<128x16xf32, #tpu.memory_space<vmem>>
      %dma_wait3A_764 = arith.constant 1920 : i32
      %dma_wait3A_765 = tpu.memref_slice %arg6[%dma_wait3A_758, %dma_wait3A_764] : memref<2x2048xi32, #tpu.memory_space<vmem>> -> memref<1x128xi32, #tpu.memory_space<vmem>>
      %dma_wait3A_766 = tpu.memref_squeeze %dma_wait3A_765 : memref<1x128xi32, #tpu.memory_space<vmem>> -> memref<128xi32, #tpu.memory_space<vmem>>
      %dma_wait3A_767 = arith.constant 0 : i32
      %dma_wait3A_768 = arith.constant 0 : i32
      %dma_wait3A_769 = tpu.memref_slice %arg2[%dma_wait3A_767, %dma_wait3A_768] : memref<3276800x16xf32, #tpu.memory_space<hbm>> -> memref<3276800x16xf32, #tpu.memory_space<hbm>>
      tpu.wait_indirect_dma semaphore(%arg11 : memref<!tpu.dma_semaphore, #tpu.memory_space<semaphore_mem>>) src(%dma_wait3A_769 : memref<3276800x16xf32, #tpu.memory_space<hbm>>) dst(%dma_wait3A_763 : memref<128x16xf32, #tpu.memory_space<vmem>>)
      %ge3A_770 = arith.constant 2 : i32
      %ge3A_771 = arith.cmpi sge, %add3A_570, %ge3A_770 : i32
      %convert_element_type3A_772 = arith.extui %ge3A_771 : i1 to i32
      %cond3A_773 = arith.constant 0 : i32
      %cond3A_774 = arith.cmpi ne, %convert_element_type3A_772, %cond3A_773 : i32
      scf.if %cond3A_774 {
        %sub3A = arith.constant 2 : i32
        %sub3A_807 = arith.subi %add3A_570, %sub3A : i32
        %mul3A_808 = arith.constant 2048 : i32
        %mul3A_809 = arith.muli %sub3A_807, %mul3A_808 : i32
        %add3A_810 = arith.addi %mul3A_2, %mul3A_809 : i32
        %add3A_811 = arith.constant 0 : i32
        %add3A_812 = arith.addi %add3A_811, %add3A_810 : i32
        %add3A_813 = arith.constant 3276800 : i32
        %add3A_814 = arith.addi %add3A_813, %add3A_810 : i32
        %dma_wait3A_815 = arith.constant 1 : i32
        %dma_wait3A_816 = arith.constant 0 : i32
        %dma_wait3A_817 = arith.constant 0 : i32
        %dma_wait3A_818 = tpu.memref_slice %arg9[%dma_wait3A_815, %dma_wait3A_816, %dma_wait3A_817] : memref<2x2x2048xf32, #tpu.memory_space<vmem>> -> memref<1x1x2048xf32, #tpu.memory_space<vmem>>
        %dma_wait3A_819 = tpu.memref_squeeze %dma_wait3A_818 : memref<1x1x2048xf32, #tpu.memory_space<vmem>> -> memref<2048xf32, #tpu.memory_space<vmem>>
        %dma_wait3A_820 = tpu.memref_slice %arg4[%add3A_812] : memref<6553600xf32, #tpu.memory_space<hbm>> -> memref<2048xf32, #tpu.memory_space<hbm>>
        %dma_wait3A_821 = tpu.memref_slice %arg4[%add3A_812] : memref<6553600xf32, #tpu.memory_space<hbm>> -> memref<2048xf32, #tpu.memory_space<hbm>>
        %dma_wait3A_822 = arith.constant 0 : i32
        %dma_wait3A_823 = tpu.memref_slice %arg9[%dma_wait3A_815, %dma_wait3A_816, %dma_wait3A_822] : memref<2x2x2048xf32, #tpu.memory_space<vmem>> -> memref<1x1x2048xf32, #tpu.memory_space<vmem>>
        %dma_wait3A_824 = tpu.memref_squeeze %dma_wait3A_823 : memref<1x1x2048xf32, #tpu.memory_space<vmem>> -> memref<2048xf32, #tpu.memory_space<vmem>>
        tpu.wait_dma2 semaphore(%arg12 : memref<!tpu.dma_semaphore, #tpu.memory_space<semaphore_mem>>) src(%dma_wait3A_824 : memref<2048xf32, #tpu.memory_space<vmem>>) dst(%dma_wait3A_821 : memref<2048xf32, #tpu.memory_space<hbm>>)
        %dma_wait3A_825 = arith.constant 1 : i32
        %dma_wait3A_826 = arith.constant 1 : i32
        %dma_wait3A_827 = arith.constant 0 : i32
        %dma_wait3A_828 = tpu.memref_slice %arg9[%dma_wait3A_825, %dma_wait3A_826, %dma_wait3A_827] : memref<2x2x2048xf32, #tpu.memory_space<vmem>> -> memref<1x1x2048xf32, #tpu.memory_space<vmem>>
        %dma_wait3A_829 = tpu.memref_squeeze %dma_wait3A_828 : memref<1x1x2048xf32, #tpu.memory_space<vmem>> -> memref<2048xf32, #tpu.memory_space<vmem>>
        %dma_wait3A_830 = tpu.memref_slice %arg4[%add3A_814] : memref<6553600xf32, #tpu.memory_space<hbm>> -> memref<2048xf32, #tpu.memory_space<hbm>>
        %dma_wait3A_831 = tpu.memref_slice %arg4[%add3A_814] : memref<6553600xf32, #tpu.memory_space<hbm>> -> memref<2048xf32, #tpu.memory_space<hbm>>
        %dma_wait3A_832 = arith.constant 0 : i32
        %dma_wait3A_833 = tpu.memref_slice %arg9[%dma_wait3A_825, %dma_wait3A_826, %dma_wait3A_832] : memref<2x2x2048xf32, #tpu.memory_space<vmem>> -> memref<1x1x2048xf32, #tpu.memory_space<vmem>>
        %dma_wait3A_834 = tpu.memref_squeeze %dma_wait3A_833 : memref<1x1x2048xf32, #tpu.memory_space<vmem>> -> memref<2048xf32, #tpu.memory_space<vmem>>
        tpu.wait_dma2 semaphore(%arg12 : memref<!tpu.dma_semaphore, #tpu.memory_space<semaphore_mem>>) src(%dma_wait3A_834 : memref<2048xf32, #tpu.memory_space<vmem>>) dst(%dma_wait3A_831 : memref<2048xf32, #tpu.memory_space<hbm>>)
      } else {
      }
      %scan3A_775 = arith.constant 0 : i32
      %scan3A_776 = arith.constant 128 : i32
      %scan3A_777 = arith.addi %scan3A_775, %scan3A_776 : i32
      %scan3A_778 = arith.constant 1 : i32
      scf.for %scan3A_807 = %scan3A_775 to %scan3A_777 step %scan3A_778  : i32 {
        %mul3A_808 = arith.constant 1 : i32
        %mul3A_809 = arith.muli %scan3A_807, %mul3A_808 : i32
        %add3A_810 = arith.constant 0 : i32
        %add3A_811 = arith.addi %add3A_810, %mul3A_809 : i32
        %mul3A_812 = arith.constant 16 : i32
        %mul3A_813 = arith.muli %add3A_811, %mul3A_812 : i32
        %get3A = arith.constant 1 : i32
        %get3A_814 = arith.constant 0 : i32
        %get3A_815 = arith.index_cast %get3A : i32 to index
        %get3A_816 = arith.index_cast %get3A_814 : i32 to index
        %get3A_817 = arith.index_cast %mul3A_813 : i32 to index
        %get3A_818 = tpu.vector_load %arg7[%get3A_815, %get3A_816, %get3A_817] {strides = array<i32>} : memref<2x3x2048xf32, #tpu.memory_space<vmem>>, vector<16xf32>,
        %get3A_819 = arith.constant 1 : i32
        %get3A_820 = arith.constant 1 : i32
        %get3A_821 = arith.index_cast %get3A_819 : i32 to index
        %get3A_822 = arith.index_cast %get3A_820 : i32 to index
        %get3A_823 = arith.index_cast %mul3A_813 : i32 to index
        %get3A_824 = tpu.vector_load %arg7[%get3A_821, %get3A_822, %get3A_823] {strides = array<i32>} : memref<2x3x2048xf32, #tpu.memory_space<vmem>>, vector<16xf32>,
        %get3A_825 = arith.constant 1 : i32
        %get3A_826 = arith.constant 2 : i32
        %get3A_827 = arith.index_cast %get3A_825 : i32 to index
        %get3A_828 = arith.index_cast %get3A_826 : i32 to index
        %get3A_829 = arith.index_cast %mul3A_813 : i32 to index
        %get3A_830 = tpu.vector_load %arg7[%get3A_827, %get3A_828, %get3A_829] {strides = array<i32>} : memref<2x3x2048xf32, #tpu.memory_space<vmem>>, vector<16xf32>,
        %sub3A = arith.constant 1.000000e+00 : f32
        %sub3A_831 = vector.broadcast %sub3A : f32 to vector<16xf32>
        %sub3A_832 = arith.subf %sub3A_831, %get3A_818 : vector<16xf32>
        %sub3A_833 = arith.constant 1.000000e+00 : f32
        %sub3A_834 = vector.broadcast %sub3A_833 : f32 to vector<16xf32>
        %sub3A_835 = arith.subf %sub3A_834, %get3A_824 : vector<16xf32>
        %sub3A_836 = arith.constant 1.000000e+00 : f32
        %sub3A_837 = vector.broadcast %sub3A_836 : f32 to vector<16xf32>
        %sub3A_838 = arith.subf %sub3A_837, %get3A_830 : vector<16xf32>
        %mul3A_839 = arith.mulf %sub3A_835, %sub3A_838 : vector<16xf32>
        %mul3A_840 = arith.mulf %sub3A_835, %get3A_830 : vector<16xf32>
        %mul3A_841 = arith.mulf %get3A_824, %sub3A_838 : vector<16xf32>
        %mul3A_842 = arith.mulf %get3A_824, %get3A_830 : vector<16xf32>
        %add3A_843 = vector.broadcast %mul3A_813 : i32 to vector<16xi32>
        %add3A_844 = arith.addi %iota3A, %add3A_843 : vector<16xi32>
        %broadcast_in_dim3A = arith.constant 0 : i32
        %broadcast_in_dim3A_845 = vector.broadcast %broadcast_in_dim3A : i32 to vector<16xi32>
        %gather3A = arith.constant 1 : i32
        %gather3A_846 = arith.constant 0 : i32
        %gather3A_847 = arith.constant 0 : i32
        %gather3A_848 = tpu.memref_slice %arg8[%gather3A, %gather3A_846, %gather3A_847] : memref<2x2048x16xf32, #tpu.memory_space<vmem>> -> memref<1x2048x16xf32, #tpu.memory_space<vmem>>
        %gather3A_849 = tpu.memref_squeeze %gather3A_848 : memref<1x2048x16xf32, #tpu.memory_space<vmem>> -> memref<2048x16xf32, #tpu.memory_space<vmem>>
        %gather3A_850 = tpu.vector_load_idx %gather3A_849[%add3A_844, %broadcast_in_dim3A_845] : memref<2048x16xf32, #tpu.memory_space<vmem>>[vector<16xi32>, vector<16xi32>], vector<16xf32>,
        %broadcast_in_dim3A_851 = arith.constant 1 : i32
        %broadcast_in_dim3A_852 = vector.broadcast %broadcast_in_dim3A_851 : i32 to vector<16xi32>
        %gather3A_853 = arith.constant 1 : i32
        %gather3A_854 = arith.constant 0 : i32
        %gather3A_855 = arith.constant 0 : i32
        %gather3A_856 = tpu.memref_slice %arg8[%gather3A_853, %gather3A_854, %gather3A_855] : memref<2x2048x16xf32, #tpu.memory_space<vmem>> -> memref<1x2048x16xf32, #tpu.memory_space<vmem>>
        %gather3A_857 = tpu.memref_squeeze %gather3A_856 : memref<1x2048x16xf32, #tpu.memory_space<vmem>> -> memref<2048x16xf32, #tpu.memory_space<vmem>>
        %gather3A_858 = tpu.vector_load_idx %gather3A_857[%add3A_844, %broadcast_in_dim3A_852] : memref<2048x16xf32, #tpu.memory_space<vmem>>[vector<16xi32>, vector<16xi32>], vector<16xf32>,
        %broadcast_in_dim3A_859 = arith.constant 2 : i32
        %broadcast_in_dim3A_860 = vector.broadcast %broadcast_in_dim3A_859 : i32 to vector<16xi32>
        %gather3A_861 = arith.constant 1 : i32
        %gather3A_862 = arith.constant 0 : i32
        %gather3A_863 = arith.constant 0 : i32
        %gather3A_864 = tpu.memref_slice %arg8[%gather3A_861, %gather3A_862, %gather3A_863] : memref<2x2048x16xf32, #tpu.memory_space<vmem>> -> memref<1x2048x16xf32, #tpu.memory_space<vmem>>
        %gather3A_865 = tpu.memref_squeeze %gather3A_864 : memref<1x2048x16xf32, #tpu.memory_space<vmem>> -> memref<2048x16xf32, #tpu.memory_space<vmem>>
        %gather3A_866 = tpu.vector_load_idx %gather3A_865[%add3A_844, %broadcast_in_dim3A_860] : memref<2048x16xf32, #tpu.memory_space<vmem>>[vector<16xi32>, vector<16xi32>], vector<16xf32>,
        %broadcast_in_dim3A_867 = arith.constant 3 : i32
        %broadcast_in_dim3A_868 = vector.broadcast %broadcast_in_dim3A_867 : i32 to vector<16xi32>
        %gather3A_869 = arith.constant 1 : i32
        %gather3A_870 = arith.constant 0 : i32
        %gather3A_871 = arith.constant 0 : i32
        %gather3A_872 = tpu.memref_slice %arg8[%gather3A_869, %gather3A_870, %gather3A_871] : memref<2x2048x16xf32, #tpu.memory_space<vmem>> -> memref<1x2048x16xf32, #tpu.memory_space<vmem>>
        %gather3A_873 = tpu.memref_squeeze %gather3A_872 : memref<1x2048x16xf32, #tpu.memory_space<vmem>> -> memref<2048x16xf32, #tpu.memory_space<vmem>>
        %gather3A_874 = tpu.vector_load_idx %gather3A_873[%add3A_844, %broadcast_in_dim3A_868] : memref<2048x16xf32, #tpu.memory_space<vmem>>[vector<16xi32>, vector<16xi32>], vector<16xf32>,
        %broadcast_in_dim3A_875 = arith.constant 4 : i32
        %broadcast_in_dim3A_876 = vector.broadcast %broadcast_in_dim3A_875 : i32 to vector<16xi32>
        %gather3A_877 = arith.constant 1 : i32
        %gather3A_878 = arith.constant 0 : i32
        %gather3A_879 = arith.constant 0 : i32
        %gather3A_880 = tpu.memref_slice %arg8[%gather3A_877, %gather3A_878, %gather3A_879] : memref<2x2048x16xf32, #tpu.memory_space<vmem>> -> memref<1x2048x16xf32, #tpu.memory_space<vmem>>
        %gather3A_881 = tpu.memref_squeeze %gather3A_880 : memref<1x2048x16xf32, #tpu.memory_space<vmem>> -> memref<2048x16xf32, #tpu.memory_space<vmem>>
        %gather3A_882 = tpu.vector_load_idx %gather3A_881[%add3A_844, %broadcast_in_dim3A_876] : memref<2048x16xf32, #tpu.memory_space<vmem>>[vector<16xi32>, vector<16xi32>], vector<16xf32>,
        %broadcast_in_dim3A_883 = arith.constant 5 : i32
        %broadcast_in_dim3A_884 = vector.broadcast %broadcast_in_dim3A_883 : i32 to vector<16xi32>
        %gather3A_885 = arith.constant 1 : i32
        %gather3A_886 = arith.constant 0 : i32
        %gather3A_887 = arith.constant 0 : i32
        %gather3A_888 = tpu.memref_slice %arg8[%gather3A_885, %gather3A_886, %gather3A_887] : memref<2x2048x16xf32, #tpu.memory_space<vmem>> -> memref<1x2048x16xf32, #tpu.memory_space<vmem>>
        %gather3A_889 = tpu.memref_squeeze %gather3A_888 : memref<1x2048x16xf32, #tpu.memory_space<vmem>> -> memref<2048x16xf32, #tpu.memory_space<vmem>>
        %gather3A_890 = tpu.vector_load_idx %gather3A_889[%add3A_844, %broadcast_in_dim3A_884] : memref<2048x16xf32, #tpu.memory_space<vmem>>[vector<16xi32>, vector<16xi32>], vector<16xf32>,
        %broadcast_in_dim3A_891 = arith.constant 6 : i32
        %broadcast_in_dim3A_892 = vector.broadcast %broadcast_in_dim3A_891 : i32 to vector<16xi32>
        %gather3A_893 = arith.constant 1 : i32
        %gather3A_894 = arith.constant 0 : i32
        %gather3A_895 = arith.constant 0 : i32
        %gather3A_896 = tpu.memref_slice %arg8[%gather3A_893, %gather3A_894, %gather3A_895] : memref<2x2048x16xf32, #tpu.memory_space<vmem>> -> memref<1x2048x16xf32, #tpu.memory_space<vmem>>
        %gather3A_897 = tpu.memref_squeeze %gather3A_896 : memref<1x2048x16xf32, #tpu.memory_space<vmem>> -> memref<2048x16xf32, #tpu.memory_space<vmem>>
        %gather3A_898 = tpu.vector_load_idx %gather3A_897[%add3A_844, %broadcast_in_dim3A_892] : memref<2048x16xf32, #tpu.memory_space<vmem>>[vector<16xi32>, vector<16xi32>], vector<16xf32>,
        %broadcast_in_dim3A_899 = arith.constant 7 : i32
        %broadcast_in_dim3A_900 = vector.broadcast %broadcast_in_dim3A_899 : i32 to vector<16xi32>
        %gather3A_901 = arith.constant 1 : i32
        %gather3A_902 = arith.constant 0 : i32
        %gather3A_903 = arith.constant 0 : i32
        %gather3A_904 = tpu.memref_slice %arg8[%gather3A_901, %gather3A_902, %gather3A_903] : memref<2x2048x16xf32, #tpu.memory_space<vmem>> -> memref<1x2048x16xf32, #tpu.memory_space<vmem>>
        %gather3A_905 = tpu.memref_squeeze %gather3A_904 : memref<1x2048x16xf32, #tpu.memory_space<vmem>> -> memref<2048x16xf32, #tpu.memory_space<vmem>>
        %gather3A_906 = tpu.vector_load_idx %gather3A_905[%add3A_844, %broadcast_in_dim3A_900] : memref<2048x16xf32, #tpu.memory_space<vmem>>[vector<16xi32>, vector<16xi32>], vector<16xf32>,
        %broadcast_in_dim3A_907 = arith.constant 8 : i32
        %broadcast_in_dim3A_908 = vector.broadcast %broadcast_in_dim3A_907 : i32 to vector<16xi32>
        %gather3A_909 = arith.constant 1 : i32
        %gather3A_910 = arith.constant 0 : i32
        %gather3A_911 = arith.constant 0 : i32
        %gather3A_912 = tpu.memref_slice %arg8[%gather3A_909, %gather3A_910, %gather3A_911] : memref<2x2048x16xf32, #tpu.memory_space<vmem>> -> memref<1x2048x16xf32, #tpu.memory_space<vmem>>
        %gather3A_913 = tpu.memref_squeeze %gather3A_912 : memref<1x2048x16xf32, #tpu.memory_space<vmem>> -> memref<2048x16xf32, #tpu.memory_space<vmem>>
        %gather3A_914 = tpu.vector_load_idx %gather3A_913[%add3A_844, %broadcast_in_dim3A_908] : memref<2048x16xf32, #tpu.memory_space<vmem>>[vector<16xi32>, vector<16xi32>], vector<16xf32>,
        %broadcast_in_dim3A_915 = arith.constant 9 : i32
        %broadcast_in_dim3A_916 = vector.broadcast %broadcast_in_dim3A_915 : i32 to vector<16xi32>
        %gather3A_917 = arith.constant 1 : i32
        %gather3A_918 = arith.constant 0 : i32
        %gather3A_919 = arith.constant 0 : i32
        %gather3A_920 = tpu.memref_slice %arg8[%gather3A_917, %gather3A_918, %gather3A_919] : memref<2x2048x16xf32, #tpu.memory_space<vmem>> -> memref<1x2048x16xf32, #tpu.memory_space<vmem>>
        %gather3A_921 = tpu.memref_squeeze %gather3A_920 : memref<1x2048x16xf32, #tpu.memory_space<vmem>> -> memref<2048x16xf32, #tpu.memory_space<vmem>>
        %gather3A_922 = tpu.vector_load_idx %gather3A_921[%add3A_844, %broadcast_in_dim3A_916] : memref<2048x16xf32, #tpu.memory_space<vmem>>[vector<16xi32>, vector<16xi32>], vector<16xf32>,
        %broadcast_in_dim3A_923 = arith.constant 10 : i32
        %broadcast_in_dim3A_924 = vector.broadcast %broadcast_in_dim3A_923 : i32 to vector<16xi32>
        %gather3A_925 = arith.constant 1 : i32
        %gather3A_926 = arith.constant 0 : i32
        %gather3A_927 = arith.constant 0 : i32
        %gather3A_928 = tpu.memref_slice %arg8[%gather3A_925, %gather3A_926, %gather3A_927] : memref<2x2048x16xf32, #tpu.memory_space<vmem>> -> memref<1x2048x16xf32, #tpu.memory_space<vmem>>
        %gather3A_929 = tpu.memref_squeeze %gather3A_928 : memref<1x2048x16xf32, #tpu.memory_space<vmem>> -> memref<2048x16xf32, #tpu.memory_space<vmem>>
        %gather3A_930 = tpu.vector_load_idx %gather3A_929[%add3A_844, %broadcast_in_dim3A_924] : memref<2048x16xf32, #tpu.memory_space<vmem>>[vector<16xi32>, vector<16xi32>], vector<16xf32>,
        %broadcast_in_dim3A_931 = arith.constant 11 : i32
        %broadcast_in_dim3A_932 = vector.broadcast %broadcast_in_dim3A_931 : i32 to vector<16xi32>
        %gather3A_933 = arith.constant 1 : i32
        %gather3A_934 = arith.constant 0 : i32
        %gather3A_935 = arith.constant 0 : i32
        %gather3A_936 = tpu.memref_slice %arg8[%gather3A_933, %gather3A_934, %gather3A_935] : memref<2x2048x16xf32, #tpu.memory_space<vmem>> -> memref<1x2048x16xf32, #tpu.memory_space<vmem>>
        %gather3A_937 = tpu.memref_squeeze %gather3A_936 : memref<1x2048x16xf32, #tpu.memory_space<vmem>> -> memref<2048x16xf32, #tpu.memory_space<vmem>>
        %gather3A_938 = tpu.vector_load_idx %gather3A_937[%add3A_844, %broadcast_in_dim3A_932] : memref<2048x16xf32, #tpu.memory_space<vmem>>[vector<16xi32>, vector<16xi32>], vector<16xf32>,
        %broadcast_in_dim3A_939 = arith.constant 12 : i32
        %broadcast_in_dim3A_940 = vector.broadcast %broadcast_in_dim3A_939 : i32 to vector<16xi32>
        %gather3A_941 = arith.constant 1 : i32
        %gather3A_942 = arith.constant 0 : i32
        %gather3A_943 = arith.constant 0 : i32
        %gather3A_944 = tpu.memref_slice %arg8[%gather3A_941, %gather3A_942, %gather3A_943] : memref<2x2048x16xf32, #tpu.memory_space<vmem>> -> memref<1x2048x16xf32, #tpu.memory_space<vmem>>
        %gather3A_945 = tpu.memref_squeeze %gather3A_944 : memref<1x2048x16xf32, #tpu.memory_space<vmem>> -> memref<2048x16xf32, #tpu.memory_space<vmem>>
        %gather3A_946 = tpu.vector_load_idx %gather3A_945[%add3A_844, %broadcast_in_dim3A_940] : memref<2048x16xf32, #tpu.memory_space<vmem>>[vector<16xi32>, vector<16xi32>], vector<16xf32>,
        %broadcast_in_dim3A_947 = arith.constant 13 : i32
        %broadcast_in_dim3A_948 = vector.broadcast %broadcast_in_dim3A_947 : i32 to vector<16xi32>
        %gather3A_949 = arith.constant 1 : i32
        %gather3A_950 = arith.constant 0 : i32
        %gather3A_951 = arith.constant 0 : i32
        %gather3A_952 = tpu.memref_slice %arg8[%gather3A_949, %gather3A_950, %gather3A_951] : memref<2x2048x16xf32, #tpu.memory_space<vmem>> -> memref<1x2048x16xf32, #tpu.memory_space<vmem>>
        %gather3A_953 = tpu.memref_squeeze %gather3A_952 : memref<1x2048x16xf32, #tpu.memory_space<vmem>> -> memref<2048x16xf32, #tpu.memory_space<vmem>>
        %gather3A_954 = tpu.vector_load_idx %gather3A_953[%add3A_844, %broadcast_in_dim3A_948] : memref<2048x16xf32, #tpu.memory_space<vmem>>[vector<16xi32>, vector<16xi32>], vector<16xf32>,
        %broadcast_in_dim3A_955 = arith.constant 14 : i32
        %broadcast_in_dim3A_956 = vector.broadcast %broadcast_in_dim3A_955 : i32 to vector<16xi32>
        %gather3A_957 = arith.constant 1 : i32
        %gather3A_958 = arith.constant 0 : i32
        %gather3A_959 = arith.constant 0 : i32
        %gather3A_960 = tpu.memref_slice %arg8[%gather3A_957, %gather3A_958, %gather3A_959] : memref<2x2048x16xf32, #tpu.memory_space<vmem>> -> memref<1x2048x16xf32, #tpu.memory_space<vmem>>
        %gather3A_961 = tpu.memref_squeeze %gather3A_960 : memref<1x2048x16xf32, #tpu.memory_space<vmem>> -> memref<2048x16xf32, #tpu.memory_space<vmem>>
        %gather3A_962 = tpu.vector_load_idx %gather3A_961[%add3A_844, %broadcast_in_dim3A_956] : memref<2048x16xf32, #tpu.memory_space<vmem>>[vector<16xi32>, vector<16xi32>], vector<16xf32>,
        %broadcast_in_dim3A_963 = arith.constant 15 : i32
        %broadcast_in_dim3A_964 = vector.broadcast %broadcast_in_dim3A_963 : i32 to vector<16xi32>
        %gather3A_965 = arith.constant 1 : i32
        %gather3A_966 = arith.constant 0 : i32
        %gather3A_967 = arith.constant 0 : i32
        %gather3A_968 = tpu.memref_slice %arg8[%gather3A_965, %gather3A_966, %gather3A_967] : memref<2x2048x16xf32, #tpu.memory_space<vmem>> -> memref<1x2048x16xf32, #tpu.memory_space<vmem>>
        %gather3A_969 = tpu.memref_squeeze %gather3A_968 : memref<1x2048x16xf32, #tpu.memory_space<vmem>> -> memref<2048x16xf32, #tpu.memory_space<vmem>>
        %gather3A_970 = tpu.vector_load_idx %gather3A_969[%add3A_844, %broadcast_in_dim3A_964] : memref<2048x16xf32, #tpu.memory_space<vmem>>[vector<16xi32>, vector<16xi32>], vector<16xf32>,
        %mul3A_971 = arith.mulf %gather3A_850, %mul3A_839 : vector<16xf32>
        %mul3A_972 = arith.mulf %gather3A_858, %mul3A_840 : vector<16xf32>
        %add3A_973 = arith.addf %mul3A_971, %mul3A_972 : vector<16xf32>
        %mul3A_974 = arith.mulf %gather3A_866, %mul3A_841 : vector<16xf32>
        %add3A_975 = arith.addf %add3A_973, %mul3A_974 : vector<16xf32>
        %mul3A_976 = arith.mulf %gather3A_874, %mul3A_842 : vector<16xf32>
        %add3A_977 = arith.addf %add3A_975, %mul3A_976 : vector<16xf32>
        %mul3A_978 = arith.mulf %sub3A_832, %add3A_977 : vector<16xf32>
        %mul3A_979 = arith.mulf %gather3A_882, %mul3A_839 : vector<16xf32>
        %mul3A_980 = arith.mulf %gather3A_890, %mul3A_840 : vector<16xf32>
        %add3A_981 = arith.addf %mul3A_979, %mul3A_980 : vector<16xf32>
        %mul3A_982 = arith.mulf %gather3A_898, %mul3A_841 : vector<16xf32>
        %add3A_983 = arith.addf %add3A_981, %mul3A_982 : vector<16xf32>
        %mul3A_984 = arith.mulf %gather3A_906, %mul3A_842 : vector<16xf32>
        %add3A_985 = arith.addf %add3A_983, %mul3A_984 : vector<16xf32>
        %mul3A_986 = arith.mulf %get3A_818, %add3A_985 : vector<16xf32>
        %add3A_987 = arith.addf %mul3A_978, %mul3A_986 : vector<16xf32>
        %mul3A_988 = arith.mulf %gather3A_914, %mul3A_839 : vector<16xf32>
        %mul3A_989 = arith.mulf %gather3A_922, %mul3A_840 : vector<16xf32>
        %add3A_990 = arith.addf %mul3A_988, %mul3A_989 : vector<16xf32>
        %mul3A_991 = arith.mulf %gather3A_930, %mul3A_841 : vector<16xf32>
        %add3A_992 = arith.addf %add3A_990, %mul3A_991 : vector<16xf32>
        %mul3A_993 = arith.mulf %gather3A_938, %mul3A_842 : vector<16xf32>
        %add3A_994 = arith.addf %add3A_992, %mul3A_993 : vector<16xf32>
        %mul3A_995 = arith.mulf %sub3A_832, %add3A_994 : vector<16xf32>
        %mul3A_996 = arith.mulf %gather3A_946, %mul3A_839 : vector<16xf32>
        %mul3A_997 = arith.mulf %gather3A_954, %mul3A_840 : vector<16xf32>
        %add3A_998 = arith.addf %mul3A_996, %mul3A_997 : vector<16xf32>
        %mul3A_999 = arith.mulf %gather3A_962, %mul3A_841 : vector<16xf32>
        %add3A_1000 = arith.addf %add3A_998, %mul3A_999 : vector<16xf32>
        %mul3A_1001 = arith.mulf %gather3A_970, %mul3A_842 : vector<16xf32>
        %add3A_1002 = arith.addf %add3A_1000, %mul3A_1001 : vector<16xf32>
        %mul3A_1003 = arith.mulf %get3A_818, %add3A_1002 : vector<16xf32>
        %add3A_1004 = arith.addf %mul3A_995, %mul3A_1003 : vector<16xf32>
        %swap3A = arith.constant 1 : i32
        %swap3A_1005 = arith.constant 0 : i32
        %swap3A_1006 = arith.index_cast %swap3A : i32 to index
        %swap3A_1007 = arith.index_cast %swap3A_1005 : i32 to index
        %swap3A_1008 = arith.index_cast %mul3A_813 : i32 to index
        %swap3A_1009 = tpu.vector_load %arg9[%swap3A_1006, %swap3A_1007, %swap3A_1008] {strides = array<i32>} : memref<2x2x2048xf32, #tpu.memory_space<vmem>>, vector<16xf32>,
        tpu.vector_store %arg9[%swap3A_1006, %swap3A_1007, %swap3A_1008], %add3A_987 {strides = array<i32>} : memref<2x2x2048xf32, #tpu.memory_space<vmem>>, vector<16xf32>,
        %swap3A_1010 = arith.constant 1 : i32
        %swap3A_1011 = arith.constant 1 : i32
        %swap3A_1012 = arith.index_cast %swap3A_1010 : i32 to index
        %swap3A_1013 = arith.index_cast %swap3A_1011 : i32 to index
        %swap3A_1014 = arith.index_cast %mul3A_813 : i32 to index
        %swap3A_1015 = tpu.vector_load %arg9[%swap3A_1012, %swap3A_1013, %swap3A_1014] {strides = array<i32>} : memref<2x2x2048xf32, #tpu.memory_space<vmem>>, vector<16xf32>,
        tpu.vector_store %arg9[%swap3A_1012, %swap3A_1013, %swap3A_1014], %add3A_1004 {strides = array<i32>} : memref<2x2x2048xf32, #tpu.memory_space<vmem>>, vector<16xf32>,
      }
      %scan3A_779 = arith.constant 128 : i32
      %mul3A_780 = arith.constant 2048 : i32
      %mul3A_781 = arith.muli %add3A_570, %mul3A_780 : i32
      %add3A_782 = arith.addi %mul3A_2, %mul3A_781 : i32
      %add3A_783 = arith.constant 0 : i32
      %add3A_784 = arith.addi %add3A_783, %add3A_782 : i32
      %add3A_785 = arith.constant 3276800 : i32
      %add3A_786 = arith.addi %add3A_785, %add3A_782 : i32
      %dma_start3A_787 = arith.constant 1 : i32
      %dma_start3A_788 = arith.constant 0 : i32
      %dma_start3A_789 = arith.constant 0 : i32
      %dma_start3A_790 = tpu.memref_slice %arg9[%dma_start3A_787, %dma_start3A_788, %dma_start3A_789] : memref<2x2x2048xf32, #tpu.memory_space<vmem>> -> memref<1x1x2048xf32, #tpu.memory_space<vmem>>
      %dma_start3A_791 = tpu.memref_squeeze %dma_start3A_790 : memref<1x1x2048xf32, #tpu.memory_space<vmem>> -> memref<2048xf32, #tpu.memory_space<vmem>>
      %dma_start3A_792 = tpu.memref_slice %arg4[%add3A_784] : memref<6553600xf32, #tpu.memory_space<hbm>> -> memref<2048xf32, #tpu.memory_space<hbm>>
      %dma_start3A_793 = tpu.memref_slice %arg4[%add3A_784] : memref<6553600xf32, #tpu.memory_space<hbm>> -> memref<2048xf32, #tpu.memory_space<hbm>>
      %dma_start3A_794 = arith.constant 0 : i32
      %dma_start3A_795 = tpu.memref_slice %arg9[%dma_start3A_787, %dma_start3A_788, %dma_start3A_794] : memref<2x2x2048xf32, #tpu.memory_space<vmem>> -> memref<1x1x2048xf32, #tpu.memory_space<vmem>>
      %dma_start3A_796 = tpu.memref_squeeze %dma_start3A_795 : memref<1x1x2048xf32, #tpu.memory_space<vmem>> -> memref<2048xf32, #tpu.memory_space<vmem>>
      tpu.enqueue_dma source(%dma_start3A_796 : memref<2048xf32, #tpu.memory_space<vmem>>) target(%dma_start3A_793 : memref<2048xf32, #tpu.memory_space<hbm>>) target_semaphore(%arg12 : memref<!tpu.dma_semaphore, #tpu.memory_space<semaphore_mem>>)
      %dma_start3A_797 = arith.constant 1 : i32
      %dma_start3A_798 = arith.constant 1 : i32
      %dma_start3A_799 = arith.constant 0 : i32
      %dma_start3A_800 = tpu.memref_slice %arg9[%dma_start3A_797, %dma_start3A_798, %dma_start3A_799] : memref<2x2x2048xf32, #tpu.memory_space<vmem>> -> memref<1x1x2048xf32, #tpu.memory_space<vmem>>
      %dma_start3A_801 = tpu.memref_squeeze %dma_start3A_800 : memref<1x1x2048xf32, #tpu.memory_space<vmem>> -> memref<2048xf32, #tpu.memory_space<vmem>>
      %dma_start3A_802 = tpu.memref_slice %arg4[%add3A_786] : memref<6553600xf32, #tpu.memory_space<hbm>> -> memref<2048xf32, #tpu.memory_space<hbm>>
      %dma_start3A_803 = tpu.memref_slice %arg4[%add3A_786] : memref<6553600xf32, #tpu.memory_space<hbm>> -> memref<2048xf32, #tpu.memory_space<hbm>>
      %dma_start3A_804 = arith.constant 0 : i32
      %dma_start3A_805 = tpu.memref_slice %arg9[%dma_start3A_797, %dma_start3A_798, %dma_start3A_804] : memref<2x2x2048xf32, #tpu.memory_space<vmem>> -> memref<1x1x2048xf32, #tpu.memory_space<vmem>>
      %dma_start3A_806 = tpu.memref_squeeze %dma_start3A_805 : memref<1x1x2048xf32, #tpu.memory_space<vmem>> -> memref<2048xf32, #tpu.memory_space<vmem>>
      tpu.enqueue_dma source(%dma_start3A_806 : memref<2048xf32, #tpu.memory_space<vmem>>) target(%dma_start3A_803 : memref<2048xf32, #tpu.memory_space<hbm>>) target_semaphore(%arg12 : memref<!tpu.dma_semaphore, #tpu.memory_space<semaphore_mem>>)
    }
    %scan3A_277 = arith.constant 25 : i32
    %add3A_278 = arith.constant 98304 : i32
    %add3A_279 = arith.addi %mul3A_2, %add3A_278 : i32
    %add3A_280 = arith.constant 0 : i32
    %add3A_281 = arith.addi %add3A_280, %add3A_279 : i32
    %add3A_282 = arith.constant 3276800 : i32
    %add3A_283 = arith.addi %add3A_282, %add3A_279 : i32
    %dma_wait3A_284 = arith.constant 0 : i32
    %dma_wait3A_285 = arith.constant 0 : i32
    %dma_wait3A_286 = arith.constant 0 : i32
    %dma_wait3A_287 = tpu.memref_slice %arg9[%dma_wait3A_284, %dma_wait3A_285, %dma_wait3A_286] : memref<2x2x2048xf32, #tpu.memory_space<vmem>> -> memref<1x1x2048xf32, #tpu.memory_space<vmem>>
    %dma_wait3A_288 = tpu.memref_squeeze %dma_wait3A_287 : memref<1x1x2048xf32, #tpu.memory_space<vmem>> -> memref<2048xf32, #tpu.memory_space<vmem>>
    %dma_wait3A_289 = tpu.memref_slice %arg4[%add3A_281] : memref<6553600xf32, #tpu.memory_space<hbm>> -> memref<2048xf32, #tpu.memory_space<hbm>>
    %dma_wait3A_290 = tpu.memref_slice %arg4[%add3A_281] : memref<6553600xf32, #tpu.memory_space<hbm>> -> memref<2048xf32, #tpu.memory_space<hbm>>
    %dma_wait3A_291 = arith.constant 0 : i32
    %dma_wait3A_292 = tpu.memref_slice %arg9[%dma_wait3A_284, %dma_wait3A_285, %dma_wait3A_291] : memref<2x2x2048xf32, #tpu.memory_space<vmem>> -> memref<1x1x2048xf32, #tpu.memory_space<vmem>>
    %dma_wait3A_293 = tpu.memref_squeeze %dma_wait3A_292 : memref<1x1x2048xf32, #tpu.memory_space<vmem>> -> memref<2048xf32, #tpu.memory_space<vmem>>
    tpu.wait_dma2 semaphore(%arg12 : memref<!tpu.dma_semaphore, #tpu.memory_space<semaphore_mem>>) src(%dma_wait3A_293 : memref<2048xf32, #tpu.memory_space<vmem>>) dst(%dma_wait3A_290 : memref<2048xf32, #tpu.memory_space<hbm>>)
    %dma_wait3A_294 = arith.constant 0 : i32
    %dma_wait3A_295 = arith.constant 1 : i32
    %dma_wait3A_296 = arith.constant 0 : i32
    %dma_wait3A_297 = tpu.memref_slice %arg9[%dma_wait3A_294, %dma_wait3A_295, %dma_wait3A_296] : memref<2x2x2048xf32, #tpu.memory_space<vmem>> -> memref<1x1x2048xf32, #tpu.memory_space<vmem>>
    %dma_wait3A_298 = tpu.memref_squeeze %dma_wait3A_297 : memref<1x1x2048xf32, #tpu.memory_space<vmem>> -> memref<2048xf32, #tpu.memory_space<vmem>>
    %dma_wait3A_299 = tpu.memref_slice %arg4[%add3A_283] : memref<6553600xf32, #tpu.memory_space<hbm>> -> memref<2048xf32, #tpu.memory_space<hbm>>
    %dma_wait3A_300 = tpu.memref_slice %arg4[%add3A_283] : memref<6553600xf32, #tpu.memory_space<hbm>> -> memref<2048xf32, #tpu.memory_space<hbm>>
    %dma_wait3A_301 = arith.constant 0 : i32
    %dma_wait3A_302 = tpu.memref_slice %arg9[%dma_wait3A_294, %dma_wait3A_295, %dma_wait3A_301] : memref<2x2x2048xf32, #tpu.memory_space<vmem>> -> memref<1x1x2048xf32, #tpu.memory_space<vmem>>
    %dma_wait3A_303 = tpu.memref_squeeze %dma_wait3A_302 : memref<1x1x2048xf32, #tpu.memory_space<vmem>> -> memref<2048xf32, #tpu.memory_space<vmem>>
    tpu.wait_dma2 semaphore(%arg12 : memref<!tpu.dma_semaphore, #tpu.memory_space<semaphore_mem>>) src(%dma_wait3A_303 : memref<2048xf32, #tpu.memory_space<vmem>>) dst(%dma_wait3A_300 : memref<2048xf32, #tpu.memory_space<hbm>>)
    %add3A_304 = arith.constant 100352 : i32
    %add3A_305 = arith.addi %mul3A_2, %add3A_304 : i32
    %add3A_306 = arith.constant 0 : i32
    %add3A_307 = arith.addi %add3A_306, %add3A_305 : i32
    %add3A_308 = arith.constant 3276800 : i32
    %add3A_309 = arith.addi %add3A_308, %add3A_305 : i32
    %dma_wait3A_310 = arith.constant 1 : i32
    %dma_wait3A_311 = arith.constant 0 : i32
    %dma_wait3A_312 = arith.constant 0 : i32
    %dma_wait3A_313 = tpu.memref_slice %arg9[%dma_wait3A_310, %dma_wait3A_311, %dma_wait3A_312] : memref<2x2x2048xf32, #tpu.memory_space<vmem>> -> memref<1x1x2048xf32, #tpu.memory_space<vmem>>
    %dma_wait3A_314 = tpu.memref_squeeze %dma_wait3A_313 : memref<1x1x2048xf32, #tpu.memory_space<vmem>> -> memref<2048xf32, #tpu.memory_space<vmem>>
    %dma_wait3A_315 = tpu.memref_slice %arg4[%add3A_307] : memref<6553600xf32, #tpu.memory_space<hbm>> -> memref<2048xf32, #tpu.memory_space<hbm>>
    %dma_wait3A_316 = tpu.memref_slice %arg4[%add3A_307] : memref<6553600xf32, #tpu.memory_space<hbm>> -> memref<2048xf32, #tpu.memory_space<hbm>>
    %dma_wait3A_317 = arith.constant 0 : i32
    %dma_wait3A_318 = tpu.memref_slice %arg9[%dma_wait3A_310, %dma_wait3A_311, %dma_wait3A_317] : memref<2x2x2048xf32, #tpu.memory_space<vmem>> -> memref<1x1x2048xf32, #tpu.memory_space<vmem>>
    %dma_wait3A_319 = tpu.memref_squeeze %dma_wait3A_318 : memref<1x1x2048xf32, #tpu.memory_space<vmem>> -> memref<2048xf32, #tpu.memory_space<vmem>>
    tpu.wait_dma2 semaphore(%arg12 : memref<!tpu.dma_semaphore, #tpu.memory_space<semaphore_mem>>) src(%dma_wait3A_319 : memref<2048xf32, #tpu.memory_space<vmem>>) dst(%dma_wait3A_316 : memref<2048xf32, #tpu.memory_space<hbm>>)
    %dma_wait3A_320 = arith.constant 1 : i32
    %dma_wait3A_321 = arith.constant 1 : i32
    %dma_wait3A_322 = arith.constant 0 : i32
    %dma_wait3A_323 = tpu.memref_slice %arg9[%dma_wait3A_320, %dma_wait3A_321, %dma_wait3A_322] : memref<2x2x2048xf32, #tpu.memory_space<vmem>> -> memref<1x1x2048xf32, #tpu.memory_space<vmem>>
    %dma_wait3A_324 = tpu.memref_squeeze %dma_wait3A_323 : memref<1x1x2048xf32, #tpu.memory_space<vmem>> -> memref<2048xf32, #tpu.memory_space<vmem>>
    %dma_wait3A_325 = tpu.memref_slice %arg4[%add3A_309] : memref<6553600xf32, #tpu.memory_space<hbm>> -> memref<2048xf32, #tpu.memory_space<hbm>>
    %dma_wait3A_326 = tpu.memref_slice %arg4[%add3A_309] : memref<6553600xf32, #tpu.memory_space<hbm>> -> memref<2048xf32, #tpu.memory_space<hbm>>
    %dma_wait3A_327 = arith.constant 0 : i32
    %dma_wait3A_328 = tpu.memref_slice %arg9[%dma_wait3A_320, %dma_wait3A_321, %dma_wait3A_327] : memref<2x2x2048xf32, #tpu.memory_space<vmem>> -> memref<1x1x2048xf32, #tpu.memory_space<vmem>>
    %dma_wait3A_329 = tpu.memref_squeeze %dma_wait3A_328 : memref<1x1x2048xf32, #tpu.memory_space<vmem>> -> memref<2048xf32, #tpu.memory_space<vmem>>
    tpu.wait_dma2 semaphore(%arg12 : memref<!tpu.dma_semaphore, #tpu.memory_space<semaphore_mem>>) src(%dma_wait3A_329 : memref<2048xf32, #tpu.memory_space<vmem>>) dst(%dma_wait3A_326 : memref<2048xf32, #tpu.memory_space<hbm>>)
    return
  }
}

</mosaic_0001>

<sc_bundles>
// kernel: kernel.4.cloned.1.call-start
scs
__scs_entry_jumppad:
0x0: {  	(pc) =	sbr.rel $0x88, $3  }
0x1: {  	(tag) =	ssettag $0x0;
	lr =	simm.s32 $0x1  }
0x2: {  	[smem:$0x3F9F] =	sst lr;
	_ =	strace $0xD0000000  }
0x3: {  	_ = 	snop  }
0x4: {  	_ = 	snop  }
0x5: {  	_ = 	snop  }
0x6: {  	_ = 	snop  }
0x7: {  	_ = 	snop  }
__scs_overlays_trampoline_lowered:
0x8: {  	[smem:$0x3FAE] =	sst s0  }
0x9: {  	[smem:$0x3FAF] =	sst s1  }
0xa: {  	[smem:$0x3FB0] =	sst s2  }
0xb: {  	[smem:$0x3FB1] =	sst s3  }
0xc: {  	[smem:$0x3FB2] =	sst s4  }
0xd: {  	[smem:$0x3FB3] =	sst s5  }
0xe: {  	[smem:$0x3FB4] =	sst s6  }
0xf: {  	[smem:$0x3FB5] =	sst s7  }
0x10: {  	[smem:$0x3FB6] =	sst s8  }
0x11: {  	[smem:$0x3FB7] =	sst s9;
	s0 =	simm.s32 @!p0 $0x0  }
0x12: {  	s1 =	sld [smem:$0x3F9D];
	s0 =	simm.s32 @p0 $0x1  }
0x13: {  	[smem:$0x3FB8] =	sst s0;
	s0 =	simm.s32 @!p1 $0x0  }
0x14: {  	s2 =	sld [smem:$0x3F9C];
	s0 =	simm.s32 @p1 $0x1  }
0x15: {  	[smem:$0x3FB9] =	sst s0;
	s0 =	simm.s32 @!p2 $0x0  }
0x16: {  	s3 =	sld [smem:$0x3FDB];
	s0 =	simm.s32 @p2 $0x1  }
0x17: {  	s4 =	simm.s32 $0x1BF5;
	[smem:$0x3FBB] =	sst s0  }
0x18: {  	s0 =	sld [smem:$0x3F9E];
	_ =	swait.ge [sflag:s4], $0x0  }
0x19: {  	s7 =	sld [smem:$0x3F9F]  }
0x1a: {  	s8 =	sadd.s32 $0xFFFFE003, lr  }
0x1b: {  	s9 =	sadd.s32 $0xFFFFFEF7, lr;
	s5 =	simm.s32 $0xFFFFFFFF;
	p2 =	slt.u32 s8, $0xFFFFF086  }
0x1c: {  	p1 =	slt.u32 s9, $0xF7A;
	s5 =	simm.s32 @!p2 $0x0  }
0x1d: {  	s5 =	simm.s32 @p1 $0x1;
	p0 =	seq.s32 s7, s2  }
0x1e: {  	s7 =	smul.u32 @!p0 $0xF7A, s2;
	p2 =	seq.s32 @!p0 s5, $0x0  }
0x1f: {  	s9 =	smul.u32 $0xF7A, s1;
	s8 =	simm.s32 @!p0 $0x1BF5;
	p2 =	por !p2, p0  }
0x20: {  	[sflag:s8] =	ssyncset.s32 @!p0 $0xFFFFF086;
	s6 =	sadd.s32 @!p0 s3, s7;
	s7 =	simm.s32 @!p0 $0x108  }
0x21: {  	s3 =	sadd.s32 s3, s9;
	s6 =	sadd.s32 @!p0 $0x88, s6;
	s7 =	simm.s32 @p2 $0x1082  }
0x22: {  	[simem:s7], [sflag:s8] =	dma.local @!p0 [hbm:s6], $0xF7A  }
0x23: {  	s9 =	sor.u32 $0xD0000000, s2;
	s6 =	simm.s32 $0x108;
	_ =	swait.ge @!p0 [sflag:s8], $0x0  }
0x24: {  	s3 =	sadd.s32 $0x88, s3;
	s6 =	simm.s32 @!p1 $0x1082;
	[sflag:s4] =	ssyncset.s32 $0xFFFFF086  }
0x25: {  	[simem:s6], [sflag:s4] =	dma.local [hbm:s3], $0xF7A  }
0x26: {  	[smem:$0x3F9F] =	sst s1;
	(tag) =	ssettag s2;
	_ =	strace s9  }
0x27: {  	s1 =	sld [smem:$0x3FAF]  }
0x28: {  	s2 =	sld [smem:$0x3FB0]  }
0x29: {  	s4 =	sld [smem:$0x3FB2]  }
0x2a: {  	p0 =	seq.s32 s5, $0x0;
	s5 =	sld [smem:$0x3FB3]  }
0x2b: {  	s6 =	sld [smem:$0x3FB4]  }
0x2c: {  	s7 =	sld [smem:$0x3FB5]  }
0x2d: {  	s3 =	simm.s32 $0x108;
	s8 =	sld [smem:$0x3FB6]  }
0x2e: {  	s3 =	simm.s32 @!p0 $0x1082;
	s9 =	sld [smem:$0x3FB7]  }
0x2f: {  	lr =	sadd.s32 s0, s3;
	s0 =	sld [smem:$0x3FAE]  }
0x30: {  	s3 =	sld [smem:$0x3FB1]  }
0x31: {  	[smem:$0x3FBA] =	sst s10  }
0x32: {  	s10 =	sld [smem:$0x3FB8];
	_ =	sdelay $0x3  }
0x33: {  	p0 =	seq.s32 s10, $0x1;
	s10 =	sld [smem:$0x3FBA];
	_ =	sdelay $0x3  }
0x34: {  	[smem:$0x3FBA] =	sst s10  }
0x35: {  	s10 =	sld [smem:$0x3FB9];
	_ =	sdelay $0x3  }
0x36: {  	p1 =	seq.s32 s10, $0x1;
	s10 =	sld [smem:$0x3FBA];
	_ =	sdelay $0x3  }
0x37: {  	[smem:$0x3FBA] =	sst s10  }
0x38: {  	s10 =	sld [smem:$0x3FBB]  }
0x39: {  	_ = 	snop;
	(pc) =	sbr.ind lr, $3  }
0x3a: {  	_ = 	snop  }
0x3b: {  	_ = 	snop  }
0x3c: {  	p2 =	seq.s32 s10, $0x1;
	s10 =	sld [smem:$0x3FBA]  }
0x3d: {  	_ =	shalt  }
0x3e: {  	_ =	shalt  }
0x3f: {  	_ =	shalt  }
0x40: {  	_ =	shalt  }
0x41: {  	_ =	shalt  }
0x42: {  	_ =	shalt  }
0x43: {  	_ =	shalt  }
0x44: {  	_ =	shalt  }
0x45: {  	_ =	shalt  }
0x46: {  	_ =	shalt  }
0x47: {  	_ =	shalt  }
0x48: {  	_ =	shalt  }
0x49: {  	_ =	shalt  }
0x4a: {  	_ =	shalt  }
0x4b: {  	_ =	shalt  }
0x4c: {  	_ =	shalt  }
0x4d: {  	_ =	shalt  }
0x4e: {  	_ =	shalt  }
0x4f: {  	_ =	shalt  }
0x50: {  	_ =	shalt  }
0x51: {  	_ =	shalt  }
0x52: {  	_ =	shalt  }
0x53: {  	_ =	shalt  }
0x54: {  	_ =	shalt  }
0x55: {  	_ =	shalt  }
0x56: {  	_ =	shalt  }
0x57: {  	_ =	shalt  }
0x58: {  	_ =	shalt  }
0x59: {  	_ =	shalt  }
0x5a: {  	_ =	shalt  }
0x5b: {  	_ =	shalt  }
0x5c: {  	_ =	shalt  }
0x5d: {  	_ =	shalt  }
0x5e: {  	_ =	shalt  }
0x5f: {  	_ =	shalt  }
0x60: {  	_ =	shalt  }
0x61: {  	_ =	shalt  }
0x62: {  	_ =	shalt  }
0x63: {  	_ =	shalt  }
0x64: {  	_ =	shalt  }
0x65: {  	_ =	shalt  }
0x66: {  	_ =	shalt  }
0x67: {  	_ =	shalt  }
0x68: {  	_ =	shalt  }
0x69: {  	_ =	shalt  }
0x6a: {  	_ =	shalt  }
0x6b: {  	_ =	shalt  }
0x6c: {  	_ =	shalt  }
0x6d: {  	_ =	shalt  }
0x6e: {  	_ =	shalt  }
0x6f: {  	_ =	shalt  }
0x70: {  	_ =	shalt  }
0x71: {  	_ =	shalt  }
0x72: {  	_ =	shalt  }
0x73: {  	_ =	shalt  }
0x74: {  	_ =	shalt  }
0x75: {  	_ =	shalt  }
0x76: {  	_ =	shalt  }
0x77: {  	_ =	shalt  }
0x78: {  	_ =	shalt  }
0x79: {  	_ =	shalt  }
0x7a: {  	_ =	shalt  }
0x7b: {  	_ =	shalt  }
0x7c: {  	_ =	shalt  }
0x7d: {  	_ =	shalt  }
0x7e: {  	_ =	shalt  }
0x7f: {  	_ =	shalt  }
0x80: {  	_ =	shalt  }
0x81: {  	_ =	shalt  }
0x82: {  	_ =	shalt  }
0x83: {  	_ =	shalt  }
0x84: {  	_ =	shalt  }
0x85: {  	_ =	shalt  }
0x86: {  	_ =	shalt  }
0x87: {  	_ =	shalt  }
.Lfunc_end0:
.L_simem_size_0:
called_computation_lowered:
.L_overlay_start_0:
0x88: {  	s2 =	sld [smem:$0x3FD9]  }
0x89: {  	s3 =	sld [smem:$0x3FFE];
	_ =	sdelay $0x1  }
0x8a: {  	s1 =	srdreg.scid  }
0x8b: {  	s0 =	sand.u32 $0x1, s1  }
0x8c: {  	s16 =	sshll.u32 s0, $0xA;
	s2 =	sadd.s32 s3, s2  }
0x8d: {  	s2 =	sadd.s32 s2, s16  }
0x8e: {  	[smem:$0x3FC6] =	sst s2  }
0x8f: {  	_ = 	snop  }
0x90: {  	(tm) =	ssettm $0x1  }
0x91: {  	s17 =	sld [smem:$0x3FFB];
	_ =	sdelay $0x3  }
0x92: {  	_ =	strace s17  }
0x93: {  	s2 =	sld [smem:$0x3FFC];
	_ =	sdelay $0x3  }
0x94: {  	_ =	strace s2  }
0x95: {  	s2 =	sld [smem:$0x3FFD];
	_ =	sdelay $0x3  }
0x96: {  	_ =	strace s2  }
0x97: {  	_ =	strace $0x8FFFFFFF  }
0x98: {  	s18 =	sld [smem:$0x3FDB];
	_ =	sdelay $0x1  }
0x99: {  	s19 =	simm.s32 $_scs_section_size  }
0x9a: {  	s4 =	simm.s32 $_size__tile_overlayer_lowered;
	s5 =	simm.s32 $_tile_overlayer_lowered  }
0x9b: {  	s22 =	simm.s32 $0x1BFF;
	s21 =	sshll.u32 s5, $0x1;
	s2 =	sadd.s32 s19, s18  }
0x9c: {  	s6 =	simm.s32 $0x0;
	s20 =	sshll.u32 s4, $0x1;
	s4 =	sadd.s32 s21, s2  }
0x9d: {  	[timem:s6], [sflag:s22] =	dma.local [hbm:s4], s20  }
0x9e: {  	_ =	swait.ge [sflag:s22], s20  }
0x9f: {  	s3 =	ssub.s32 $0x0, s20;
	[sflag:s22] =	ssyncset.done $0x0  }
0xa0: {  	[sflag:s22] =	ssyncadd.s32 s3;
	_ =	sdelay $0x1  }
0xa1: {  	s23 =	simm.s32 $0x1B8B  }
0xa2: {  	_ =	swait.ge [sflag:s23], $0x1  }
0xa3: {  	[sflag:s23] =	ssyncset.done $0x0  }
0xa4: {  	s25 =	simm.s32 $0x1B8E;
	s24 =	sld [smem:$0x3FFE];
	[sflag:s23] =	ssyncadd.s32 $0xFFFFFFFF  }
0xa5: {  	s26 =	simm.s32 $execute0_lowered;
	[smem:$0x3FD2] =	sst s25  }
0xa6: {  	s4 =	sshll.u32 s26, $0x1;
	_ =	strace $0x80000046;
	[dreg:$0x1] =	wrdreg $0xFFFFFFFF  }
0xa7: {  	s28 =	simm.s32 $_size_execute0_lowered;
	s2 =	sadd.s32 s2, s4;
	[dreg:$0x0] =	wrdreg $0x0  }
0xa8: {  	s4 =	sshll.u32 s28, $0x1;
	[dreg:$0x2] =	wrdreg s2  }
0xa9: {  	[dreg:$0x3] =	wrdreg s4  }
0xaa: {  	[dreg:$0x4] =	wrdreg $0xC0  }
0xab: {  	_ =	task [dreg:s6], $0x5FFFF  }
0xac: {  	[dreg:$0x1] =	wrdreg $0xFFFFFFFF  }
0xad: {  	[dreg:$0x0] =	wrdreg $0x60  }
0xae: {  	[dreg:$0x2] =	wrdreg s24  }
0xaf: {  	[dreg:$0x3] =	wrdreg $0x9  }
0xb0: {  	_ =	task.clear_ibuf [dreg:s6], $0x4FFFF;
	_ =	strace $0x90000046  }
0xb1: {  	s29 =	simm.s32 $0x9;
	_ =	strace $0x80000048  }
0xb2: {  	_ =	swait.ge [sflag:s29], $0x1  }
0xb3: {  	[sflag:s29] =	ssyncadd.s32 $0xFFFFFFFF  }
0xb4: {  	_ =	strace $0x90000048  }
0xb5: {  	_ =	sfence  }
0xb6: {  	s30 =	sld [smem:$0x0];
	_ =	sdelay $0x2  }
0xb7: {  	s31 =	sshll.u32 s1, $0xD;
	s1 =	sshrl.u32 s1, $0x2  }
0xb8: {  	s3 =	sand.u32 $0x4000, s31;
	s1 =	sadd.s32 s1, s30  }
0xb9: {  	s0 =	sor.u32 s3, s0;
	s1 =	sshll.u32 s1, $0x11  }
0xba: {  	s0 =	sor.u32 s1, s0  }
0xbb: {  	s0 =	sadd.s32 $0x8F2B, s0  }
0xbc: {  	[sflag:s0] =	ssyncadd.remote.s32 $0x1  }
0xbd: {  	_ =	sfence.sel $0xFFFF  }
0xbe: {  	[dreg:$0x0] =	wrdreg $0xFFFFFFFF;
	(pc) =	sbr.abs _section_cstart, $3  }
0xbf: {  	[dreg:$0x1] =	wrdreg $0xFFFFFFFF  }
0xc0: {  	_ =	task.clear_ibuf [dreg:s6], $0x2FFFF;
	_ =	strace $0x9FFFFFFF  }
0xc1: {  	(tm) =	ssettm $0x7FFFFFFF  }
tec
execute0_lowered:
.L_overlay_start_1:
0x0: {  	(tag) =	ssettag $0x1  }
0x1: {  	s1 =	srdreg.scid  }
0x2: {  	s0 =	stileid.u32;
	s5 =	rddreg [dreg:$0x0]  }
0x3: {  	s2 =	simm.s32 $0x0;
	s13 =	simm.s32 $0x8A8;
	s14 =	simm.s32 $0x1150  }
0x4: {  	s15 =	simm.s32 $0x19F8;
	s16 =	simm.s32 $0x1;
	s17 =	simm.s32 $0x22A0  }
0x5: {  	s18 =	simm.s32 $0x2B48;
	s19 =	simm.s32 $0x33F0;
	s20 =	simm.s32 $0x3C98  }
0x6: {  	v0 =	vlaneseq.u32;
	s21 =	simm.s32 $0x4540;
	s22 =	simm.s32 $0xC540;
	s23 =	simm.s32 $0x2  }
0x7: {  	s4 =	sand.u32 $0x1, s1;
	s3 =	sshll.u32 s0, $0x1;
	s1 =	rddreg [dreg:$0x1];
	v0 =	vmul.u32 $0x10, v0  }
0x8: {  	s24 =	simm.s32 $0x0;
	[smem:$0x7FF] =	sst s2;
	s10 =	sor.u32 s4, s3  }
0x9: {  	_ =	strace $0x80000047;
	s6 =	ssub.s32 $0x2, s4;
	s3 =	smul.u32 $0x19000, s10;
	v1 =	vor.u32 $0x1, v0;
	v2 =	vor.u32 $0x2, v0;
	v3 =	vor.u32 $0x3, v0  }
0xa: {  	s4 =	sadd.s32 $0x800, s5;
	s5 =	sadd.s32 $0xC9600, s5;
	s7 =	sshrl.u32 s6, $0x1;
	v4 =	vor.u32 $0x4, v0;
	v5 =	vor.u32 $0x5, v0;
	v6 =	vor.u32 $0x6, v0  }
0xb: {  	s10 =	smul.u32 $0x190000, s10;
	v7 =	vor.u32 $0x7, v0;
	v8 =	vor.u32 $0x8, v0;
	v9 =	vor.u32 $0x9, v0;
	s12 =	ssub.s32 s6, s7;
	s8 =	sshrl.u32 s3, $0x3  }
0xc: {  	v10 =	vor.u32 $0xA, v0;
	v11 =	vor.u32 $0xB, v0;
	v12 =	vor.u32 $0xC, v0;
	s11 =	sadd.s32 $0x1000, s3;
	s12 =	smax.u32 s12, $0x1;
	s6 =	sadd.s32 s4, s8  }
0xd: {  	v13 =	vor.u32 $0xD, v0;
	v14 =	vor.u32 $0xE, v0;
	v15 =	vor.u32 $0xF, v0;
	s7 =	sadd.s32 $0xC80, s6;
	s8 =	sadd.s32 $0x64000, s6;
	s9 =	sadd.s32 $0x64C80, s6  }
.LBB2_1:
0xe: {  	[tilespmem:s2], [sflag:$0x1] =	stream.linear.gather [hbm4b:s6+s2], $0x8A8, $0x38;
	[tilespmem:$0x14540] =	vst v63  }
0xf: {  	_ = 	snop  }
0x10: {  	[tilespmem:s13], [sflag:$0x1] =	stream.linear.gather [hbm4b:s7+s2], $0x8A8, $0x38;
	[tilespmem:$0x14540] =	vst v63  }
0x11: {  	_ = 	snop  }
0x12: {  	[tilespmem:s14], [sflag:$0x1] =	stream.linear.gather [hbm4b:s8+s2], $0x8A8, $0x38;
	[tilespmem:$0x14540] =	vst v63  }
0x13: {  	s25 =	simm.s32 $0x0  }
0x14: {  	[tilespmem:s15], [sflag:$0x1] =	stream.linear.gather [hbm4b:s9+s2], $0x8A8, $0x38;
	[tilespmem:$0x14540] =	vst v63  }
.LBB2_2:
0x15: {  	_ =	swait.ge [sflag:s16], $0x8A8  }
0x16: {  	[sflag:s16] =	ssyncset.done $0x0  }
0x17: {  	[sflag:s16] =	ssyncadd.s32 $0xFFFFF758  }
0x18: {  	_ =	swait.ge [sflag:s16], $0x8A8  }
0x19: {  	[sflag:s16] =	ssyncset.done $0x0  }
0x1a: {  	[sflag:s16] =	ssyncadd.s32 $0xFFFFF758  }
0x1b: {  	_ =	swait.ge [sflag:s16], $0x8A8  }
0x1c: {  	s26 =	sshllo.u32 s25, $0x1;
	[sflag:s16] =	ssyncset.done $0x0  }
0x1d: {  	s28 =	sshll.u32 s26, $0xB;
	[sflag:s16] =	ssyncadd.s32 $0xFFFFF758  }
0x1e: {  	s28 =	sadd.s32 s3, s28;
	_ =	swait.ge [sflag:s16], $0x8A8  }
0x1f: {  	s28 =	sshrl.u32 s28, $0x3;
	[sflag:s16] =	ssyncset.done $0x0  }
0x20: {  	s28 =	sadd.s32 s4, s28;
	[sflag:s16] =	ssyncadd.s32 $0xFFFFF758  }
0x21: {  	[tilespmem:s17], [sflag:$0x1] =	stream.linear.gather [hbm4b:s28+s2], $0x8A8, $0x38;
	[tilespmem:$0x14540] =	vst v63  }
0x22: {  	s29 =	sadd.s32 $0xC80, s28  }
0x23: {  	[tilespmem:s18], [sflag:$0x1] =	stream.linear.gather [hbm4b:s29+s2], $0x8A8, $0x38;
	[tilespmem:$0x14540] =	vst v63  }
0x24: {  	s29 =	sadd.s32 $0x64000, s28  }
0x25: {  	[tilespmem:s19], [sflag:$0x1] =	stream.linear.gather [hbm4b:s29+s2], $0x8A8, $0x38;
	[tilespmem:$0x14540] =	vst v63  }
0x26: {  	p0 =	seq.s32 s25, $0x0;
	s28 =	sadd.s32 $0x64C80, s28  }
0x27: {  	[tilespmem:s20], [sflag:$0x1] =	stream.linear.gather [hbm4b:s28+s2], $0x8A8, $0x38;
	[tilespmem:$0x14540] =	vst v63  }
0x28: {  	s28 =	simm.s32 @!p0 $0x2  }
0x29: {  	_ =	swait.ge @!p0 [sflag:s28], $0x8000  }
0x2a: {  	[sflag:s28] =	ssyncset.done @!p0 $0x0  }
0x2b: {  	s29 =	simm.s32 $0x1150;
	[sflag:s28] =	ssyncadd.s32 @!p0 $0xFFFF8000;
	s28 =	simm.s32 $0x0  }
0x2c: {  	v16 =	vor.u32 s28, v0;
	v17 =	vld [tilespmem:s29+$0xFFFFEEB0];
	_ =	sdelay $0x4  }
0x2d: {  	[tilespmem:v16+s21+$0x0] =	vst.idx.msk $0xffff, v17  }
0x2e: {  	v17 =	vor.u32 s28, v1;
	v16 =	vld [tilespmem:s29+$0xFFFFEEB1];
	_ =	sdelay $0x4  }
0x2f: {  	[tilespmem:v17+s21+$0x0] =	vst.idx.msk $0xffff, v16  }
0x30: {  	v17 =	vor.u32 s28, v2;
	v16 =	vld [tilespmem:s29+$0xFFFFEF50];
	_ =	sdelay $0x4  }
0x31: {  	[tilespmem:v17+s21+$0x0] =	vst.idx.msk $0xffff, v16  }
0x32: {  	v17 =	vor.u32 s28, v3;
	v16 =	vld [tilespmem:s29+$0xFFFFEF51];
	_ =	sdelay $0x4  }
0x33: {  	[tilespmem:v17+s21+$0x0] =	vst.idx.msk $0xffff, v16  }
0x34: {  	v17 =	vor.u32 s28, v4;
	v16 =	vld [tilespmem:s29+$0xFFFFF758];
	_ =	sdelay $0x4  }
0x35: {  	[tilespmem:v17+s21+$0x0] =	vst.idx.msk $0xffff, v16  }
0x36: {  	v17 =	vor.u32 s28, v5;
	v16 =	vld [tilespmem:s29+$0xFFFFF759];
	_ =	sdelay $0x4  }
0x37: {  	[tilespmem:v17+s21+$0x0] =	vst.idx.msk $0xffff, v16  }
0x38: {  	v17 =	vor.u32 s28, v6;
	v16 =	vld [tilespmem:s29+$0xFFFFF7F8];
	_ =	sdelay $0x4  }
0x39: {  	[tilespmem:v17+s21+$0x0] =	vst.idx.msk $0xffff, v16  }
0x3a: {  	v17 =	vor.u32 s28, v7;
	v16 =	vld [tilespmem:s29+$0xFFFFF7F9];
	_ =	sdelay $0x4  }
0x3b: {  	[tilespmem:v17+s21+$0x0] =	vst.idx.msk $0xffff, v16  }
0x3c: {  	v17 =	vor.u32 s28, v8;
	v16 =	vld [tilespmem:s29+$0x0];
	_ =	sdelay $0x4  }
0x3d: {  	[tilespmem:v17+s21+$0x0] =	vst.idx.msk $0xffff, v16  }
0x3e: {  	v17 =	vor.u32 s28, v9;
	v16 =	vld [tilespmem:s29+$0x1];
	_ =	sdelay $0x4  }
0x3f: {  	[tilespmem:v17+s21+$0x0] =	vst.idx.msk $0xffff, v16  }
0x40: {  	v17 =	vor.u32 s28, v10;
	v16 =	vld [tilespmem:s29+$0xA0];
	_ =	sdelay $0x4  }
0x41: {  	[tilespmem:v17+s21+$0x0] =	vst.idx.msk $0xffff, v16  }
0x42: {  	v17 =	vor.u32 s28, v11;
	v16 =	vld [tilespmem:s29+$0xA1];
	_ =	sdelay $0x4  }
0x43: {  	[tilespmem:v17+s21+$0x0] =	vst.idx.msk $0xffff, v16  }
0x44: {  	v17 =	vor.u32 s28, v12;
	v16 =	vld [tilespmem:s29+$0x8A8];
	_ =	sdelay $0x4  }
0x45: {  	[tilespmem:v17+s21+$0x0] =	vst.idx.msk $0xffff, v16  }
0x46: {  	v17 =	vor.u32 s28, v13;
	v16 =	vld [tilespmem:s29+$0x8A9];
	_ =	sdelay $0x4  }
0x47: {  	[tilespmem:v17+s21+$0x0] =	vst.idx.msk $0xffff, v16  }
0x48: {  	v17 =	vor.u32 s28, v14;
	v16 =	vld [tilespmem:s29+$0x948];
	_ =	sdelay $0x4  }
0x49: {  	[tilespmem:v17+s21+$0x0] =	vst.idx.msk $0xffff, v16  }
0x4a: {  	v17 =	vor.u32 s28, v15;
	v16 =	vld [tilespmem:s29+$0x949];
	_ =	sdelay $0x4  }
0x4b: {  	s31 =	simm.s32 $0x100;
	[tilespmem:v17+s21+$0x0] =	vst.idx.msk $0xffff, v16  }
0x4c: {  	v16 =	vor.u32 s31, v0;
	v17 =	vld [tilespmem:s29+$0xFFFFEEC0];
	_ =	sdelay $0x4  }
0x4d: {  	[tilespmem:v16+s21+$0x0] =	vst.idx.msk $0xffff, v17  }
0x4e: {  	v17 =	vor.u32 s31, v1;
	v16 =	vld [tilespmem:s29+$0xFFFFEEC1];
	_ =	sdelay $0x4  }
0x4f: {  	[tilespmem:v17+s21+$0x0] =	vst.idx.msk $0xffff, v16  }
0x50: {  	v17 =	vor.u32 s31, v2;
	v16 =	vld [tilespmem:s29+$0xFFFFEF60];
	_ =	sdelay $0x4  }
0x51: {  	[tilespmem:v17+s21+$0x0] =	vst.idx.msk $0xffff, v16  }
0x52: {  	v17 =	vor.u32 s31, v3;
	v16 =	vld [tilespmem:s29+$0xFFFFEF61];
	_ =	sdelay $0x4  }
0x53: {  	[tilespmem:v17+s21+$0x0] =	vst.idx.msk $0xffff, v16  }
0x54: {  	v17 =	vor.u32 s31, v4;
	v16 =	vld [tilespmem:s29+$0xFFFFF768];
	_ =	sdelay $0x4  }
0x55: {  	[tilespmem:v17+s21+$0x0] =	vst.idx.msk $0xffff, v16  }
0x56: {  	v17 =	vor.u32 s31, v5;
	v16 =	vld [tilespmem:s29+$0xFFFFF769];
	_ =	sdelay $0x4  }
0x57: {  	[tilespmem:v17+s21+$0x0] =	vst.idx.msk $0xffff, v16  }
0x58: {  	v17 =	vor.u32 s31, v6;
	v16 =	vld [tilespmem:s29+$0xFFFFF808];
	_ =	sdelay $0x4  }
0x59: {  	[tilespmem:v17+s21+$0x0] =	vst.idx.msk $0xffff, v16  }
0x5a: {  	v17 =	vor.u32 s31, v7;
	v16 =	vld [tilespmem:s29+$0xFFFFF809];
	_ =	sdelay $0x4  }
0x5b: {  	[tilespmem:v17+s21+$0x0] =	vst.idx.msk $0xffff, v16  }
0x5c: {  	v17 =	vor.u32 s31, v8;
	v16 =	vld [tilespmem:s29+$0x10];
	_ =	sdelay $0x4  }
0x5d: {  	[tilespmem:v17+s21+$0x0] =	vst.idx.msk $0xffff, v16  }
0x5e: {  	v17 =	vor.u32 s31, v9;
	v16 =	vld [tilespmem:s29+$0x11];
	_ =	sdelay $0x4  }
0x5f: {  	[tilespmem:v17+s21+$0x0] =	vst.idx.msk $0xffff, v16  }
0x60: {  	v17 =	vor.u32 s31, v10;
	v16 =	vld [tilespmem:s29+$0xB0];
	_ =	sdelay $0x4  }
0x61: {  	[tilespmem:v17+s21+$0x0] =	vst.idx.msk $0xffff, v16  }
0x62: {  	v17 =	vor.u32 s31, v11;
	v16 =	vld [tilespmem:s29+$0xB1];
	_ =	sdelay $0x4  }
0x63: {  	[tilespmem:v17+s21+$0x0] =	vst.idx.msk $0xffff, v16  }
0x64: {  	v17 =	vor.u32 s31, v12;
	v16 =	vld [tilespmem:s29+$0x8B8];
	_ =	sdelay $0x4  }
0x65: {  	[tilespmem:v17+s21+$0x0] =	vst.idx.msk $0xffff, v16  }
0x66: {  	v17 =	vor.u32 s31, v13;
	v16 =	vld [tilespmem:s29+$0x8B9];
	_ =	sdelay $0x4  }
0x67: {  	[tilespmem:v17+s21+$0x0] =	vst.idx.msk $0xffff, v16  }
0x68: {  	v17 =	vor.u32 s31, v14;
	v16 =	vld [tilespmem:s29+$0x958];
	_ =	sdelay $0x4  }
0x69: {  	[tilespmem:v17+s21+$0x0] =	vst.idx.msk $0xffff, v16  }
0x6a: {  	s30 =	simm.s32 $0x0;
	v17 =	vor.u32 s31, v15;
	v16 =	vld [tilespmem:s29+$0x959]  }
.LBB2_3:
0x6b: {  	_ =	sdelay $0x3  }
0x6c: {  	s30 =	sadd.s32 $0x2, s30;
	s28 =	sadd.s32 $0x200, s28;
	s29 =	sadd.s32 $0x20, s29;
	[tilespmem:v17+s21+$0x0] =	vst.idx.msk $0xffff, v16  }
0x6d: {  	p0 =	slt.u32 s30, $0x7E;
	v16 =	vor.u32 s28, v0;
	v17 =	vld [tilespmem:s29+$0xFFFFEEB0];
	_ =	sdelay $0x4  }
0x6e: {  	[tilespmem:v16+s21+$0x0] =	vst.idx.msk $0xffff, v17  }
0x6f: {  	v17 =	vor.u32 s28, v1;
	v16 =	vld [tilespmem:s29+$0xFFFFEEB1];
	_ =	sdelay $0x4  }
0x70: {  	[tilespmem:v17+s21+$0x0] =	vst.idx.msk $0xffff, v16  }
0x71: {  	v17 =	vor.u32 s28, v2;
	v16 =	vld [tilespmem:s29+$0xFFFFEF50];
	_ =	sdelay $0x4  }
0x72: {  	[tilespmem:v17+s21+$0x0] =	vst.idx.msk $0xffff, v16  }
0x73: {  	v17 =	vor.u32 s28, v3;
	v16 =	vld [tilespmem:s29+$0xFFFFEF51];
	_ =	sdelay $0x4  }
0x74: {  	[tilespmem:v17+s21+$0x0] =	vst.idx.msk $0xffff, v16  }
0x75: {  	v17 =	vor.u32 s28, v4;
	v16 =	vld [tilespmem:s29+$0xFFFFF758];
	_ =	sdelay $0x4  }
0x76: {  	[tilespmem:v17+s21+$0x0] =	vst.idx.msk $0xffff, v16  }
0x77: {  	v17 =	vor.u32 s28, v5;
	v16 =	vld [tilespmem:s29+$0xFFFFF759];
	_ =	sdelay $0x4  }
0x78: {  	[tilespmem:v17+s21+$0x0] =	vst.idx.msk $0xffff, v16  }
0x79: {  	v17 =	vor.u32 s28, v6;
	v16 =	vld [tilespmem:s29+$0xFFFFF7F8];
	_ =	sdelay $0x4  }
0x7a: {  	[tilespmem:v17+s21+$0x0] =	vst.idx.msk $0xffff, v16  }
0x7b: {  	v17 =	vor.u32 s28, v7;
	v16 =	vld [tilespmem:s29+$0xFFFFF7F9];
	_ =	sdelay $0x4  }
0x7c: {  	[tilespmem:v17+s21+$0x0] =	vst.idx.msk $0xffff, v16  }
0x7d: {  	v17 =	vor.u32 s28, v8;
	v16 =	vld [tilespmem:s29+$0x0];
	_ =	sdelay $0x4  }
0x7e: {  	[tilespmem:v17+s21+$0x0] =	vst.idx.msk $0xffff, v16  }
0x7f: {  	v17 =	vor.u32 s28, v9;
	v16 =	vld [tilespmem:s29+$0x1];
	_ =	sdelay $0x4  }
0x80: {  	[tilespmem:v17+s21+$0x0] =	vst.idx.msk $0xffff, v16  }
0x81: {  	v17 =	vor.u32 s28, v10;
	v16 =	vld [tilespmem:s29+$0xA0];
	_ =	sdelay $0x4  }
0x82: {  	[tilespmem:v17+s21+$0x0] =	vst.idx.msk $0xffff, v16  }
0x83: {  	v17 =	vor.u32 s28, v11;
	v16 =	vld [tilespmem:s29+$0xA1];
	_ =	sdelay $0x4  }
0x84: {  	[tilespmem:v17+s21+$0x0] =	vst.idx.msk $0xffff, v16  }
0x85: {  	v17 =	vor.u32 s28, v12;
	v16 =	vld [tilespmem:s29+$0x8A8];
	_ =	sdelay $0x4  }
0x86: {  	[tilespmem:v17+s21+$0x0] =	vst.idx.msk $0xffff, v16  }
0x87: {  	v17 =	vor.u32 s28, v13;
	v16 =	vld [tilespmem:s29+$0x8A9];
	_ =	sdelay $0x4  }
0x88: {  	[tilespmem:v17+s21+$0x0] =	vst.idx.msk $0xffff, v16  }
0x89: {  	v17 =	vor.u32 s28, v14;
	v16 =	vld [tilespmem:s29+$0x948];
	_ =	sdelay $0x4  }
0x8a: {  	[tilespmem:v17+s21+$0x0] =	vst.idx.msk $0xffff, v16  }
0x8b: {  	v17 =	vor.u32 s28, v15;
	v16 =	vld [tilespmem:s29+$0x949];
	_ =	sdelay $0x4  }
0x8c: {  	s31 =	sadd.s32 $0x100, s28;
	[tilespmem:v17+s21+$0x0] =	vst.idx.msk $0xffff, v16  }
0x8d: {  	v16 =	vor.u32 s31, v0;
	v17 =	vld [tilespmem:s29+$0xFFFFEEC0];
	_ =	sdelay $0x4  }
0x8e: {  	[tilespmem:v16+s21+$0x0] =	vst.idx.msk $0xffff, v17  }
0x8f: {  	v17 =	vor.u32 s31, v1;
	v16 =	vld [tilespmem:s29+$0xFFFFEEC1];
	_ =	sdelay $0x4  }
0x90: {  	[tilespmem:v17+s21+$0x0] =	vst.idx.msk $0xffff, v16  }
0x91: {  	v17 =	vor.u32 s31, v2;
	v16 =	vld [tilespmem:s29+$0xFFFFEF60];
	_ =	sdelay $0x4  }
0x92: {  	[tilespmem:v17+s21+$0x0] =	vst.idx.msk $0xffff, v16  }
0x93: {  	v17 =	vor.u32 s31, v3;
	v16 =	vld [tilespmem:s29+$0xFFFFEF61];
	_ =	sdelay $0x4  }
0x94: {  	[tilespmem:v17+s21+$0x0] =	vst.idx.msk $0xffff, v16  }
0x95: {  	v17 =	vor.u32 s31, v4;
	v16 =	vld [tilespmem:s29+$0xFFFFF768];
	_ =	sdelay $0x4  }
0x96: {  	[tilespmem:v17+s21+$0x0] =	vst.idx.msk $0xffff, v16  }
0x97: {  	v17 =	vor.u32 s31, v5;
	v16 =	vld [tilespmem:s29+$0xFFFFF769];
	_ =	sdelay $0x4  }
0x98: {  	[tilespmem:v17+s21+$0x0] =	vst.idx.msk $0xffff, v16  }
0x99: {  	v17 =	vor.u32 s31, v6;
	v16 =	vld [tilespmem:s29+$0xFFFFF808];
	_ =	sdelay $0x4  }
0x9a: {  	[tilespmem:v17+s21+$0x0] =	vst.idx.msk $0xffff, v16  }
0x9b: {  	v17 =	vor.u32 s31, v7;
	v16 =	vld [tilespmem:s29+$0xFFFFF809];
	_ =	sdelay $0x4  }
0x9c: {  	[tilespmem:v17+s21+$0x0] =	vst.idx.msk $0xffff, v16  }
0x9d: {  	v17 =	vor.u32 s31, v8;
	v16 =	vld [tilespmem:s29+$0x10];
	_ =	sdelay $0x4  }
0x9e: {  	[tilespmem:v17+s21+$0x0] =	vst.idx.msk $0xffff, v16  }
0x9f: {  	v17 =	vor.u32 s31, v9;
	v16 =	vld [tilespmem:s29+$0x11];
	_ =	sdelay $0x4  }
0xa0: {  	[tilespmem:v17+s21+$0x0] =	vst.idx.msk $0xffff, v16  }
0xa1: {  	v17 =	vor.u32 s31, v10;
	v16 =	vld [tilespmem:s29+$0xB0];
	_ =	sdelay $0x4  }
0xa2: {  	[tilespmem:v17+s21+$0x0] =	vst.idx.msk $0xffff, v16  }
0xa3: {  	v17 =	vor.u32 s31, v11;
	v16 =	vld [tilespmem:s29+$0xB1];
	_ =	sdelay $0x4  }
0xa4: {  	[tilespmem:v17+s21+$0x0] =	vst.idx.msk $0xffff, v16  }
0xa5: {  	v17 =	vor.u32 s31, v12;
	v16 =	vld [tilespmem:s29+$0x8B8];
	_ =	sdelay $0x4  }
0xa6: {  	[tilespmem:v17+s21+$0x0] =	vst.idx.msk $0xffff, v16  }
0xa7: {  	v17 =	vor.u32 s31, v13;
	v16 =	vld [tilespmem:s29+$0x8B9];
	_ =	sdelay $0x4  }
0xa8: {  	[tilespmem:v17+s21+$0x0] =	vst.idx.msk $0xffff, v16  }
0xa9: {  	v17 =	vor.u32 s31, v14;
	v16 =	vld [tilespmem:s29+$0x958];
	_ =	sdelay $0x1  }
.Ltmp0:
0xaa: {  	(pc) =	sbr.rel @p0 .LBB2_3-.Ltmp0, $3  }
0xab: {  	_ =	sdelay $0x1  }
0xac: {  	[tilespmem:v17+s21+$0x0] =	vst.idx.msk $0xffff, v16  }
0xad: {  	v17 =	vor.u32 s31, v15;
	v16 =	vld [tilespmem:s29+$0x959]  }
0xae: {  	_ = 	snop  }
0xaf: {  	s28 =	sshll.u32 s25, $0x10  }
0xb0: {  	s28 =	sadd.s32 s10, s28  }
0xb1: {  	s28 =	sshrl.u32 s28, $0x3  }
0xb2: {  	s28 =	sadd.s32 s5, s28;
	[tilespmem:v17+s21+$0x0] =	vst.idx.msk $0xffff, v16  }
0xb3: {  	[hbm4b:s28+s2] =	stream.linear.scatter [tilespmem:s21], [sflag:$0x2], $0x8000, $0x38;
	[tilespmem:$0x14540] =	vst v63  }
0xb4: {  	_ =	swait.ge [sflag:s16], $0x8A8  }
0xb5: {  	[sflag:s16] =	ssyncset.done $0x0  }
0xb6: {  	[sflag:s16] =	ssyncadd.s32 $0xFFFFF758  }
0xb7: {  	_ =	swait.ge [sflag:s16], $0x8A8  }
0xb8: {  	[sflag:s16] =	ssyncset.done $0x0  }
0xb9: {  	[sflag:s16] =	ssyncadd.s32 $0xFFFFF758  }
0xba: {  	_ =	swait.ge [sflag:s16], $0x8A8  }
0xbb: {  	p0 =	seq.s32 s25, $0x18;
	[sflag:s16] =	ssyncset.done $0x0  }
0xbc: {  	s28 =	sshll.u32 @!p0 s25, $0xC;
	[sflag:s16] =	ssyncadd.s32 $0xFFFFF758  }
0xbd: {  	s28 =	sadd.s32 @!p0 s28, s11;
	_ =	swait.ge [sflag:s16], $0x8A8  }
0xbe: {  	s28 =	sshrl.u32 @!p0 s28, $0x3;
	[sflag:s16] =	ssyncset.done $0x0  }
0xbf: {  	s29 =	simm.s32 @!p0 $0x0;
	s28 =	sadd.s32 @!p0 s4, s28;
	[sflag:s16] =	ssyncadd.s32 $0xFFFFF758  }
0xc0: {  	[tilespmem:s29], [sflag:$0x1] =	stream.linear.gather @!p0 [hbm4b:s28+s29], $0x8A8, $0x38;
	[tilespmem:$0x14540] =	vst v63  }
0xc1: {  	s31 =	simm.s32 @!p0 $0x8A8;
	s30 =	sadd.s32 @!p0 $0xC80, s28  }
0xc2: {  	[tilespmem:s31], [sflag:$0x1] =	stream.linear.gather @!p0 [hbm4b:s30+s29], $0x8A8, $0x38;
	[tilespmem:$0x14540] =	vst v63  }
0xc3: {  	s30 =	sadd.s32 @!p0 $0x64000, s28;
	s31 =	simm.s32 @!p0 $0x1150  }
0xc4: {  	[tilespmem:s31], [sflag:$0x1] =	stream.linear.gather @!p0 [hbm4b:s30+s29], $0x8A8, $0x38;
	[tilespmem:$0x14540] =	vst v63  }
0xc5: {  	p1 =	seq.s32 @!p0 s25, $0x0;
	s28 =	sadd.s32 @!p0 $0x64C80, s28;
	s30 =	simm.s32 @!p0 $0x19F8  }
0xc6: {  	[tilespmem:s30], [sflag:$0x1] =	stream.linear.gather @!p0 [hbm4b:s28+s29], $0x8A8, $0x38;
	[tilespmem:$0x14540] =	vst v63  }
0xc7: {  	p0 =	por p0, !p1  }
0xc8: {  	_ =	swait.ge @p0 [sflag:s23], $0x8000  }
0xc9: {  	[sflag:s23] =	ssyncset.done @p0 $0x0  }
0xca: {  	s28 =	simm.s32 $0x0;
	s29 =	simm.s32 $0x3D49;
	[sflag:s23] =	ssyncadd.s32 @p0 $0xFFFF8000  }
0xcb: {  	v16 =	vor.u32 s28, v0;
	v17 =	vld [tilespmem:s29+$0xFFFFE557];
	_ =	sdelay $0x4  }
0xcc: {  	[tilespmem:v16+s22+$0x0] =	vst.idx.msk $0xffff, v17  }
0xcd: {  	v17 =	vor.u32 s28, v1;
	v16 =	vld [tilespmem:s29+$0xFFFFE558];
	_ =	sdelay $0x4  }
0xce: {  	[tilespmem:v17+s22+$0x0] =	vst.idx.msk $0xffff, v16  }
0xcf: {  	v17 =	vor.u32 s28, v2;
	v16 =	vld [tilespmem:s29+$0xFFFFE5F7];
	_ =	sdelay $0x4  }
0xd0: {  	[tilespmem:v17+s22+$0x0] =	vst.idx.msk $0xffff, v16  }
0xd1: {  	v17 =	vor.u32 s28, v3;
	v16 =	vld [tilespmem:s29+$0xFFFFE5F8];
	_ =	sdelay $0x4  }
0xd2: {  	[tilespmem:v17+s22+$0x0] =	vst.idx.msk $0xffff, v16  }
0xd3: {  	v17 =	vor.u32 s28, v4;
	v16 =	vld [tilespmem:s29+$0xFFFFEDFF];
	_ =	sdelay $0x4  }
0xd4: {  	[tilespmem:v17+s22+$0x0] =	vst.idx.msk $0xffff, v16  }
0xd5: {  	v17 =	vor.u32 s28, v5;
	v16 =	vld [tilespmem:s29+$0xFFFFEE00];
	_ =	sdelay $0x4  }
0xd6: {  	[tilespmem:v17+s22+$0x0] =	vst.idx.msk $0xffff, v16  }
0xd7: {  	v17 =	vor.u32 s28, v6;
	v16 =	vld [tilespmem:s29+$0xFFFFEE9F];
	_ =	sdelay $0x4  }
0xd8: {  	[tilespmem:v17+s22+$0x0] =	vst.idx.msk $0xffff, v16  }
0xd9: {  	v17 =	vor.u32 s28, v7;
	v16 =	vld [tilespmem:s29+$0xFFFFEEA0];
	_ =	sdelay $0x4  }
0xda: {  	[tilespmem:v17+s22+$0x0] =	vst.idx.msk $0xffff, v16  }
0xdb: {  	v17 =	vor.u32 s28, v8;
	v16 =	vld [tilespmem:s29+$0xFFFFF6A7];
	_ =	sdelay $0x4  }
0xdc: {  	[tilespmem:v17+s22+$0x0] =	vst.idx.msk $0xffff, v16  }
0xdd: {  	v17 =	vor.u32 s28, v9;
	v16 =	vld [tilespmem:s29+$0xFFFFF6A8];
	_ =	sdelay $0x4  }
0xde: {  	[tilespmem:v17+s22+$0x0] =	vst.idx.msk $0xffff, v16  }
0xdf: {  	v17 =	vor.u32 s28, v10;
	v16 =	vld [tilespmem:s29+$0xFFFFF747];
	_ =	sdelay $0x4  }
0xe0: {  	[tilespmem:v17+s22+$0x0] =	vst.idx.msk $0xffff, v16  }
0xe1: {  	v17 =	vor.u32 s28, v11;
	v16 =	vld [tilespmem:s29+$0xFFFFF748];
	_ =	sdelay $0x4  }
0xe2: {  	[tilespmem:v17+s22+$0x0] =	vst.idx.msk $0xffff, v16  }
0xe3: {  	v17 =	vor.u32 s28, v12;
	v16 =	vld [tilespmem:s29+$0xFFFFFF4F];
	_ =	sdelay $0x4  }
0xe4: {  	[tilespmem:v17+s22+$0x0] =	vst.idx.msk $0xffff, v16  }
0xe5: {  	v17 =	vor.u32 s28, v13;
	v16 =	vld [tilespmem:s29+$0xFFFFFF50];
	_ =	sdelay $0x4  }
0xe6: {  	[tilespmem:v17+s22+$0x0] =	vst.idx.msk $0xffff, v16  }
0xe7: {  	v17 =	vor.u32 s28, v14;
	v16 =	vld [tilespmem:s29+$0xFFFFFFEF];
	_ =	sdelay $0x4  }
0xe8: {  	[tilespmem:v17+s22+$0x0] =	vst.idx.msk $0xffff, v16  }
0xe9: {  	v17 =	vor.u32 s28, v15;
	v16 =	vld [tilespmem:s29+$0xFFFFFFF0];
	_ =	sdelay $0x4  }
0xea: {  	s31 =	simm.s32 $0x100;
	[tilespmem:v17+s22+$0x0] =	vst.idx.msk $0xffff, v16  }
0xeb: {  	v16 =	vor.u32 s31, v0;
	v17 =	vld [tilespmem:s29+$0xFFFFE567];
	_ =	sdelay $0x4  }
0xec: {  	[tilespmem:v16+s22+$0x0] =	vst.idx.msk $0xffff, v17  }
0xed: {  	v17 =	vor.u32 s31, v1;
	v16 =	vld [tilespmem:s29+$0xFFFFE568];
	_ =	sdelay $0x4  }
0xee: {  	[tilespmem:v17+s22+$0x0] =	vst.idx.msk $0xffff, v16  }
0xef: {  	v17 =	vor.u32 s31, v2;
	v16 =	vld [tilespmem:s29+$0xFFFFE607];
	_ =	sdelay $0x4  }
0xf0: {  	[tilespmem:v17+s22+$0x0] =	vst.idx.msk $0xffff, v16  }
0xf1: {  	v17 =	vor.u32 s31, v3;
	v16 =	vld [tilespmem:s29+$0xFFFFE608];
	_ =	sdelay $0x4  }
0xf2: {  	[tilespmem:v17+s22+$0x0] =	vst.idx.msk $0xffff, v16  }
0xf3: {  	v17 =	vor.u32 s31, v4;
	v16 =	vld [tilespmem:s29+$0xFFFFEE0F];
	_ =	sdelay $0x4  }
0xf4: {  	[tilespmem:v17+s22+$0x0] =	vst.idx.msk $0xffff, v16  }
0xf5: {  	v17 =	vor.u32 s31, v5;
	v16 =	vld [tilespmem:s29+$0xFFFFEE10];
	_ =	sdelay $0x4  }
0xf6: {  	[tilespmem:v17+s22+$0x0] =	vst.idx.msk $0xffff, v16  }
0xf7: {  	v17 =	vor.u32 s31, v6;
	v16 =	vld [tilespmem:s29+$0xFFFFEEAF];
	_ =	sdelay $0x4  }
0xf8: {  	[tilespmem:v17+s22+$0x0] =	vst.idx.msk $0xffff, v16  }
0xf9: {  	v17 =	vor.u32 s31, v7;
	v16 =	vld [tilespmem:s29+$0xFFFFEEB0];
	_ =	sdelay $0x4  }
0xfa: {  	[tilespmem:v17+s22+$0x0] =	vst.idx.msk $0xffff, v16  }
0xfb: {  	v17 =	vor.u32 s31, v8;
	v16 =	vld [tilespmem:s29+$0xFFFFF6B7];
	_ =	sdelay $0x4  }
0xfc: {  	[tilespmem:v17+s22+$0x0] =	vst.idx.msk $0xffff, v16  }
0xfd: {  	v17 =	vor.u32 s31, v9;
	v16 =	vld [tilespmem:s29+$0xFFFFF6B8];
	_ =	sdelay $0x4  }
0xfe: {  	[tilespmem:v17+s22+$0x0] =	vst.idx.msk $0xffff, v16  }
0xff: {  	v17 =	vor.u32 s31, v10;
	v16 =	vld [tilespmem:s29+$0xFFFFF757];
	_ =	sdelay $0x4  }
0x100: {  	[tilespmem:v17+s22+$0x0] =	vst.idx.msk $0xffff, v16  }
0x101: {  	v17 =	vor.u32 s31, v11;
	v16 =	vld [tilespmem:s29+$0xFFFFF758];
	_ =	sdelay $0x4  }
0x102: {  	[tilespmem:v17+s22+$0x0] =	vst.idx.msk $0xffff, v16  }
0x103: {  	v17 =	vor.u32 s31, v12;
	v16 =	vld [tilespmem:s29+$0xFFFFFF5F];
	_ =	sdelay $0x4  }
0x104: {  	[tilespmem:v17+s22+$0x0] =	vst.idx.msk $0xffff, v16  }
0x105: {  	v17 =	vor.u32 s31, v13;
	v16 =	vld [tilespmem:s29+$0xFFFFFF60];
	_ =	sdelay $0x4  }
0x106: {  	[tilespmem:v17+s22+$0x0] =	vst.idx.msk $0xffff, v16  }
0x107: {  	v17 =	vor.u32 s31, v14;
	v16 =	vld [tilespmem:s29+$0xFFFFFFFF];
	_ =	sdelay $0x4  }
0x108: {  	[tilespmem:v17+s22+$0x0] =	vst.idx.msk $0xffff, v16  }
0x109: {  	s30 =	simm.s32 $0x0;
	v17 =	vor.u32 s31, v15;
	v16 =	vld [tilespmem:s29+$0x0]  }
.LBB2_5:
0x10a: {  	_ =	sdelay $0x3  }
0x10b: {  	s30 =	sadd.s32 $0x2, s30;
	s28 =	sadd.s32 $0x200, s28;
	s29 =	sadd.s32 $0x20, s29;
	[tilespmem:v17+s22+$0x0] =	vst.idx.msk $0xffff, v16  }
0x10c: {  	p0 =	slt.u32 s30, $0x7E;
	v16 =	vor.u32 s28, v0;
	v17 =	vld [tilespmem:s29+$0xFFFFE557];
	_ =	sdelay $0x4  }
0x10d: {  	[tilespmem:v16+s22+$0x0] =	vst.idx.msk $0xffff, v17  }
0x10e: {  	v17 =	vor.u32 s28, v1;
	v16 =	vld [tilespmem:s29+$0xFFFFE558];
	_ =	sdelay $0x4  }
0x10f: {  	[tilespmem:v17+s22+$0x0] =	vst.idx.msk $0xffff, v16  }
0x110: {  	v17 =	vor.u32 s28, v2;
	v16 =	vld [tilespmem:s29+$0xFFFFE5F7];
	_ =	sdelay $0x4  }
0x111: {  	[tilespmem:v17+s22+$0x0] =	vst.idx.msk $0xffff, v16  }
0x112: {  	v17 =	vor.u32 s28, v3;
	v16 =	vld [tilespmem:s29+$0xFFFFE5F8];
	_ =	sdelay $0x4  }
0x113: {  	[tilespmem:v17+s22+$0x0] =	vst.idx.msk $0xffff, v16  }
0x114: {  	v17 =	vor.u32 s28, v4;
	v16 =	vld [tilespmem:s29+$0xFFFFEDFF];
	_ =	sdelay $0x4  }
0x115: {  	[tilespmem:v17+s22+$0x0] =	vst.idx.msk $0xffff, v16  }
0x116: {  	v17 =	vor.u32 s28, v5;
	v16 =	vld [tilespmem:s29+$0xFFFFEE00];
	_ =	sdelay $0x4  }
0x117: {  	[tilespmem:v17+s22+$0x0] =	vst.idx.msk $0xffff, v16  }
0x118: {  	v17 =	vor.u32 s28, v6;
	v16 =	vld [tilespmem:s29+$0xFFFFEE9F];
	_ =	sdelay $0x4  }
0x119: {  	[tilespmem:v17+s22+$0x0] =	vst.idx.msk $0xffff, v16  }
0x11a: {  	v17 =	vor.u32 s28, v7;
	v16 =	vld [tilespmem:s29+$0xFFFFEEA0];
	_ =	sdelay $0x4  }
0x11b: {  	[tilespmem:v17+s22+$0x0] =	vst.idx.msk $0xffff, v16  }
0x11c: {  	v17 =	vor.u32 s28, v8;
	v16 =	vld [tilespmem:s29+$0xFFFFF6A7];
	_ =	sdelay $0x4  }
0x11d: {  	[tilespmem:v17+s22+$0x0] =	vst.idx.msk $0xffff, v16  }
0x11e: {  	v17 =	vor.u32 s28, v9;
	v16 =	vld [tilespmem:s29+$0xFFFFF6A8];
	_ =	sdelay $0x4  }
0x11f: {  	[tilespmem:v17+s22+$0x0] =	vst.idx.msk $0xffff, v16  }
0x120: {  	v17 =	vor.u32 s28, v10;
	v16 =	vld [tilespmem:s29+$0xFFFFF747];
	_ =	sdelay $0x4  }
0x121: {  	[tilespmem:v17+s22+$0x0] =	vst.idx.msk $0xffff, v16  }
0x122: {  	v17 =	vor.u32 s28, v11;
	v16 =	vld [tilespmem:s29+$0xFFFFF748];
	_ =	sdelay $0x4  }
0x123: {  	[tilespmem:v17+s22+$0x0] =	vst.idx.msk $0xffff, v16  }
0x124: {  	v17 =	vor.u32 s28, v12;
	v16 =	vld [tilespmem:s29+$0xFFFFFF4F];
	_ =	sdelay $0x4  }
0x125: {  	[tilespmem:v17+s22+$0x0] =	vst.idx.msk $0xffff, v16  }
0x126: {  	v17 =	vor.u32 s28, v13;
	v16 =	vld [tilespmem:s29+$0xFFFFFF50];
	_ =	sdelay $0x4  }
0x127: {  	[tilespmem:v17+s22+$0x0] =	vst.idx.msk $0xffff, v16  }
0x128: {  	v17 =	vor.u32 s28, v14;
	v16 =	vld [tilespmem:s29+$0xFFFFFFEF];
	_ =	sdelay $0x4  }
0x129: {  	[tilespmem:v17+s22+$0x0] =	vst.idx.msk $0xffff, v16  }
0x12a: {  	v17 =	vor.u32 s28, v15;
	v16 =	vld [tilespmem:s29+$0xFFFFFFF0];
	_ =	sdelay $0x4  }
0x12b: {  	s31 =	sadd.s32 $0x100, s28;
	[tilespmem:v17+s22+$0x0] =	vst.idx.msk $0xffff, v16  }
0x12c: {  	v16 =	vor.u32 s31, v0;
	v17 =	vld [tilespmem:s29+$0xFFFFE567];
	_ =	sdelay $0x4  }
0x12d: {  	[tilespmem:v16+s22+$0x0] =	vst.idx.msk $0xffff, v17  }
0x12e: {  	v17 =	vor.u32 s31, v1;
	v16 =	vld [tilespmem:s29+$0xFFFFE568];
	_ =	sdelay $0x4  }
0x12f: {  	[tilespmem:v17+s22+$0x0] =	vst.idx.msk $0xffff, v16  }
0x130: {  	v17 =	vor.u32 s31, v2;
	v16 =	vld [tilespmem:s29+$0xFFFFE607];
	_ =	sdelay $0x4  }
0x131: {  	[tilespmem:v17+s22+$0x0] =	vst.idx.msk $0xffff, v16  }
0x132: {  	v17 =	vor.u32 s31, v3;
	v16 =	vld [tilespmem:s29+$0xFFFFE608];
	_ =	sdelay $0x4  }
0x133: {  	[tilespmem:v17+s22+$0x0] =	vst.idx.msk $0xffff, v16  }
0x134: {  	v17 =	vor.u32 s31, v4;
	v16 =	vld [tilespmem:s29+$0xFFFFEE0F];
	_ =	sdelay $0x4  }
0x135: {  	[tilespmem:v17+s22+$0x0] =	vst.idx.msk $0xffff, v16  }
0x136: {  	v17 =	vor.u32 s31, v5;
	v16 =	vld [tilespmem:s29+$0xFFFFEE10];
	_ =	sdelay $0x4  }
0x137: {  	[tilespmem:v17+s22+$0x0] =	vst.idx.msk $0xffff, v16  }
0x138: {  	v17 =	vor.u32 s31, v6;
	v16 =	vld [tilespmem:s29+$0xFFFFEEAF];
	_ =	sdelay $0x4  }
0x139: {  	[tilespmem:v17+s22+$0x0] =	vst.idx.msk $0xffff, v16  }
0x13a: {  	v17 =	vor.u32 s31, v7;
	v16 =	vld [tilespmem:s29+$0xFFFFEEB0];
	_ =	sdelay $0x4  }
0x13b: {  	[tilespmem:v17+s22+$0x0] =	vst.idx.msk $0xffff, v16  }
0x13c: {  	v17 =	vor.u32 s31, v8;
	v16 =	vld [tilespmem:s29+$0xFFFFF6B7];
	_ =	sdelay $0x4  }
0x13d: {  	[tilespmem:v17+s22+$0x0] =	vst.idx.msk $0xffff, v16  }
0x13e: {  	v17 =	vor.u32 s31, v9;
	v16 =	vld [tilespmem:s29+$0xFFFFF6B8];
	_ =	sdelay $0x4  }
0x13f: {  	[tilespmem:v17+s22+$0x0] =	vst.idx.msk $0xffff, v16  }
0x140: {  	v17 =	vor.u32 s31, v10;
	v16 =	vld [tilespmem:s29+$0xFFFFF757];
	_ =	sdelay $0x4  }
0x141: {  	[tilespmem:v17+s22+$0x0] =	vst.idx.msk $0xffff, v16  }
0x142: {  	v17 =	vor.u32 s31, v11;
	v16 =	vld [tilespmem:s29+$0xFFFFF758];
	_ =	sdelay $0x4  }
0x143: {  	[tilespmem:v17+s22+$0x0] =	vst.idx.msk $0xffff, v16  }
0x144: {  	v17 =	vor.u32 s31, v12;
	v16 =	vld [tilespmem:s29+$0xFFFFFF5F];
	_ =	sdelay $0x4  }
0x145: {  	[tilespmem:v17+s22+$0x0] =	vst.idx.msk $0xffff, v16  }
0x146: {  	v17 =	vor.u32 s31, v13;
	v16 =	vld [tilespmem:s29+$0xFFFFFF60];
	_ =	sdelay $0x4  }
0x147: {  	[tilespmem:v17+s22+$0x0] =	vst.idx.msk $0xffff, v16  }
0x148: {  	v17 =	vor.u32 s31, v14;
	v16 =	vld [tilespmem:s29+$0xFFFFFFFF];
	_ =	sdelay $0x1  }
.Ltmp1:
0x149: {  	(pc) =	sbr.rel @p0 .LBB2_5-.Ltmp1, $3  }
0x14a: {  	_ =	sdelay $0x1  }
0x14b: {  	[tilespmem:v17+s22+$0x0] =	vst.idx.msk $0xffff, v16  }
0x14c: {  	v17 =	vor.u32 s31, v15;
	v16 =	vld [tilespmem:s29+$0x0]  }
0x14d: {  	s25 =	sadd.s32 $0x1, s25  }
0x14e: {  	p0 =	sne.s32 s25, $0x19  }
.Ltmp2:
0x14f: {  	s26 =	sshll.u32 s26, $0xF;
	(pc) =	sbr.rel @p0 .LBB2_2-.Ltmp2, $4  }
0x150: {  	s26 =	sadd.s32 s10, s26  }
0x151: {  	s26 =	sshrl.u32 s26, $0x3  }
0x152: {  	s26 =	sadd.s32 s5, s26;
	[tilespmem:v17+s22+$0x0] =	vst.idx.msk $0xffff, v16  }
0x153: {  	[hbm4b:s26+s2] =	stream.linear.scatter [tilespmem:s22], [sflag:$0x2], $0x8000, $0x38;
	[tilespmem:$0x14540] =	vst v63  }
0x154: {  	s24 =	sadd.s32 $0x1, s24  }
0x155: {  	_ =	swait.ge [sflag:s23], $0x8000;
	p0 =	sne.s32 s24, s12  }
.Ltmp3:
0x156: {  	[sflag:s23] =	ssyncset.done $0x0;
	(pc) =	sbr.rel @p0 .LBB2_1-.Ltmp3, $4  }
0x157: {  	[sflag:s23] =	ssyncadd.s32 $0xFFFF8000  }
0x158: {  	_ =	swait.ge [sflag:s23], $0x8000  }
0x159: {  	[sflag:s23] =	ssyncset.done $0x0  }
0x15a: {  	[sflag:s23] =	ssyncadd.s32 $0xFFFF8000  }
0x15b: {  	_ =	sfence.sel $0x180000  }
0x15c: {  	[bflag:$0x0] =	sbarrier.arrive $0xFFFF  }
0x15d: {  	p0 =	sne.s32 s0, $0x0;
	_ =	strace $0x90000047  }
0x15e: {  	s0 =	sadd.s32 @!p0 $0x100000, s1;
	[bflag:$0x2] =	sbarrier.arrive $0xFFFF  }
0x15f: {  	[sflag:s0] =	ssyncadd.tile.s32 @!p0 $0x1;
	_ =	shalt  }
.Lfunc_end2:
_tile_overlayer_lowered:
.L_overlay_start_2:
0x160: {  	(tag) =	ssettag $0x2  }
0x161: {  	s0 =	rddreg [dreg:$0x0];
	s2 =	stileid.u32  }
0x162: {  	s1 =	rddreg [dreg:$0x1];
	p0 =	sne.s32 s2, $0x0  }
0x163: {  	s3 =	rddreg [dreg:$0x2];
	[bflag:$0x3] =	sbarrier.arrive $0xFFFF;
	s2 =	simm.s32 @!p0 $0x1C03  }
0x164: {  	[timem:s3], [sflag:s2] =	dma.local @!p0 [hbm:s0], s1  }
0x165: {  	s0 =	simm.s32 @!p0 $0x3  }
0x166: {  	_ =	swait.ge @!p0 [sflag:s0], s1  }
0x167: {  	s1 =	ssub.s32 @!p0 $0x0, s1;
	[sflag:s0] =	ssyncset.done @!p0 $0x0  }
0x168: {  	[sflag:s0] =	ssyncadd.s32 @!p0 s1  }
0x169: {  	[bflag:$0x3] =	sbarrier.arrive $0xFFFF  }
0x16a: {  	_ =	shalt  }

// kernel: kernel.7.cloned.1.call-start
scs
__scs_entry_jumppad:
0x0: {  	(pc) =	sbr.rel $0x88, $3  }
0x1: {  	(tag) =	ssettag $0x0;
	lr =	simm.s32 $0x1  }
0x2: {  	[smem:$0x3F9F] =	sst lr;
	_ =	strace $0xD0000000  }
0x3: {  	_ = 	snop  }
0x4: {  	_ = 	snop  }
0x5: {  	_ = 	snop  }
0x6: {  	_ = 	snop  }
0x7: {  	_ = 	snop  }
__scs_overlays_trampoline_lowered:
0x8: {  	[smem:$0x3FAE] =	sst s0  }
0x9: {  	[smem:$0x3FAF] =	sst s1  }
0xa: {  	[smem:$0x3FB0] =	sst s2  }
0xb: {  	[smem:$0x3FB1] =	sst s3  }
0xc: {  	[smem:$0x3FB2] =	sst s4  }
0xd: {  	[smem:$0x3FB3] =	sst s5  }
0xe: {  	[smem:$0x3FB4] =	sst s6  }
0xf: {  	[smem:$0x3FB5] =	sst s7  }
0x10: {  	[smem:$0x3FB6] =	sst s8  }
0x11: {  	[smem:$0x3FB7] =	sst s9;
	s0 =	simm.s32 @!p0 $0x0  }
0x12: {  	s1 =	sld [smem:$0x3F9D];
	s0 =	simm.s32 @p0 $0x1  }
0x13: {  	[smem:$0x3FB8] =	sst s0;
	s0 =	simm.s32 @!p1 $0x0  }
0x14: {  	s2 =	sld [smem:$0x3F9C];
	s0 =	simm.s32 @p1 $0x1  }
0x15: {  	[smem:$0x3FB9] =	sst s0;
	s0 =	simm.s32 @!p2 $0x0  }
0x16: {  	s3 =	sld [smem:$0x3FDB];
	s0 =	simm.s32 @p2 $0x1  }
0x17: {  	s4 =	simm.s32 $0x1BF5;
	[smem:$0x3FBB] =	sst s0  }
0x18: {  	s0 =	sld [smem:$0x3F9E];
	_ =	swait.ge [sflag:s4], $0x0  }
0x19: {  	s7 =	sld [smem:$0x3F9F]  }
0x1a: {  	s8 =	sadd.s32 $0xFFFFE003, lr  }
0x1b: {  	s9 =	sadd.s32 $0xFFFFFEF7, lr;
	s5 =	simm.s32 $0xFFFFFFFF;
	p2 =	slt.u32 s8, $0xFFFFF086  }
0x1c: {  	p1 =	slt.u32 s9, $0xF7A;
	s5 =	simm.s32 @!p2 $0x0  }
0x1d: {  	s5 =	simm.s32 @p1 $0x1;
	p0 =	seq.s32 s7, s2  }
0x1e: {  	s7 =	smul.u32 @!p0 $0xF7A, s2;
	p2 =	seq.s32 @!p0 s5, $0x0  }
0x1f: {  	s9 =	smul.u32 $0xF7A, s1;
	s8 =	simm.s32 @!p0 $0x1BF5;
	p2 =	por !p2, p0  }
0x20: {  	[sflag:s8] =	ssyncset.s32 @!p0 $0xFFFFF086;
	s6 =	sadd.s32 @!p0 s3, s7;
	s7 =	simm.s32 @!p0 $0x108  }
0x21: {  	s3 =	sadd.s32 s3, s9;
	s6 =	sadd.s32 @!p0 $0x88, s6;
	s7 =	simm.s32 @p2 $0x1082  }
0x22: {  	[simem:s7], [sflag:s8] =	dma.local @!p0 [hbm:s6], $0xF7A  }
0x23: {  	s9 =	sor.u32 $0xD0000000, s2;
	s6 =	simm.s32 $0x108;
	_ =	swait.ge @!p0 [sflag:s8], $0x0  }
0x24: {  	s3 =	sadd.s32 $0x88, s3;
	s6 =	simm.s32 @!p1 $0x1082;
	[sflag:s4] =	ssyncset.s32 $0xFFFFF086  }
0x25: {  	[simem:s6], [sflag:s4] =	dma.local [hbm:s3], $0xF7A  }
0x26: {  	[smem:$0x3F9F] =	sst s1;
	(tag) =	ssettag s2;
	_ =	strace s9  }
0x27: {  	s1 =	sld [smem:$0x3FAF]  }
0x28: {  	s2 =	sld [smem:$0x3FB0]  }
0x29: {  	s4 =	sld [smem:$0x3FB2]  }
0x2a: {  	p0 =	seq.s32 s5, $0x0;
	s5 =	sld [smem:$0x3FB3]  }
0x2b: {  	s6 =	sld [smem:$0x3FB4]  }
0x2c: {  	s7 =	sld [smem:$0x3FB5]  }
0x2d: {  	s3 =	simm.s32 $0x108;
	s8 =	sld [smem:$0x3FB6]  }
0x2e: {  	s3 =	simm.s32 @!p0 $0x1082;
	s9 =	sld [smem:$0x3FB7]  }
0x2f: {  	lr =	sadd.s32 s0, s3;
	s0 =	sld [smem:$0x3FAE]  }
0x30: {  	s3 =	sld [smem:$0x3FB1]  }
0x31: {  	[smem:$0x3FBA] =	sst s10  }
0x32: {  	s10 =	sld [smem:$0x3FB8];
	_ =	sdelay $0x3  }
0x33: {  	p0 =	seq.s32 s10, $0x1;
	s10 =	sld [smem:$0x3FBA];
	_ =	sdelay $0x3  }
0x34: {  	[smem:$0x3FBA] =	sst s10  }
0x35: {  	s10 =	sld [smem:$0x3FB9];
	_ =	sdelay $0x3  }
0x36: {  	p1 =	seq.s32 s10, $0x1;
	s10 =	sld [smem:$0x3FBA];
	_ =	sdelay $0x3  }
0x37: {  	[smem:$0x3FBA] =	sst s10  }
0x38: {  	s10 =	sld [smem:$0x3FBB]  }
0x39: {  	_ = 	snop;
	(pc) =	sbr.ind lr, $3  }
0x3a: {  	_ = 	snop  }
0x3b: {  	_ = 	snop  }
0x3c: {  	p2 =	seq.s32 s10, $0x1;
	s10 =	sld [smem:$0x3FBA]  }
0x3d: {  	_ =	shalt  }
0x3e: {  	_ =	shalt  }
0x3f: {  	_ =	shalt  }
0x40: {  	_ =	shalt  }
0x41: {  	_ =	shalt  }
0x42: {  	_ =	shalt  }
0x43: {  	_ =	shalt  }
0x44: {  	_ =	shalt  }
0x45: {  	_ =	shalt  }
0x46: {  	_ =	shalt  }
0x47: {  	_ =	shalt  }
0x48: {  	_ =	shalt  }
0x49: {  	_ =	shalt  }
0x4a: {  	_ =	shalt  }
0x4b: {  	_ =	shalt  }
0x4c: {  	_ =	shalt  }
0x4d: {  	_ =	shalt  }
0x4e: {  	_ =	shalt  }
0x4f: {  	_ =	shalt  }
0x50: {  	_ =	shalt  }
0x51: {  	_ =	shalt  }
0x52: {  	_ =	shalt  }
0x53: {  	_ =	shalt  }
0x54: {  	_ =	shalt  }
0x55: {  	_ =	shalt  }
0x56: {  	_ =	shalt  }
0x57: {  	_ =	shalt  }
0x58: {  	_ =	shalt  }
0x59: {  	_ =	shalt  }
0x5a: {  	_ =	shalt  }
0x5b: {  	_ =	shalt  }
0x5c: {  	_ =	shalt  }
0x5d: {  	_ =	shalt  }
0x5e: {  	_ =	shalt  }
0x5f: {  	_ =	shalt  }
0x60: {  	_ =	shalt  }
0x61: {  	_ =	shalt  }
0x62: {  	_ =	shalt  }
0x63: {  	_ =	shalt  }
0x64: {  	_ =	shalt  }
0x65: {  	_ =	shalt  }
0x66: {  	_ =	shalt  }
0x67: {  	_ =	shalt  }
0x68: {  	_ =	shalt  }
0x69: {  	_ =	shalt  }
0x6a: {  	_ =	shalt  }
0x6b: {  	_ =	shalt  }
0x6c: {  	_ =	shalt  }
0x6d: {  	_ =	shalt  }
0x6e: {  	_ =	shalt  }
0x6f: {  	_ =	shalt  }
0x70: {  	_ =	shalt  }
0x71: {  	_ =	shalt  }
0x72: {  	_ =	shalt  }
0x73: {  	_ =	shalt  }
0x74: {  	_ =	shalt  }
0x75: {  	_ =	shalt  }
0x76: {  	_ =	shalt  }
0x77: {  	_ =	shalt  }
0x78: {  	_ =	shalt  }
0x79: {  	_ =	shalt  }
0x7a: {  	_ =	shalt  }
0x7b: {  	_ =	shalt  }
0x7c: {  	_ =	shalt  }
0x7d: {  	_ =	shalt  }
0x7e: {  	_ =	shalt  }
0x7f: {  	_ =	shalt  }
0x80: {  	_ =	shalt  }
0x81: {  	_ =	shalt  }
0x82: {  	_ =	shalt  }
0x83: {  	_ =	shalt  }
0x84: {  	_ =	shalt  }
0x85: {  	_ =	shalt  }
0x86: {  	_ =	shalt  }
0x87: {  	_ =	shalt  }
.Lfunc_end0:
.L_simem_size_0:
called_computation.1_lowered:
.L_overlay_start_0:
0x88: {  	s2 =	sld [smem:$0x3FD9]  }
0x89: {  	s3 =	sld [smem:$0x3FFE];
	_ =	sdelay $0x1  }
0x8a: {  	s1 =	srdreg.scid  }
0x8b: {  	s0 =	sand.u32 $0x1, s1  }
0x8c: {  	s17 =	sshll.u32 s0, $0xA;
	s2 =	sadd.s32 s3, s2  }
0x8d: {  	s2 =	sadd.s32 s2, s17  }
0x8e: {  	[smem:$0x3FC6] =	sst s2  }
0x8f: {  	_ = 	snop  }
0x90: {  	s2 =	sld [smem:$0x3FD0];
	(tm) =	ssettm $0x1  }
0x91: {  	s18 =	sld [smem:$0x3FFB];
	_ =	sdelay $0x3  }
0x92: {  	_ =	strace s18  }
0x93: {  	s3 =	sld [smem:$0x3FFC];
	_ =	sdelay $0x3  }
0x94: {  	_ =	strace s3  }
0x95: {  	s3 =	sld [smem:$0x3FFD];
	_ =	sdelay $0x3  }
0x96: {  	_ =	strace s3  }
0x97: {  	_ =	strace $0x8FFFFFFF  }
0x98: {  	s19 =	sld [smem:$0x3FDB];
	_ =	sdelay $0x1  }
0x99: {  	s4 =	simm.s32 $_scs_section_size  }
0x9a: {  	s5 =	simm.s32 $_size__tile_overlayer_lowered;
	s6 =	simm.s32 $_tile_overlayer_lowered  }
0x9b: {  	s22 =	simm.s32 $0x1BFF;
	s21 =	sshll.u32 s6, $0x1;
	s3 =	sadd.s32 s4, s19  }
0x9c: {  	s7 =	simm.s32 $0x0;
	s20 =	sshll.u32 s5, $0x1;
	s5 =	sadd.s32 s21, s3  }
0x9d: {  	[timem:s7], [sflag:s22] =	dma.local [hbm:s5], s20  }
0x9e: {  	_ =	swait.ge [sflag:s22], s20  }
0x9f: {  	s4 =	ssub.s32 $0x0, s20;
	[sflag:s22] =	ssyncset.done $0x0  }
0xa0: {  	[sflag:s22] =	ssyncadd.s32 s4;
	_ =	sdelay $0x1  }
0xa1: {  	s23 =	simm.s32 $0x1B8B  }
0xa2: {  	_ =	swait.ge [sflag:s23], $0x1  }
0xa3: {  	[sflag:s23] =	ssyncset.done $0x0  }
0xa4: {  	s25 =	simm.s32 $0x1B8E;
	s24 =	sld [smem:$0x3FFE];
	[sflag:s23] =	ssyncadd.s32 $0xFFFFFFFF  }
0xa5: {  	s26 =	simm.s32 $execute0_lowered;
	[smem:$0x3FD2] =	sst s25  }
0xa6: {  	s5 =	sshll.u32 s26, $0x1;
	_ =	strace $0x80000049;
	[dreg:$0x1] =	wrdreg $0xFFFFFFFF  }
0xa7: {  	s28 =	simm.s32 $_size_execute0_lowered;
	s3 =	sadd.s32 s3, s5;
	[dreg:$0x0] =	wrdreg $0x0  }
0xa8: {  	s5 =	sshll.u32 s28, $0x1;
	[dreg:$0x2] =	wrdreg s3  }
0xa9: {  	[dreg:$0x3] =	wrdreg s5  }
0xaa: {  	[dreg:$0x4] =	wrdreg $0xC0  }
0xab: {  	_ =	task [dreg:s7], $0x5FFFF  }
0xac: {  	[dreg:$0x1] =	wrdreg $0xFFFFFFFF  }
0xad: {  	[dreg:$0x0] =	wrdreg $0x60  }
0xae: {  	[dreg:$0x2] =	wrdreg s24  }
0xaf: {  	[dreg:$0x3] =	wrdreg s2  }
0xb0: {  	[dreg:$0x4] =	wrdreg $0x9  }
0xb1: {  	_ =	task.clear_ibuf [dreg:s7], $0x5FFFF;
	_ =	strace $0x90000049  }
0xb2: {  	s29 =	simm.s32 $0x9;
	_ =	strace $0x8000004B  }
0xb3: {  	_ =	swait.ge [sflag:s29], $0x1  }
0xb4: {  	[sflag:s29] =	ssyncadd.s32 $0xFFFFFFFF  }
0xb5: {  	_ =	strace $0x9000004B  }
0xb6: {  	_ =	sfence  }
0xb7: {  	s30 =	sld [smem:$0x0];
	_ =	sdelay $0x2  }
0xb8: {  	s31 =	sshll.u32 s1, $0xD;
	s1 =	sshrl.u32 s1, $0x2  }
0xb9: {  	s3 =	sand.u32 $0x4000, s31;
	s1 =	sadd.s32 s1, s30  }
0xba: {  	s0 =	sor.u32 s3, s0;
	s1 =	sshll.u32 s1, $0x11  }
0xbb: {  	s0 =	sor.u32 s1, s0  }
0xbc: {  	s0 =	sadd.s32 $0x8F2B, s0  }
0xbd: {  	[sflag:s0] =	ssyncadd.remote.s32 $0x1  }
0xbe: {  	_ =	sfence.sel $0xFFFF  }
0xbf: {  	[dreg:$0x0] =	wrdreg $0xFFFFFFFF;
	(pc) =	sbr.abs _section_cstart, $3  }
0xc0: {  	[dreg:$0x1] =	wrdreg $0xFFFFFFFF  }
0xc1: {  	_ =	task.clear_ibuf [dreg:s7], $0x2FFFF;
	_ =	strace $0x9FFFFFFF  }
0xc2: {  	(tm) =	ssettm $0x7FFFFFFF  }
0xc3: {  	_ =	shalt  }
tec
execute0_lowered:
.L_overlay_start_1:
0x0: {  	(tag) =	ssettag $0x1  }
0x1: {  	s0 =	rddreg [dreg:$0x0]  }
0x2: {  	s1 =	srdreg.scid;
	s3 =	stileid.u32  }
0x3: {  	s2 =	rddreg [dreg:$0x1];
	s15 =	simm.s32 $0x1;
	s16 =	simm.s32 $0x80  }
0x4: {  	s18 =	simm.s32 $0x7000;
	s13 =	simm.s32 $0x15800;
	s14 =	simm.s32 $0x3F00  }
0x5: {  	s17 =	simm.s32 $0x16000;
	s19 =	simm.s32 $0x3F80;
	s20 =	simm.s32 $0x16800  }
0x6: {  	s21 =	simm.s32 $0x2;
	s22 =	simm.s32 $0x17000;
	s23 =	simm.s32 $0x17800  }
0x7: {  	s24 =	simm.s32 $0x18000;
	s1 =	sand.u32 $0x1, s1;
	s4 =	sshll.u32 s3, $0x1  }
0x8: {  	s25 =	simm.s32 $0x18800;
	s3 =	simm.s32 $0x0;
	s4 =	sor.u32 s1, s4  }
0x9: {  	s5 =	sadd.s32 $0x8E9600, s0;
	s1 =	ssub.s32 $0x2, s1;
	s4 =	smul.u32 $0x19000, s4  }
0xa: {  	s6 =	sadd.s32 $0xC9600, s0;
	[smem:$0x7FF] =	sst s3;
	s28 =	sshrl.u32 s1, $0x1  }
0xb: {  	_ =	strace $0x8000004A;
	s0 =	ssub.s32 s1, s28;
	s31 =	sadd.s32 $0x1000, s4  }
0xc: {  	s7 =	sshrl.u32 s4, $0x3;
	s0 =	smax.u32 s0, $0x1;
	[dreg:$0x6] =	wrdreg s31  }
0xd: {  	s9 =	simm.s32 $0x0;
	s7 =	sadd.s32 s5, s7;
	[dreg:$0x7] =	wrdreg s0  }
0xe: {  	s26 =	simm.s32 $0x0;
	s29 =	sadd.s32 $0x64000, s7;
	[dreg:$0x3] =	wrdreg s7  }
0xf: {  	v0 =	vlaneseq.u32;
	s10 =	sor.u32 $0x800, s4;
	s30 =	sadd.s32 $0xC8000, s7;
	[dreg:$0x4] =	wrdreg s29  }
0x10: {  	v0 =	vmul.u32 $0x10, v0;
	s0 =	simm.s32 $0xF000;
	s7 =	simm.s32 $0x3E80;
	[dreg:$0x5] =	wrdreg s30  }
.LBB2_1:
0x11: {  	[dreg:$0x8] =	wrdreg s9  }
0x12: {  	s1 =	rddreg [dreg:$0x3]  }
0x13: {  	[tilespmem:s3], [sflag:$0x1] =	stream.linear.gather [hbm4b:s1+s3], $0x800, $0x38;
	[tilespmem:$0x19000] =	vst v63  }
0x14: {  	s29 =	rddreg [dreg:$0x4];
	s8 =	simm.s32 $0x800  }
0x15: {  	[tilespmem:s8], [sflag:$0x1] =	stream.linear.gather [hbm4b:s29+s3], $0x800, $0x38;
	[tilespmem:$0x19000] =	vst v63  }
0x16: {  	s30 =	rddreg [dreg:$0x5];
	s31 =	simm.s32 $0x1000  }
0x17: {  	[tilespmem:s31], [sflag:$0x1] =	stream.linear.gather [hbm4b:s30+s3], $0x800, $0x38;
	[tilespmem:$0x19000] =	vst v63  }
0x18: {  	_ =	swait.ge [sflag:s15], $0x800  }
0x19: {  	[sflag:s15] =	ssyncset.done $0x0  }
0x1a: {  	[sflag:s15] =	ssyncadd.s32 $0xFFFFF800  }
0x1b: {  	_ =	swait.ge [sflag:s15], $0x800  }
0x1c: {  	[sflag:s15] =	ssyncset.done $0x0  }
0x1d: {  	[sflag:s15] =	ssyncadd.s32 $0xFFFFF800  }
0x1e: {  	_ =	swait.ge [sflag:s15], $0x800  }
0x1f: {  	[sflag:s15] =	ssyncset.done $0x0  }
0x20: {  	s8 =	simm.s32 $0x0;
	[sflag:s15] =	ssyncadd.s32 $0xFFFFF800  }
0x21: {  	v1 =	vld [tilespmem:s8+$0x0];
	_ =	sdelay $0x1  }
0x22: {  	v2 =	vld [tilespmem:s8+$0x800];
	_ =	sdelay $0x1  }
0x23: {  	v3 =	vld [tilespmem:s8+$0x1000]  }
0x24: {  	v1 =	vmax.f32 v1, $0.0e+00  }
0x25: {  	s1 =	simm.s32 $0x10;
	v4 =	vmin.f32 v1, $1.270000000e+02  }
0x26: {  	v5 =	vld [tilespmem:s1+$0x0];
	v1 =	vmax.f32 v2, $0.0e+00;
	v2 =	vtrunc.f32 v4  }
0x27: {  	v7 =	vmin.f32 v1, $1.590000000e+02;
	v1 =	vcvt.f32.s32 v2  }
0x28: {  	v8 =	vld [tilespmem:s1+$0x800];
	v3 =	vmax.f32 v3, $0.0e+00;
	v2 =	vtrunc.f32 v7  }
0x29: {  	v6 =	vcvt.f32.s32 v2;
	v2 =	vmin.f32 v3, $1.590000000e+02;
	v9 =	vmul.u32 $0xA0, v1  }
0x2a: {  	v3 =	vcvt.s32.f32 v1;
	v1 =	vtrunc.f32 v2  }
0x2b: {  	v10 =	vcvt.s32.f32 v6;
	v6 =	vadd.s32 v6, v9;
	v9 =	vmax.f32 v5, $0.0e+00  }
0x2c: {  	v5 =	vcvt.f32.s32 v1;
	v11 =	vmul.u32 $0xA0, v6;
	v6 =	vsub.f32 v4, v3;
	v3 =	vld [tilespmem:s1+$0x1000]  }
0x2d: {  	v8 =	vmax.f32 v8, $0.0e+00;
	v1 =	vmin.f32 v9, $1.270000000e+02  }
0x2e: {  	s9 =	simm.s32 $0x20;
	s11 =	simm.s32 $0xC0;
	v4 =	vsub.f32 v7, v10;
	v7 =	vtrunc.f32 v1;
	v9 =	vadd.s32 v5, v11  }
.LBB2_2:
0x2f: {  	p0 =	sne.s32 s11, $0x1FC0;
	v10 =	vld [tilespmem:s9+$0x0];
	v8 =	vmin.f32 v8, $1.590000000e+02;
	v7 =	vcvt.f32.s32 v7;
	v5 =	vcvt.s32.f32 v5;
	[tilespmem:s8+$0x3000] =	vst v9  }
0x30: {  	v9 =	vtrunc.f32 v8;
	[tilespmem:s8+$0x4000] =	vst v6  }
0x31: {  	v11 =	vld [tilespmem:s9+$0x800];
	v3 =	vmax.f32 v3, $0.0e+00;
	v6 =	vcvt.f32.s32 v9;
	v9 =	vmul.u32 $0xA0, v7;
	[tilespmem:s8+$0x4800] =	vst v4  }
.Ltmp0:
0x32: {  	v4 =	vcvt.s32.f32 v7;
	v7 =	vsub.f32 v2, v5;
	v2 =	vmin.f32 v3, $1.590000000e+02;
	(pc) =	sbr.rel @p0 .LBB2_2-.Ltmp0, $4  }
0x33: {  	v5 =	vtrunc.f32 v2;
	v12 =	vcvt.s32.f32 v6;
	v6 =	vadd.s32 v6, v9  }
0x34: {  	v3 =	vld [tilespmem:s9+$0x1000];
	v9 =	vmax.f32 v10, $0.0e+00;
	v5 =	vcvt.f32.s32 v5;
	v10 =	vmul.u32 $0xA0, v6;
	[tilespmem:s8+$0x5000] =	vst v7;
	s8 =	smov.u32 s1;
	s1 =	smov.u32 s9  }
0x35: {  	v6 =	vsub.f32 v1, v4;
	v1 =	vmin.f32 v9, $1.270000000e+02;
	v4 =	vsub.f32 v8, v12  }
0x36: {  	s9 =	sshra.s32 s11, $0x2;
	s11 =	sadd.s32 $0x40, s11;
	v8 =	vmax.f32 v11, $0.0e+00;
	v7 =	vtrunc.f32 v1;
	v9 =	vadd.s32 v5, v10  }
0x37: {  	v10 =	vld [tilespmem:s9+$0x0];
	[tilespmem:s8+$0x3000] =	vst v9;
	v8 =	vmin.f32 v8, $1.590000000e+02  }
0x38: {  	[tilespmem:s8+$0x4000] =	vst v6;
	v51 =	vcvt.f32.s32 v7;
	v52 =	vtrunc.f32 v8  }
0x39: {  	v5 =	vcvt.s32.f32 v5;
	v9 =	vld [tilespmem:s9+$0x800];
	[tilespmem:s8+$0x4800] =	vst v4;
	v3 =	vmax.f32 v3, $0.0e+00;
	v7 =	vcvt.f32.s32 v52  }
0x3a: {  	v11 =	vmul.u32 $0xA0, v51;
	v53 =	vcvt.s32.f32 v51;
	v55 =	vld [tilespmem:s9+$0x1000];
	v3 =	vmin.f32 v3, $1.590000000e+02  }
0x3b: {  	v2 =	vsub.f32 v2, v5;
	v54 =	vtrunc.f32 v3;
	v12 =	vcvt.s32.f32 v7  }
0x3c: {  	v7 =	vadd.s32 v7, v11;
	v1 =	vsub.f32 v1, v53;
	v10 =	vmax.f32 v10, $0.0e+00  }
0x3d: {  	v5 =	vcvt.f32.s32 v54;
	v7 =	vmul.u32 $0xA0, v7;
	v10 =	vmin.f32 v10, $1.270000000e+02  }
0x3e: {  	v9 =	vmax.f32 v9, $0.0e+00;
	v57 =	vsub.f32 v8, v12;
	v56 =	vtrunc.f32 v10  }
0x3f: {  	v9 =	vmin.f32 v9, $1.590000000e+02;
	v6 =	vmax.f32 v55, $0.0e+00;
	v11 =	vcvt.f32.s32 v56  }
0x40: {  	[tilespmem:s8+$0x5000] =	vst v2;
	v2 =	vadd.s32 v5, v7;
	v5 =	vcvt.s32.f32 v5;
	v58 =	vtrunc.f32 v9  }
0x41: {  	v6 =	vmin.f32 v6, $1.590000000e+02;
	v8 =	vcvt.f32.s32 v58;
	v59 =	vmul.u32 $0xA0, v11  }
0x42: {  	[tilespmem:s1+$0x4000] =	vst v1;
	v60 =	vtrunc.f32 v6  }
0x43: {  	[tilespmem:s1+$0x3000] =	vst v2;
	v1 =	vsub.f32 v3, v5;
	v2 =	vcvt.s32.f32 v11;
	v61 =	vadd.s32 v8, v59  }
0x44: {  	v3 =	vcvt.f32.s32 v60;
	v63 =	vcvt.s32.f32 v8;
	v62 =	vmul.u32 $0xA0, v61  }
0x45: {  	[tilespmem:s1+$0x5000] =	vst v1;
	v1 =	vsub.f32 v10, v2  }
0x46: {  	[tilespmem:s1+$0x4800] =	vst v57;
	v4 =	vsub.f32 v9, v63;
	v2 =	vadd.s32 v3, v62;
	v3 =	vcvt.s32.f32 v3  }
0x47: {  	[tilespmem:s9+$0x4000] =	vst v1  }
0x48: {  	[tilespmem:s9+$0x4800] =	vst v4;
	v1 =	vsub.f32 v6, v3  }
0x49: {  	[tilespmem:s9+$0x3000] =	vst v2  }
0x4a: {  	s8 =	simm.s32 $0x3000;
	[tilespmem:s9+$0x5000] =	vst v1  }
0x4b: {  	[tilespmem:s18], [sflag:$0x2] =	stream.indirect.gather [hbm4b:s6+s16], $0x10, s8, s16, $0xb8;
	[tilespmem:$0x19000] =	vst v63  }
0x4c: {  	s11 =	simm.s32 $0x7800;
	s9 =	simm.s32 $0x3080  }
0x4d: {  	[tilespmem:s11], [sflag:$0x2] =	stream.indirect.gather [hbm4b:s6+s16], $0x10, s9, s16, $0xb8;
	[tilespmem:$0x19000] =	vst v63  }
0x4e: {  	s12 =	simm.s32 $0x3100;
	s29 =	simm.s32 $0x8000  }
0x4f: {  	[tilespmem:s29], [sflag:$0x2] =	stream.indirect.gather [hbm4b:s6+s16], $0x10, s12, s16, $0xb8;
	[tilespmem:$0x19000] =	vst v63  }
0x50: {  	s30 =	simm.s32 $0x3180;
	s31 =	simm.s32 $0x8800  }
0x51: {  	[tilespmem:s31], [sflag:$0x2] =	stream.indirect.gather [hbm4b:s6+s16], $0x10, s30, s16, $0xb8;
	[tilespmem:$0x19000] =	vst v63  }
0x52: {  	s9 =	simm.s32 $0x3200;
	s11 =	simm.s32 $0x9000  }
0x53: {  	[tilespmem:s11], [sflag:$0x2] =	stream.indirect.gather [hbm4b:s6+s16], $0x10, s9, s16, $0xb8;
	[tilespmem:$0x19000] =	vst v63  }
0x54: {  	s12 =	simm.s32 $0x3280;
	s29 =	simm.s32 $0x9800  }
0x55: {  	[tilespmem:s29], [sflag:$0x2] =	stream.indirect.gather [hbm4b:s6+s16], $0x10, s12, s16, $0xb8;
	[tilespmem:$0x19000] =	vst v63  }
0x56: {  	s30 =	simm.s32 $0x3300;
	s31 =	simm.s32 $0xA000  }
0x57: {  	[tilespmem:s31], [sflag:$0x2] =	stream.indirect.gather [hbm4b:s6+s16], $0x10, s30, s16, $0xb8;
	[tilespmem:$0x19000] =	vst v63  }
0x58: {  	s9 =	simm.s32 $0x3380;
	s11 =	simm.s32 $0xA800  }
0x59: {  	[tilespmem:s11], [sflag:$0x2] =	stream.indirect.gather [hbm4b:s6+s16], $0x10, s9, s16, $0xb8;
	[tilespmem:$0x19000] =	vst v63  }
0x5a: {  	s12 =	simm.s32 $0x3400;
	s29 =	simm.s32 $0xB000  }
0x5b: {  	[tilespmem:s29], [sflag:$0x2] =	stream.indirect.gather [hbm4b:s6+s16], $0x10, s12, s16, $0xb8;
	[tilespmem:$0x19000] =	vst v63  }
0x5c: {  	s30 =	simm.s32 $0x3480;
	s31 =	simm.s32 $0xB800  }
0x5d: {  	[tilespmem:s31], [sflag:$0x2] =	stream.indirect.gather [hbm4b:s6+s16], $0x10, s30, s16, $0xb8;
	[tilespmem:$0x19000] =	vst v63  }
0x5e: {  	s9 =	simm.s32 $0x3500;
	s11 =	simm.s32 $0xC000  }
0x5f: {  	[tilespmem:s11], [sflag:$0x2] =	stream.indirect.gather [hbm4b:s6+s16], $0x10, s9, s16, $0xb8;
	[tilespmem:$0x19000] =	vst v63  }
0x60: {  	s12 =	simm.s32 $0x3580;
	s29 =	simm.s32 $0xC800  }
0x61: {  	[tilespmem:s29], [sflag:$0x2] =	stream.indirect.gather [hbm4b:s6+s16], $0x10, s12, s16, $0xb8;
	[tilespmem:$0x19000] =	vst v63  }
0x62: {  	s30 =	simm.s32 $0x3600;
	s31 =	simm.s32 $0xD000  }
0x63: {  	[tilespmem:s31], [sflag:$0x2] =	stream.indirect.gather [hbm4b:s6+s16], $0x10, s30, s16, $0xb8;
	[tilespmem:$0x19000] =	vst v63  }
0x64: {  	s9 =	simm.s32 $0x3680;
	s11 =	simm.s32 $0xD800  }
0x65: {  	[tilespmem:s11], [sflag:$0x2] =	stream.indirect.gather [hbm4b:s6+s16], $0x10, s9, s16, $0xb8;
	[tilespmem:$0x19000] =	vst v63  }
0x66: {  	s12 =	simm.s32 $0x3700;
	s29 =	simm.s32 $0xE000  }
0x67: {  	[tilespmem:s29], [sflag:$0x2] =	stream.indirect.gather [hbm4b:s6+s16], $0x10, s12, s16, $0xb8;
	[tilespmem:$0x19000] =	vst v63  }
0x68: {  	s28 =	simm.s32 $0x0;
	s30 =	simm.s32 $0x3780;
	s31 =	simm.s32 $0xE800  }
0x69: {  	[tilespmem:s31], [sflag:$0x2] =	stream.indirect.gather [hbm4b:s6+s16], $0x10, s30, s16, $0xb8;
	[tilespmem:$0x19000] =	vst v63  }
.LBB2_4:
0x6a: {  	s30 =	sshll.u32 s28, $0xC  }
0x6b: {  	s1 =	sadd.s32 s30, s10  }
0x6c: {  	s11 =	sshrl.u32 s1, $0x3  }
0x6d: {  	s8 =	simm.s32 $0x1800;
	s1 =	sadd.s32 s5, s11;
	s29 =	sadd.s32 $0x64000, s11  }
0x6e: {  	[tilespmem:s8], [sflag:$0x1] =	stream.linear.gather [hbm4b:s1+s26], $0x800, $0x38;
	[tilespmem:$0x19000] =	vst v63  }
0x6f: {  	s9 =	simm.s32 $0x2000;
	s12 =	sadd.s32 s5, s29  }
0x70: {  	[tilespmem:s9], [sflag:$0x1] =	stream.linear.gather [hbm4b:s12+s26], $0x800, $0x38;
	[tilespmem:$0x19000] =	vst v63  }
0x71: {  	s1 =	sadd.s32 $0xC8000, s1;
	s12 =	simm.s32 $0x2800  }
0x72: {  	[tilespmem:s12], [sflag:$0x1] =	stream.linear.gather [hbm4b:s1+s26], $0x800, $0x38;
	[tilespmem:$0x19000] =	vst v63  }
0x73: {  	_ =	swait.ge [sflag:s15], $0x800  }
0x74: {  	[sflag:s15] =	ssyncset.done $0x0  }
0x75: {  	[sflag:s15] =	ssyncadd.s32 $0xFFFFF800  }
0x76: {  	_ =	swait.ge [sflag:s15], $0x800  }
0x77: {  	[sflag:s15] =	ssyncset.done $0x0  }
0x78: {  	[sflag:s15] =	ssyncadd.s32 $0xFFFFF800  }
0x79: {  	_ =	swait.ge [sflag:s15], $0x800  }
0x7a: {  	[sflag:s15] =	ssyncset.done $0x0  }
0x7b: {  	s8 =	simm.s32 $0x0;
	[sflag:s15] =	ssyncadd.s32 $0xFFFFF800  }
0x7c: {  	v1 =	vld [tilespmem:s8+$0x1800];
	_ =	sdelay $0x1  }
0x7d: {  	v2 =	vld [tilespmem:s8+$0x2000];
	_ =	sdelay $0x1  }
0x7e: {  	v3 =	vld [tilespmem:s8+$0x2800]  }
0x7f: {  	v1 =	vmax.f32 v1, $0.0e+00  }
0x80: {  	s1 =	simm.s32 $0x10;
	v4 =	vmin.f32 v1, $1.270000000e+02  }
0x81: {  	v5 =	vld [tilespmem:s1+$0x1800];
	v1 =	vmax.f32 v2, $0.0e+00;
	v2 =	vtrunc.f32 v4  }
0x82: {  	v7 =	vmin.f32 v1, $1.590000000e+02;
	v1 =	vcvt.f32.s32 v2  }
0x83: {  	v8 =	vld [tilespmem:s1+$0x2000];
	v3 =	vmax.f32 v3, $0.0e+00;
	v2 =	vtrunc.f32 v7  }
0x84: {  	v6 =	vcvt.f32.s32 v2;
	v2 =	vmin.f32 v3, $1.590000000e+02;
	v9 =	vmul.u32 $0xA0, v1  }
0x85: {  	v3 =	vcvt.s32.f32 v1;
	v1 =	vtrunc.f32 v2  }
0x86: {  	v10 =	vcvt.s32.f32 v6;
	v6 =	vadd.s32 v6, v9;
	v9 =	vmax.f32 v5, $0.0e+00  }
0x87: {  	v5 =	vcvt.f32.s32 v1;
	v11 =	vmul.u32 $0xA0, v6;
	v6 =	vsub.f32 v4, v3;
	v3 =	vld [tilespmem:s1+$0x2800]  }
0x88: {  	v8 =	vmax.f32 v8, $0.0e+00;
	v1 =	vmin.f32 v9, $1.270000000e+02  }
0x89: {  	s31 =	simm.s32 $0xC0;
	s9 =	simm.s32 $0x20;
	v4 =	vsub.f32 v7, v10;
	v7 =	vtrunc.f32 v1;
	v9 =	vadd.s32 v5, v11  }
.LBB2_5:
0x8a: {  	p0 =	sne.s32 s31, $0x1FC0;
	v10 =	vld [tilespmem:s9+$0x1800];
	v8 =	vmin.f32 v8, $1.590000000e+02;
	v7 =	vcvt.f32.s32 v7;
	v5 =	vcvt.s32.f32 v5;
	[tilespmem:s8+$0x3800] =	vst v9  }
0x8b: {  	v9 =	vtrunc.f32 v8;
	[tilespmem:s8+$0x5800] =	vst v6  }
0x8c: {  	v11 =	vld [tilespmem:s9+$0x2000];
	v3 =	vmax.f32 v3, $0.0e+00;
	v6 =	vcvt.f32.s32 v9;
	v9 =	vmul.u32 $0xA0, v7;
	[tilespmem:s8+$0x6000] =	vst v4  }
.Ltmp1:
0x8d: {  	v4 =	vcvt.s32.f32 v7;
	v7 =	vsub.f32 v2, v5;
	v2 =	vmin.f32 v3, $1.590000000e+02;
	(pc) =	sbr.rel @p0 .LBB2_5-.Ltmp1, $4  }
0x8e: {  	v5 =	vtrunc.f32 v2;
	v12 =	vcvt.s32.f32 v6;
	v6 =	vadd.s32 v6, v9  }
0x8f: {  	v3 =	vld [tilespmem:s9+$0x2800];
	v9 =	vmax.f32 v10, $0.0e+00;
	v5 =	vcvt.f32.s32 v5;
	v10 =	vmul.u32 $0xA0, v6;
	[tilespmem:s8+$0x6800] =	vst v7;
	s8 =	smov.u32 s1;
	s1 =	smov.u32 s9  }
0x90: {  	v6 =	vsub.f32 v1, v4;
	v1 =	vmin.f32 v9, $1.270000000e+02;
	v4 =	vsub.f32 v8, v12  }
0x91: {  	s9 =	sshra.s32 s31, $0x2;
	s31 =	sadd.s32 $0x40, s31;
	v8 =	vmax.f32 v11, $0.0e+00;
	v7 =	vtrunc.f32 v1;
	v9 =	vadd.s32 v5, v10  }
0x92: {  	v10 =	vld [tilespmem:s9+$0x1800];
	[tilespmem:s8+$0x3800] =	vst v9;
	v8 =	vmin.f32 v8, $1.590000000e+02  }
0x93: {  	[tilespmem:s8+$0x5800] =	vst v6;
	v6 =	vcvt.f32.s32 v7;
	v7 =	vtrunc.f32 v8  }
0x94: {  	v5 =	vcvt.s32.f32 v5;
	v9 =	vld [tilespmem:s9+$0x2000];
	[tilespmem:s8+$0x6000] =	vst v4;
	v3 =	vmax.f32 v3, $0.0e+00;
	v7 =	vcvt.f32.s32 v7  }
0x95: {  	v11 =	vmul.u32 $0xA0, v6;
	v4 =	vcvt.s32.f32 v6;
	v6 =	vld [tilespmem:s9+$0x2800];
	v3 =	vmin.f32 v3, $1.590000000e+02  }
0x96: {  	v2 =	vsub.f32 v2, v5;
	v5 =	vtrunc.f32 v3;
	v12 =	vcvt.s32.f32 v7  }
0x97: {  	v7 =	vadd.s32 v7, v11;
	v1 =	vsub.f32 v1, v4;
	v10 =	vmax.f32 v10, $0.0e+00  }
0x98: {  	v5 =	vcvt.f32.s32 v5;
	v7 =	vmul.u32 $0xA0, v7;
	v10 =	vmin.f32 v10, $1.270000000e+02  }
0x99: {  	v9 =	vmax.f32 v9, $0.0e+00;
	v4 =	vsub.f32 v8, v12;
	v11 =	vtrunc.f32 v10  }
0x9a: {  	v9 =	vmin.f32 v9, $1.590000000e+02;
	v6 =	vmax.f32 v6, $0.0e+00;
	v11 =	vcvt.f32.s32 v11  }
0x9b: {  	[tilespmem:s8+$0x6800] =	vst v2;
	v2 =	vadd.s32 v5, v7;
	v5 =	vcvt.s32.f32 v5;
	v8 =	vtrunc.f32 v9  }
0x9c: {  	v6 =	vmin.f32 v6, $1.590000000e+02;
	v8 =	vcvt.f32.s32 v8;
	v12 =	vmul.u32 $0xA0, v11  }
0x9d: {  	[tilespmem:s1+$0x5800] =	vst v1;
	v7 =	vtrunc.f32 v6  }
0x9e: {  	[tilespmem:s1+$0x3800] =	vst v2;
	v1 =	vsub.f32 v3, v5;
	v2 =	vcvt.s32.f32 v11;
	v11 =	vadd.s32 v8, v12  }
0x9f: {  	[tilespmem:s1+$0x6000] =	vst v4;
	v3 =	vcvt.f32.s32 v7;
	v4 =	vcvt.s32.f32 v8;
	v5 =	vmul.u32 $0xA0, v11  }
0xa0: {  	[tilespmem:s1+$0x6800] =	vst v1;
	v1 =	vsub.f32 v10, v2  }
0xa1: {  	v4 =	vsub.f32 v9, v4;
	v2 =	vadd.s32 v3, v5;
	v3 =	vcvt.s32.f32 v3  }
0xa2: {  	[tilespmem:s9+$0x5800] =	vst v1  }
0xa3: {  	[tilespmem:s9+$0x6000] =	vst v4;
	v1 =	vsub.f32 v6, v3  }
0xa4: {  	[tilespmem:s9+$0x3800] =	vst v2  }
0xa5: {  	s8 =	simm.s32 $0x3800;
	[tilespmem:s9+$0x6800] =	vst v1  }
0xa6: {  	[tilespmem:s0], [sflag:$0x2] =	stream.indirect.gather [hbm4b:s6+s16], $0x10, s8, s16, $0xb8;
	[tilespmem:$0x19000] =	vst v63  }
0xa7: {  	s12 =	simm.s32 $0xF800;
	s9 =	simm.s32 $0x3880  }
0xa8: {  	[tilespmem:s12], [sflag:$0x2] =	stream.indirect.gather [hbm4b:s6+s16], $0x10, s9, s16, $0xb8;
	[tilespmem:$0x19000] =	vst v63  }
0xa9: {  	s9 =	simm.s32 $0x3900;
	s12 =	simm.s32 $0x10000  }
0xaa: {  	[tilespmem:s12], [sflag:$0x2] =	stream.indirect.gather [hbm4b:s6+s16], $0x10, s9, s16, $0xb8;
	[tilespmem:$0x19000] =	vst v63  }
0xab: {  	s9 =	simm.s32 $0x3980;
	s12 =	simm.s32 $0x10800  }
0xac: {  	[tilespmem:s12], [sflag:$0x2] =	stream.indirect.gather [hbm4b:s6+s16], $0x10, s9, s16, $0xb8;
	[tilespmem:$0x19000] =	vst v63  }
0xad: {  	s9 =	simm.s32 $0x3A00;
	s12 =	simm.s32 $0x11000  }
0xae: {  	[tilespmem:s12], [sflag:$0x2] =	stream.indirect.gather [hbm4b:s6+s16], $0x10, s9, s16, $0xb8;
	[tilespmem:$0x19000] =	vst v63  }
0xaf: {  	s9 =	simm.s32 $0x3A80;
	s12 =	simm.s32 $0x11800  }
0xb0: {  	[tilespmem:s12], [sflag:$0x2] =	stream.indirect.gather [hbm4b:s6+s16], $0x10, s9, s16, $0xb8;
	[tilespmem:$0x19000] =	vst v63  }
0xb1: {  	s9 =	simm.s32 $0x3B00;
	s12 =	simm.s32 $0x12000  }
0xb2: {  	[tilespmem:s12], [sflag:$0x2] =	stream.indirect.gather [hbm4b:s6+s16], $0x10, s9, s16, $0xb8;
	[tilespmem:$0x19000] =	vst v63  }
0xb3: {  	s9 =	simm.s32 $0x3B80;
	s12 =	simm.s32 $0x12800  }
0xb4: {  	[tilespmem:s12], [sflag:$0x2] =	stream.indirect.gather [hbm4b:s6+s16], $0x10, s9, s16, $0xb8;
	[tilespmem:$0x19000] =	vst v63  }
0xb5: {  	s9 =	simm.s32 $0x3C00;
	s12 =	simm.s32 $0x13000  }
0xb6: {  	[tilespmem:s12], [sflag:$0x2] =	stream.indirect.gather [hbm4b:s6+s16], $0x10, s9, s16, $0xb8;
	[tilespmem:$0x19000] =	vst v63  }
0xb7: {  	s9 =	simm.s32 $0x3C80;
	s12 =	simm.s32 $0x13800  }
0xb8: {  	[tilespmem:s12], [sflag:$0x2] =	stream.indirect.gather [hbm4b:s6+s16], $0x10, s9, s16, $0xb8;
	[tilespmem:$0x19000] =	vst v63  }
0xb9: {  	s9 =	simm.s32 $0x3D00;
	s12 =	simm.s32 $0x14000  }
0xba: {  	[tilespmem:s12], [sflag:$0x2] =	stream.indirect.gather [hbm4b:s6+s16], $0x10, s9, s16, $0xb8;
	[tilespmem:$0x19000] =	vst v63  }
0xbb: {  	s9 =	simm.s32 $0x3D80;
	s12 =	simm.s32 $0x14800  }
0xbc: {  	[tilespmem:s12], [sflag:$0x2] =	stream.indirect.gather [hbm4b:s6+s16], $0x10, s9, s16, $0xb8;
	[tilespmem:$0x19000] =	vst v63  }
0xbd: {  	s8 =	simm.s32 $0x3E00;
	s9 =	simm.s32 $0x15000  }
0xbe: {  	[tilespmem:s9], [sflag:$0x2] =	stream.indirect.gather [hbm4b:s6+s16], $0x10, s8, s16, $0xb8;
	[tilespmem:$0x19000] =	vst v63  }
0xbf: {  	_ = 	snop  }
0xc0: {  	[tilespmem:s13], [sflag:$0x2] =	stream.indirect.gather [hbm4b:s6+s16], $0x10, s7, s16, $0xb8;
	[tilespmem:$0x19000] =	vst v63  }
0xc1: {  	_ = 	snop  }
0xc2: {  	[tilespmem:s17], [sflag:$0x2] =	stream.indirect.gather [hbm4b:s6+s16], $0x10, s14, s16, $0xb8;
	[tilespmem:$0x19000] =	vst v63  }
0xc3: {  	_ = 	snop  }
0xc4: {  	[tilespmem:s20], [sflag:$0x2] =	stream.indirect.gather [hbm4b:s6+s16], $0x10, s19, s16, $0xb8;
	[tilespmem:$0x19000] =	vst v63  }
0xc5: {  	_ =	swait.ge [sflag:s21], $0x800  }
0xc6: {  	[sflag:s21] =	ssyncset.done $0x0  }
0xc7: {  	[sflag:s21] =	ssyncadd.s32 $0xFFFFF800  }
0xc8: {  	_ =	swait.ge [sflag:s21], $0x800  }
0xc9: {  	[sflag:s21] =	ssyncset.done $0x0  }
0xca: {  	[sflag:s21] =	ssyncadd.s32 $0xFFFFF800  }
0xcb: {  	_ =	swait.ge [sflag:s21], $0x800  }
0xcc: {  	[sflag:s21] =	ssyncset.done $0x0  }
0xcd: {  	[sflag:s21] =	ssyncadd.s32 $0xFFFFF800  }
0xce: {  	_ =	swait.ge [sflag:s21], $0x800  }
0xcf: {  	[sflag:s21] =	ssyncset.done $0x0  }
0xd0: {  	[sflag:s21] =	ssyncadd.s32 $0xFFFFF800  }
0xd1: {  	_ =	swait.ge [sflag:s21], $0x800  }
0xd2: {  	[sflag:s21] =	ssyncset.done $0x0  }
0xd3: {  	[sflag:s21] =	ssyncadd.s32 $0xFFFFF800  }
0xd4: {  	_ =	swait.ge [sflag:s21], $0x800  }
0xd5: {  	[sflag:s21] =	ssyncset.done $0x0  }
0xd6: {  	[sflag:s21] =	ssyncadd.s32 $0xFFFFF800  }
0xd7: {  	_ =	swait.ge [sflag:s21], $0x800  }
0xd8: {  	[sflag:s21] =	ssyncset.done $0x0  }
0xd9: {  	[sflag:s21] =	ssyncadd.s32 $0xFFFFF800  }
0xda: {  	_ =	swait.ge [sflag:s21], $0x800  }
0xdb: {  	[sflag:s21] =	ssyncset.done $0x0  }
0xdc: {  	[sflag:s21] =	ssyncadd.s32 $0xFFFFF800  }
0xdd: {  	_ =	swait.ge [sflag:s21], $0x800  }
0xde: {  	[sflag:s21] =	ssyncset.done $0x0  }
0xdf: {  	[sflag:s21] =	ssyncadd.s32 $0xFFFFF800  }
0xe0: {  	_ =	swait.ge [sflag:s21], $0x800  }
0xe1: {  	[sflag:s21] =	ssyncset.done $0x0  }
0xe2: {  	[sflag:s21] =	ssyncadd.s32 $0xFFFFF800  }
0xe3: {  	_ =	swait.ge [sflag:s21], $0x800  }
0xe4: {  	[sflag:s21] =	ssyncset.done $0x0  }
0xe5: {  	[sflag:s21] =	ssyncadd.s32 $0xFFFFF800  }
0xe6: {  	_ =	swait.ge [sflag:s21], $0x800  }
0xe7: {  	[sflag:s21] =	ssyncset.done $0x0  }
0xe8: {  	[sflag:s21] =	ssyncadd.s32 $0xFFFFF800  }
0xe9: {  	_ =	swait.ge [sflag:s21], $0x800  }
0xea: {  	[sflag:s21] =	ssyncset.done $0x0  }
0xeb: {  	[sflag:s21] =	ssyncadd.s32 $0xFFFFF800  }
0xec: {  	_ =	swait.ge [sflag:s21], $0x800  }
0xed: {  	[sflag:s21] =	ssyncset.done $0x0  }
0xee: {  	[sflag:s21] =	ssyncadd.s32 $0xFFFFF800  }
0xef: {  	_ =	swait.ge [sflag:s21], $0x800  }
0xf0: {  	[sflag:s21] =	ssyncset.done $0x0  }
0xf1: {  	[sflag:s21] =	ssyncadd.s32 $0xFFFFF800  }
0xf2: {  	_ =	swait.ge [sflag:s21], $0x800  }
0xf3: {  	p0 =	seq.s32 s28, $0x0;
	[sflag:s21] =	ssyncset.done $0x0  }
0xf4: {  	s1 =	simm.s32 @!p0 $0x3;
	[sflag:s21] =	ssyncadd.s32 $0xFFFFF800  }
0xf5: {  	s12 =	simm.s32 $0x0;
	_ =	swait.ge @!p0 [sflag:s1], $0x800  }
0xf6: {  	v1 =	vmov s12;
	[sflag:s1] =	ssyncset.done @!p0 $0x0  }
0xf7: {  	v1 =	vshll.u32 v1, $0x4;
	[sflag:s1] =	ssyncadd.s32 @!p0 $0xFFFFF800  }
0xf8: {  	v3 =	vor.u32 v0, v1;
	_ =	swait.ge @!p0 [sflag:s1], $0x800  }
0xf9: {  	v1 =	vor.u32 $0x1, v3;
	[sflag:s1] =	ssyncset.done @!p0 $0x0  }
0xfa: {  	s31 =	simm.s32 $0x5000;
	v2 =	vor.u32 $0xD, v3;
	[sflag:s1] =	ssyncadd.s32 @!p0 $0xFFFFF800  }
0xfb: {  	v5 =	vor.u32 $0x3, v3;
	v4 =	vld [tilespmem:s31+$0xFFFFF800]  }
0xfc: {  	v6 =	vor.u32 $0xE, v3;
	v8 =	vld [tilespmem:s31+$0x0]  }
0xfd: {  	v7 =	vor.u32 $0xA, v3;
	v12 =	vld.idx.msk [tilespmem:v3+s18+$0x0], $0xffff  }
0xfe: {  	v9 =	vor.u32 $0x6, v3;
	v14 =	vld.idx.msk [tilespmem:v1+s18+$0x0], $0xffff  }
0xff: {  	v10 =	vor.u32 $0x5, v3;
	v16 =	vld.idx.msk [tilespmem:v2+s18+$0x0], $0xffff  }
0x100: {  	v1 =	vor.u32 $0x4, v3;
	v2 =	vld.idx.msk [tilespmem:v5+s18+$0x0], $0xffff  }
0x101: {  	v5 =	vor.u32 $0x9, v3;
	v6 =	vld.idx.msk [tilespmem:v6+s18+$0x0], $0xffff  }
0x102: {  	v11 =	vor.u32 $0x8, v3;
	v13 =	vld.idx.msk [tilespmem:v7+s18+$0x0], $0xffff  }
0x103: {  	v7 =	vor.u32 $0xC, v3;
	v19 =	vld.idx.msk [tilespmem:v9+s18+$0x0], $0xffff  }
0x104: {  	v9 =	vor.u32 $0x7, v3;
	v22 =	vld.idx.msk [tilespmem:v10+s18+$0x0], $0xffff  }
0x105: {  	v17 =	vor.u32 $0x2, v3;
	v15 =	vld.idx.msk [tilespmem:v1+s18+$0x0], $0xffff;
	v18 =	vsub.f32 $1.000000000e+00, v8;
	v1 =	vmul.f32 v8, v4  }
0x106: {  	v20 =	vld.idx.msk [tilespmem:v5+s18+$0x0], $0xffff;
	v21 =	vsub.f32 $1.000000000e+00, v4  }
0x107: {  	v23 =	vor.u32 $0xF, v3;
	v24 =	vld.idx.msk [tilespmem:v11+s18+$0x0], $0xffff;
	v5 =	vmul.f32 v18, v4;
	v2 =	vmul.f32 v2, v1  }
0x108: {  	v25 =	vor.u32 $0xB, v3;
	v7 =	vld.idx.msk [tilespmem:v7+s18+$0x0], $0xffff;
	v10 =	vmul.f32 v18, v21;
	v21 =	vmul.f32 v8, v21  }
0x109: {  	v8 =	vld.idx.msk [tilespmem:v9+s18+$0x0], $0xffff;
	v4 =	vmul.f32 v6, v5;
	v6 =	vmul.f32 v13, v5  }
0x10a: {  	v13 =	vld.idx.msk [tilespmem:v17+s18+$0x0], $0xffff;
	v18 =	vmul.f32 v10, v12;
	v17 =	vmul.f32 v15, v10  }
0x10b: {  	v3 =	vld [tilespmem:s31+$0xFFFFF000];
	v11 =	vmul.f32 v20, v21;
	v20 =	vmul.f32 v22, v21  }
0x10c: {  	v9 =	vld.idx.msk [tilespmem:v23+s18+$0x0], $0xffff;
	v19 =	vmul.f32 v19, v5;
	v15 =	vmul.f32 v14, v21  }
0x10d: {  	s8 =	simm.s32 $0x17800;
	s9 =	simm.s32 $0x10;
	s1 =	simm.s32 $0x17800;
	v12 =	vld.idx.msk [tilespmem:v25+s18+$0x0], $0xffff;
	v16 =	vmul.f32 v16, v21;
	v14 =	vmul.f32 v24, v10;
	v17 =	vadd.f32 v20, v17  }
.LBB2_7:
0x10e: {  	p1 =	sne.s32 s9, $0x7F0;
	v15 =	vadd.f32 v15, v18;
	v7 =	vmul.f32 v7, v10;
	s8 =	sadd.s32 $0x10, s8;
	s31 =	sadd.s32 $0x10, s31  }
0x10f: {  	v5 =	vmul.f32 v13, v5;
	v8 =	vmul.f32 v8, v1;
	s12 =	smov.u32 s9;
	s9 =	sadd.s32 $0x10, s9;
	v10 =	vadd.f32 v19, v17  }
0x110: {  	v11 =	vadd.f32 v11, v14;
	v7 =	vadd.f32 v16, v7  }
0x111: {  	v5 =	vadd.f32 v5, v15;
	v9 =	vmul.f32 v9, v1;
	v8 =	vadd.f32 v8, v10  }
0x112: {  	v6 =	vadd.f32 v6, v11;
	v1 =	vmul.f32 v12, v1;
	v4 =	vadd.f32 v4, v7  }
0x113: {  	v7 =	vsub.f32 $1.000000000e+00, v3;
	v2 =	vadd.f32 v2, v5  }
0x114: {  	v1 =	vadd.f32 v1, v6;
	v4 =	vadd.f32 v9, v4  }
0x115: {  	v5 =	vmov s12;
	v6 =	vmul.f32 v8, v3;
	v2 =	vmul.f32 v2, v7  }
0x116: {  	v5 =	vshll.u32 v5, $0x4;
	v1 =	vmul.f32 v1, v7;
	v3 =	vmul.f32 v4, v3  }
0x117: {  	v4 =	vor.u32 v0, v5;
	v2 =	vadd.f32 v6, v2  }
0x118: {  	v5 =	vor.u32 $0x1, v4;
	v6 =	vor.u32 $0x4, v4;
	v1 =	vadd.f32 v3, v1  }
0x119: {  	v7 =	vor.u32 $0x5, v4;
	v8 =	vor.u32 $0x8, v4;
	v3 =	vor.u32 $0x2, v4;
	[tilespmem:s1+$0xFFFFF800] =	vst v2  }
0x11a: {  	v9 =	vor.u32 $0xC, v4;
	v10 =	vor.u32 $0xD, v4;
	v2 =	vor.u32 $0x6, v4;
	[tilespmem:s1+$0x0] =	vst v1;
	s1 =	smov.u32 s8  }
0x11b: {  	v12 =	vor.u32 $0xA, v4;
	v13 =	vor.u32 $0xE, v4;
	v1 =	vor.u32 $0x3, v4;
	v11 =	vld [tilespmem:s31+$0xFFFFF800]  }
0x11c: {  	v15 =	vor.u32 $0x7, v4;
	v16 =	vor.u32 $0xB, v4;
	v17 =	vor.u32 $0xF, v4;
	v14 =	vld [tilespmem:s31+$0x0]  }
0x11d: {  	v18 =	vld.idx.msk [tilespmem:v4+s18+$0x0], $0xffff  }
0x11e: {  	v19 =	vld.idx.msk [tilespmem:v5+s18+$0x0], $0xffff  }
0x11f: {  	v20 =	vld.idx.msk [tilespmem:v10+s18+$0x0], $0xffff  }
0x120: {  	v4 =	vor.u32 $0x9, v4;
	v21 =	vsub.f32 $1.000000000e+00, v11;
	v10 =	vld.idx.msk [tilespmem:v1+s18+$0x0], $0xffff  }
0x121: {  	v22 =	vsub.f32 $1.000000000e+00, v14;
	v1 =	vmul.f32 v14, v11;
	v13 =	vld.idx.msk [tilespmem:v13+s18+$0x0], $0xffff  }
0x122: {  	v12 =	vld.idx.msk [tilespmem:v12+s18+$0x0], $0xffff  }
0x123: {  	v5 =	vmul.f32 v22, v11;
	v23 =	vld.idx.msk [tilespmem:v2+s18+$0x0], $0xffff  }
0x124: {  	v11 =	vld.idx.msk [tilespmem:v6+s18+$0x0], $0xffff  }
0x125: {  	v24 =	vld.idx.msk [tilespmem:v4+s18+$0x0], $0xffff  }
0x126: {  	v2 =	vmul.f32 v10, v1;
	v25 =	vld.idx.msk [tilespmem:v7+s18+$0x0], $0xffff  }
0x127: {  	v4 =	vmul.f32 v13, v5;
	v26 =	vld.idx.msk [tilespmem:v8+s18+$0x0], $0xffff  }
0x128: {  	v6 =	vmul.f32 v12, v5;
	v7 =	vld.idx.msk [tilespmem:v9+s18+$0x0], $0xffff  }
0x129: {  	v10 =	vmul.f32 v22, v21;
	v21 =	vmul.f32 v14, v21;
	v8 =	vld.idx.msk [tilespmem:v15+s18+$0x0], $0xffff  }
.Ltmp2:
0x12a: {  	v13 =	vld.idx.msk [tilespmem:v3+s18+$0x0], $0xffff;
	(pc) =	sbr.rel @p1 .LBB2_7-.Ltmp2, $4  }
0x12b: {  	v22 =	vmul.f32 v11, v10;
	v11 =	vmul.f32 v24, v21;
	v3 =	vld [tilespmem:s31+$0xFFFFF000]  }
0x12c: {  	v15 =	vmul.f32 v19, v21;
	v9 =	vld.idx.msk [tilespmem:v17+s18+$0x0], $0xffff;
	v17 =	vmul.f32 v25, v21  }
0x12d: {  	v18 =	vmul.f32 v10, v18;
	v14 =	vmul.f32 v26, v10;
	v12 =	vld.idx.msk [tilespmem:v16+s18+$0x0], $0xffff  }
0x12e: {  	v19 =	vmul.f32 v23, v5;
	v16 =	vmul.f32 v20, v21;
	v17 =	vadd.f32 v17, v22  }
0x12f: {  	v7 =	vmul.f32 v7, v10  }
0x130: {  	v15 =	vadd.f32 v15, v18;
	v5 =	vmul.f32 v13, v5;
	v11 =	vadd.f32 v11, v14  }
0x131: {  	v8 =	vmul.f32 v8, v1;
	v61 =	vadd.f32 v19, v17;
	v7 =	vadd.f32 v16, v7  }
0x132: {  	v62 =	vsub.f32 $1.000000000e+00, v3;
	v5 =	vadd.f32 v5, v15;
	v9 =	vmul.f32 v9, v1  }
0x133: {  	v6 =	vadd.f32 v6, v11;
	v1 =	vmul.f32 v12, v1;
	v4 =	vadd.f32 v4, v7  }
0x134: {  	v8 =	vadd.f32 v8, v61;
	v2 =	vadd.f32 v2, v5  }
0x135: {  	v1 =	vadd.f32 v1, v6;
	v4 =	vadd.f32 v9, v4  }
0x136: {  	v63 =	vmul.f32 v8, v3;
	v2 =	vmul.f32 v2, v62  }
0x137: {  	v1 =	vmul.f32 v1, v62;
	v3 =	vmul.f32 v4, v3  }
0x138: {  	v2 =	vadd.f32 v63, v2  }
0x139: {  	s8 =	sadd.s32 s4, s30;
	p1 =	seq.s32 s28, $0x18;
	v1 =	vadd.f32 v3, v1  }
.Ltmp3:
0x13a: {  	s8 =	sshrl.u32 s8, $0x3;
	[tilespmem:s1+$0xFFFFF800] =	vst v2;
	(pc) =	sbr.rel @p1 .LBB2_12-.Ltmp3, $4  }
0x13b: {  	s31 =	sadd.s32 s2, s8;
	[tilespmem:s1+$0x0] =	vst v1  }
0x13c: {  	[hbm4b:s31+s3] =	stream.linear.scatter [tilespmem:s22], [sflag:$0x3], $0x800, $0x38;
	[tilespmem:$0x19000] =	vst v63  }
0x13d: {  	s1 =	sadd.s32 $0x64000, s31  }
0x13e: {  	[hbm4b:s1+s3] =	stream.linear.scatter [tilespmem:s23], [sflag:$0x3], $0x800, $0x38;
	[tilespmem:$0x19000] =	vst v63  }
0x13f: {  	s1 =	rddreg [dreg:$0x6]  }
0x140: {  	s1 =	sadd.s32 s30, s1  }
0x141: {  	s1 =	sshrl.u32 s1, $0x3  }
0x142: {  	s8 =	simm.s32 $0x0;
	s1 =	sadd.s32 s5, s1  }
0x143: {  	[tilespmem:s8], [sflag:$0x1] =	stream.linear.gather [hbm4b:s1+s8], $0x800, $0x38;
	[tilespmem:$0x19000] =	vst v63  }
0x144: {  	s12 =	simm.s32 $0x800;
	s9 =	sadd.s32 $0x64000, s1  }
0x145: {  	[tilespmem:s12], [sflag:$0x1] =	stream.linear.gather [hbm4b:s9+s8], $0x800, $0x38;
	[tilespmem:$0x19000] =	vst v63  }
0x146: {  	s31 =	simm.s32 $0x1000;
	s1 =	sadd.s32 $0xC8000, s1  }
0x147: {  	[tilespmem:s31], [sflag:$0x1] =	stream.linear.gather [hbm4b:s1+s8], $0x800, $0x38;
	[tilespmem:$0x19000] =	vst v63  }
0x148: {  	_ =	swait.ge [sflag:s15], $0x800  }
0x149: {  	[sflag:s15] =	ssyncset.done $0x0  }
0x14a: {  	[sflag:s15] =	ssyncadd.s32 $0xFFFFF800  }
0x14b: {  	_ =	swait.ge [sflag:s15], $0x800  }
0x14c: {  	[sflag:s15] =	ssyncset.done $0x0  }
0x14d: {  	[sflag:s15] =	ssyncadd.s32 $0xFFFFF800  }
0x14e: {  	_ =	swait.ge [sflag:s15], $0x800  }
0x14f: {  	[sflag:s15] =	ssyncset.done $0x0  }
0x150: {  	s8 =	simm.s32 $0x0;
	[sflag:s15] =	ssyncadd.s32 $0xFFFFF800  }
0x151: {  	v1 =	vld [tilespmem:s8+$0x0];
	_ =	sdelay $0x1  }
0x152: {  	v2 =	vld [tilespmem:s8+$0x800];
	_ =	sdelay $0x1  }
0x153: {  	v3 =	vld [tilespmem:s8+$0x1000]  }
0x154: {  	v1 =	vmax.f32 v1, $0.0e+00  }
0x155: {  	s1 =	simm.s32 $0x10;
	v4 =	vmin.f32 v1, $1.270000000e+02  }
0x156: {  	v5 =	vld [tilespmem:s1+$0x0];
	v1 =	vmax.f32 v2, $0.0e+00;
	v2 =	vtrunc.f32 v4  }
0x157: {  	v7 =	vmin.f32 v1, $1.590000000e+02;
	v1 =	vcvt.f32.s32 v2  }
0x158: {  	v8 =	vld [tilespmem:s1+$0x800];
	v3 =	vmax.f32 v3, $0.0e+00;
	v2 =	vtrunc.f32 v7  }
0x159: {  	v6 =	vcvt.f32.s32 v2;
	v2 =	vmin.f32 v3, $1.590000000e+02;
	v9 =	vmul.u32 $0xA0, v1  }
0x15a: {  	v3 =	vcvt.s32.f32 v1;
	v1 =	vtrunc.f32 v2  }
0x15b: {  	v10 =	vcvt.s32.f32 v6;
	v6 =	vadd.s32 v6, v9;
	v9 =	vmax.f32 v5, $0.0e+00  }
0x15c: {  	v5 =	vcvt.f32.s32 v1;
	v11 =	vmul.u32 $0xA0, v6;
	v6 =	vsub.f32 v4, v3;
	v3 =	vld [tilespmem:s1+$0x1000]  }
0x15d: {  	v8 =	vmax.f32 v8, $0.0e+00;
	v1 =	vmin.f32 v9, $1.270000000e+02  }
0x15e: {  	s30 =	simm.s32 $0xC0;
	s9 =	simm.s32 $0x20;
	v4 =	vsub.f32 v7, v10;
	v7 =	vtrunc.f32 v1;
	v9 =	vadd.s32 v5, v11  }
.LBB2_10:
0x15f: {  	p1 =	sne.s32 s30, $0x1FC0;
	v10 =	vld [tilespmem:s9+$0x0];
	v8 =	vmin.f32 v8, $1.590000000e+02;
	v7 =	vcvt.f32.s32 v7;
	v5 =	vcvt.s32.f32 v5;
	[tilespmem:s8+$0x3000] =	vst v9  }
0x160: {  	v9 =	vtrunc.f32 v8;
	[tilespmem:s8+$0x4000] =	vst v6  }
0x161: {  	v11 =	vld [tilespmem:s9+$0x800];
	v3 =	vmax.f32 v3, $0.0e+00;
	v6 =	vcvt.f32.s32 v9;
	v9 =	vmul.u32 $0xA0, v7;
	[tilespmem:s8+$0x4800] =	vst v4  }
.Ltmp4:
0x162: {  	v4 =	vcvt.s32.f32 v7;
	v7 =	vsub.f32 v2, v5;
	v2 =	vmin.f32 v3, $1.590000000e+02;
	(pc) =	sbr.rel @p1 .LBB2_10-.Ltmp4, $4  }
0x163: {  	v5 =	vtrunc.f32 v2;
	v12 =	vcvt.s32.f32 v6;
	v6 =	vadd.s32 v6, v9  }
0x164: {  	v3 =	vld [tilespmem:s9+$0x1000];
	v9 =	vmax.f32 v10, $0.0e+00;
	v5 =	vcvt.f32.s32 v5;
	v10 =	vmul.u32 $0xA0, v6;
	[tilespmem:s8+$0x5000] =	vst v7;
	s8 =	smov.u32 s1;
	s1 =	smov.u32 s9  }
0x165: {  	v6 =	vsub.f32 v1, v4;
	v1 =	vmin.f32 v9, $1.270000000e+02;
	v4 =	vsub.f32 v8, v12  }
0x166: {  	s9 =	sshra.s32 s30, $0x2;
	s30 =	sadd.s32 $0x40, s30;
	v8 =	vmax.f32 v11, $0.0e+00;
	v7 =	vtrunc.f32 v1;
	v9 =	vadd.s32 v5, v10  }
0x167: {  	v10 =	vld [tilespmem:s9+$0x0];
	[tilespmem:s8+$0x3000] =	vst v9;
	v8 =	vmin.f32 v8, $1.590000000e+02  }
0x168: {  	[tilespmem:s8+$0x4000] =	vst v6;
	v51 =	vcvt.f32.s32 v7;
	v52 =	vtrunc.f32 v8  }
0x169: {  	v5 =	vcvt.s32.f32 v5;
	v9 =	vld [tilespmem:s9+$0x800];
	[tilespmem:s8+$0x4800] =	vst v4;
	v3 =	vmax.f32 v3, $0.0e+00;
	v7 =	vcvt.f32.s32 v52  }
0x16a: {  	v11 =	vmul.u32 $0xA0, v51;
	v53 =	vcvt.s32.f32 v51;
	v55 =	vld [tilespmem:s9+$0x1000];
	v3 =	vmin.f32 v3, $1.590000000e+02  }
0x16b: {  	v2 =	vsub.f32 v2, v5;
	v54 =	vtrunc.f32 v3;
	v12 =	vcvt.s32.f32 v7  }
0x16c: {  	v7 =	vadd.s32 v7, v11;
	v1 =	vsub.f32 v1, v53;
	v10 =	vmax.f32 v10, $0.0e+00  }
0x16d: {  	v5 =	vcvt.f32.s32 v54;
	v7 =	vmul.u32 $0xA0, v7;
	v10 =	vmin.f32 v10, $1.270000000e+02  }
0x16e: {  	v9 =	vmax.f32 v9, $0.0e+00;
	v57 =	vsub.f32 v8, v12;
	v56 =	vtrunc.f32 v10  }
0x16f: {  	v9 =	vmin.f32 v9, $1.590000000e+02;
	v6 =	vmax.f32 v55, $0.0e+00;
	v11 =	vcvt.f32.s32 v56  }
0x170: {  	[tilespmem:s8+$0x5000] =	vst v2;
	v2 =	vadd.s32 v5, v7;
	v5 =	vcvt.s32.f32 v5;
	v58 =	vtrunc.f32 v9  }
0x171: {  	v6 =	vmin.f32 v6, $1.590000000e+02;
	v8 =	vcvt.f32.s32 v58;
	v59 =	vmul.u32 $0xA0, v11  }
0x172: {  	[tilespmem:s1+$0x4000] =	vst v1;
	v60 =	vtrunc.f32 v6  }
0x173: {  	[tilespmem:s1+$0x3000] =	vst v2;
	v1 =	vsub.f32 v3, v5;
	v2 =	vcvt.s32.f32 v11;
	v61 =	vadd.s32 v8, v59  }
0x174: {  	v3 =	vcvt.f32.s32 v60;
	v63 =	vcvt.s32.f32 v8;
	v62 =	vmul.u32 $0xA0, v61  }
0x175: {  	[tilespmem:s1+$0x5000] =	vst v1;
	v1 =	vsub.f32 v10, v2  }
0x176: {  	[tilespmem:s1+$0x4800] =	vst v57;
	v4 =	vsub.f32 v9, v63;
	v2 =	vadd.s32 v3, v62;
	v3 =	vcvt.s32.f32 v3  }
0x177: {  	[tilespmem:s9+$0x4000] =	vst v1  }
0x178: {  	[tilespmem:s9+$0x4800] =	vst v4;
	v1 =	vsub.f32 v6, v3  }
0x179: {  	[tilespmem:s9+$0x3000] =	vst v2  }
0x17a: {  	s12 =	simm.s32 $0x3000;
	[tilespmem:s9+$0x5000] =	vst v1  }
0x17b: {  	[tilespmem:s18], [sflag:$0x2] =	stream.indirect.gather [hbm4b:s6+s16], $0x10, s12, s16, $0xb8;
	[tilespmem:$0x19000] =	vst v63  }
0x17c: {  	s30 =	simm.s32 $0x3080;
	s31 =	simm.s32 $0x7800  }
0x17d: {  	[tilespmem:s31], [sflag:$0x2] =	stream.indirect.gather [hbm4b:s6+s16], $0x10, s30, s16, $0xb8;
	[tilespmem:$0x19000] =	vst v63  }
0x17e: {  	s9 =	simm.s32 $0x3100;
	s12 =	simm.s32 $0x8000  }
0x17f: {  	[tilespmem:s12], [sflag:$0x2] =	stream.indirect.gather [hbm4b:s6+s16], $0x10, s9, s16, $0xb8;
	[tilespmem:$0x19000] =	vst v63  }
0x180: {  	s30 =	simm.s32 $0x3180;
	s31 =	simm.s32 $0x8800  }
0x181: {  	[tilespmem:s31], [sflag:$0x2] =	stream.indirect.gather [hbm4b:s6+s16], $0x10, s30, s16, $0xb8;
	[tilespmem:$0x19000] =	vst v63  }
0x182: {  	s9 =	simm.s32 $0x3200;
	s12 =	simm.s32 $0x9000  }
0x183: {  	[tilespmem:s12], [sflag:$0x2] =	stream.indirect.gather [hbm4b:s6+s16], $0x10, s9, s16, $0xb8;
	[tilespmem:$0x19000] =	vst v63  }
0x184: {  	s30 =	simm.s32 $0x3280;
	s31 =	simm.s32 $0x9800  }
0x185: {  	[tilespmem:s31], [sflag:$0x2] =	stream.indirect.gather [hbm4b:s6+s16], $0x10, s30, s16, $0xb8;
	[tilespmem:$0x19000] =	vst v63  }
0x186: {  	s9 =	simm.s32 $0x3300;
	s12 =	simm.s32 $0xA000  }
0x187: {  	[tilespmem:s12], [sflag:$0x2] =	stream.indirect.gather [hbm4b:s6+s16], $0x10, s9, s16, $0xb8;
	[tilespmem:$0x19000] =	vst v63  }
0x188: {  	s30 =	simm.s32 $0x3380;
	s31 =	simm.s32 $0xA800  }
0x189: {  	[tilespmem:s31], [sflag:$0x2] =	stream.indirect.gather [hbm4b:s6+s16], $0x10, s30, s16, $0xb8;
	[tilespmem:$0x19000] =	vst v63  }
0x18a: {  	s9 =	simm.s32 $0x3400;
	s12 =	simm.s32 $0xB000  }
0x18b: {  	[tilespmem:s12], [sflag:$0x2] =	stream.indirect.gather [hbm4b:s6+s16], $0x10, s9, s16, $0xb8;
	[tilespmem:$0x19000] =	vst v63  }
0x18c: {  	s30 =	simm.s32 $0x3480;
	s31 =	simm.s32 $0xB800  }
0x18d: {  	[tilespmem:s31], [sflag:$0x2] =	stream.indirect.gather [hbm4b:s6+s16], $0x10, s30, s16, $0xb8;
	[tilespmem:$0x19000] =	vst v63  }
0x18e: {  	s9 =	simm.s32 $0x3500;
	s12 =	simm.s32 $0xC000  }
0x18f: {  	[tilespmem:s12], [sflag:$0x2] =	stream.indirect.gather [hbm4b:s6+s16], $0x10, s9, s16, $0xb8;
	[tilespmem:$0x19000] =	vst v63  }
0x190: {  	s30 =	simm.s32 $0x3580;
	s31 =	simm.s32 $0xC800  }
0x191: {  	[tilespmem:s31], [sflag:$0x2] =	stream.indirect.gather [hbm4b:s6+s16], $0x10, s30, s16, $0xb8;
	[tilespmem:$0x19000] =	vst v63  }
0x192: {  	s9 =	simm.s32 $0x3600;
	s12 =	simm.s32 $0xD000  }
0x193: {  	[tilespmem:s12], [sflag:$0x2] =	stream.indirect.gather [hbm4b:s6+s16], $0x10, s9, s16, $0xb8;
	[tilespmem:$0x19000] =	vst v63  }
0x194: {  	s30 =	simm.s32 $0x3680;
	s31 =	simm.s32 $0xD800  }
0x195: {  	[tilespmem:s31], [sflag:$0x2] =	stream.indirect.gather [hbm4b:s6+s16], $0x10, s30, s16, $0xb8;
	[tilespmem:$0x19000] =	vst v63  }
0x196: {  	s9 =	simm.s32 $0x3700;
	s12 =	simm.s32 $0xE000  }
0x197: {  	[tilespmem:s12], [sflag:$0x2] =	stream.indirect.gather [hbm4b:s6+s16], $0x10, s9, s16, $0xb8;
	[tilespmem:$0x19000] =	vst v63  }
0x198: {  	s30 =	simm.s32 $0x3780;
	s31 =	simm.s32 $0xE800  }
0x199: {  	[tilespmem:s31], [sflag:$0x2] =	stream.indirect.gather [hbm4b:s6+s16], $0x10, s30, s16, $0xb8;
	[tilespmem:$0x19000] =	vst v63  }
.LBB2_12:
0x19a: {  	_ =	swait.ge [sflag:s21], $0x800  }
0x19b: {  	[sflag:s21] =	ssyncset.done $0x0  }
0x19c: {  	[sflag:s21] =	ssyncadd.s32 $0xFFFFF800  }
0x19d: {  	_ =	swait.ge [sflag:s21], $0x800  }
0x19e: {  	[sflag:s21] =	ssyncset.done $0x0  }
0x19f: {  	[sflag:s21] =	ssyncadd.s32 $0xFFFFF800  }
0x1a0: {  	_ =	swait.ge [sflag:s21], $0x800  }
0x1a1: {  	[sflag:s21] =	ssyncset.done $0x0  }
0x1a2: {  	[sflag:s21] =	ssyncadd.s32 $0xFFFFF800  }
0x1a3: {  	_ =	swait.ge [sflag:s21], $0x800  }
0x1a4: {  	[sflag:s21] =	ssyncset.done $0x0  }
0x1a5: {  	[sflag:s21] =	ssyncadd.s32 $0xFFFFF800  }
0x1a6: {  	_ =	swait.ge [sflag:s21], $0x800  }
0x1a7: {  	[sflag:s21] =	ssyncset.done $0x0  }
0x1a8: {  	[sflag:s21] =	ssyncadd.s32 $0xFFFFF800  }
0x1a9: {  	_ =	swait.ge [sflag:s21], $0x800  }
0x1aa: {  	[sflag:s21] =	ssyncset.done $0x0  }
0x1ab: {  	[sflag:s21] =	ssyncadd.s32 $0xFFFFF800  }
0x1ac: {  	_ =	swait.ge [sflag:s21], $0x800  }
0x1ad: {  	[sflag:s21] =	ssyncset.done $0x0  }
0x1ae: {  	[sflag:s21] =	ssyncadd.s32 $0xFFFFF800  }
0x1af: {  	_ =	swait.ge [sflag:s21], $0x800  }
0x1b0: {  	[sflag:s21] =	ssyncset.done $0x0  }
0x1b1: {  	[sflag:s21] =	ssyncadd.s32 $0xFFFFF800  }
0x1b2: {  	_ =	swait.ge [sflag:s21], $0x800  }
0x1b3: {  	[sflag:s21] =	ssyncset.done $0x0  }
0x1b4: {  	[sflag:s21] =	ssyncadd.s32 $0xFFFFF800  }
0x1b5: {  	_ =	swait.ge [sflag:s21], $0x800  }
0x1b6: {  	[sflag:s21] =	ssyncset.done $0x0  }
0x1b7: {  	[sflag:s21] =	ssyncadd.s32 $0xFFFFF800  }
0x1b8: {  	_ =	swait.ge [sflag:s21], $0x800  }
0x1b9: {  	[sflag:s21] =	ssyncset.done $0x0  }
0x1ba: {  	[sflag:s21] =	ssyncadd.s32 $0xFFFFF800  }
0x1bb: {  	_ =	swait.ge [sflag:s21], $0x800  }
0x1bc: {  	[sflag:s21] =	ssyncset.done $0x0  }
0x1bd: {  	[sflag:s21] =	ssyncadd.s32 $0xFFFFF800  }
0x1be: {  	_ =	swait.ge [sflag:s21], $0x800  }
0x1bf: {  	[sflag:s21] =	ssyncset.done $0x0  }
0x1c0: {  	[sflag:s21] =	ssyncadd.s32 $0xFFFFF800  }
0x1c1: {  	_ =	swait.ge [sflag:s21], $0x800  }
0x1c2: {  	[sflag:s21] =	ssyncset.done $0x0  }
0x1c3: {  	[sflag:s21] =	ssyncadd.s32 $0xFFFFF800  }
0x1c4: {  	_ =	swait.ge [sflag:s21], $0x800  }
0x1c5: {  	[sflag:s21] =	ssyncset.done $0x0  }
0x1c6: {  	[sflag:s21] =	ssyncadd.s32 $0xFFFFF800  }
0x1c7: {  	_ =	swait.ge [sflag:s21], $0x800  }
0x1c8: {  	[sflag:s21] =	ssyncset.done $0x0  }
0x1c9: {  	s1 =	simm.s32 @!p0 $0x3;
	[sflag:s21] =	ssyncadd.s32 $0xFFFFF800  }
0x1ca: {  	s8 =	simm.s32 $0x0;
	_ =	swait.ge @!p0 [sflag:s1], $0x800  }
0x1cb: {  	v1 =	vmov s8;
	[sflag:s1] =	ssyncset.done @!p0 $0x0  }
0x1cc: {  	v1 =	vshll.u32 v1, $0x4;
	[sflag:s1] =	ssyncadd.s32 @!p0 $0xFFFFF800  }
0x1cd: {  	v3 =	vor.u32 v0, v1;
	_ =	swait.ge @!p0 [sflag:s1], $0x800  }
0x1ce: {  	v1 =	vor.u32 $0x1, v3;
	[sflag:s1] =	ssyncset.done @!p0 $0x0  }
0x1cf: {  	s30 =	simm.s32 $0x6800;
	v2 =	vor.u32 $0xD, v3;
	[sflag:s1] =	ssyncadd.s32 @!p0 $0xFFFFF800  }
0x1d0: {  	v5 =	vor.u32 $0x3, v3;
	v4 =	vld [tilespmem:s30+$0xFFFFF800]  }
0x1d1: {  	v6 =	vor.u32 $0xE, v3;
	v8 =	vld [tilespmem:s30+$0x0]  }
0x1d2: {  	v7 =	vor.u32 $0xA, v3;
	v12 =	vld.idx.msk [tilespmem:v3+s0+$0x0], $0xffff  }
0x1d3: {  	v9 =	vor.u32 $0x6, v3;
	v14 =	vld.idx.msk [tilespmem:v1+s0+$0x0], $0xffff  }
0x1d4: {  	v10 =	vor.u32 $0x5, v3;
	v16 =	vld.idx.msk [tilespmem:v2+s0+$0x0], $0xffff  }
0x1d5: {  	v1 =	vor.u32 $0x4, v3;
	v2 =	vld.idx.msk [tilespmem:v5+s0+$0x0], $0xffff  }
0x1d6: {  	v5 =	vor.u32 $0x9, v3;
	v6 =	vld.idx.msk [tilespmem:v6+s0+$0x0], $0xffff  }
0x1d7: {  	v11 =	vor.u32 $0x8, v3;
	v13 =	vld.idx.msk [tilespmem:v7+s0+$0x0], $0xffff  }
0x1d8: {  	v7 =	vor.u32 $0xC, v3;
	v19 =	vld.idx.msk [tilespmem:v9+s0+$0x0], $0xffff  }
0x1d9: {  	v9 =	vor.u32 $0x7, v3;
	v22 =	vld.idx.msk [tilespmem:v10+s0+$0x0], $0xffff  }
0x1da: {  	v17 =	vor.u32 $0x2, v3;
	v15 =	vld.idx.msk [tilespmem:v1+s0+$0x0], $0xffff;
	v18 =	vsub.f32 $1.000000000e+00, v8;
	v1 =	vmul.f32 v8, v4  }
0x1db: {  	v20 =	vld.idx.msk [tilespmem:v5+s0+$0x0], $0xffff;
	v21 =	vsub.f32 $1.000000000e+00, v4  }
0x1dc: {  	v23 =	vor.u32 $0xF, v3;
	v24 =	vld.idx.msk [tilespmem:v11+s0+$0x0], $0xffff;
	v5 =	vmul.f32 v18, v4;
	v2 =	vmul.f32 v2, v1  }
0x1dd: {  	v25 =	vor.u32 $0xB, v3;
	v7 =	vld.idx.msk [tilespmem:v7+s0+$0x0], $0xffff;
	v10 =	vmul.f32 v18, v21;
	v21 =	vmul.f32 v8, v21  }
0x1de: {  	v8 =	vld.idx.msk [tilespmem:v9+s0+$0x0], $0xffff;
	v4 =	vmul.f32 v6, v5;
	v6 =	vmul.f32 v13, v5  }
0x1df: {  	v13 =	vld.idx.msk [tilespmem:v17+s0+$0x0], $0xffff;
	v18 =	vmul.f32 v10, v12;
	v17 =	vmul.f32 v15, v10  }
0x1e0: {  	v3 =	vld [tilespmem:s30+$0xFFFFF000];
	v11 =	vmul.f32 v20, v21;
	v20 =	vmul.f32 v22, v21  }
0x1e1: {  	v9 =	vld.idx.msk [tilespmem:v23+s0+$0x0], $0xffff;
	v19 =	vmul.f32 v19, v5;
	v15 =	vmul.f32 v14, v21  }
0x1e2: {  	s9 =	simm.s32 $0x10;
	s8 =	simm.s32 $0x18800;
	s1 =	simm.s32 $0x18800;
	v12 =	vld.idx.msk [tilespmem:v25+s0+$0x0], $0xffff;
	v16 =	vmul.f32 v16, v21;
	v14 =	vmul.f32 v24, v10;
	v17 =	vadd.f32 v20, v17  }
.LBB2_13:
0x1e3: {  	p0 =	sne.s32 s9, $0x7F0;
	v15 =	vadd.f32 v15, v18;
	v7 =	vmul.f32 v7, v10;
	s30 =	sadd.s32 $0x10, s30;
	s8 =	sadd.s32 $0x10, s8  }
0x1e4: {  	v5 =	vmul.f32 v13, v5;
	v8 =	vmul.f32 v8, v1;
	s12 =	smov.u32 s9;
	s9 =	sadd.s32 $0x10, s9;
	v10 =	vadd.f32 v19, v17  }
0x1e5: {  	v11 =	vadd.f32 v11, v14;
	v7 =	vadd.f32 v16, v7  }
0x1e6: {  	v5 =	vadd.f32 v5, v15;
	v9 =	vmul.f32 v9, v1;
	v8 =	vadd.f32 v8, v10  }
0x1e7: {  	v6 =	vadd.f32 v6, v11;
	v1 =	vmul.f32 v12, v1;
	v4 =	vadd.f32 v4, v7  }
0x1e8: {  	v7 =	vsub.f32 $1.000000000e+00, v3;
	v2 =	vadd.f32 v2, v5  }
0x1e9: {  	v1 =	vadd.f32 v1, v6;
	v4 =	vadd.f32 v9, v4  }
0x1ea: {  	v5 =	vmov s12;
	v6 =	vmul.f32 v8, v3;
	v2 =	vmul.f32 v2, v7  }
0x1eb: {  	v5 =	vshll.u32 v5, $0x4;
	v1 =	vmul.f32 v1, v7;
	v3 =	vmul.f32 v4, v3  }
0x1ec: {  	v4 =	vor.u32 v0, v5;
	v2 =	vadd.f32 v6, v2  }
0x1ed: {  	v5 =	vor.u32 $0x1, v4;
	v6 =	vor.u32 $0x4, v4;
	v1 =	vadd.f32 v3, v1  }
0x1ee: {  	v7 =	vor.u32 $0x5, v4;
	v8 =	vor.u32 $0x8, v4;
	v3 =	vor.u32 $0x2, v4;
	[tilespmem:s1+$0xFFFFF800] =	vst v2  }
0x1ef: {  	v9 =	vor.u32 $0xC, v4;
	v10 =	vor.u32 $0xD, v4;
	v2 =	vor.u32 $0x6, v4;
	[tilespmem:s1+$0x0] =	vst v1;
	s1 =	smov.u32 s8  }
0x1f0: {  	v12 =	vor.u32 $0xA, v4;
	v13 =	vor.u32 $0xE, v4;
	v1 =	vor.u32 $0x3, v4;
	v11 =	vld [tilespmem:s30+$0xFFFFF800]  }
0x1f1: {  	v15 =	vor.u32 $0x7, v4;
	v16 =	vor.u32 $0xB, v4;
	v17 =	vor.u32 $0xF, v4;
	v14 =	vld [tilespmem:s30+$0x0]  }
0x1f2: {  	v18 =	vld.idx.msk [tilespmem:v4+s0+$0x0], $0xffff  }
0x1f3: {  	v19 =	vld.idx.msk [tilespmem:v5+s0+$0x0], $0xffff  }
0x1f4: {  	v20 =	vld.idx.msk [tilespmem:v10+s0+$0x0], $0xffff  }
0x1f5: {  	v4 =	vor.u32 $0x9, v4;
	v21 =	vsub.f32 $1.000000000e+00, v11;
	v10 =	vld.idx.msk [tilespmem:v1+s0+$0x0], $0xffff  }
0x1f6: {  	v22 =	vsub.f32 $1.000000000e+00, v14;
	v1 =	vmul.f32 v14, v11;
	v13 =	vld.idx.msk [tilespmem:v13+s0+$0x0], $0xffff  }
0x1f7: {  	v12 =	vld.idx.msk [tilespmem:v12+s0+$0x0], $0xffff  }
0x1f8: {  	v5 =	vmul.f32 v22, v11;
	v23 =	vld.idx.msk [tilespmem:v2+s0+$0x0], $0xffff  }
0x1f9: {  	v11 =	vld.idx.msk [tilespmem:v6+s0+$0x0], $0xffff  }
0x1fa: {  	v24 =	vld.idx.msk [tilespmem:v4+s0+$0x0], $0xffff  }
0x1fb: {  	v2 =	vmul.f32 v10, v1;
	v25 =	vld.idx.msk [tilespmem:v7+s0+$0x0], $0xffff  }
0x1fc: {  	v4 =	vmul.f32 v13, v5;
	v26 =	vld.idx.msk [tilespmem:v8+s0+$0x0], $0xffff  }
0x1fd: {  	v6 =	vmul.f32 v12, v5;
	v7 =	vld.idx.msk [tilespmem:v9+s0+$0x0], $0xffff  }
0x1fe: {  	v10 =	vmul.f32 v22, v21;
	v21 =	vmul.f32 v14, v21;
	v8 =	vld.idx.msk [tilespmem:v15+s0+$0x0], $0xffff  }
.Ltmp5:
0x1ff: {  	v13 =	vld.idx.msk [tilespmem:v3+s0+$0x0], $0xffff;
	(pc) =	sbr.rel @p0 .LBB2_13-.Ltmp5, $4  }
0x200: {  	v22 =	vmul.f32 v11, v10;
	v11 =	vmul.f32 v24, v21;
	v3 =	vld [tilespmem:s30+$0xFFFFF000]  }
0x201: {  	v15 =	vmul.f32 v19, v21;
	v9 =	vld.idx.msk [tilespmem:v17+s0+$0x0], $0xffff;
	v17 =	vmul.f32 v25, v21  }
0x202: {  	v18 =	vmul.f32 v10, v18;
	v14 =	vmul.f32 v26, v10;
	v12 =	vld.idx.msk [tilespmem:v16+s0+$0x0], $0xffff  }
0x203: {  	v19 =	vmul.f32 v23, v5;
	v16 =	vmul.f32 v20, v21;
	v17 =	vadd.f32 v17, v22  }
0x204: {  	v7 =	vmul.f32 v7, v10  }
0x205: {  	v15 =	vadd.f32 v15, v18;
	v5 =	vmul.f32 v13, v5;
	v11 =	vadd.f32 v11, v14  }
0x206: {  	v8 =	vmul.f32 v8, v1;
	v61 =	vadd.f32 v19, v17;
	v7 =	vadd.f32 v16, v7  }
0x207: {  	v62 =	vsub.f32 $1.000000000e+00, v3;
	v5 =	vadd.f32 v5, v15;
	v9 =	vmul.f32 v9, v1  }
0x208: {  	v6 =	vadd.f32 v6, v11;
	v1 =	vmul.f32 v12, v1;
	v4 =	vadd.f32 v4, v7  }
0x209: {  	v8 =	vadd.f32 v8, v61;
	v2 =	vadd.f32 v2, v5  }
0x20a: {  	v1 =	vadd.f32 v1, v6;
	v4 =	vadd.f32 v9, v4  }
0x20b: {  	v63 =	vmul.f32 v8, v3;
	v2 =	vmul.f32 v2, v62  }
0x20c: {  	v1 =	vmul.f32 v1, v62;
	v3 =	vmul.f32 v4, v3  }
0x20d: {  	s28 =	sadd.s32 $0x1, s28;
	v2 =	vadd.f32 v63, v2  }
0x20e: {  	p0 =	sne.s32 s28, $0x19;
	v1 =	vadd.f32 v3, v1  }
.Ltmp6:
0x20f: {  	[tilespmem:s1+$0xFFFFF800] =	vst v2;
	(pc) =	sbr.rel @p0 .LBB2_4-.Ltmp6, $4  }
0x210: {  	s30 =	sadd.s32 s2, s11;
	[tilespmem:s1+$0x0] =	vst v1  }
0x211: {  	[hbm4b:s30+s3] =	stream.linear.scatter [tilespmem:s24], [sflag:$0x3], $0x800, $0x38;
	[tilespmem:$0x19000] =	vst v63  }
0x212: {  	s31 =	sadd.s32 s2, s29  }
0x213: {  	[hbm4b:s31+s3] =	stream.linear.scatter [tilespmem:s25], [sflag:$0x3], $0x800, $0x38;
	[tilespmem:$0x19000] =	vst v63  }
0x214: {  	s8 =	simm.s32 $0x3  }
0x215: {  	_ =	swait.ge [sflag:s8], $0x800  }
0x216: {  	[sflag:s8] =	ssyncset.done $0x0  }
0x217: {  	[sflag:s8] =	ssyncadd.s32 $0xFFFFF800  }
0x218: {  	_ =	swait.ge [sflag:s8], $0x800  }
0x219: {  	[sflag:s8] =	ssyncset.done $0x0  }
0x21a: {  	[sflag:s8] =	ssyncadd.s32 $0xFFFFF800  }
0x21b: {  	_ =	swait.ge [sflag:s8], $0x800  }
0x21c: {  	[sflag:s8] =	ssyncset.done $0x0  }
0x21d: {  	[sflag:s8] =	ssyncadd.s32 $0xFFFFF800  }
0x21e: {  	_ =	swait.ge [sflag:s8], $0x800  }
0x21f: {  	s9 =	rddreg [dreg:$0x8]  }
0x220: {  	s1 =	rddreg [dreg:$0x7];
	s9 =	sadd.s32 $0x1, s9  }
0x221: {  	p0 =	sne.s32 s9, s1  }
.Ltmp7:
0x222: {  	_ = 	snop;
	(pc) =	sbr.rel @p0 .LBB2_1-.Ltmp7, $3  }
0x223: {  	_ =	sdelay $0x1  }
0x224: {  	[sflag:s8] =	ssyncset.done $0x0  }
0x225: {  	[sflag:s8] =	ssyncadd.s32 $0xFFFFF800  }
0x226: {  	_ =	sfence.sel $0x180000  }
0x227: {  	[bflag:$0x0] =	sbarrier.arrive $0xFFFF  }
0x228: {  	_ =	strace $0x9000004A  }
0x229: {  	s0 =	stileid.u32;
	[bflag:$0x2] =	sbarrier.arrive $0xFFFF  }
0x22a: {  	p0 =	sne.s32 s0, $0x0;
	s0 =	rddreg [dreg:$0x2]  }
0x22b: {  	s0 =	sadd.s32 @!p0 $0x100000, s0  }
0x22c: {  	[sflag:s0] =	ssyncadd.tile.s32 @!p0 $0x1;
	_ =	shalt  }
.Lfunc_end2:
_tile_overlayer_lowered:
.L_overlay_start_2:
0x22d: {  	(tag) =	ssettag $0x2  }
0x22e: {  	s0 =	rddreg [dreg:$0x0];
	s2 =	stileid.u32  }
0x22f: {  	s1 =	rddreg [dreg:$0x1];
	p0 =	sne.s32 s2, $0x0  }
0x230: {  	s3 =	rddreg [dreg:$0x2];
	[bflag:$0x3] =	sbarrier.arrive $0xFFFF;
	s2 =	simm.s32 @!p0 $0x1C04  }
0x231: {  	[timem:s3], [sflag:s2] =	dma.local @!p0 [hbm:s0], s1  }
0x232: {  	s0 =	simm.s32 @!p0 $0x4  }
0x233: {  	_ =	swait.ge @!p0 [sflag:s0], s1  }
0x234: {  	s1 =	ssub.s32 @!p0 $0x0, s1;
	[sflag:s0] =	ssyncset.done @!p0 $0x0  }
0x235: {  	[sflag:s0] =	ssyncadd.s32 @!p0 s1  }
0x236: {  	[bflag:$0x3] =	sbarrier.arrive $0xFFFF  }
0x237: {  	_ =	shalt  }

</sc_bundles>
